<compile_context>
chip_gen: v7x
topology: tpu7x:2x2x1
jax: 0.10.2.dev20260603
libtpu: 0.0.44.dev20260713+nightly
codegen_flags: <defaults>
</compile_context>

<pallas_src>
import functools

import jax
import jax.numpy as jnp
from jax import lax
from jax.experimental import pallas as pl
from jax.experimental.pallas import tpu as pltpu
from jax.experimental.pallas import tpu_sc as plsc

N = 10000
E = 320000
D_IN = 128
HID = 32
HEADS = 4
D_OUT = 64

NPAD = 10240
NCORES = 2
NSUB = 16
K = 128
EPAD = 331776
EPT = EPAD // NSUB
CHUNKS = EPT // K
RPT = NPAD // NSUB


@functools.lru_cache(maxsize=None)
def _make_sc_edge(HSC, C2, HTOT, HSTEP, HOFF=0):
    ROWW = HSC * C2 + 16
    NV = ROWW // 16

    mesh = plsc.VectorSubcoreMesh(core_axis_name="c", subcore_axis_name="s",
                                  num_cores=NCORES, num_subcores=NSUB)

    @functools.partial(
        pl.kernel,
        out_type=jax.ShapeDtypeStruct((NCORES, NPAD, ROWW), jnp.float32),
        mesh=mesh,
        scratch_types=[
            pltpu.VMEM((NPAD, 8), jnp.float32),
            pltpu.VMEM((K, ROWW), jnp.float32),
            pltpu.VMEM((K,), jnp.int32),
            pltpu.VMEM((K,), jnp.int32),
            pltpu.VMEM((K,), jnp.int32),
            pltpu.VMEM((HSC, K), jnp.float32),
            pltpu.VMEM((16,), jnp.float32),
            pltpu.VMEM_SHARED((NPAD, ROWW), jnp.float32),
            pltpu.SemaphoreType.DMA,
        ],
        compiler_params=pltpu.CompilerParams(use_tc_tiling_on_sc=False,
                                             needs_layout_passes=False),
    )
    def sc_edge(ed_hbm, ht_hbm, a_hbm, m_hbm, out_hbm,
                tab_v, rows, edb, srcb, dstb, wb, mb, acc, sem):
        cid = lax.axis_index("c")
        sid = lax.axis_index("s")
        zero16 = jnp.zeros((16,), jnp.float32)

        def zbody(i, carry):
            for jv in range(NV):
                rows[i, pl.ds(jv * 16, 16)] = zero16
            return carry

        lax.fori_loop(0, K, zbody, 0)
        for b in range(RPT // K):
            pltpu.sync_copy(rows, acc.at[pl.ds(sid * RPT + b * K, K)])
        pltpu.sync_copy(a_hbm, tab_v)
        pltpu.sync_copy(m_hbm, mb)
        plsc.subcore_barrier()

        base = sid * EPT
        iota = lax.iota(jnp.int32, 16)
        clampi = jnp.minimum(iota, HSC - 1)
        tmask = (iota < HSC).astype(jnp.float32)
        hbase = cid * HSTEP + HOFF
        rowoff = cid * NPAD
        def chunk(cix, carry):
            mvecs = [plsc.load_gather(mb, [jnp.full((16,), hl, jnp.int32) + hbase])
                     for hl in range(HSC)]
            off = base + cix * K
            pltpu.sync_copy(ed_hbm.at[pl.ds(off, K)], edb)
            for j in range(K // 16):
                sl = pl.ds(j * 16, 16)
                v = edb[sl]
                srcb[sl] = (v & 0xFFFF) + rowoff
                dstb[sl] = v >> 16
            gat = pltpu.async_copy(ht_hbm.at[srcb], rows, sem)
            for j in range(K // 16):
                sl = pl.ds(j * 16, 16)
                sv = srcb[sl] - rowoff
                dv = dstb[sl]
                for hl in range(HSC):
                    colh = jnp.full((16,), hl, jnp.int32) + hbase
                    cold = colh + HTOT
                    a = (plsc.load_gather(tab_v, [sv, colh])
                         + plsc.load_gather(tab_v, [dv, cold]))
                    a = jnp.maximum(a, a * 0.2)
                    wb[hl, sl] = jnp.exp(a - mvecs[hl])
            gat.wait()

            def ebody(i, ecarry):
                iv = jnp.full((16,), i, jnp.int32)
                whs = [plsc.load_gather(wb, [jnp.full((16,), hl, jnp.int32), iv])
                       for hl in range(HSC)]
                wt = (whs[0] if HSC == 1
                      else plsc.load_gather(wb, [clampi, iv])) * tmask
                for jv in range(NV):
                    sl = pl.ds(jv * 16, 16)
                    r = rows[i, sl]
                    if jv < (HSC * C2) // 16:
                        rows[i, sl] = r * whs[(jv * 16) // C2]
                    else:
                        rows[i, sl] = r * wt
                return ecarry

            lax.fori_loop(0, K, ebody, 0, unroll=4)
            pltpu.sync_copy(rows, acc.at[dstb], add=True)
            return carry

        lax.fori_loop(0, CHUNKS, chunk, 0)
        plsc.subcore_barrier()
        for b in range(RPT // K):
            r0 = sid * RPT + b * K
            pltpu.sync_copy(acc.at[pl.ds(r0, K)], rows)
            pltpu.sync_copy(rows, out_hbm.at[cid, pl.ds(r0, K)])

    return sc_edge


_B1 = 512


def _tc1_body(x_ref, w1_ref, as_ref, ad_ref, ht_ref, a1_ref, mx_ref):
    h = jnp.dot(x_ref[...], w1_ref[...], preferred_element_type=jnp.float32)
    asv = jnp.dot(h, as_ref[...], preferred_element_type=jnp.float32)
    adv = jnp.dot(h, ad_ref[...], preferred_element_type=jnp.float32)
    ones1 = jnp.ones((_B1, 1), jnp.float32)
    zpad = jnp.zeros((_B1, 15), jnp.float32)
    for g in range(HEADS):
        ht_ref[g] = jnp.concatenate(
            [h[:, g * HID:(g + 1) * HID], ones1, zpad], axis=1)
    a1_ref[...] = jnp.concatenate([asv, adv], axis=1)
    neg = jnp.float32(-1e30)
    row0 = jnp.concatenate(
        [jnp.max(asv, axis=0, keepdims=True),
         jnp.full((1, 128 - HEADS), neg, jnp.float32)], axis=1)
    row1 = jnp.concatenate(
        [jnp.max(adv, axis=0, keepdims=True),
         jnp.full((1, 128 - HEADS), neg, jnp.float32)], axis=1)
    cur = jnp.concatenate(
        [row0, row1, jnp.full((6, 128), neg, jnp.float32)], axis=0)
    prev = jnp.where(pl.program_id(0) == 0,
                     jnp.full((8, 128), neg, jnp.float32), mx_ref[...])
    mx_ref[...] = jnp.maximum(prev, cur)


def _tc1(xp, W1, As1, Ad1):
    grid = NPAD // _B1
    return pl.pallas_call(
        _tc1_body,
        grid=(grid,),
        in_specs=[
            pl.BlockSpec((_B1, D_IN), lambda i: (i, 0)),
            pl.BlockSpec((D_IN, HEADS * HID), lambda i: (0, 0)),
            pl.BlockSpec((HEADS * HID, HEADS), lambda i: (0, 0)),
            pl.BlockSpec((HEADS * HID, HEADS), lambda i: (0, 0)),
        ],
        out_specs=[
            pl.BlockSpec((HEADS, _B1, 48), lambda i: (0, i, 0)),
            pl.BlockSpec((_B1, 2 * HEADS), lambda i: (i, 0)),
            pl.BlockSpec((8, 128), lambda i: (0, 0)),
        ],
        out_shape=[
            jax.ShapeDtypeStruct((HEADS, NPAD, 48), jnp.float32),
            jax.ShapeDtypeStruct((NPAD, 2 * HEADS), jnp.float32),
            jax.ShapeDtypeStruct((8, 128), jnp.float32),
        ],
    )(xp, W1, As1, Ad1)


def _tc2_body(numa_ref, numb_ref, b1_ref, w2_ref, as2_ref, ad2_ref, r_ref,
              ht2_ref, a2_ref, mx_ref):
    slabs = [numa_ref[0], numa_ref[1], numb_ref[0], numb_ref[1]]
    numr = jnp.concatenate([s[:, :HID] for s in slabs], axis=1)
    den4 = jnp.concatenate([s[:, HID:HID + 1] for s in slabs], axis=1)
    denb = jnp.dot(den4, r_ref[...], preferred_element_type=jnp.float32)
    o1 = numr / (denb + 1e-16) + b1_ref[...]
    hp = jnp.where(o1 > 0, o1, jnp.exp(o1) - 1.0)
    h2 = jnp.dot(hp, w2_ref[...], preferred_element_type=jnp.float32)
    a2s = jnp.dot(h2, as2_ref[...], preferred_element_type=jnp.float32)
    a2d = jnp.dot(h2, ad2_ref[...], preferred_element_type=jnp.float32)
    ones1 = jnp.ones((_B1, 1), jnp.float32)
    zpad = jnp.zeros((_B1, 15), jnp.float32)
    ht2_ref[0] = jnp.concatenate([h2[:, :32], ones1, zpad], axis=1)
    ht2_ref[1] = jnp.concatenate([h2[:, 32:], ones1, zpad], axis=1)
    a2_ref[...] = jnp.concatenate(
        [a2s, a2d, jnp.zeros((_B1, 6), jnp.float32)], axis=1)
    neg = jnp.float32(-1e30)
    row0 = jnp.concatenate(
        [jnp.max(a2s, axis=0, keepdims=True),
         jnp.full((1, 127), neg, jnp.float32)], axis=1)
    row1 = jnp.concatenate(
        [jnp.max(a2d, axis=0, keepdims=True),
         jnp.full((1, 127), neg, jnp.float32)], axis=1)
    cur = jnp.concatenate(
        [row0, row1, jnp.full((6, 128), neg, jnp.float32)], axis=0)
    prev = jnp.where(pl.program_id(0) == 0,
                     jnp.full((8, 128), neg, jnp.float32), mx_ref[...])
    mx_ref[...] = jnp.maximum(prev, cur)


def _tc2(numa, numb, b1r, W2, As2, Ad2, R):
    grid = NPAD // _B1
    return pl.pallas_call(
        _tc2_body,
        grid=(grid,),
        in_specs=[
            pl.BlockSpec((NCORES, _B1, 48), lambda i: (0, i, 0)),
            pl.BlockSpec((NCORES, _B1, 48), lambda i: (0, i, 0)),
            pl.BlockSpec((1, HEADS * HID), lambda i: (0, 0)),
            pl.BlockSpec((HEADS * HID, D_OUT), lambda i: (0, 0)),
            pl.BlockSpec((D_OUT, 1), lambda i: (0, 0)),
            pl.BlockSpec((D_OUT, 1), lambda i: (0, 0)),
            pl.BlockSpec((HEADS, HEADS * HID), lambda i: (0, 0)),
        ],
        out_specs=[
            pl.BlockSpec((2, _B1, 48), lambda i: (0, i, 0)),
            pl.BlockSpec((_B1, 8), lambda i: (i, 0)),
            pl.BlockSpec((8, 128), lambda i: (0, 0)),
        ],
        out_shape=[
            jax.ShapeDtypeStruct((2, NPAD, 48), jnp.float32),
            jax.ShapeDtypeStruct((NPAD, 8), jnp.float32),
            jax.ShapeDtypeStruct((8, 128), jnp.float32),
        ],
    )(numa, numb, b1r, W2, As2, Ad2, R)


def _tc3_body(num_ref, b2_ref, out_ref):
    s0 = num_ref[0]
    s1 = num_ref[1]
    numr = jnp.concatenate([s0[:, :32], s1[:, :32]], axis=1)
    den = s0[:, 32:33]
    out_ref[...] = numr / (den + 1e-16) + b2_ref[...]


def _tc3(num2, b2r):
    grid = NPAD // _B1
    return pl.pallas_call(
        _tc3_body,
        grid=(grid,),
        in_specs=[
            pl.BlockSpec((NCORES, _B1, 48), lambda i: (0, i, 0)),
            pl.BlockSpec((1, D_OUT), lambda i: (0, 0)),
        ],
        out_specs=pl.BlockSpec((_B1, D_OUT), lambda i: (i, 0)),
        out_shape=jax.ShapeDtypeStruct((NPAD, D_OUT), jnp.float32),
    )(num2, b2r)


def kernel(x, edge_index, W1, att_src1, att_dst1, b1,
           W2, att_src2, att_dst2, b2):
    ei = edge_index.astype(jnp.int32)
    loops = jnp.arange(N, dtype=jnp.int32)
    padv = jnp.full((EPAD - E - N,), N, jnp.int32)
    src = jnp.concatenate([ei[0], loops, padv])
    dst = jnp.concatenate([ei[1], loops, padv])
    ed = src | (dst << 16)
    xp = jnp.pad(x, ((0, NPAD - N), (0, 0)))

    mask4 = jnp.repeat(jnp.eye(HEADS, dtype=jnp.float32), HID, axis=0)
    As1 = att_src1.reshape(-1, 1) * mask4
    Ad1 = att_dst1.reshape(-1, 1) * mask4

    ht1, a1, mx1 = _tc1(xp, W1, As1, Ad1)
    s1 = mx1[0, :HEADS] + mx1[1, :HEADS]
    M1 = jnp.maximum(s1, 0.2 * s1)
    m1 = jnp.pad(M1, (0, 16 - HEADS))

    numa = _make_sc_edge(1, HID, HEADS, 1, 0)(
        ed, ht1[:2].reshape(2 * NPAD, 48), a1, m1)
    numb = _make_sc_edge(1, HID, HEADS, 1, 2)(
        ed, ht1[2:].reshape(2 * NPAD, 48), a1, m1)

    R = mask4.T
    ht2, a2, mx2 = _tc2(numa, numb, b1.reshape(1, -1), W2,
                        att_src2.reshape(-1, 1),
                        att_dst2.reshape(-1, 1), R)
    s2 = mx2[0, :1] + mx2[1, :1]
    M2 = jnp.maximum(s2, 0.2 * s2)
    m2 = jnp.pad(M2, (0, 15))

    num2 = _make_sc_edge(1, 32, 1, 0)(
        ed, ht2.reshape(2 * NPAD, 48), a2, m2)

    out = _tc3(num2, b2.reshape(1, -1))
    return out[:N]

# --- scband reference (transcript-rebuilt; emitter-appended) ---
"""Pipeline reference for scband-gatmodel-53128745451599 (READ-ONLY COPY).

The authoritative reference and input builder live on the scoring server;
editing this copy changes nothing except your own understanding.
"""

import jax, jax.numpy as jnp
import numpy as np

N = 10000
E = 320000
D_IN = 128
HID = 32
HEADS = 4
D_OUT = 64


def _add_self_loops(edge_index, n):
    loop = jnp.arange(n, dtype=edge_index.dtype)
    return jnp.concatenate([edge_index, jnp.stack([loop, loop])], axis=1)


def _segment_softmax(logits, seg, n):
    # logits: [E, H], seg: [E] (dst node ids)
    m = jax.ops.segment_max(logits, seg, num_segments=n)
    m = jnp.where(jnp.isfinite(m), m, 0.0)
    e = jnp.exp(logits - m[seg])
    s = jax.ops.segment_sum(e, seg, num_segments=n)
    return e / (s[seg] + 1e-16)


def _gat_conv(x, edge_index, W, att_src, att_dst, bias, heads, out_ch, concat):
    # Faithful PyG GATConv (v1) with default add_self_loops=True, negative_slope=0.2
    n = x.shape[0]
    ei = _add_self_loops(edge_index, n)
    src, dst = ei[0], ei[1]
    h = (x @ W).reshape(n, heads, out_ch)          # [N, H, C]
    a_src = jnp.sum(h * att_src, axis=-1)          # [N, H]
    a_dst = jnp.sum(h * att_dst, axis=-1)          # [N, H]
    e = a_src[src] + a_dst[dst]                    # gather per edge
    e = jax.nn.leaky_relu(e, negative_slope=0.2)
    alpha = _segment_softmax(e, dst, n)            # [E', H]
    msg = h[src] * alpha[:, :, None]               # [E', H, C]
    out = jax.ops.segment_sum(msg, dst, num_segments=n)  # [N, H, C]
    if concat:
        out = out.reshape(n, heads * out_ch)
    else:
        out = out.mean(axis=1)
    return out + bias


def setup_inputs(seed: int = 0) -> dict:
    key = jax.random.key(seed)
    ks = [jax.random.fold_in(key, i) for i in range(10)]
    x = jax.random.normal(ks[0], (N, D_IN), dtype=jnp.float32)
    edge_index = jax.random.randint(ks[1], (2, E), 0, N, dtype=jnp.int64)
    W1 = jax.random.normal(ks[2], (D_IN, HEADS * HID), dtype=jnp.float32) * 0.1
    att_src1 = jax.random.normal(ks[3], (HEADS, HID), dtype=jnp.float32) * 0.1
    att_dst1 = jax.random.normal(ks[4], (HEADS, HID), dtype=jnp.float32) * 0.1
    b1 = jnp.zeros((HEADS * HID,), dtype=jnp.float32)
    W2 = jax.random.normal(ks[5], (HEADS * HID, D_OUT), dtype=jnp.float32) * 0.1
    att_src2 = jax.random.normal(ks[6], (1, D_OUT), dtype=jnp.float32) * 0.1
    att_dst2 = jax.random.normal(ks[7], (1, D_OUT), dtype=jnp.float32) * 0.1
    b2 = jnp.zeros((D_OUT,), dtype=jnp.float32)
    return {"x": x, "edge_index": edge_index, "W1": W1, "att_src1": att_src1,
            "att_dst1": att_dst1, "b1": b1, "W2": W2, "att_src2": att_src2,
            "att_dst2": att_dst2, "b2": b2}


def reference(x, edge_index, W1, att_src1, att_dst1, b1, W2, att_src2, att_dst2, b2):
    h = _gat_conv(x, edge_index, W1, att_src1, att_dst1, b1, HEADS, HID, True)
    h = jax.nn.elu(h)
    # dropout p=0.0 -> identity
    out = _gat_conv(h, edge_index, W2, att_src2, att_dst2, b2, 1, D_OUT, False)
    return out

if __name__ == "__main__":
    import jax
    _d = setup_inputs()
    print(jax.jit(kernel)(*tuple(_d.values())))

</pallas_src>

<mosaic_0001>
#map = affine_map<(d0, d1) -> (0)>
#map1 = affine_map<(d0, d1) -> (0, 0)>
#map2 = affine_map<(d0, d1) -> (0, 0, 0)>
module attributes {stable_mosaic.version = 14 : i64} {
  func.func @sc_edge(%arg0: i32, %arg1: i32, %arg2: memref<331776xi32, #tpu.memory_space<hbm>>, %arg3: memref<20480x48xf32, #tpu.memory_space<hbm>>, %arg4: memref<10240x8xf32, #tpu.memory_space<hbm>>, %arg5: memref<16xf32, #tpu.memory_space<hbm>>, %arg6: memref<2x10240x48xf32, #tpu.memory_space<hbm>>, %arg7: memref<10240x8xf32, #tpu.memory_space<vmem>>, %arg8: memref<128x48xf32, #tpu.memory_space<vmem>>, %arg9: memref<128xi32, #tpu.memory_space<vmem>>, %arg10: memref<128xi32, #tpu.memory_space<vmem>>, %arg11: memref<128xi32, #tpu.memory_space<vmem>>, %arg12: memref<1x128xf32, #tpu.memory_space<vmem>>, %arg13: memref<16xf32, #tpu.memory_space<vmem>>, %arg14: memref<10240x48xf32, #tpu.memory_space<vmem_shared>>, %arg15: memref<!tpu.dma_semaphore, #tpu.memory_space<semaphore_mem>>) attributes {dimension_semantics = [#tpu.dimension_semantics<core_parallel>, #tpu.dimension_semantics<subcore_parallel>], iteration_bounds = array<i64: 2, 16>, scalar_prefetch = 0 : i64, scratch_operands = 9 : i64, tpu.core_type = #tpu.core_type<sc_vector_subcore>, window_params = [{transform_indices = #map}, {transform_indices = #map1}, {transform_indices = #map1}, {transform_indices = #map}, {transform_indices = #map2}]} {
    %broadcast_in_dim3A = arith.constant 0.000000e+00 : f32
    %broadcast_in_dim3A_0 = vector.broadcast %broadcast_in_dim3A : f32 to vector<16xf32>
    %scan3A = arith.constant 0 : i32
    %scan3A_1 = arith.constant 0 : i32
    %scan3A_2 = arith.constant 128 : i32
    %scan3A_3 = arith.addi %scan3A_1, %scan3A_2 : i32
    %scan3A_4 = arith.constant 1 : i32
    scf.for %scan3A_64 = %scan3A_1 to %scan3A_3 step %scan3A_4  : i32 {
      %swap3A = arith.index_cast %scan3A_64 : i32 to index
      %swap3A_65 = arith.constant 0 : index
      %swap3A_66 = tpu.vector_load %arg8[%swap3A, %swap3A_65] {strides = array<i32>} : memref<128x48xf32, #tpu.memory_space<vmem>>, vector<16xf32>,
      tpu.vector_store %arg8[%swap3A, %swap3A_65], %broadcast_in_dim3A_0 {strides = array<i32>} : memref<128x48xf32, #tpu.memory_space<vmem>>, vector<16xf32>,
      %swap3A_67 = arith.index_cast %scan3A_64 : i32 to index
      %swap3A_68 = arith.constant 16 : index
      %swap3A_69 = tpu.vector_load %arg8[%swap3A_67, %swap3A_68] {strides = array<i32>} : memref<128x48xf32, #tpu.memory_space<vmem>>, vector<16xf32>,
      tpu.vector_store %arg8[%swap3A_67, %swap3A_68], %broadcast_in_dim3A_0 {strides = array<i32>} : memref<128x48xf32, #tpu.memory_space<vmem>>, vector<16xf32>,
      %swap3A_70 = arith.index_cast %scan3A_64 : i32 to index
      %swap3A_71 = arith.constant 32 : index
      %swap3A_72 = tpu.vector_load %arg8[%swap3A_70, %swap3A_71] {strides = array<i32>} : memref<128x48xf32, #tpu.memory_space<vmem>>, vector<16xf32>,
      tpu.vector_store %arg8[%swap3A_70, %swap3A_71], %broadcast_in_dim3A_0 {strides = array<i32>} : memref<128x48xf32, #tpu.memory_space<vmem>>, vector<16xf32>,
    }
    %scan3A_5 = arith.constant 128 : i32
    %mul3A = arith.constant 640 : i32
    %mul3A_6 = arith.muli %arg1, %mul3A : i32
    %add3A = arith.constant 0 : i32
    %add3A_7 = arith.addi %mul3A_6, %add3A : i32
    "tpu.region"() ({
      %run_scoped3A = tpu.sem_alloc : memref<!tpu.dma_semaphore, #tpu.memory_space<semaphore_mem>>
      %dma_start3A = arith.constant 0 : i32
      %dma_start3A_64 = tpu.memref_slice %arg14[%add3A_7, %dma_start3A] : memref<10240x48xf32, #tpu.memory_space<vmem_shared>> -> memref<128x48xf32, #tpu.memory_space<vmem_shared>>
      %dma_start3A_65 = arith.constant 0 : i32
      %dma_start3A_66 = tpu.memref_slice %arg14[%add3A_7, %dma_start3A_65] : memref<10240x48xf32, #tpu.memory_space<vmem_shared>> -> memref<128x48xf32, #tpu.memory_space<vmem_shared>>
      tpu.enqueue_dma source(%arg8 : memref<128x48xf32, #tpu.memory_space<vmem>>) target(%dma_start3A_66 : memref<128x48xf32, #tpu.memory_space<vmem_shared>>) target_semaphore(%run_scoped3A : memref<!tpu.dma_semaphore, #tpu.memory_space<semaphore_mem>>)
      %dma_wait3A = arith.constant 0 : i32
      %dma_wait3A_67 = tpu.memref_slice %arg14[%add3A_7, %dma_wait3A] : memref<10240x48xf32, #tpu.memory_space<vmem_shared>> -> memref<128x48xf32, #tpu.memory_space<vmem_shared>>
      %dma_wait3A_68 = arith.constant 0 : i32
      %dma_wait3A_69 = tpu.memref_slice %arg14[%add3A_7, %dma_wait3A_68] : memref<10240x48xf32, #tpu.memory_space<vmem_shared>> -> memref<128x48xf32, #tpu.memory_space<vmem_shared>>
      tpu.wait_dma2 semaphore(%run_scoped3A : memref<!tpu.dma_semaphore, #tpu.memory_space<semaphore_mem>>) src(%arg8 : memref<128x48xf32, #tpu.memory_space<vmem>>) dst(%dma_wait3A_69 : memref<128x48xf32, #tpu.memory_space<vmem_shared>>)
      tpu.yield
    }) : () -> ()
    %mul3A_8 = arith.constant 640 : i32
    %mul3A_9 = arith.muli %arg1, %mul3A_8 : i32
    %add3A_10 = arith.constant 128 : i32
    %add3A_11 = arith.addi %mul3A_9, %add3A_10 : i32
    "tpu.region"() ({
      %run_scoped3A = tpu.sem_alloc : memref<!tpu.dma_semaphore, #tpu.memory_space<semaphore_mem>>
      %dma_start3A = arith.constant 0 : i32
      %dma_start3A_64 = tpu.memref_slice %arg14[%add3A_11, %dma_start3A] : memref<10240x48xf32, #tpu.memory_space<vmem_shared>> -> memref<128x48xf32, #tpu.memory_space<vmem_shared>>
      %dma_start3A_65 = arith.constant 0 : i32
      %dma_start3A_66 = tpu.memref_slice %arg14[%add3A_11, %dma_start3A_65] : memref<10240x48xf32, #tpu.memory_space<vmem_shared>> -> memref<128x48xf32, #tpu.memory_space<vmem_shared>>
      tpu.enqueue_dma source(%arg8 : memref<128x48xf32, #tpu.memory_space<vmem>>) target(%dma_start3A_66 : memref<128x48xf32, #tpu.memory_space<vmem_shared>>) target_semaphore(%run_scoped3A : memref<!tpu.dma_semaphore, #tpu.memory_space<semaphore_mem>>)
      %dma_wait3A = arith.constant 0 : i32
      %dma_wait3A_67 = tpu.memref_slice %arg14[%add3A_11, %dma_wait3A] : memref<10240x48xf32, #tpu.memory_space<vmem_shared>> -> memref<128x48xf32, #tpu.memory_space<vmem_shared>>
      %dma_wait3A_68 = arith.constant 0 : i32
      %dma_wait3A_69 = tpu.memref_slice %arg14[%add3A_11, %dma_wait3A_68] : memref<10240x48xf32, #tpu.memory_space<vmem_shared>> -> memref<128x48xf32, #tpu.memory_space<vmem_shared>>
      tpu.wait_dma2 semaphore(%run_scoped3A : memref<!tpu.dma_semaphore, #tpu.memory_space<semaphore_mem>>) src(%arg8 : memref<128x48xf32, #tpu.memory_space<vmem>>) dst(%dma_wait3A_69 : memref<128x48xf32, #tpu.memory_space<vmem_shared>>)
      tpu.yield
    }) : () -> ()
    %mul3A_12 = arith.constant 640 : i32
    %mul3A_13 = arith.muli %arg1, %mul3A_12 : i32
    %add3A_14 = arith.constant 256 : i32
    %add3A_15 = arith.addi %mul3A_13, %add3A_14 : i32
    "tpu.region"() ({
      %run_scoped3A = tpu.sem_alloc : memref<!tpu.dma_semaphore, #tpu.memory_space<semaphore_mem>>
      %dma_start3A = arith.constant 0 : i32
      %dma_start3A_64 = tpu.memref_slice %arg14[%add3A_15, %dma_start3A] : memref<10240x48xf32, #tpu.memory_space<vmem_shared>> -> memref<128x48xf32, #tpu.memory_space<vmem_shared>>
      %dma_start3A_65 = arith.constant 0 : i32
      %dma_start3A_66 = tpu.memref_slice %arg14[%add3A_15, %dma_start3A_65] : memref<10240x48xf32, #tpu.memory_space<vmem_shared>> -> memref<128x48xf32, #tpu.memory_space<vmem_shared>>
      tpu.enqueue_dma source(%arg8 : memref<128x48xf32, #tpu.memory_space<vmem>>) target(%dma_start3A_66 : memref<128x48xf32, #tpu.memory_space<vmem_shared>>) target_semaphore(%run_scoped3A : memref<!tpu.dma_semaphore, #tpu.memory_space<semaphore_mem>>)
      %dma_wait3A = arith.constant 0 : i32
      %dma_wait3A_67 = tpu.memref_slice %arg14[%add3A_15, %dma_wait3A] : memref<10240x48xf32, #tpu.memory_space<vmem_shared>> -> memref<128x48xf32, #tpu.memory_space<vmem_shared>>
      %dma_wait3A_68 = arith.constant 0 : i32
      %dma_wait3A_69 = tpu.memref_slice %arg14[%add3A_15, %dma_wait3A_68] : memref<10240x48xf32, #tpu.memory_space<vmem_shared>> -> memref<128x48xf32, #tpu.memory_space<vmem_shared>>
      tpu.wait_dma2 semaphore(%run_scoped3A : memref<!tpu.dma_semaphore, #tpu.memory_space<semaphore_mem>>) src(%arg8 : memref<128x48xf32, #tpu.memory_space<vmem>>) dst(%dma_wait3A_69 : memref<128x48xf32, #tpu.memory_space<vmem_shared>>)
      tpu.yield
    }) : () -> ()
    %mul3A_16 = arith.constant 640 : i32
    %mul3A_17 = arith.muli %arg1, %mul3A_16 : i32
    %add3A_18 = arith.constant 384 : i32
    %add3A_19 = arith.addi %mul3A_17, %add3A_18 : i32
    "tpu.region"() ({
      %run_scoped3A = tpu.sem_alloc : memref<!tpu.dma_semaphore, #tpu.memory_space<semaphore_mem>>
      %dma_start3A = arith.constant 0 : i32
      %dma_start3A_64 = tpu.memref_slice %arg14[%add3A_19, %dma_start3A] : memref<10240x48xf32, #tpu.memory_space<vmem_shared>> -> memref<128x48xf32, #tpu.memory_space<vmem_shared>>
      %dma_start3A_65 = arith.constant 0 : i32
      %dma_start3A_66 = tpu.memref_slice %arg14[%add3A_19, %dma_start3A_65] : memref<10240x48xf32, #tpu.memory_space<vmem_shared>> -> memref<128x48xf32, #tpu.memory_space<vmem_shared>>
      tpu.enqueue_dma source(%arg8 : memref<128x48xf32, #tpu.memory_space<vmem>>) target(%dma_start3A_66 : memref<128x48xf32, #tpu.memory_space<vmem_shared>>) target_semaphore(%run_scoped3A : memref<!tpu.dma_semaphore, #tpu.memory_space<semaphore_mem>>)
      %dma_wait3A = arith.constant 0 : i32
      %dma_wait3A_67 = tpu.memref_slice %arg14[%add3A_19, %dma_wait3A] : memref<10240x48xf32, #tpu.memory_space<vmem_shared>> -> memref<128x48xf32, #tpu.memory_space<vmem_shared>>
      %dma_wait3A_68 = arith.constant 0 : i32
      %dma_wait3A_69 = tpu.memref_slice %arg14[%add3A_19, %dma_wait3A_68] : memref<10240x48xf32, #tpu.memory_space<vmem_shared>> -> memref<128x48xf32, #tpu.memory_space<vmem_shared>>
      tpu.wait_dma2 semaphore(%run_scoped3A : memref<!tpu.dma_semaphore, #tpu.memory_space<semaphore_mem>>) src(%arg8 : memref<128x48xf32, #tpu.memory_space<vmem>>) dst(%dma_wait3A_69 : memref<128x48xf32, #tpu.memory_space<vmem_shared>>)
      tpu.yield
    }) : () -> ()
    %mul3A_20 = arith.constant 640 : i32
    %mul3A_21 = arith.muli %arg1, %mul3A_20 : i32
    %add3A_22 = arith.constant 512 : i32
    %add3A_23 = arith.addi %mul3A_21, %add3A_22 : i32
    "tpu.region"() ({
      %run_scoped3A = tpu.sem_alloc : memref<!tpu.dma_semaphore, #tpu.memory_space<semaphore_mem>>
      %dma_start3A = arith.constant 0 : i32
      %dma_start3A_64 = tpu.memref_slice %arg14[%add3A_23, %dma_start3A] : memref<10240x48xf32, #tpu.memory_space<vmem_shared>> -> memref<128x48xf32, #tpu.memory_space<vmem_shared>>
      %dma_start3A_65 = arith.constant 0 : i32
      %dma_start3A_66 = tpu.memref_slice %arg14[%add3A_23, %dma_start3A_65] : memref<10240x48xf32, #tpu.memory_space<vmem_shared>> -> memref<128x48xf32, #tpu.memory_space<vmem_shared>>
      tpu.enqueue_dma source(%arg8 : memref<128x48xf32, #tpu.memory_space<vmem>>) target(%dma_start3A_66 : memref<128x48xf32, #tpu.memory_space<vmem_shared>>) target_semaphore(%run_scoped3A : memref<!tpu.dma_semaphore, #tpu.memory_space<semaphore_mem>>)
      %dma_wait3A = arith.constant 0 : i32
      %dma_wait3A_67 = tpu.memref_slice %arg14[%add3A_23, %dma_wait3A] : memref<10240x48xf32, #tpu.memory_space<vmem_shared>> -> memref<128x48xf32, #tpu.memory_space<vmem_shared>>
      %dma_wait3A_68 = arith.constant 0 : i32
      %dma_wait3A_69 = tpu.memref_slice %arg14[%add3A_23, %dma_wait3A_68] : memref<10240x48xf32, #tpu.memory_space<vmem_shared>> -> memref<128x48xf32, #tpu.memory_space<vmem_shared>>
      tpu.wait_dma2 semaphore(%run_scoped3A : memref<!tpu.dma_semaphore, #tpu.memory_space<semaphore_mem>>) src(%arg8 : memref<128x48xf32, #tpu.memory_space<vmem>>) dst(%dma_wait3A_69 : memref<128x48xf32, #tpu.memory_space<vmem_shared>>)
      tpu.yield
    }) : () -> ()
    "tpu.region"() ({
      %run_scoped3A = tpu.sem_alloc : memref<!tpu.dma_semaphore, #tpu.memory_space<semaphore_mem>>
      tpu.enqueue_dma source(%arg4 : memref<10240x8xf32, #tpu.memory_space<hbm>>) target(%arg7 : memref<10240x8xf32, #tpu.memory_space<vmem>>) target_semaphore(%run_scoped3A : memref<!tpu.dma_semaphore, #tpu.memory_space<semaphore_mem>>)
      tpu.wait_dma2 semaphore(%run_scoped3A : memref<!tpu.dma_semaphore, #tpu.memory_space<semaphore_mem>>) src(%arg4 : memref<10240x8xf32, #tpu.memory_space<hbm>>) dst(%arg7 : memref<10240x8xf32, #tpu.memory_space<vmem>>)
      tpu.yield
    }) : () -> ()
    "tpu.region"() ({
      %run_scoped3A = tpu.sem_alloc : memref<!tpu.dma_semaphore, #tpu.memory_space<semaphore_mem>>
      tpu.enqueue_dma source(%arg5 : memref<16xf32, #tpu.memory_space<hbm>>) target(%arg13 : memref<16xf32, #tpu.memory_space<vmem>>) target_semaphore(%run_scoped3A : memref<!tpu.dma_semaphore, #tpu.memory_space<semaphore_mem>>)
      tpu.wait_dma2 semaphore(%run_scoped3A : memref<!tpu.dma_semaphore, #tpu.memory_space<semaphore_mem>>) src(%arg5 : memref<16xf32, #tpu.memory_space<hbm>>) dst(%arg13 : memref<16xf32, #tpu.memory_space<vmem>>)
      tpu.yield
    }) : () -> ()
    %barrier3A = arith.constant 0 : index
    tpu.barrier barrier_id(%barrier3A)
    %mul3A_24 = arith.constant 20736 : i32
    %mul3A_25 = arith.muli %arg1, %mul3A_24 : i32
    %iota3A = tpu.iota {dimensions = array<i32: 0>} : vector<16xi32>
    %min3A = arith.constant 0 : i32
    %min3A_26 = vector.broadcast %min3A : i32 to vector<16xi32>
    %min3A_27 = arith.minsi %iota3A, %min3A_26 : vector<16xi32>
    %lt3A = arith.constant 1 : i32
    %lt3A_28 = vector.broadcast %lt3A : i32 to vector<16xi32>
    %lt3A_29 = arith.cmpi slt, %iota3A, %lt3A_28 : vector<16xi32>
    %convert_element_type3A = arith.extui %lt3A_29 : vector<16xi1> to vector<16xi32>
    %convert_element_type3A_30 = arith.sitofp %convert_element_type3A : vector<16xi32> to vector<16xf32>
    %mul3A_31 = arith.constant 1 : i32
    %mul3A_32 = arith.muli %arg0, %mul3A_31 : i32
    %add3A_33 = arith.constant 2 : i32
    %add3A_34 = arith.addi %mul3A_32, %add3A_33 : i32
    %mul3A_35 = arith.constant 10240 : i32
    %mul3A_36 = arith.muli %arg0, %mul3A_35 : i32
    %scan3A_37 = arith.constant 0 : i32
    %scan3A_38 = arith.constant 0 : i32
    %scan3A_39 = arith.constant 162 : i32
    %scan3A_40 = arith.addi %scan3A_38, %scan3A_39 : i32
    %scan3A_41 = arith.constant 1 : i32
    scf.for %scan3A_64 = %scan3A_38 to %scan3A_40 step %scan3A_41  : i32 {
      %broadcast_in_dim3A_65 = arith.constant 0 : i32
      %broadcast_in_dim3A_66 = vector.broadcast %broadcast_in_dim3A_65 : i32 to vector<16xi32>
      %add3A_67 = vector.broadcast %add3A_34 : i32 to vector<16xi32>
      %add3A_68 = arith.addi %broadcast_in_dim3A_66, %add3A_67 : vector<16xi32>
      %gather3A = tpu.vector_load_idx %arg13[%add3A_68] : memref<16xf32, #tpu.memory_space<vmem>>[vector<16xi32>], vector<16xf32>,
      %mul3A_69 = arith.constant 128 : i32
      %mul3A_70 = arith.muli %scan3A_64, %mul3A_69 : i32
      %add3A_71 = arith.addi %mul3A_25, %mul3A_70 : i32
      "tpu.region"() ({
        %run_scoped3A = tpu.sem_alloc : memref<!tpu.dma_semaphore, #tpu.memory_space<semaphore_mem>>
        %dma_start3A_395 = tpu.memref_slice %arg2[%add3A_71] : memref<331776xi32, #tpu.memory_space<hbm>> -> memref<128xi32, #tpu.memory_space<hbm>>
        %dma_start3A_396 = tpu.memref_slice %arg2[%add3A_71] : memref<331776xi32, #tpu.memory_space<hbm>> -> memref<128xi32, #tpu.memory_space<hbm>>
        tpu.enqueue_dma source(%dma_start3A_396 : memref<128xi32, #tpu.memory_space<hbm>>) target(%arg9 : memref<128xi32, #tpu.memory_space<vmem>>) target_semaphore(%run_scoped3A : memref<!tpu.dma_semaphore, #tpu.memory_space<semaphore_mem>>)
        %dma_wait3A_397 = tpu.memref_slice %arg2[%add3A_71] : memref<331776xi32, #tpu.memory_space<hbm>> -> memref<128xi32, #tpu.memory_space<hbm>>
        %dma_wait3A_398 = tpu.memref_slice %arg2[%add3A_71] : memref<331776xi32, #tpu.memory_space<hbm>> -> memref<128xi32, #tpu.memory_space<hbm>>
        tpu.wait_dma2 semaphore(%run_scoped3A : memref<!tpu.dma_semaphore, #tpu.memory_space<semaphore_mem>>) src(%dma_wait3A_398 : memref<128xi32, #tpu.memory_space<hbm>>) dst(%arg9 : memref<128xi32, #tpu.memory_space<vmem>>)
        tpu.yield
      }) : () -> ()
      %get3A = arith.constant 0 : index
      %get3A_72 = tpu.vector_load %arg9[%get3A] {strides = array<i32>} : memref<128xi32, #tpu.memory_space<vmem>>, vector<16xi32>,
      %and3A = arith.constant 65535 : i32
      %and3A_73 = vector.broadcast %and3A : i32 to vector<16xi32>
      %and3A_74 = arith.andi %get3A_72, %and3A_73 : vector<16xi32>
      %add3A_75 = vector.broadcast %mul3A_36 : i32 to vector<16xi32>
      %add3A_76 = arith.addi %and3A_74, %add3A_75 : vector<16xi32>
      %swap3A = arith.constant 0 : index
      %swap3A_77 = tpu.vector_load %arg10[%swap3A] {strides = array<i32>} : memref<128xi32, #tpu.memory_space<vmem>>, vector<16xi32>,
      tpu.vector_store %arg10[%swap3A], %add3A_76 {strides = array<i32>} : memref<128xi32, #tpu.memory_space<vmem>>, vector<16xi32>,
      %shift_right_arithmetic3A = arith.constant 16 : i32
      %shift_right_arithmetic3A_78 = vector.broadcast %shift_right_arithmetic3A : i32 to vector<16xi32>
      %shift_right_arithmetic3A_79 = arith.shrsi %get3A_72, %shift_right_arithmetic3A_78 : vector<16xi32>
      %swap3A_80 = arith.constant 0 : index
      %swap3A_81 = tpu.vector_load %arg11[%swap3A_80] {strides = array<i32>} : memref<128xi32, #tpu.memory_space<vmem>>, vector<16xi32>,
      tpu.vector_store %arg11[%swap3A_80], %shift_right_arithmetic3A_79 {strides = array<i32>} : memref<128xi32, #tpu.memory_space<vmem>>, vector<16xi32>,
      %get3A_82 = arith.constant 16 : index
      %get3A_83 = tpu.vector_load %arg9[%get3A_82] {strides = array<i32>} : memref<128xi32, #tpu.memory_space<vmem>>, vector<16xi32>,
      %and3A_84 = arith.constant 65535 : i32
      %and3A_85 = vector.broadcast %and3A_84 : i32 to vector<16xi32>
      %and3A_86 = arith.andi %get3A_83, %and3A_85 : vector<16xi32>
      %add3A_87 = vector.broadcast %mul3A_36 : i32 to vector<16xi32>
      %add3A_88 = arith.addi %and3A_86, %add3A_87 : vector<16xi32>
      %swap3A_89 = arith.constant 16 : index
      %swap3A_90 = tpu.vector_load %arg10[%swap3A_89] {strides = array<i32>} : memref<128xi32, #tpu.memory_space<vmem>>, vector<16xi32>,
      tpu.vector_store %arg10[%swap3A_89], %add3A_88 {strides = array<i32>} : memref<128xi32, #tpu.memory_space<vmem>>, vector<16xi32>,
      %shift_right_arithmetic3A_91 = arith.constant 16 : i32
      %shift_right_arithmetic3A_92 = vector.broadcast %shift_right_arithmetic3A_91 : i32 to vector<16xi32>
      %shift_right_arithmetic3A_93 = arith.shrsi %get3A_83, %shift_right_arithmetic3A_92 : vector<16xi32>
      %swap3A_94 = arith.constant 16 : index
      %swap3A_95 = tpu.vector_load %arg11[%swap3A_94] {strides = array<i32>} : memref<128xi32, #tpu.memory_space<vmem>>, vector<16xi32>,
      tpu.vector_store %arg11[%swap3A_94], %shift_right_arithmetic3A_93 {strides = array<i32>} : memref<128xi32, #tpu.memory_space<vmem>>, vector<16xi32>,
      %get3A_96 = arith.constant 32 : index
      %get3A_97 = tpu.vector_load %arg9[%get3A_96] {strides = array<i32>} : memref<128xi32, #tpu.memory_space<vmem>>, vector<16xi32>,
      %and3A_98 = arith.constant 65535 : i32
      %and3A_99 = vector.broadcast %and3A_98 : i32 to vector<16xi32>
      %and3A_100 = arith.andi %get3A_97, %and3A_99 : vector<16xi32>
      %add3A_101 = vector.broadcast %mul3A_36 : i32 to vector<16xi32>
      %add3A_102 = arith.addi %and3A_100, %add3A_101 : vector<16xi32>
      %swap3A_103 = arith.constant 32 : index
      %swap3A_104 = tpu.vector_load %arg10[%swap3A_103] {strides = array<i32>} : memref<128xi32, #tpu.memory_space<vmem>>, vector<16xi32>,
      tpu.vector_store %arg10[%swap3A_103], %add3A_102 {strides = array<i32>} : memref<128xi32, #tpu.memory_space<vmem>>, vector<16xi32>,
      %shift_right_arithmetic3A_105 = arith.constant 16 : i32
      %shift_right_arithmetic3A_106 = vector.broadcast %shift_right_arithmetic3A_105 : i32 to vector<16xi32>
      %shift_right_arithmetic3A_107 = arith.shrsi %get3A_97, %shift_right_arithmetic3A_106 : vector<16xi32>
      %swap3A_108 = arith.constant 32 : index
      %swap3A_109 = tpu.vector_load %arg11[%swap3A_108] {strides = array<i32>} : memref<128xi32, #tpu.memory_space<vmem>>, vector<16xi32>,
      tpu.vector_store %arg11[%swap3A_108], %shift_right_arithmetic3A_107 {strides = array<i32>} : memref<128xi32, #tpu.memory_space<vmem>>, vector<16xi32>,
      %get3A_110 = arith.constant 48 : index
      %get3A_111 = tpu.vector_load %arg9[%get3A_110] {strides = array<i32>} : memref<128xi32, #tpu.memory_space<vmem>>, vector<16xi32>,
      %and3A_112 = arith.constant 65535 : i32
      %and3A_113 = vector.broadcast %and3A_112 : i32 to vector<16xi32>
      %and3A_114 = arith.andi %get3A_111, %and3A_113 : vector<16xi32>
      %add3A_115 = vector.broadcast %mul3A_36 : i32 to vector<16xi32>
      %add3A_116 = arith.addi %and3A_114, %add3A_115 : vector<16xi32>
      %swap3A_117 = arith.constant 48 : index
      %swap3A_118 = tpu.vector_load %arg10[%swap3A_117] {strides = array<i32>} : memref<128xi32, #tpu.memory_space<vmem>>, vector<16xi32>,
      tpu.vector_store %arg10[%swap3A_117], %add3A_116 {strides = array<i32>} : memref<128xi32, #tpu.memory_space<vmem>>, vector<16xi32>,
      %shift_right_arithmetic3A_119 = arith.constant 16 : i32
      %shift_right_arithmetic3A_120 = vector.broadcast %shift_right_arithmetic3A_119 : i32 to vector<16xi32>
      %shift_right_arithmetic3A_121 = arith.shrsi %get3A_111, %shift_right_arithmetic3A_120 : vector<16xi32>
      %swap3A_122 = arith.constant 48 : index
      %swap3A_123 = tpu.vector_load %arg11[%swap3A_122] {strides = array<i32>} : memref<128xi32, #tpu.memory_space<vmem>>, vector<16xi32>,
      tpu.vector_store %arg11[%swap3A_122], %shift_right_arithmetic3A_121 {strides = array<i32>} : memref<128xi32, #tpu.memory_space<vmem>>, vector<16xi32>,
      %get3A_124 = arith.constant 64 : index
      %get3A_125 = tpu.vector_load %arg9[%get3A_124] {strides = array<i32>} : memref<128xi32, #tpu.memory_space<vmem>>, vector<16xi32>,
      %and3A_126 = arith.constant 65535 : i32
      %and3A_127 = vector.broadcast %and3A_126 : i32 to vector<16xi32>
      %and3A_128 = arith.andi %get3A_125, %and3A_127 : vector<16xi32>
      %add3A_129 = vector.broadcast %mul3A_36 : i32 to vector<16xi32>
      %add3A_130 = arith.addi %and3A_128, %add3A_129 : vector<16xi32>
      %swap3A_131 = arith.constant 64 : index
      %swap3A_132 = tpu.vector_load %arg10[%swap3A_131] {strides = array<i32>} : memref<128xi32, #tpu.memory_space<vmem>>, vector<16xi32>,
      tpu.vector_store %arg10[%swap3A_131], %add3A_130 {strides = array<i32>} : memref<128xi32, #tpu.memory_space<vmem>>, vector<16xi32>,
      %shift_right_arithmetic3A_133 = arith.constant 16 : i32
      %shift_right_arithmetic3A_134 = vector.broadcast %shift_right_arithmetic3A_133 : i32 to vector<16xi32>
      %shift_right_arithmetic3A_135 = arith.shrsi %get3A_125, %shift_right_arithmetic3A_134 : vector<16xi32>
      %swap3A_136 = arith.constant 64 : index
      %swap3A_137 = tpu.vector_load %arg11[%swap3A_136] {strides = array<i32>} : memref<128xi32, #tpu.memory_space<vmem>>, vector<16xi32>,
      tpu.vector_store %arg11[%swap3A_136], %shift_right_arithmetic3A_135 {strides = array<i32>} : memref<128xi32, #tpu.memory_space<vmem>>, vector<16xi32>,
      %get3A_138 = arith.constant 80 : index
      %get3A_139 = tpu.vector_load %arg9[%get3A_138] {strides = array<i32>} : memref<128xi32, #tpu.memory_space<vmem>>, vector<16xi32>,
      %and3A_140 = arith.constant 65535 : i32
      %and3A_141 = vector.broadcast %and3A_140 : i32 to vector<16xi32>
      %and3A_142 = arith.andi %get3A_139, %and3A_141 : vector<16xi32>
      %add3A_143 = vector.broadcast %mul3A_36 : i32 to vector<16xi32>
      %add3A_144 = arith.addi %and3A_142, %add3A_143 : vector<16xi32>
      %swap3A_145 = arith.constant 80 : index
      %swap3A_146 = tpu.vector_load %arg10[%swap3A_145] {strides = array<i32>} : memref<128xi32, #tpu.memory_space<vmem>>, vector<16xi32>,
      tpu.vector_store %arg10[%swap3A_145], %add3A_144 {strides = array<i32>} : memref<128xi32, #tpu.memory_space<vmem>>, vector<16xi32>,
      %shift_right_arithmetic3A_147 = arith.constant 16 : i32
      %shift_right_arithmetic3A_148 = vector.broadcast %shift_right_arithmetic3A_147 : i32 to vector<16xi32>
      %shift_right_arithmetic3A_149 = arith.shrsi %get3A_139, %shift_right_arithmetic3A_148 : vector<16xi32>
      %swap3A_150 = arith.constant 80 : index
      %swap3A_151 = tpu.vector_load %arg11[%swap3A_150] {strides = array<i32>} : memref<128xi32, #tpu.memory_space<vmem>>, vector<16xi32>,
      tpu.vector_store %arg11[%swap3A_150], %shift_right_arithmetic3A_149 {strides = array<i32>} : memref<128xi32, #tpu.memory_space<vmem>>, vector<16xi32>,
      %get3A_152 = arith.constant 96 : index
      %get3A_153 = tpu.vector_load %arg9[%get3A_152] {strides = array<i32>} : memref<128xi32, #tpu.memory_space<vmem>>, vector<16xi32>,
      %and3A_154 = arith.constant 65535 : i32
      %and3A_155 = vector.broadcast %and3A_154 : i32 to vector<16xi32>
      %and3A_156 = arith.andi %get3A_153, %and3A_155 : vector<16xi32>
      %add3A_157 = vector.broadcast %mul3A_36 : i32 to vector<16xi32>
      %add3A_158 = arith.addi %and3A_156, %add3A_157 : vector<16xi32>
      %swap3A_159 = arith.constant 96 : index
      %swap3A_160 = tpu.vector_load %arg10[%swap3A_159] {strides = array<i32>} : memref<128xi32, #tpu.memory_space<vmem>>, vector<16xi32>,
      tpu.vector_store %arg10[%swap3A_159], %add3A_158 {strides = array<i32>} : memref<128xi32, #tpu.memory_space<vmem>>, vector<16xi32>,
      %shift_right_arithmetic3A_161 = arith.constant 16 : i32
      %shift_right_arithmetic3A_162 = vector.broadcast %shift_right_arithmetic3A_161 : i32 to vector<16xi32>
      %shift_right_arithmetic3A_163 = arith.shrsi %get3A_153, %shift_right_arithmetic3A_162 : vector<16xi32>
      %swap3A_164 = arith.constant 96 : index
      %swap3A_165 = tpu.vector_load %arg11[%swap3A_164] {strides = array<i32>} : memref<128xi32, #tpu.memory_space<vmem>>, vector<16xi32>,
      tpu.vector_store %arg11[%swap3A_164], %shift_right_arithmetic3A_163 {strides = array<i32>} : memref<128xi32, #tpu.memory_space<vmem>>, vector<16xi32>,
      %get3A_166 = arith.constant 112 : index
      %get3A_167 = tpu.vector_load %arg9[%get3A_166] {strides = array<i32>} : memref<128xi32, #tpu.memory_space<vmem>>, vector<16xi32>,
      %and3A_168 = arith.constant 65535 : i32
      %and3A_169 = vector.broadcast %and3A_168 : i32 to vector<16xi32>
      %and3A_170 = arith.andi %get3A_167, %and3A_169 : vector<16xi32>
      %add3A_171 = vector.broadcast %mul3A_36 : i32 to vector<16xi32>
      %add3A_172 = arith.addi %and3A_170, %add3A_171 : vector<16xi32>
      %swap3A_173 = arith.constant 112 : index
      %swap3A_174 = tpu.vector_load %arg10[%swap3A_173] {strides = array<i32>} : memref<128xi32, #tpu.memory_space<vmem>>, vector<16xi32>,
      tpu.vector_store %arg10[%swap3A_173], %add3A_172 {strides = array<i32>} : memref<128xi32, #tpu.memory_space<vmem>>, vector<16xi32>,
      %shift_right_arithmetic3A_175 = arith.constant 16 : i32
      %shift_right_arithmetic3A_176 = vector.broadcast %shift_right_arithmetic3A_175 : i32 to vector<16xi32>
      %shift_right_arithmetic3A_177 = arith.shrsi %get3A_167, %shift_right_arithmetic3A_176 : vector<16xi32>
      %swap3A_178 = arith.constant 112 : index
      %swap3A_179 = tpu.vector_load %arg11[%swap3A_178] {strides = array<i32>} : memref<128xi32, #tpu.memory_space<vmem>>, vector<16xi32>,
      tpu.vector_store %arg11[%swap3A_178], %shift_right_arithmetic3A_177 {strides = array<i32>} : memref<128xi32, #tpu.memory_space<vmem>>, vector<16xi32>,
      %dma_start3A = arith.constant 0 : i32
      %dma_start3A_180 = arith.constant 0 : i32
      %dma_start3A_181 = tpu.memref_slice %arg3[%dma_start3A, %dma_start3A_180] : memref<20480x48xf32, #tpu.memory_space<hbm>> -> memref<20480x48xf32, #tpu.memory_space<hbm>>
      tpu.enqueue_indirect_dma source(%dma_start3A_181 : memref<20480x48xf32, #tpu.memory_space<hbm>>) target(%arg8 : memref<128x48xf32, #tpu.memory_space<vmem>>) offsets(%arg10 : memref<128xi32, #tpu.memory_space<vmem>>) semaphore(%arg15 : memref<!tpu.dma_semaphore, #tpu.memory_space<semaphore_mem>>)
      %get3A_182 = arith.constant 0 : index
      %get3A_183 = tpu.vector_load %arg10[%get3A_182] {strides = array<i32>} : memref<128xi32, #tpu.memory_space<vmem>>, vector<16xi32>,
      %sub3A = vector.broadcast %mul3A_36 : i32 to vector<16xi32>
      %sub3A_184 = arith.subi %get3A_183, %sub3A : vector<16xi32>
      %get3A_185 = arith.constant 0 : index
      %get3A_186 = tpu.vector_load %arg11[%get3A_185] {strides = array<i32>} : memref<128xi32, #tpu.memory_space<vmem>>, vector<16xi32>,
      %broadcast_in_dim3A_187 = arith.constant 0 : i32
      %broadcast_in_dim3A_188 = vector.broadcast %broadcast_in_dim3A_187 : i32 to vector<16xi32>
      %add3A_189 = vector.broadcast %add3A_34 : i32 to vector<16xi32>
      %add3A_190 = arith.addi %broadcast_in_dim3A_188, %add3A_189 : vector<16xi32>
      %add3A_191 = arith.constant 4 : i32
      %add3A_192 = vector.broadcast %add3A_191 : i32 to vector<16xi32>
      %add3A_193 = arith.addi %add3A_190, %add3A_192 : vector<16xi32>
      %gather3A_194 = tpu.vector_load_idx %arg7[%sub3A_184, %add3A_190] : memref<10240x8xf32, #tpu.memory_space<vmem>>[vector<16xi32>, vector<16xi32>], vector<16xf32>,
      %gather3A_195 = tpu.vector_load_idx %arg7[%get3A_186, %add3A_193] : memref<10240x8xf32, #tpu.memory_space<vmem>>[vector<16xi32>, vector<16xi32>], vector<16xf32>,
      %add3A_196 = arith.addf %gather3A_194, %gather3A_195 : vector<16xf32>
      %mul3A_197 = arith.constant 2.000000e-01 : f32
      %mul3A_198 = vector.broadcast %mul3A_197 : f32 to vector<16xf32>
      %mul3A_199 = arith.mulf %add3A_196, %mul3A_198 : vector<16xf32>
      %max3A = arith.maximumf %add3A_196, %mul3A_199 : vector<16xf32>
      %sub3A_200 = arith.subf %max3A, %gather3A : vector<16xf32>
      %exp3A = math.exp %sub3A_200 : vector<16xf32>
      %swap3A_201 = arith.constant 0 : i32
      %swap3A_202 = arith.index_cast %swap3A_201 : i32 to index
      %swap3A_203 = arith.constant 0 : index
      %swap3A_204 = tpu.vector_load %arg12[%swap3A_202, %swap3A_203] {strides = array<i32>} : memref<1x128xf32, #tpu.memory_space<vmem>>, vector<16xf32>,
      tpu.vector_store %arg12[%swap3A_202, %swap3A_203], %exp3A {strides = array<i32>} : memref<1x128xf32, #tpu.memory_space<vmem>>, vector<16xf32>,
      %get3A_205 = arith.constant 16 : index
      %get3A_206 = tpu.vector_load %arg10[%get3A_205] {strides = array<i32>} : memref<128xi32, #tpu.memory_space<vmem>>, vector<16xi32>,
      %sub3A_207 = vector.broadcast %mul3A_36 : i32 to vector<16xi32>
      %sub3A_208 = arith.subi %get3A_206, %sub3A_207 : vector<16xi32>
      %get3A_209 = arith.constant 16 : index
      %get3A_210 = tpu.vector_load %arg11[%get3A_209] {strides = array<i32>} : memref<128xi32, #tpu.memory_space<vmem>>, vector<16xi32>,
      %broadcast_in_dim3A_211 = arith.constant 0 : i32
      %broadcast_in_dim3A_212 = vector.broadcast %broadcast_in_dim3A_211 : i32 to vector<16xi32>
      %add3A_213 = vector.broadcast %add3A_34 : i32 to vector<16xi32>
      %add3A_214 = arith.addi %broadcast_in_dim3A_212, %add3A_213 : vector<16xi32>
      %add3A_215 = arith.constant 4 : i32
      %add3A_216 = vector.broadcast %add3A_215 : i32 to vector<16xi32>
      %add3A_217 = arith.addi %add3A_214, %add3A_216 : vector<16xi32>
      %gather3A_218 = tpu.vector_load_idx %arg7[%sub3A_208, %add3A_214] : memref<10240x8xf32, #tpu.memory_space<vmem>>[vector<16xi32>, vector<16xi32>], vector<16xf32>,
      %gather3A_219 = tpu.vector_load_idx %arg7[%get3A_210, %add3A_217] : memref<10240x8xf32, #tpu.memory_space<vmem>>[vector<16xi32>, vector<16xi32>], vector<16xf32>,
      %add3A_220 = arith.addf %gather3A_218, %gather3A_219 : vector<16xf32>
      %mul3A_221 = arith.constant 2.000000e-01 : f32
      %mul3A_222 = vector.broadcast %mul3A_221 : f32 to vector<16xf32>
      %mul3A_223 = arith.mulf %add3A_220, %mul3A_222 : vector<16xf32>
      %max3A_224 = arith.maximumf %add3A_220, %mul3A_223 : vector<16xf32>
      %sub3A_225 = arith.subf %max3A_224, %gather3A : vector<16xf32>
      %exp3A_226 = math.exp %sub3A_225 : vector<16xf32>
      %swap3A_227 = arith.constant 0 : i32
      %swap3A_228 = arith.index_cast %swap3A_227 : i32 to index
      %swap3A_229 = arith.constant 16 : index
      %swap3A_230 = tpu.vector_load %arg12[%swap3A_228, %swap3A_229] {strides = array<i32>} : memref<1x128xf32, #tpu.memory_space<vmem>>, vector<16xf32>,
      tpu.vector_store %arg12[%swap3A_228, %swap3A_229], %exp3A_226 {strides = array<i32>} : memref<1x128xf32, #tpu.memory_space<vmem>>, vector<16xf32>,
      %get3A_231 = arith.constant 32 : index
      %get3A_232 = tpu.vector_load %arg10[%get3A_231] {strides = array<i32>} : memref<128xi32, #tpu.memory_space<vmem>>, vector<16xi32>,
      %sub3A_233 = vector.broadcast %mul3A_36 : i32 to vector<16xi32>
      %sub3A_234 = arith.subi %get3A_232, %sub3A_233 : vector<16xi32>
      %get3A_235 = arith.constant 32 : index
      %get3A_236 = tpu.vector_load %arg11[%get3A_235] {strides = array<i32>} : memref<128xi32, #tpu.memory_space<vmem>>, vector<16xi32>,
      %broadcast_in_dim3A_237 = arith.constant 0 : i32
      %broadcast_in_dim3A_238 = vector.broadcast %broadcast_in_dim3A_237 : i32 to vector<16xi32>
      %add3A_239 = vector.broadcast %add3A_34 : i32 to vector<16xi32>
      %add3A_240 = arith.addi %broadcast_in_dim3A_238, %add3A_239 : vector<16xi32>
      %add3A_241 = arith.constant 4 : i32
      %add3A_242 = vector.broadcast %add3A_241 : i32 to vector<16xi32>
      %add3A_243 = arith.addi %add3A_240, %add3A_242 : vector<16xi32>
      %gather3A_244 = tpu.vector_load_idx %arg7[%sub3A_234, %add3A_240] : memref<10240x8xf32, #tpu.memory_space<vmem>>[vector<16xi32>, vector<16xi32>], vector<16xf32>,
      %gather3A_245 = tpu.vector_load_idx %arg7[%get3A_236, %add3A_243] : memref<10240x8xf32, #tpu.memory_space<vmem>>[vector<16xi32>, vector<16xi32>], vector<16xf32>,
      %add3A_246 = arith.addf %gather3A_244, %gather3A_245 : vector<16xf32>
      %mul3A_247 = arith.constant 2.000000e-01 : f32
      %mul3A_248 = vector.broadcast %mul3A_247 : f32 to vector<16xf32>
      %mul3A_249 = arith.mulf %add3A_246, %mul3A_248 : vector<16xf32>
      %max3A_250 = arith.maximumf %add3A_246, %mul3A_249 : vector<16xf32>
      %sub3A_251 = arith.subf %max3A_250, %gather3A : vector<16xf32>
      %exp3A_252 = math.exp %sub3A_251 : vector<16xf32>
      %swap3A_253 = arith.constant 0 : i32
      %swap3A_254 = arith.index_cast %swap3A_253 : i32 to index
      %swap3A_255 = arith.constant 32 : index
      %swap3A_256 = tpu.vector_load %arg12[%swap3A_254, %swap3A_255] {strides = array<i32>} : memref<1x128xf32, #tpu.memory_space<vmem>>, vector<16xf32>,
      tpu.vector_store %arg12[%swap3A_254, %swap3A_255], %exp3A_252 {strides = array<i32>} : memref<1x128xf32, #tpu.memory_space<vmem>>, vector<16xf32>,
      %get3A_257 = arith.constant 48 : index
      %get3A_258 = tpu.vector_load %arg10[%get3A_257] {strides = array<i32>} : memref<128xi32, #tpu.memory_space<vmem>>, vector<16xi32>,
      %sub3A_259 = vector.broadcast %mul3A_36 : i32 to vector<16xi32>
      %sub3A_260 = arith.subi %get3A_258, %sub3A_259 : vector<16xi32>
      %get3A_261 = arith.constant 48 : index
      %get3A_262 = tpu.vector_load %arg11[%get3A_261] {strides = array<i32>} : memref<128xi32, #tpu.memory_space<vmem>>, vector<16xi32>,
      %broadcast_in_dim3A_263 = arith.constant 0 : i32
      %broadcast_in_dim3A_264 = vector.broadcast %broadcast_in_dim3A_263 : i32 to vector<16xi32>
      %add3A_265 = vector.broadcast %add3A_34 : i32 to vector<16xi32>
      %add3A_266 = arith.addi %broadcast_in_dim3A_264, %add3A_265 : vector<16xi32>
      %add3A_267 = arith.constant 4 : i32
      %add3A_268 = vector.broadcast %add3A_267 : i32 to vector<16xi32>
      %add3A_269 = arith.addi %add3A_266, %add3A_268 : vector<16xi32>
      %gather3A_270 = tpu.vector_load_idx %arg7[%sub3A_260, %add3A_266] : memref<10240x8xf32, #tpu.memory_space<vmem>>[vector<16xi32>, vector<16xi32>], vector<16xf32>,
      %gather3A_271 = tpu.vector_load_idx %arg7[%get3A_262, %add3A_269] : memref<10240x8xf32, #tpu.memory_space<vmem>>[vector<16xi32>, vector<16xi32>], vector<16xf32>,
      %add3A_272 = arith.addf %gather3A_270, %gather3A_271 : vector<16xf32>
      %mul3A_273 = arith.constant 2.000000e-01 : f32
      %mul3A_274 = vector.broadcast %mul3A_273 : f32 to vector<16xf32>
      %mul3A_275 = arith.mulf %add3A_272, %mul3A_274 : vector<16xf32>
      %max3A_276 = arith.maximumf %add3A_272, %mul3A_275 : vector<16xf32>
      %sub3A_277 = arith.subf %max3A_276, %gather3A : vector<16xf32>
      %exp3A_278 = math.exp %sub3A_277 : vector<16xf32>
      %swap3A_279 = arith.constant 0 : i32
      %swap3A_280 = arith.index_cast %swap3A_279 : i32 to index
      %swap3A_281 = arith.constant 48 : index
      %swap3A_282 = tpu.vector_load %arg12[%swap3A_280, %swap3A_281] {strides = array<i32>} : memref<1x128xf32, #tpu.memory_space<vmem>>, vector<16xf32>,
      tpu.vector_store %arg12[%swap3A_280, %swap3A_281], %exp3A_278 {strides = array<i32>} : memref<1x128xf32, #tpu.memory_space<vmem>>, vector<16xf32>,
      %get3A_283 = arith.constant 64 : index
      %get3A_284 = tpu.vector_load %arg10[%get3A_283] {strides = array<i32>} : memref<128xi32, #tpu.memory_space<vmem>>, vector<16xi32>,
      %sub3A_285 = vector.broadcast %mul3A_36 : i32 to vector<16xi32>
      %sub3A_286 = arith.subi %get3A_284, %sub3A_285 : vector<16xi32>
      %get3A_287 = arith.constant 64 : index
      %get3A_288 = tpu.vector_load %arg11[%get3A_287] {strides = array<i32>} : memref<128xi32, #tpu.memory_space<vmem>>, vector<16xi32>,
      %broadcast_in_dim3A_289 = arith.constant 0 : i32
      %broadcast_in_dim3A_290 = vector.broadcast %broadcast_in_dim3A_289 : i32 to vector<16xi32>
      %add3A_291 = vector.broadcast %add3A_34 : i32 to vector<16xi32>
      %add3A_292 = arith.addi %broadcast_in_dim3A_290, %add3A_291 : vector<16xi32>
      %add3A_293 = arith.constant 4 : i32
      %add3A_294 = vector.broadcast %add3A_293 : i32 to vector<16xi32>
      %add3A_295 = arith.addi %add3A_292, %add3A_294 : vector<16xi32>
      %gather3A_296 = tpu.vector_load_idx %arg7[%sub3A_286, %add3A_292] : memref<10240x8xf32, #tpu.memory_space<vmem>>[vector<16xi32>, vector<16xi32>], vector<16xf32>,
      %gather3A_297 = tpu.vector_load_idx %arg7[%get3A_288, %add3A_295] : memref<10240x8xf32, #tpu.memory_space<vmem>>[vector<16xi32>, vector<16xi32>], vector<16xf32>,
      %add3A_298 = arith.addf %gather3A_296, %gather3A_297 : vector<16xf32>
      %mul3A_299 = arith.constant 2.000000e-01 : f32
      %mul3A_300 = vector.broadcast %mul3A_299 : f32 to vector<16xf32>
      %mul3A_301 = arith.mulf %add3A_298, %mul3A_300 : vector<16xf32>
      %max3A_302 = arith.maximumf %add3A_298, %mul3A_301 : vector<16xf32>
      %sub3A_303 = arith.subf %max3A_302, %gather3A : vector<16xf32>
      %exp3A_304 = math.exp %sub3A_303 : vector<16xf32>
      %swap3A_305 = arith.constant 0 : i32
      %swap3A_306 = arith.index_cast %swap3A_305 : i32 to index
      %swap3A_307 = arith.constant 64 : index
      %swap3A_308 = tpu.vector_load %arg12[%swap3A_306, %swap3A_307] {strides = array<i32>} : memref<1x128xf32, #tpu.memory_space<vmem>>, vector<16xf32>,
      tpu.vector_store %arg12[%swap3A_306, %swap3A_307], %exp3A_304 {strides = array<i32>} : memref<1x128xf32, #tpu.memory_space<vmem>>, vector<16xf32>,
      %get3A_309 = arith.constant 80 : index
      %get3A_310 = tpu.vector_load %arg10[%get3A_309] {strides = array<i32>} : memref<128xi32, #tpu.memory_space<vmem>>, vector<16xi32>,
      %sub3A_311 = vector.broadcast %mul3A_36 : i32 to vector<16xi32>
      %sub3A_312 = arith.subi %get3A_310, %sub3A_311 : vector<16xi32>
      %get3A_313 = arith.constant 80 : index
      %get3A_314 = tpu.vector_load %arg11[%get3A_313] {strides = array<i32>} : memref<128xi32, #tpu.memory_space<vmem>>, vector<16xi32>,
      %broadcast_in_dim3A_315 = arith.constant 0 : i32
      %broadcast_in_dim3A_316 = vector.broadcast %broadcast_in_dim3A_315 : i32 to vector<16xi32>
      %add3A_317 = vector.broadcast %add3A_34 : i32 to vector<16xi32>
      %add3A_318 = arith.addi %broadcast_in_dim3A_316, %add3A_317 : vector<16xi32>
      %add3A_319 = arith.constant 4 : i32
      %add3A_320 = vector.broadcast %add3A_319 : i32 to vector<16xi32>
      %add3A_321 = arith.addi %add3A_318, %add3A_320 : vector<16xi32>
      %gather3A_322 = tpu.vector_load_idx %arg7[%sub3A_312, %add3A_318] : memref<10240x8xf32, #tpu.memory_space<vmem>>[vector<16xi32>, vector<16xi32>], vector<16xf32>,
      %gather3A_323 = tpu.vector_load_idx %arg7[%get3A_314, %add3A_321] : memref<10240x8xf32, #tpu.memory_space<vmem>>[vector<16xi32>, vector<16xi32>], vector<16xf32>,
      %add3A_324 = arith.addf %gather3A_322, %gather3A_323 : vector<16xf32>
      %mul3A_325 = arith.constant 2.000000e-01 : f32
      %mul3A_326 = vector.broadcast %mul3A_325 : f32 to vector<16xf32>
      %mul3A_327 = arith.mulf %add3A_324, %mul3A_326 : vector<16xf32>
      %max3A_328 = arith.maximumf %add3A_324, %mul3A_327 : vector<16xf32>
      %sub3A_329 = arith.subf %max3A_328, %gather3A : vector<16xf32>
      %exp3A_330 = math.exp %sub3A_329 : vector<16xf32>
      %swap3A_331 = arith.constant 0 : i32
      %swap3A_332 = arith.index_cast %swap3A_331 : i32 to index
      %swap3A_333 = arith.constant 80 : index
      %swap3A_334 = tpu.vector_load %arg12[%swap3A_332, %swap3A_333] {strides = array<i32>} : memref<1x128xf32, #tpu.memory_space<vmem>>, vector<16xf32>,
      tpu.vector_store %arg12[%swap3A_332, %swap3A_333], %exp3A_330 {strides = array<i32>} : memref<1x128xf32, #tpu.memory_space<vmem>>, vector<16xf32>,
      %get3A_335 = arith.constant 96 : index
      %get3A_336 = tpu.vector_load %arg10[%get3A_335] {strides = array<i32>} : memref<128xi32, #tpu.memory_space<vmem>>, vector<16xi32>,
      %sub3A_337 = vector.broadcast %mul3A_36 : i32 to vector<16xi32>
      %sub3A_338 = arith.subi %get3A_336, %sub3A_337 : vector<16xi32>
      %get3A_339 = arith.constant 96 : index
      %get3A_340 = tpu.vector_load %arg11[%get3A_339] {strides = array<i32>} : memref<128xi32, #tpu.memory_space<vmem>>, vector<16xi32>,
      %broadcast_in_dim3A_341 = arith.constant 0 : i32
      %broadcast_in_dim3A_342 = vector.broadcast %broadcast_in_dim3A_341 : i32 to vector<16xi32>
      %add3A_343 = vector.broadcast %add3A_34 : i32 to vector<16xi32>
      %add3A_344 = arith.addi %broadcast_in_dim3A_342, %add3A_343 : vector<16xi32>
      %add3A_345 = arith.constant 4 : i32
      %add3A_346 = vector.broadcast %add3A_345 : i32 to vector<16xi32>
      %add3A_347 = arith.addi %add3A_344, %add3A_346 : vector<16xi32>
      %gather3A_348 = tpu.vector_load_idx %arg7[%sub3A_338, %add3A_344] : memref<10240x8xf32, #tpu.memory_space<vmem>>[vector<16xi32>, vector<16xi32>], vector<16xf32>,
      %gather3A_349 = tpu.vector_load_idx %arg7[%get3A_340, %add3A_347] : memref<10240x8xf32, #tpu.memory_space<vmem>>[vector<16xi32>, vector<16xi32>], vector<16xf32>,
      %add3A_350 = arith.addf %gather3A_348, %gather3A_349 : vector<16xf32>
      %mul3A_351 = arith.constant 2.000000e-01 : f32
      %mul3A_352 = vector.broadcast %mul3A_351 : f32 to vector<16xf32>
      %mul3A_353 = arith.mulf %add3A_350, %mul3A_352 : vector<16xf32>
      %max3A_354 = arith.maximumf %add3A_350, %mul3A_353 : vector<16xf32>
      %sub3A_355 = arith.subf %max3A_354, %gather3A : vector<16xf32>
      %exp3A_356 = math.exp %sub3A_355 : vector<16xf32>
      %swap3A_357 = arith.constant 0 : i32
      %swap3A_358 = arith.index_cast %swap3A_357 : i32 to index
      %swap3A_359 = arith.constant 96 : index
      %swap3A_360 = tpu.vector_load %arg12[%swap3A_358, %swap3A_359] {strides = array<i32>} : memref<1x128xf32, #tpu.memory_space<vmem>>, vector<16xf32>,
      tpu.vector_store %arg12[%swap3A_358, %swap3A_359], %exp3A_356 {strides = array<i32>} : memref<1x128xf32, #tpu.memory_space<vmem>>, vector<16xf32>,
      %get3A_361 = arith.constant 112 : index
      %get3A_362 = tpu.vector_load %arg10[%get3A_361] {strides = array<i32>} : memref<128xi32, #tpu.memory_space<vmem>>, vector<16xi32>,
      %sub3A_363 = vector.broadcast %mul3A_36 : i32 to vector<16xi32>
      %sub3A_364 = arith.subi %get3A_362, %sub3A_363 : vector<16xi32>
      %get3A_365 = arith.constant 112 : index
      %get3A_366 = tpu.vector_load %arg11[%get3A_365] {strides = array<i32>} : memref<128xi32, #tpu.memory_space<vmem>>, vector<16xi32>,
      %broadcast_in_dim3A_367 = arith.constant 0 : i32
      %broadcast_in_dim3A_368 = vector.broadcast %broadcast_in_dim3A_367 : i32 to vector<16xi32>
      %add3A_369 = vector.broadcast %add3A_34 : i32 to vector<16xi32>
      %add3A_370 = arith.addi %broadcast_in_dim3A_368, %add3A_369 : vector<16xi32>
      %add3A_371 = arith.constant 4 : i32
      %add3A_372 = vector.broadcast %add3A_371 : i32 to vector<16xi32>
      %add3A_373 = arith.addi %add3A_370, %add3A_372 : vector<16xi32>
      %gather3A_374 = tpu.vector_load_idx %arg7[%sub3A_364, %add3A_370] : memref<10240x8xf32, #tpu.memory_space<vmem>>[vector<16xi32>, vector<16xi32>], vector<16xf32>,
      %gather3A_375 = tpu.vector_load_idx %arg7[%get3A_366, %add3A_373] : memref<10240x8xf32, #tpu.memory_space<vmem>>[vector<16xi32>, vector<16xi32>], vector<16xf32>,
      %add3A_376 = arith.addf %gather3A_374, %gather3A_375 : vector<16xf32>
      %mul3A_377 = arith.constant 2.000000e-01 : f32
      %mul3A_378 = vector.broadcast %mul3A_377 : f32 to vector<16xf32>
      %mul3A_379 = arith.mulf %add3A_376, %mul3A_378 : vector<16xf32>
      %max3A_380 = arith.maximumf %add3A_376, %mul3A_379 : vector<16xf32>
      %sub3A_381 = arith.subf %max3A_380, %gather3A : vector<16xf32>
      %exp3A_382 = math.exp %sub3A_381 : vector<16xf32>
      %swap3A_383 = arith.constant 0 : i32
      %swap3A_384 = arith.index_cast %swap3A_383 : i32 to index
      %swap3A_385 = arith.constant 112 : index
      %swap3A_386 = tpu.vector_load %arg12[%swap3A_384, %swap3A_385] {strides = array<i32>} : memref<1x128xf32, #tpu.memory_space<vmem>>, vector<16xf32>,
      tpu.vector_store %arg12[%swap3A_384, %swap3A_385], %exp3A_382 {strides = array<i32>} : memref<1x128xf32, #tpu.memory_space<vmem>>, vector<16xf32>,
      %dma_wait3A = arith.constant 0 : i32
      %dma_wait3A_387 = arith.constant 0 : i32
      %dma_wait3A_388 = tpu.memref_slice %arg3[%dma_wait3A, %dma_wait3A_387] : memref<20480x48xf32, #tpu.memory_space<hbm>> -> memref<20480x48xf32, #tpu.memory_space<hbm>>
      tpu.wait_indirect_dma semaphore(%arg15 : memref<!tpu.dma_semaphore, #tpu.memory_space<semaphore_mem>>) src(%dma_wait3A_388 : memref<20480x48xf32, #tpu.memory_space<hbm>>) dst(%arg8 : memref<128x48xf32, #tpu.memory_space<vmem>>)
      %scan3A_389 = arith.constant 0 : i32
      %scan3A_390 = arith.constant 0 : i32
      %scan3A_391 = arith.constant 128 : i32
      %scan3A_392 = arith.addi %scan3A_390, %scan3A_391 : i32
      %scan3A_393 = arith.constant 4 : i32
      scf.for %scan3A_395 = %scan3A_390 to %scan3A_392 step %scan3A_393  : i32 {
        %broadcast_in_dim3A_396 = vector.broadcast %scan3A_395 : i32 to vector<16xi32>
        %broadcast_in_dim3A_397 = arith.constant 0 : i32
        %broadcast_in_dim3A_398 = vector.broadcast %broadcast_in_dim3A_397 : i32 to vector<16xi32>
        %gather3A_399 = tpu.vector_load_idx %arg12[%broadcast_in_dim3A_398, %broadcast_in_dim3A_396] : memref<1x128xf32, #tpu.memory_space<vmem>>[vector<16xi32>, vector<16xi32>], vector<16xf32>,
        %mul3A_400 = arith.mulf %gather3A_399, %convert_element_type3A_30 : vector<16xf32>
        %get3A_401 = arith.index_cast %scan3A_395 : i32 to index
        %get3A_402 = arith.constant 0 : index
        %get3A_403 = tpu.vector_load %arg8[%get3A_401, %get3A_402] {strides = array<i32>} : memref<128x48xf32, #tpu.memory_space<vmem>>, vector<16xf32>,
        %mul3A_404 = arith.mulf %get3A_403, %gather3A_399 : vector<16xf32>
        %swap3A_405 = arith.index_cast %scan3A_395 : i32 to index
        %swap3A_406 = arith.constant 0 : index
        %swap3A_407 = tpu.vector_load %arg8[%swap3A_405, %swap3A_406] {strides = array<i32>} : memref<128x48xf32, #tpu.memory_space<vmem>>, vector<16xf32>,
        tpu.vector_store %arg8[%swap3A_405, %swap3A_406], %mul3A_404 {strides = array<i32>} : memref<128x48xf32, #tpu.memory_space<vmem>>, vector<16xf32>,
        %get3A_408 = arith.index_cast %scan3A_395 : i32 to index
        %get3A_409 = arith.constant 16 : index
        %get3A_410 = tpu.vector_load %arg8[%get3A_408, %get3A_409] {strides = array<i32>} : memref<128x48xf32, #tpu.memory_space<vmem>>, vector<16xf32>,
        %mul3A_411 = arith.mulf %get3A_410, %gather3A_399 : vector<16xf32>
        %swap3A_412 = arith.index_cast %scan3A_395 : i32 to index
        %swap3A_413 = arith.constant 16 : index
        %swap3A_414 = tpu.vector_load %arg8[%swap3A_412, %swap3A_413] {strides = array<i32>} : memref<128x48xf32, #tpu.memory_space<vmem>>, vector<16xf32>,
        tpu.vector_store %arg8[%swap3A_412, %swap3A_413], %mul3A_411 {strides = array<i32>} : memref<128x48xf32, #tpu.memory_space<vmem>>, vector<16xf32>,
        %get3A_415 = arith.index_cast %scan3A_395 : i32 to index
        %get3A_416 = arith.constant 32 : index
        %get3A_417 = tpu.vector_load %arg8[%get3A_415, %get3A_416] {strides = array<i32>} : memref<128x48xf32, #tpu.memory_space<vmem>>, vector<16xf32>,
        %mul3A_418 = arith.mulf %get3A_417, %mul3A_400 : vector<16xf32>
        %swap3A_419 = arith.index_cast %scan3A_395 : i32 to index
        %swap3A_420 = arith.constant 32 : index
        %swap3A_421 = tpu.vector_load %arg8[%swap3A_419, %swap3A_420] {strides = array<i32>} : memref<128x48xf32, #tpu.memory_space<vmem>>, vector<16xf32>,
        tpu.vector_store %arg8[%swap3A_419, %swap3A_420], %mul3A_418 {strides = array<i32>} : memref<128x48xf32, #tpu.memory_space<vmem>>, vector<16xf32>,
        %scan3A_422 = arith.constant 1 : i32
        %scan3A_423 = arith.addi %scan3A_395, %scan3A_422 : i32
        %broadcast_in_dim3A_424 = vector.broadcast %scan3A_423 : i32 to vector<16xi32>
        %broadcast_in_dim3A_425 = arith.constant 0 : i32
        %broadcast_in_dim3A_426 = vector.broadcast %broadcast_in_dim3A_425 : i32 to vector<16xi32>
        %gather3A_427 = tpu.vector_load_idx %arg12[%broadcast_in_dim3A_426, %broadcast_in_dim3A_424] : memref<1x128xf32, #tpu.memory_space<vmem>>[vector<16xi32>, vector<16xi32>], vector<16xf32>,
        %mul3A_428 = arith.mulf %gather3A_427, %convert_element_type3A_30 : vector<16xf32>
        %get3A_429 = arith.index_cast %scan3A_423 : i32 to index
        %get3A_430 = arith.constant 0 : index
        %get3A_431 = tpu.vector_load %arg8[%get3A_429, %get3A_430] {strides = array<i32>} : memref<128x48xf32, #tpu.memory_space<vmem>>, vector<16xf32>,
        %mul3A_432 = arith.mulf %get3A_431, %gather3A_427 : vector<16xf32>
        %swap3A_433 = arith.index_cast %scan3A_423 : i32 to index
        %swap3A_434 = arith.constant 0 : index
        %swap3A_435 = tpu.vector_load %arg8[%swap3A_433, %swap3A_434] {strides = array<i32>} : memref<128x48xf32, #tpu.memory_space<vmem>>, vector<16xf32>,
        tpu.vector_store %arg8[%swap3A_433, %swap3A_434], %mul3A_432 {strides = array<i32>} : memref<128x48xf32, #tpu.memory_space<vmem>>, vector<16xf32>,
        %get3A_436 = arith.index_cast %scan3A_423 : i32 to index
        %get3A_437 = arith.constant 16 : index
        %get3A_438 = tpu.vector_load %arg8[%get3A_436, %get3A_437] {strides = array<i32>} : memref<128x48xf32, #tpu.memory_space<vmem>>, vector<16xf32>,
        %mul3A_439 = arith.mulf %get3A_438, %gather3A_427 : vector<16xf32>
        %swap3A_440 = arith.index_cast %scan3A_423 : i32 to index
        %swap3A_441 = arith.constant 16 : index
        %swap3A_442 = tpu.vector_load %arg8[%swap3A_440, %swap3A_441] {strides = array<i32>} : memref<128x48xf32, #tpu.memory_space<vmem>>, vector<16xf32>,
        tpu.vector_store %arg8[%swap3A_440, %swap3A_441], %mul3A_439 {strides = array<i32>} : memref<128x48xf32, #tpu.memory_space<vmem>>, vector<16xf32>,
        %get3A_443 = arith.index_cast %scan3A_423 : i32 to index
        %get3A_444 = arith.constant 32 : index
        %get3A_445 = tpu.vector_load %arg8[%get3A_443, %get3A_444] {strides = array<i32>} : memref<128x48xf32, #tpu.memory_space<vmem>>, vector<16xf32>,
        %mul3A_446 = arith.mulf %get3A_445, %mul3A_428 : vector<16xf32>
        %swap3A_447 = arith.index_cast %scan3A_423 : i32 to index
        %swap3A_448 = arith.constant 32 : index
        %swap3A_449 = tpu.vector_load %arg8[%swap3A_447, %swap3A_448] {strides = array<i32>} : memref<128x48xf32, #tpu.memory_space<vmem>>, vector<16xf32>,
        tpu.vector_store %arg8[%swap3A_447, %swap3A_448], %mul3A_446 {strides = array<i32>} : memref<128x48xf32, #tpu.memory_space<vmem>>, vector<16xf32>,
        %scan3A_450 = arith.constant 2 : i32
        %scan3A_451 = arith.addi %scan3A_395, %scan3A_450 : i32
        %broadcast_in_dim3A_452 = vector.broadcast %scan3A_451 : i32 to vector<16xi32>
        %broadcast_in_dim3A_453 = arith.constant 0 : i32
        %broadcast_in_dim3A_454 = vector.broadcast %broadcast_in_dim3A_453 : i32 to vector<16xi32>
        %gather3A_455 = tpu.vector_load_idx %arg12[%broadcast_in_dim3A_454, %broadcast_in_dim3A_452] : memref<1x128xf32, #tpu.memory_space<vmem>>[vector<16xi32>, vector<16xi32>], vector<16xf32>,
        %mul3A_456 = arith.mulf %gather3A_455, %convert_element_type3A_30 : vector<16xf32>
        %get3A_457 = arith.index_cast %scan3A_451 : i32 to index
        %get3A_458 = arith.constant 0 : index
        %get3A_459 = tpu.vector_load %arg8[%get3A_457, %get3A_458] {strides = array<i32>} : memref<128x48xf32, #tpu.memory_space<vmem>>, vector<16xf32>,
        %mul3A_460 = arith.mulf %get3A_459, %gather3A_455 : vector<16xf32>
        %swap3A_461 = arith.index_cast %scan3A_451 : i32 to index
        %swap3A_462 = arith.constant 0 : index
        %swap3A_463 = tpu.vector_load %arg8[%swap3A_461, %swap3A_462] {strides = array<i32>} : memref<128x48xf32, #tpu.memory_space<vmem>>, vector<16xf32>,
        tpu.vector_store %arg8[%swap3A_461, %swap3A_462], %mul3A_460 {strides = array<i32>} : memref<128x48xf32, #tpu.memory_space<vmem>>, vector<16xf32>,
        %get3A_464 = arith.index_cast %scan3A_451 : i32 to index
        %get3A_465 = arith.constant 16 : index
        %get3A_466 = tpu.vector_load %arg8[%get3A_464, %get3A_465] {strides = array<i32>} : memref<128x48xf32, #tpu.memory_space<vmem>>, vector<16xf32>,
        %mul3A_467 = arith.mulf %get3A_466, %gather3A_455 : vector<16xf32>
        %swap3A_468 = arith.index_cast %scan3A_451 : i32 to index
        %swap3A_469 = arith.constant 16 : index
        %swap3A_470 = tpu.vector_load %arg8[%swap3A_468, %swap3A_469] {strides = array<i32>} : memref<128x48xf32, #tpu.memory_space<vmem>>, vector<16xf32>,
        tpu.vector_store %arg8[%swap3A_468, %swap3A_469], %mul3A_467 {strides = array<i32>} : memref<128x48xf32, #tpu.memory_space<vmem>>, vector<16xf32>,
        %get3A_471 = arith.index_cast %scan3A_451 : i32 to index
        %get3A_472 = arith.constant 32 : index
        %get3A_473 = tpu.vector_load %arg8[%get3A_471, %get3A_472] {strides = array<i32>} : memref<128x48xf32, #tpu.memory_space<vmem>>, vector<16xf32>,
        %mul3A_474 = arith.mulf %get3A_473, %mul3A_456 : vector<16xf32>
        %swap3A_475 = arith.index_cast %scan3A_451 : i32 to index
        %swap3A_476 = arith.constant 32 : index
        %swap3A_477 = tpu.vector_load %arg8[%swap3A_475, %swap3A_476] {strides = array<i32>} : memref<128x48xf32, #tpu.memory_space<vmem>>, vector<16xf32>,
        tpu.vector_store %arg8[%swap3A_475, %swap3A_476], %mul3A_474 {strides = array<i32>} : memref<128x48xf32, #tpu.memory_space<vmem>>, vector<16xf32>,
        %scan3A_478 = arith.constant 3 : i32
        %scan3A_479 = arith.addi %scan3A_395, %scan3A_478 : i32
        %broadcast_in_dim3A_480 = vector.broadcast %scan3A_479 : i32 to vector<16xi32>
        %broadcast_in_dim3A_481 = arith.constant 0 : i32
        %broadcast_in_dim3A_482 = vector.broadcast %broadcast_in_dim3A_481 : i32 to vector<16xi32>
        %gather3A_483 = tpu.vector_load_idx %arg12[%broadcast_in_dim3A_482, %broadcast_in_dim3A_480] : memref<1x128xf32, #tpu.memory_space<vmem>>[vector<16xi32>, vector<16xi32>], vector<16xf32>,
        %mul3A_484 = arith.mulf %gather3A_483, %convert_element_type3A_30 : vector<16xf32>
        %get3A_485 = arith.index_cast %scan3A_479 : i32 to index
        %get3A_486 = arith.constant 0 : index
        %get3A_487 = tpu.vector_load %arg8[%get3A_485, %get3A_486] {strides = array<i32>} : memref<128x48xf32, #tpu.memory_space<vmem>>, vector<16xf32>,
        %mul3A_488 = arith.mulf %get3A_487, %gather3A_483 : vector<16xf32>
        %swap3A_489 = arith.index_cast %scan3A_479 : i32 to index
        %swap3A_490 = arith.constant 0 : index
        %swap3A_491 = tpu.vector_load %arg8[%swap3A_489, %swap3A_490] {strides = array<i32>} : memref<128x48xf32, #tpu.memory_space<vmem>>, vector<16xf32>,
        tpu.vector_store %arg8[%swap3A_489, %swap3A_490], %mul3A_488 {strides = array<i32>} : memref<128x48xf32, #tpu.memory_space<vmem>>, vector<16xf32>,
        %get3A_492 = arith.index_cast %scan3A_479 : i32 to index
        %get3A_493 = arith.constant 16 : index
        %get3A_494 = tpu.vector_load %arg8[%get3A_492, %get3A_493] {strides = array<i32>} : memref<128x48xf32, #tpu.memory_space<vmem>>, vector<16xf32>,
        %mul3A_495 = arith.mulf %get3A_494, %gather3A_483 : vector<16xf32>
        %swap3A_496 = arith.index_cast %scan3A_479 : i32 to index
        %swap3A_497 = arith.constant 16 : index
        %swap3A_498 = tpu.vector_load %arg8[%swap3A_496, %swap3A_497] {strides = array<i32>} : memref<128x48xf32, #tpu.memory_space<vmem>>, vector<16xf32>,
        tpu.vector_store %arg8[%swap3A_496, %swap3A_497], %mul3A_495 {strides = array<i32>} : memref<128x48xf32, #tpu.memory_space<vmem>>, vector<16xf32>,
        %get3A_499 = arith.index_cast %scan3A_479 : i32 to index
        %get3A_500 = arith.constant 32 : index
        %get3A_501 = tpu.vector_load %arg8[%get3A_499, %get3A_500] {strides = array<i32>} : memref<128x48xf32, #tpu.memory_space<vmem>>, vector<16xf32>,
        %mul3A_502 = arith.mulf %get3A_501, %mul3A_484 : vector<16xf32>
        %swap3A_503 = arith.index_cast %scan3A_479 : i32 to index
        %swap3A_504 = arith.constant 32 : index
        %swap3A_505 = tpu.vector_load %arg8[%swap3A_503, %swap3A_504] {strides = array<i32>} : memref<128x48xf32, #tpu.memory_space<vmem>>, vector<16xf32>,
        tpu.vector_store %arg8[%swap3A_503, %swap3A_504], %mul3A_502 {strides = array<i32>} : memref<128x48xf32, #tpu.memory_space<vmem>>, vector<16xf32>,
      }
      %scan3A_394 = arith.constant 128 : i32
      "tpu.region"() ({
        %run_scoped3A = tpu.sem_alloc : memref<!tpu.dma_semaphore, #tpu.memory_space<semaphore_mem>>
        %dma_start3A_395 = arith.constant 0 : i32
        %dma_start3A_396 = arith.constant 0 : i32
        %dma_start3A_397 = tpu.memref_slice %arg14[%dma_start3A_395, %dma_start3A_396] : memref<10240x48xf32, #tpu.memory_space<vmem_shared>> -> memref<10240x48xf32, #tpu.memory_space<vmem_shared>>
        tpu.enqueue_indirect_dma source(%arg8 : memref<128x48xf32, #tpu.memory_space<vmem>>) target(%dma_start3A_397 : memref<10240x48xf32, #tpu.memory_space<vmem_shared>>) offsets(%arg11 : memref<128xi32, #tpu.memory_space<vmem>>) semaphore(%run_scoped3A : memref<!tpu.dma_semaphore, #tpu.memory_space<semaphore_mem>>) {add = true}
        %dma_wait3A_398 = arith.constant 0 : i32
        %dma_wait3A_399 = arith.constant 0 : i32
        %dma_wait3A_400 = tpu.memref_slice %arg14[%dma_wait3A_398, %dma_wait3A_399] : memref<10240x48xf32, #tpu.memory_space<vmem_shared>> -> memref<10240x48xf32, #tpu.memory_space<vmem_shared>>
        tpu.wait_indirect_dma semaphore(%run_scoped3A : memref<!tpu.dma_semaphore, #tpu.memory_space<semaphore_mem>>) src(%arg8 : memref<128x48xf32, #tpu.memory_space<vmem>>) dst(%dma_wait3A_400 : memref<10240x48xf32, #tpu.memory_space<vmem_shared>>)
        tpu.yield
      }) : () -> ()
    }
    %scan3A_42 = arith.constant 162 : i32
    %barrier3A_43 = arith.constant 0 : index
    tpu.barrier barrier_id(%barrier3A_43)
    %mul3A_44 = arith.constant 640 : i32
    %mul3A_45 = arith.muli %arg1, %mul3A_44 : i32
    %add3A_46 = arith.constant 0 : i32
    %add3A_47 = arith.addi %mul3A_45, %add3A_46 : i32
    "tpu.region"() ({
      %run_scoped3A = tpu.sem_alloc : memref<!tpu.dma_semaphore, #tpu.memory_space<semaphore_mem>>
      %dma_start3A = arith.constant 0 : i32
      %dma_start3A_64 = tpu.memref_slice %arg14[%add3A_47, %dma_start3A] : memref<10240x48xf32, #tpu.memory_space<vmem_shared>> -> memref<128x48xf32, #tpu.memory_space<vmem_shared>>
      %dma_start3A_65 = arith.constant 0 : i32
      %dma_start3A_66 = tpu.memref_slice %arg14[%add3A_47, %dma_start3A_65] : memref<10240x48xf32, #tpu.memory_space<vmem_shared>> -> memref<128x48xf32, #tpu.memory_space<vmem_shared>>
      tpu.enqueue_dma source(%dma_start3A_66 : memref<128x48xf32, #tpu.memory_space<vmem_shared>>) target(%arg8 : memref<128x48xf32, #tpu.memory_space<vmem>>) target_semaphore(%run_scoped3A : memref<!tpu.dma_semaphore, #tpu.memory_space<semaphore_mem>>)
      %dma_wait3A = arith.constant 0 : i32
      %dma_wait3A_67 = tpu.memref_slice %arg14[%add3A_47, %dma_wait3A] : memref<10240x48xf32, #tpu.memory_space<vmem_shared>> -> memref<128x48xf32, #tpu.memory_space<vmem_shared>>
      %dma_wait3A_68 = arith.constant 0 : i32
      %dma_wait3A_69 = tpu.memref_slice %arg14[%add3A_47, %dma_wait3A_68] : memref<10240x48xf32, #tpu.memory_space<vmem_shared>> -> memref<128x48xf32, #tpu.memory_space<vmem_shared>>
      tpu.wait_dma2 semaphore(%run_scoped3A : memref<!tpu.dma_semaphore, #tpu.memory_space<semaphore_mem>>) src(%dma_wait3A_69 : memref<128x48xf32, #tpu.memory_space<vmem_shared>>) dst(%arg8 : memref<128x48xf32, #tpu.memory_space<vmem>>)
      tpu.yield
    }) : () -> ()
    "tpu.region"() ({
      %run_scoped3A = tpu.sem_alloc : memref<!tpu.dma_semaphore, #tpu.memory_space<semaphore_mem>>
      %dma_start3A = arith.constant 0 : i32
      %dma_start3A_64 = tpu.memref_slice %arg6[%arg0, %add3A_47, %dma_start3A] : memref<2x10240x48xf32, #tpu.memory_space<hbm>> -> memref<1x128x48xf32, #tpu.memory_space<hbm>>
      %dma_start3A_65 = tpu.memref_squeeze %dma_start3A_64 : memref<1x128x48xf32, #tpu.memory_space<hbm>> -> memref<128x48xf32, #tpu.memory_space<hbm>>
      %dma_start3A_66 = arith.constant 0 : i32
      %dma_start3A_67 = tpu.memref_slice %arg6[%arg0, %add3A_47, %dma_start3A_66] : memref<2x10240x48xf32, #tpu.memory_space<hbm>> -> memref<1x128x48xf32, #tpu.memory_space<hbm>>
      %dma_start3A_68 = tpu.memref_squeeze %dma_start3A_67 : memref<1x128x48xf32, #tpu.memory_space<hbm>> -> memref<128x48xf32, #tpu.memory_space<hbm>>
      tpu.enqueue_dma source(%arg8 : memref<128x48xf32, #tpu.memory_space<vmem>>) target(%dma_start3A_68 : memref<128x48xf32, #tpu.memory_space<hbm>>) target_semaphore(%run_scoped3A : memref<!tpu.dma_semaphore, #tpu.memory_space<semaphore_mem>>)
      %dma_wait3A = arith.constant 0 : i32
      %dma_wait3A_69 = tpu.memref_slice %arg6[%arg0, %add3A_47, %dma_wait3A] : memref<2x10240x48xf32, #tpu.memory_space<hbm>> -> memref<1x128x48xf32, #tpu.memory_space<hbm>>
      %dma_wait3A_70 = tpu.memref_squeeze %dma_wait3A_69 : memref<1x128x48xf32, #tpu.memory_space<hbm>> -> memref<128x48xf32, #tpu.memory_space<hbm>>
      %dma_wait3A_71 = arith.constant 0 : i32
      %dma_wait3A_72 = tpu.memref_slice %arg6[%arg0, %add3A_47, %dma_wait3A_71] : memref<2x10240x48xf32, #tpu.memory_space<hbm>> -> memref<1x128x48xf32, #tpu.memory_space<hbm>>
      %dma_wait3A_73 = tpu.memref_squeeze %dma_wait3A_72 : memref<1x128x48xf32, #tpu.memory_space<hbm>> -> memref<128x48xf32, #tpu.memory_space<hbm>>
      tpu.wait_dma2 semaphore(%run_scoped3A : memref<!tpu.dma_semaphore, #tpu.memory_space<semaphore_mem>>) src(%arg8 : memref<128x48xf32, #tpu.memory_space<vmem>>) dst(%dma_wait3A_73 : memref<128x48xf32, #tpu.memory_space<hbm>>)
      tpu.yield
    }) : () -> ()
    %mul3A_48 = arith.constant 640 : i32
    %mul3A_49 = arith.muli %arg1, %mul3A_48 : i32
    %add3A_50 = arith.constant 128 : i32
    %add3A_51 = arith.addi %mul3A_49, %add3A_50 : i32
    "tpu.region"() ({
      %run_scoped3A = tpu.sem_alloc : memref<!tpu.dma_semaphore, #tpu.memory_space<semaphore_mem>>
      %dma_start3A = arith.constant 0 : i32
      %dma_start3A_64 = tpu.memref_slice %arg14[%add3A_51, %dma_start3A] : memref<10240x48xf32, #tpu.memory_space<vmem_shared>> -> memref<128x48xf32, #tpu.memory_space<vmem_shared>>
      %dma_start3A_65 = arith.constant 0 : i32
      %dma_start3A_66 = tpu.memref_slice %arg14[%add3A_51, %dma_start3A_65] : memref<10240x48xf32, #tpu.memory_space<vmem_shared>> -> memref<128x48xf32, #tpu.memory_space<vmem_shared>>
      tpu.enqueue_dma source(%dma_start3A_66 : memref<128x48xf32, #tpu.memory_space<vmem_shared>>) target(%arg8 : memref<128x48xf32, #tpu.memory_space<vmem>>) target_semaphore(%run_scoped3A : memref<!tpu.dma_semaphore, #tpu.memory_space<semaphore_mem>>)
      %dma_wait3A = arith.constant 0 : i32
      %dma_wait3A_67 = tpu.memref_slice %arg14[%add3A_51, %dma_wait3A] : memref<10240x48xf32, #tpu.memory_space<vmem_shared>> -> memref<128x48xf32, #tpu.memory_space<vmem_shared>>
      %dma_wait3A_68 = arith.constant 0 : i32
      %dma_wait3A_69 = tpu.memref_slice %arg14[%add3A_51, %dma_wait3A_68] : memref<10240x48xf32, #tpu.memory_space<vmem_shared>> -> memref<128x48xf32, #tpu.memory_space<vmem_shared>>
      tpu.wait_dma2 semaphore(%run_scoped3A : memref<!tpu.dma_semaphore, #tpu.memory_space<semaphore_mem>>) src(%dma_wait3A_69 : memref<128x48xf32, #tpu.memory_space<vmem_shared>>) dst(%arg8 : memref<128x48xf32, #tpu.memory_space<vmem>>)
      tpu.yield
    }) : () -> ()
    "tpu.region"() ({
      %run_scoped3A = tpu.sem_alloc : memref<!tpu.dma_semaphore, #tpu.memory_space<semaphore_mem>>
      %dma_start3A = arith.constant 0 : i32
      %dma_start3A_64 = tpu.memref_slice %arg6[%arg0, %add3A_51, %dma_start3A] : memref<2x10240x48xf32, #tpu.memory_space<hbm>> -> memref<1x128x48xf32, #tpu.memory_space<hbm>>
      %dma_start3A_65 = tpu.memref_squeeze %dma_start3A_64 : memref<1x128x48xf32, #tpu.memory_space<hbm>> -> memref<128x48xf32, #tpu.memory_space<hbm>>
      %dma_start3A_66 = arith.constant 0 : i32
      %dma_start3A_67 = tpu.memref_slice %arg6[%arg0, %add3A_51, %dma_start3A_66] : memref<2x10240x48xf32, #tpu.memory_space<hbm>> -> memref<1x128x48xf32, #tpu.memory_space<hbm>>
      %dma_start3A_68 = tpu.memref_squeeze %dma_start3A_67 : memref<1x128x48xf32, #tpu.memory_space<hbm>> -> memref<128x48xf32, #tpu.memory_space<hbm>>
      tpu.enqueue_dma source(%arg8 : memref<128x48xf32, #tpu.memory_space<vmem>>) target(%dma_start3A_68 : memref<128x48xf32, #tpu.memory_space<hbm>>) target_semaphore(%run_scoped3A : memref<!tpu.dma_semaphore, #tpu.memory_space<semaphore_mem>>)
      %dma_wait3A = arith.constant 0 : i32
      %dma_wait3A_69 = tpu.memref_slice %arg6[%arg0, %add3A_51, %dma_wait3A] : memref<2x10240x48xf32, #tpu.memory_space<hbm>> -> memref<1x128x48xf32, #tpu.memory_space<hbm>>
      %dma_wait3A_70 = tpu.memref_squeeze %dma_wait3A_69 : memref<1x128x48xf32, #tpu.memory_space<hbm>> -> memref<128x48xf32, #tpu.memory_space<hbm>>
      %dma_wait3A_71 = arith.constant 0 : i32
      %dma_wait3A_72 = tpu.memref_slice %arg6[%arg0, %add3A_51, %dma_wait3A_71] : memref<2x10240x48xf32, #tpu.memory_space<hbm>> -> memref<1x128x48xf32, #tpu.memory_space<hbm>>
      %dma_wait3A_73 = tpu.memref_squeeze %dma_wait3A_72 : memref<1x128x48xf32, #tpu.memory_space<hbm>> -> memref<128x48xf32, #tpu.memory_space<hbm>>
      tpu.wait_dma2 semaphore(%run_scoped3A : memref<!tpu.dma_semaphore, #tpu.memory_space<semaphore_mem>>) src(%arg8 : memref<128x48xf32, #tpu.memory_space<vmem>>) dst(%dma_wait3A_73 : memref<128x48xf32, #tpu.memory_space<hbm>>)
      tpu.yield
    }) : () -> ()
    %mul3A_52 = arith.constant 640 : i32
    %mul3A_53 = arith.muli %arg1, %mul3A_52 : i32
    %add3A_54 = arith.constant 256 : i32
    %add3A_55 = arith.addi %mul3A_53, %add3A_54 : i32
    "tpu.region"() ({
      %run_scoped3A = tpu.sem_alloc : memref<!tpu.dma_semaphore, #tpu.memory_space<semaphore_mem>>
      %dma_start3A = arith.constant 0 : i32
      %dma_start3A_64 = tpu.memref_slice %arg14[%add3A_55, %dma_start3A] : memref<10240x48xf32, #tpu.memory_space<vmem_shared>> -> memref<128x48xf32, #tpu.memory_space<vmem_shared>>
      %dma_start3A_65 = arith.constant 0 : i32
      %dma_start3A_66 = tpu.memref_slice %arg14[%add3A_55, %dma_start3A_65] : memref<10240x48xf32, #tpu.memory_space<vmem_shared>> -> memref<128x48xf32, #tpu.memory_space<vmem_shared>>
      tpu.enqueue_dma source(%dma_start3A_66 : memref<128x48xf32, #tpu.memory_space<vmem_shared>>) target(%arg8 : memref<128x48xf32, #tpu.memory_space<vmem>>) target_semaphore(%run_scoped3A : memref<!tpu.dma_semaphore, #tpu.memory_space<semaphore_mem>>)
      %dma_wait3A = arith.constant 0 : i32
      %dma_wait3A_67 = tpu.memref_slice %arg14[%add3A_55, %dma_wait3A] : memref<10240x48xf32, #tpu.memory_space<vmem_shared>> -> memref<128x48xf32, #tpu.memory_space<vmem_shared>>
      %dma_wait3A_68 = arith.constant 0 : i32
      %dma_wait3A_69 = tpu.memref_slice %arg14[%add3A_55, %dma_wait3A_68] : memref<10240x48xf32, #tpu.memory_space<vmem_shared>> -> memref<128x48xf32, #tpu.memory_space<vmem_shared>>
      tpu.wait_dma2 semaphore(%run_scoped3A : memref<!tpu.dma_semaphore, #tpu.memory_space<semaphore_mem>>) src(%dma_wait3A_69 : memref<128x48xf32, #tpu.memory_space<vmem_shared>>) dst(%arg8 : memref<128x48xf32, #tpu.memory_space<vmem>>)
      tpu.yield
    }) : () -> ()
    "tpu.region"() ({
      %run_scoped3A = tpu.sem_alloc : memref<!tpu.dma_semaphore, #tpu.memory_space<semaphore_mem>>
      %dma_start3A = arith.constant 0 : i32
      %dma_start3A_64 = tpu.memref_slice %arg6[%arg0, %add3A_55, %dma_start3A] : memref<2x10240x48xf32, #tpu.memory_space<hbm>> -> memref<1x128x48xf32, #tpu.memory_space<hbm>>
      %dma_start3A_65 = tpu.memref_squeeze %dma_start3A_64 : memref<1x128x48xf32, #tpu.memory_space<hbm>> -> memref<128x48xf32, #tpu.memory_space<hbm>>
      %dma_start3A_66 = arith.constant 0 : i32
      %dma_start3A_67 = tpu.memref_slice %arg6[%arg0, %add3A_55, %dma_start3A_66] : memref<2x10240x48xf32, #tpu.memory_space<hbm>> -> memref<1x128x48xf32, #tpu.memory_space<hbm>>
      %dma_start3A_68 = tpu.memref_squeeze %dma_start3A_67 : memref<1x128x48xf32, #tpu.memory_space<hbm>> -> memref<128x48xf32, #tpu.memory_space<hbm>>
      tpu.enqueue_dma source(%arg8 : memref<128x48xf32, #tpu.memory_space<vmem>>) target(%dma_start3A_68 : memref<128x48xf32, #tpu.memory_space<hbm>>) target_semaphore(%run_scoped3A : memref<!tpu.dma_semaphore, #tpu.memory_space<semaphore_mem>>)
      %dma_wait3A = arith.constant 0 : i32
      %dma_wait3A_69 = tpu.memref_slice %arg6[%arg0, %add3A_55, %dma_wait3A] : memref<2x10240x48xf32, #tpu.memory_space<hbm>> -> memref<1x128x48xf32, #tpu.memory_space<hbm>>
      %dma_wait3A_70 = tpu.memref_squeeze %dma_wait3A_69 : memref<1x128x48xf32, #tpu.memory_space<hbm>> -> memref<128x48xf32, #tpu.memory_space<hbm>>
      %dma_wait3A_71 = arith.constant 0 : i32
      %dma_wait3A_72 = tpu.memref_slice %arg6[%arg0, %add3A_55, %dma_wait3A_71] : memref<2x10240x48xf32, #tpu.memory_space<hbm>> -> memref<1x128x48xf32, #tpu.memory_space<hbm>>
      %dma_wait3A_73 = tpu.memref_squeeze %dma_wait3A_72 : memref<1x128x48xf32, #tpu.memory_space<hbm>> -> memref<128x48xf32, #tpu.memory_space<hbm>>
      tpu.wait_dma2 semaphore(%run_scoped3A : memref<!tpu.dma_semaphore, #tpu.memory_space<semaphore_mem>>) src(%arg8 : memref<128x48xf32, #tpu.memory_space<vmem>>) dst(%dma_wait3A_73 : memref<128x48xf32, #tpu.memory_space<hbm>>)
      tpu.yield
    }) : () -> ()
    %mul3A_56 = arith.constant 640 : i32
    %mul3A_57 = arith.muli %arg1, %mul3A_56 : i32
    %add3A_58 = arith.constant 384 : i32
    %add3A_59 = arith.addi %mul3A_57, %add3A_58 : i32
    "tpu.region"() ({
      %run_scoped3A = tpu.sem_alloc : memref<!tpu.dma_semaphore, #tpu.memory_space<semaphore_mem>>
      %dma_start3A = arith.constant 0 : i32
      %dma_start3A_64 = tpu.memref_slice %arg14[%add3A_59, %dma_start3A] : memref<10240x48xf32, #tpu.memory_space<vmem_shared>> -> memref<128x48xf32, #tpu.memory_space<vmem_shared>>
      %dma_start3A_65 = arith.constant 0 : i32
      %dma_start3A_66 = tpu.memref_slice %arg14[%add3A_59, %dma_start3A_65] : memref<10240x48xf32, #tpu.memory_space<vmem_shared>> -> memref<128x48xf32, #tpu.memory_space<vmem_shared>>
      tpu.enqueue_dma source(%dma_start3A_66 : memref<128x48xf32, #tpu.memory_space<vmem_shared>>) target(%arg8 : memref<128x48xf32, #tpu.memory_space<vmem>>) target_semaphore(%run_scoped3A : memref<!tpu.dma_semaphore, #tpu.memory_space<semaphore_mem>>)
      %dma_wait3A = arith.constant 0 : i32
      %dma_wait3A_67 = tpu.memref_slice %arg14[%add3A_59, %dma_wait3A] : memref<10240x48xf32, #tpu.memory_space<vmem_shared>> -> memref<128x48xf32, #tpu.memory_space<vmem_shared>>
      %dma_wait3A_68 = arith.constant 0 : i32
      %dma_wait3A_69 = tpu.memref_slice %arg14[%add3A_59, %dma_wait3A_68] : memref<10240x48xf32, #tpu.memory_space<vmem_shared>> -> memref<128x48xf32, #tpu.memory_space<vmem_shared>>
      tpu.wait_dma2 semaphore(%run_scoped3A : memref<!tpu.dma_semaphore, #tpu.memory_space<semaphore_mem>>) src(%dma_wait3A_69 : memref<128x48xf32, #tpu.memory_space<vmem_shared>>) dst(%arg8 : memref<128x48xf32, #tpu.memory_space<vmem>>)
      tpu.yield
    }) : () -> ()
    "tpu.region"() ({
      %run_scoped3A = tpu.sem_alloc : memref<!tpu.dma_semaphore, #tpu.memory_space<semaphore_mem>>
      %dma_start3A = arith.constant 0 : i32
      %dma_start3A_64 = tpu.memref_slice %arg6[%arg0, %add3A_59, %dma_start3A] : memref<2x10240x48xf32, #tpu.memory_space<hbm>> -> memref<1x128x48xf32, #tpu.memory_space<hbm>>
      %dma_start3A_65 = tpu.memref_squeeze %dma_start3A_64 : memref<1x128x48xf32, #tpu.memory_space<hbm>> -> memref<128x48xf32, #tpu.memory_space<hbm>>
      %dma_start3A_66 = arith.constant 0 : i32
      %dma_start3A_67 = tpu.memref_slice %arg6[%arg0, %add3A_59, %dma_start3A_66] : memref<2x10240x48xf32, #tpu.memory_space<hbm>> -> memref<1x128x48xf32, #tpu.memory_space<hbm>>
      %dma_start3A_68 = tpu.memref_squeeze %dma_start3A_67 : memref<1x128x48xf32, #tpu.memory_space<hbm>> -> memref<128x48xf32, #tpu.memory_space<hbm>>
      tpu.enqueue_dma source(%arg8 : memref<128x48xf32, #tpu.memory_space<vmem>>) target(%dma_start3A_68 : memref<128x48xf32, #tpu.memory_space<hbm>>) target_semaphore(%run_scoped3A : memref<!tpu.dma_semaphore, #tpu.memory_space<semaphore_mem>>)
      %dma_wait3A = arith.constant 0 : i32
      %dma_wait3A_69 = tpu.memref_slice %arg6[%arg0, %add3A_59, %dma_wait3A] : memref<2x10240x48xf32, #tpu.memory_space<hbm>> -> memref<1x128x48xf32, #tpu.memory_space<hbm>>
      %dma_wait3A_70 = tpu.memref_squeeze %dma_wait3A_69 : memref<1x128x48xf32, #tpu.memory_space<hbm>> -> memref<128x48xf32, #tpu.memory_space<hbm>>
      %dma_wait3A_71 = arith.constant 0 : i32
      %dma_wait3A_72 = tpu.memref_slice %arg6[%arg0, %add3A_59, %dma_wait3A_71] : memref<2x10240x48xf32, #tpu.memory_space<hbm>> -> memref<1x128x48xf32, #tpu.memory_space<hbm>>
      %dma_wait3A_73 = tpu.memref_squeeze %dma_wait3A_72 : memref<1x128x48xf32, #tpu.memory_space<hbm>> -> memref<128x48xf32, #tpu.memory_space<hbm>>
      tpu.wait_dma2 semaphore(%run_scoped3A : memref<!tpu.dma_semaphore, #tpu.memory_space<semaphore_mem>>) src(%arg8 : memref<128x48xf32, #tpu.memory_space<vmem>>) dst(%dma_wait3A_73 : memref<128x48xf32, #tpu.memory_space<hbm>>)
      tpu.yield
    }) : () -> ()
    %mul3A_60 = arith.constant 640 : i32
    %mul3A_61 = arith.muli %arg1, %mul3A_60 : i32
    %add3A_62 = arith.constant 512 : i32
    %add3A_63 = arith.addi %mul3A_61, %add3A_62 : i32
    "tpu.region"() ({
      %run_scoped3A = tpu.sem_alloc : memref<!tpu.dma_semaphore, #tpu.memory_space<semaphore_mem>>
      %dma_start3A = arith.constant 0 : i32
      %dma_start3A_64 = tpu.memref_slice %arg14[%add3A_63, %dma_start3A] : memref<10240x48xf32, #tpu.memory_space<vmem_shared>> -> memref<128x48xf32, #tpu.memory_space<vmem_shared>>
      %dma_start3A_65 = arith.constant 0 : i32
      %dma_start3A_66 = tpu.memref_slice %arg14[%add3A_63, %dma_start3A_65] : memref<10240x48xf32, #tpu.memory_space<vmem_shared>> -> memref<128x48xf32, #tpu.memory_space<vmem_shared>>
      tpu.enqueue_dma source(%dma_start3A_66 : memref<128x48xf32, #tpu.memory_space<vmem_shared>>) target(%arg8 : memref<128x48xf32, #tpu.memory_space<vmem>>) target_semaphore(%run_scoped3A : memref<!tpu.dma_semaphore, #tpu.memory_space<semaphore_mem>>)
      %dma_wait3A = arith.constant 0 : i32
      %dma_wait3A_67 = tpu.memref_slice %arg14[%add3A_63, %dma_wait3A] : memref<10240x48xf32, #tpu.memory_space<vmem_shared>> -> memref<128x48xf32, #tpu.memory_space<vmem_shared>>
      %dma_wait3A_68 = arith.constant 0 : i32
      %dma_wait3A_69 = tpu.memref_slice %arg14[%add3A_63, %dma_wait3A_68] : memref<10240x48xf32, #tpu.memory_space<vmem_shared>> -> memref<128x48xf32, #tpu.memory_space<vmem_shared>>
      tpu.wait_dma2 semaphore(%run_scoped3A : memref<!tpu.dma_semaphore, #tpu.memory_space<semaphore_mem>>) src(%dma_wait3A_69 : memref<128x48xf32, #tpu.memory_space<vmem_shared>>) dst(%arg8 : memref<128x48xf32, #tpu.memory_space<vmem>>)
      tpu.yield
    }) : () -> ()
    "tpu.region"() ({
      %run_scoped3A = tpu.sem_alloc : memref<!tpu.dma_semaphore, #tpu.memory_space<semaphore_mem>>
      %dma_start3A = arith.constant 0 : i32
      %dma_start3A_64 = tpu.memref_slice %arg6[%arg0, %add3A_63, %dma_start3A] : memref<2x10240x48xf32, #tpu.memory_space<hbm>> -> memref<1x128x48xf32, #tpu.memory_space<hbm>>
      %dma_start3A_65 = tpu.memref_squeeze %dma_start3A_64 : memref<1x128x48xf32, #tpu.memory_space<hbm>> -> memref<128x48xf32, #tpu.memory_space<hbm>>
      %dma_start3A_66 = arith.constant 0 : i32
      %dma_start3A_67 = tpu.memref_slice %arg6[%arg0, %add3A_63, %dma_start3A_66] : memref<2x10240x48xf32, #tpu.memory_space<hbm>> -> memref<1x128x48xf32, #tpu.memory_space<hbm>>
      %dma_start3A_68 = tpu.memref_squeeze %dma_start3A_67 : memref<1x128x48xf32, #tpu.memory_space<hbm>> -> memref<128x48xf32, #tpu.memory_space<hbm>>
      tpu.enqueue_dma source(%arg8 : memref<128x48xf32, #tpu.memory_space<vmem>>) target(%dma_start3A_68 : memref<128x48xf32, #tpu.memory_space<hbm>>) target_semaphore(%run_scoped3A : memref<!tpu.dma_semaphore, #tpu.memory_space<semaphore_mem>>)
      %dma_wait3A = arith.constant 0 : i32
      %dma_wait3A_69 = tpu.memref_slice %arg6[%arg0, %add3A_63, %dma_wait3A] : memref<2x10240x48xf32, #tpu.memory_space<hbm>> -> memref<1x128x48xf32, #tpu.memory_space<hbm>>
      %dma_wait3A_70 = tpu.memref_squeeze %dma_wait3A_69 : memref<1x128x48xf32, #tpu.memory_space<hbm>> -> memref<128x48xf32, #tpu.memory_space<hbm>>
      %dma_wait3A_71 = arith.constant 0 : i32
      %dma_wait3A_72 = tpu.memref_slice %arg6[%arg0, %add3A_63, %dma_wait3A_71] : memref<2x10240x48xf32, #tpu.memory_space<hbm>> -> memref<1x128x48xf32, #tpu.memory_space<hbm>>
      %dma_wait3A_73 = tpu.memref_squeeze %dma_wait3A_72 : memref<1x128x48xf32, #tpu.memory_space<hbm>> -> memref<128x48xf32, #tpu.memory_space<hbm>>
      tpu.wait_dma2 semaphore(%run_scoped3A : memref<!tpu.dma_semaphore, #tpu.memory_space<semaphore_mem>>) src(%arg8 : memref<128x48xf32, #tpu.memory_space<vmem>>) dst(%dma_wait3A_73 : memref<128x48xf32, #tpu.memory_space<hbm>>)
      tpu.yield
    }) : () -> ()
    return
  }
}

#map = affine_map<(d0, d1) -> (0)>
#map1 = affine_map<(d0, d1) -> (0, 0)>
#map2 = affine_map<(d0, d1) -> (0, 0, 0)>
module attributes {stable_mosaic.version = 14 : i64} {
  func.func @sc_edge(%arg0: i32, %arg1: i32, %arg2: memref<331776xi32, #tpu.memory_space<hbm>>, %arg3: memref<20480x48xf32, #tpu.memory_space<hbm>>, %arg4: memref<10240x8xf32, #tpu.memory_space<hbm>>, %arg5: memref<16xf32, #tpu.memory_space<hbm>>, %arg6: memref<2x10240x48xf32, #tpu.memory_space<hbm>>, %arg7: memref<10240x8xf32, #tpu.memory_space<vmem>>, %arg8: memref<128x48xf32, #tpu.memory_space<vmem>>, %arg9: memref<128xi32, #tpu.memory_space<vmem>>, %arg10: memref<128xi32, #tpu.memory_space<vmem>>, %arg11: memref<128xi32, #tpu.memory_space<vmem>>, %arg12: memref<1x128xf32, #tpu.memory_space<vmem>>, %arg13: memref<16xf32, #tpu.memory_space<vmem>>, %arg14: memref<10240x48xf32, #tpu.memory_space<vmem_shared>>, %arg15: memref<!tpu.dma_semaphore, #tpu.memory_space<semaphore_mem>>) attributes {dimension_semantics = [#tpu.dimension_semantics<core_parallel>, #tpu.dimension_semantics<subcore_parallel>], iteration_bounds = array<i64: 2, 16>, scalar_prefetch = 0 : i64, scratch_operands = 9 : i64, tpu.core_type = #tpu.core_type<sc_vector_subcore>, window_params = [{transform_indices = #map}, {transform_indices = #map1}, {transform_indices = #map1}, {transform_indices = #map}, {transform_indices = #map2}]} {
    %broadcast_in_dim3A = arith.constant 0.000000e+00 : f32
    %broadcast_in_dim3A_0 = vector.broadcast %broadcast_in_dim3A : f32 to vector<16xf32>
    %scan3A = arith.constant 0 : i32
    %scan3A_1 = arith.constant 0 : i32
    %scan3A_2 = arith.constant 128 : i32
    %scan3A_3 = arith.addi %scan3A_1, %scan3A_2 : i32
    %scan3A_4 = arith.constant 1 : i32
    scf.for %scan3A_64 = %scan3A_1 to %scan3A_3 step %scan3A_4  : i32 {
      %swap3A = arith.index_cast %scan3A_64 : i32 to index
      %swap3A_65 = arith.constant 0 : index
      %swap3A_66 = tpu.vector_load %arg8[%swap3A, %swap3A_65] {strides = array<i32>} : memref<128x48xf32, #tpu.memory_space<vmem>>, vector<16xf32>,
      tpu.vector_store %arg8[%swap3A, %swap3A_65], %broadcast_in_dim3A_0 {strides = array<i32>} : memref<128x48xf32, #tpu.memory_space<vmem>>, vector<16xf32>,
      %swap3A_67 = arith.index_cast %scan3A_64 : i32 to index
      %swap3A_68 = arith.constant 16 : index
      %swap3A_69 = tpu.vector_load %arg8[%swap3A_67, %swap3A_68] {strides = array<i32>} : memref<128x48xf32, #tpu.memory_space<vmem>>, vector<16xf32>,
      tpu.vector_store %arg8[%swap3A_67, %swap3A_68], %broadcast_in_dim3A_0 {strides = array<i32>} : memref<128x48xf32, #tpu.memory_space<vmem>>, vector<16xf32>,
      %swap3A_70 = arith.index_cast %scan3A_64 : i32 to index
      %swap3A_71 = arith.constant 32 : index
      %swap3A_72 = tpu.vector_load %arg8[%swap3A_70, %swap3A_71] {strides = array<i32>} : memref<128x48xf32, #tpu.memory_space<vmem>>, vector<16xf32>,
      tpu.vector_store %arg8[%swap3A_70, %swap3A_71], %broadcast_in_dim3A_0 {strides = array<i32>} : memref<128x48xf32, #tpu.memory_space<vmem>>, vector<16xf32>,
    }
    %scan3A_5 = arith.constant 128 : i32
    %mul3A = arith.constant 640 : i32
    %mul3A_6 = arith.muli %arg1, %mul3A : i32
    %add3A = arith.constant 0 : i32
    %add3A_7 = arith.addi %mul3A_6, %add3A : i32
    "tpu.region"() ({
      %run_scoped3A = tpu.sem_alloc : memref<!tpu.dma_semaphore, #tpu.memory_space<semaphore_mem>>
      %dma_start3A = arith.constant 0 : i32
      %dma_start3A_64 = tpu.memref_slice %arg14[%add3A_7, %dma_start3A] : memref<10240x48xf32, #tpu.memory_space<vmem_shared>> -> memref<128x48xf32, #tpu.memory_space<vmem_shared>>
      %dma_start3A_65 = arith.constant 0 : i32
      %dma_start3A_66 = tpu.memref_slice %arg14[%add3A_7, %dma_start3A_65] : memref<10240x48xf32, #tpu.memory_space<vmem_shared>> -> memref<128x48xf32, #tpu.memory_space<vmem_shared>>
      tpu.enqueue_dma source(%arg8 : memref<128x48xf32, #tpu.memory_space<vmem>>) target(%dma_start3A_66 : memref<128x48xf32, #tpu.memory_space<vmem_shared>>) target_semaphore(%run_scoped3A : memref<!tpu.dma_semaphore, #tpu.memory_space<semaphore_mem>>)
      %dma_wait3A = arith.constant 0 : i32
      %dma_wait3A_67 = tpu.memref_slice %arg14[%add3A_7, %dma_wait3A] : memref<10240x48xf32, #tpu.memory_space<vmem_shared>> -> memref<128x48xf32, #tpu.memory_space<vmem_shared>>
      %dma_wait3A_68 = arith.constant 0 : i32
      %dma_wait3A_69 = tpu.memref_slice %arg14[%add3A_7, %dma_wait3A_68] : memref<10240x48xf32, #tpu.memory_space<vmem_shared>> -> memref<128x48xf32, #tpu.memory_space<vmem_shared>>
      tpu.wait_dma2 semaphore(%run_scoped3A : memref<!tpu.dma_semaphore, #tpu.memory_space<semaphore_mem>>) src(%arg8 : memref<128x48xf32, #tpu.memory_space<vmem>>) dst(%dma_wait3A_69 : memref<128x48xf32, #tpu.memory_space<vmem_shared>>)
      tpu.yield
    }) : () -> ()
    %mul3A_8 = arith.constant 640 : i32
    %mul3A_9 = arith.muli %arg1, %mul3A_8 : i32
    %add3A_10 = arith.constant 128 : i32
    %add3A_11 = arith.addi %mul3A_9, %add3A_10 : i32
    "tpu.region"() ({
      %run_scoped3A = tpu.sem_alloc : memref<!tpu.dma_semaphore, #tpu.memory_space<semaphore_mem>>
      %dma_start3A = arith.constant 0 : i32
      %dma_start3A_64 = tpu.memref_slice %arg14[%add3A_11, %dma_start3A] : memref<10240x48xf32, #tpu.memory_space<vmem_shared>> -> memref<128x48xf32, #tpu.memory_space<vmem_shared>>
      %dma_start3A_65 = arith.constant 0 : i32
      %dma_start3A_66 = tpu.memref_slice %arg14[%add3A_11, %dma_start3A_65] : memref<10240x48xf32, #tpu.memory_space<vmem_shared>> -> memref<128x48xf32, #tpu.memory_space<vmem_shared>>
      tpu.enqueue_dma source(%arg8 : memref<128x48xf32, #tpu.memory_space<vmem>>) target(%dma_start3A_66 : memref<128x48xf32, #tpu.memory_space<vmem_shared>>) target_semaphore(%run_scoped3A : memref<!tpu.dma_semaphore, #tpu.memory_space<semaphore_mem>>)
      %dma_wait3A = arith.constant 0 : i32
      %dma_wait3A_67 = tpu.memref_slice %arg14[%add3A_11, %dma_wait3A] : memref<10240x48xf32, #tpu.memory_space<vmem_shared>> -> memref<128x48xf32, #tpu.memory_space<vmem_shared>>
      %dma_wait3A_68 = arith.constant 0 : i32
      %dma_wait3A_69 = tpu.memref_slice %arg14[%add3A_11, %dma_wait3A_68] : memref<10240x48xf32, #tpu.memory_space<vmem_shared>> -> memref<128x48xf32, #tpu.memory_space<vmem_shared>>
      tpu.wait_dma2 semaphore(%run_scoped3A : memref<!tpu.dma_semaphore, #tpu.memory_space<semaphore_mem>>) src(%arg8 : memref<128x48xf32, #tpu.memory_space<vmem>>) dst(%dma_wait3A_69 : memref<128x48xf32, #tpu.memory_space<vmem_shared>>)
      tpu.yield
    }) : () -> ()
    %mul3A_12 = arith.constant 640 : i32
    %mul3A_13 = arith.muli %arg1, %mul3A_12 : i32
    %add3A_14 = arith.constant 256 : i32
    %add3A_15 = arith.addi %mul3A_13, %add3A_14 : i32
    "tpu.region"() ({
      %run_scoped3A = tpu.sem_alloc : memref<!tpu.dma_semaphore, #tpu.memory_space<semaphore_mem>>
      %dma_start3A = arith.constant 0 : i32
      %dma_start3A_64 = tpu.memref_slice %arg14[%add3A_15, %dma_start3A] : memref<10240x48xf32, #tpu.memory_space<vmem_shared>> -> memref<128x48xf32, #tpu.memory_space<vmem_shared>>
      %dma_start3A_65 = arith.constant 0 : i32
      %dma_start3A_66 = tpu.memref_slice %arg14[%add3A_15, %dma_start3A_65] : memref<10240x48xf32, #tpu.memory_space<vmem_shared>> -> memref<128x48xf32, #tpu.memory_space<vmem_shared>>
      tpu.enqueue_dma source(%arg8 : memref<128x48xf32, #tpu.memory_space<vmem>>) target(%dma_start3A_66 : memref<128x48xf32, #tpu.memory_space<vmem_shared>>) target_semaphore(%run_scoped3A : memref<!tpu.dma_semaphore, #tpu.memory_space<semaphore_mem>>)
      %dma_wait3A = arith.constant 0 : i32
      %dma_wait3A_67 = tpu.memref_slice %arg14[%add3A_15, %dma_wait3A] : memref<10240x48xf32, #tpu.memory_space<vmem_shared>> -> memref<128x48xf32, #tpu.memory_space<vmem_shared>>
      %dma_wait3A_68 = arith.constant 0 : i32
      %dma_wait3A_69 = tpu.memref_slice %arg14[%add3A_15, %dma_wait3A_68] : memref<10240x48xf32, #tpu.memory_space<vmem_shared>> -> memref<128x48xf32, #tpu.memory_space<vmem_shared>>
      tpu.wait_dma2 semaphore(%run_scoped3A : memref<!tpu.dma_semaphore, #tpu.memory_space<semaphore_mem>>) src(%arg8 : memref<128x48xf32, #tpu.memory_space<vmem>>) dst(%dma_wait3A_69 : memref<128x48xf32, #tpu.memory_space<vmem_shared>>)
      tpu.yield
    }) : () -> ()
    %mul3A_16 = arith.constant 640 : i32
    %mul3A_17 = arith.muli %arg1, %mul3A_16 : i32
    %add3A_18 = arith.constant 384 : i32
    %add3A_19 = arith.addi %mul3A_17, %add3A_18 : i32
    "tpu.region"() ({
      %run_scoped3A = tpu.sem_alloc : memref<!tpu.dma_semaphore, #tpu.memory_space<semaphore_mem>>
      %dma_start3A = arith.constant 0 : i32
      %dma_start3A_64 = tpu.memref_slice %arg14[%add3A_19, %dma_start3A] : memref<10240x48xf32, #tpu.memory_space<vmem_shared>> -> memref<128x48xf32, #tpu.memory_space<vmem_shared>>
      %dma_start3A_65 = arith.constant 0 : i32
      %dma_start3A_66 = tpu.memref_slice %arg14[%add3A_19, %dma_start3A_65] : memref<10240x48xf32, #tpu.memory_space<vmem_shared>> -> memref<128x48xf32, #tpu.memory_space<vmem_shared>>
      tpu.enqueue_dma source(%arg8 : memref<128x48xf32, #tpu.memory_space<vmem>>) target(%dma_start3A_66 : memref<128x48xf32, #tpu.memory_space<vmem_shared>>) target_semaphore(%run_scoped3A : memref<!tpu.dma_semaphore, #tpu.memory_space<semaphore_mem>>)
      %dma_wait3A = arith.constant 0 : i32
      %dma_wait3A_67 = tpu.memref_slice %arg14[%add3A_19, %dma_wait3A] : memref<10240x48xf32, #tpu.memory_space<vmem_shared>> -> memref<128x48xf32, #tpu.memory_space<vmem_shared>>
      %dma_wait3A_68 = arith.constant 0 : i32
      %dma_wait3A_69 = tpu.memref_slice %arg14[%add3A_19, %dma_wait3A_68] : memref<10240x48xf32, #tpu.memory_space<vmem_shared>> -> memref<128x48xf32, #tpu.memory_space<vmem_shared>>
      tpu.wait_dma2 semaphore(%run_scoped3A : memref<!tpu.dma_semaphore, #tpu.memory_space<semaphore_mem>>) src(%arg8 : memref<128x48xf32, #tpu.memory_space<vmem>>) dst(%dma_wait3A_69 : memref<128x48xf32, #tpu.memory_space<vmem_shared>>)
      tpu.yield
    }) : () -> ()
    %mul3A_20 = arith.constant 640 : i32
    %mul3A_21 = arith.muli %arg1, %mul3A_20 : i32
    %add3A_22 = arith.constant 512 : i32
    %add3A_23 = arith.addi %mul3A_21, %add3A_22 : i32
    "tpu.region"() ({
      %run_scoped3A = tpu.sem_alloc : memref<!tpu.dma_semaphore, #tpu.memory_space<semaphore_mem>>
      %dma_start3A = arith.constant 0 : i32
      %dma_start3A_64 = tpu.memref_slice %arg14[%add3A_23, %dma_start3A] : memref<10240x48xf32, #tpu.memory_space<vmem_shared>> -> memref<128x48xf32, #tpu.memory_space<vmem_shared>>
      %dma_start3A_65 = arith.constant 0 : i32
      %dma_start3A_66 = tpu.memref_slice %arg14[%add3A_23, %dma_start3A_65] : memref<10240x48xf32, #tpu.memory_space<vmem_shared>> -> memref<128x48xf32, #tpu.memory_space<vmem_shared>>
      tpu.enqueue_dma source(%arg8 : memref<128x48xf32, #tpu.memory_space<vmem>>) target(%dma_start3A_66 : memref<128x48xf32, #tpu.memory_space<vmem_shared>>) target_semaphore(%run_scoped3A : memref<!tpu.dma_semaphore, #tpu.memory_space<semaphore_mem>>)
      %dma_wait3A = arith.constant 0 : i32
      %dma_wait3A_67 = tpu.memref_slice %arg14[%add3A_23, %dma_wait3A] : memref<10240x48xf32, #tpu.memory_space<vmem_shared>> -> memref<128x48xf32, #tpu.memory_space<vmem_shared>>
      %dma_wait3A_68 = arith.constant 0 : i32
      %dma_wait3A_69 = tpu.memref_slice %arg14[%add3A_23, %dma_wait3A_68] : memref<10240x48xf32, #tpu.memory_space<vmem_shared>> -> memref<128x48xf32, #tpu.memory_space<vmem_shared>>
      tpu.wait_dma2 semaphore(%run_scoped3A : memref<!tpu.dma_semaphore, #tpu.memory_space<semaphore_mem>>) src(%arg8 : memref<128x48xf32, #tpu.memory_space<vmem>>) dst(%dma_wait3A_69 : memref<128x48xf32, #tpu.memory_space<vmem_shared>>)
      tpu.yield
    }) : () -> ()
    "tpu.region"() ({
      %run_scoped3A = tpu.sem_alloc : memref<!tpu.dma_semaphore, #tpu.memory_space<semaphore_mem>>
      tpu.enqueue_dma source(%arg4 : memref<10240x8xf32, #tpu.memory_space<hbm>>) target(%arg7 : memref<10240x8xf32, #tpu.memory_space<vmem>>) target_semaphore(%run_scoped3A : memref<!tpu.dma_semaphore, #tpu.memory_space<semaphore_mem>>)
      tpu.wait_dma2 semaphore(%run_scoped3A : memref<!tpu.dma_semaphore, #tpu.memory_space<semaphore_mem>>) src(%arg4 : memref<10240x8xf32, #tpu.memory_space<hbm>>) dst(%arg7 : memref<10240x8xf32, #tpu.memory_space<vmem>>)
      tpu.yield
    }) : () -> ()
    "tpu.region"() ({
      %run_scoped3A = tpu.sem_alloc : memref<!tpu.dma_semaphore, #tpu.memory_space<semaphore_mem>>
      tpu.enqueue_dma source(%arg5 : memref<16xf32, #tpu.memory_space<hbm>>) target(%arg13 : memref<16xf32, #tpu.memory_space<vmem>>) target_semaphore(%run_scoped3A : memref<!tpu.dma_semaphore, #tpu.memory_space<semaphore_mem>>)
      tpu.wait_dma2 semaphore(%run_scoped3A : memref<!tpu.dma_semaphore, #tpu.memory_space<semaphore_mem>>) src(%arg5 : memref<16xf32, #tpu.memory_space<hbm>>) dst(%arg13 : memref<16xf32, #tpu.memory_space<vmem>>)
      tpu.yield
    }) : () -> ()
    %barrier3A = arith.constant 0 : index
    tpu.barrier barrier_id(%barrier3A)
    %mul3A_24 = arith.constant 20736 : i32
    %mul3A_25 = arith.muli %arg1, %mul3A_24 : i32
    %iota3A = tpu.iota {dimensions = array<i32: 0>} : vector<16xi32>
    %min3A = arith.constant 0 : i32
    %min3A_26 = vector.broadcast %min3A : i32 to vector<16xi32>
    %min3A_27 = arith.minsi %iota3A, %min3A_26 : vector<16xi32>
    %lt3A = arith.constant 1 : i32
    %lt3A_28 = vector.broadcast %lt3A : i32 to vector<16xi32>
    %lt3A_29 = arith.cmpi slt, %iota3A, %lt3A_28 : vector<16xi32>
    %convert_element_type3A = arith.extui %lt3A_29 : vector<16xi1> to vector<16xi32>
    %convert_element_type3A_30 = arith.sitofp %convert_element_type3A : vector<16xi32> to vector<16xf32>
    %mul3A_31 = arith.constant 1 : i32
    %mul3A_32 = arith.muli %arg0, %mul3A_31 : i32
    %add3A_33 = arith.constant 0 : i32
    %add3A_34 = arith.addi %mul3A_32, %add3A_33 : i32
    %mul3A_35 = arith.constant 10240 : i32
    %mul3A_36 = arith.muli %arg0, %mul3A_35 : i32
    %scan3A_37 = arith.constant 0 : i32
    %scan3A_38 = arith.constant 0 : i32
    %scan3A_39 = arith.constant 162 : i32
    %scan3A_40 = arith.addi %scan3A_38, %scan3A_39 : i32
    %scan3A_41 = arith.constant 1 : i32
    scf.for %scan3A_64 = %scan3A_38 to %scan3A_40 step %scan3A_41  : i32 {
      %broadcast_in_dim3A_65 = arith.constant 0 : i32
      %broadcast_in_dim3A_66 = vector.broadcast %broadcast_in_dim3A_65 : i32 to vector<16xi32>
      %add3A_67 = vector.broadcast %add3A_34 : i32 to vector<16xi32>
      %add3A_68 = arith.addi %broadcast_in_dim3A_66, %add3A_67 : vector<16xi32>
      %gather3A = tpu.vector_load_idx %arg13[%add3A_68] : memref<16xf32, #tpu.memory_space<vmem>>[vector<16xi32>], vector<16xf32>,
      %mul3A_69 = arith.constant 128 : i32
      %mul3A_70 = arith.muli %scan3A_64, %mul3A_69 : i32
      %add3A_71 = arith.addi %mul3A_25, %mul3A_70 : i32
      "tpu.region"() ({
        %run_scoped3A = tpu.sem_alloc : memref<!tpu.dma_semaphore, #tpu.memory_space<semaphore_mem>>
        %dma_start3A_395 = tpu.memref_slice %arg2[%add3A_71] : memref<331776xi32, #tpu.memory_space<hbm>> -> memref<128xi32, #tpu.memory_space<hbm>>
        %dma_start3A_396 = tpu.memref_slice %arg2[%add3A_71] : memref<331776xi32, #tpu.memory_space<hbm>> -> memref<128xi32, #tpu.memory_space<hbm>>
        tpu.enqueue_dma source(%dma_start3A_396 : memref<128xi32, #tpu.memory_space<hbm>>) target(%arg9 : memref<128xi32, #tpu.memory_space<vmem>>) target_semaphore(%run_scoped3A : memref<!tpu.dma_semaphore, #tpu.memory_space<semaphore_mem>>)
        %dma_wait3A_397 = tpu.memref_slice %arg2[%add3A_71] : memref<331776xi32, #tpu.memory_space<hbm>> -> memref<128xi32, #tpu.memory_space<hbm>>
        %dma_wait3A_398 = tpu.memref_slice %arg2[%add3A_71] : memref<331776xi32, #tpu.memory_space<hbm>> -> memref<128xi32, #tpu.memory_space<hbm>>
        tpu.wait_dma2 semaphore(%run_scoped3A : memref<!tpu.dma_semaphore, #tpu.memory_space<semaphore_mem>>) src(%dma_wait3A_398 : memref<128xi32, #tpu.memory_space<hbm>>) dst(%arg9 : memref<128xi32, #tpu.memory_space<vmem>>)
        tpu.yield
      }) : () -> ()
      %get3A = arith.constant 0 : index
      %get3A_72 = tpu.vector_load %arg9[%get3A] {strides = array<i32>} : memref<128xi32, #tpu.memory_space<vmem>>, vector<16xi32>,
      %and3A = arith.constant 65535 : i32
      %and3A_73 = vector.broadcast %and3A : i32 to vector<16xi32>
      %and3A_74 = arith.andi %get3A_72, %and3A_73 : vector<16xi32>
      %add3A_75 = vector.broadcast %mul3A_36 : i32 to vector<16xi32>
      %add3A_76 = arith.addi %and3A_74, %add3A_75 : vector<16xi32>
      %swap3A = arith.constant 0 : index
      %swap3A_77 = tpu.vector_load %arg10[%swap3A] {strides = array<i32>} : memref<128xi32, #tpu.memory_space<vmem>>, vector<16xi32>,
      tpu.vector_store %arg10[%swap3A], %add3A_76 {strides = array<i32>} : memref<128xi32, #tpu.memory_space<vmem>>, vector<16xi32>,
      %shift_right_arithmetic3A = arith.constant 16 : i32
      %shift_right_arithmetic3A_78 = vector.broadcast %shift_right_arithmetic3A : i32 to vector<16xi32>
      %shift_right_arithmetic3A_79 = arith.shrsi %get3A_72, %shift_right_arithmetic3A_78 : vector<16xi32>
      %swap3A_80 = arith.constant 0 : index
      %swap3A_81 = tpu.vector_load %arg11[%swap3A_80] {strides = array<i32>} : memref<128xi32, #tpu.memory_space<vmem>>, vector<16xi32>,
      tpu.vector_store %arg11[%swap3A_80], %shift_right_arithmetic3A_79 {strides = array<i32>} : memref<128xi32, #tpu.memory_space<vmem>>, vector<16xi32>,
      %get3A_82 = arith.constant 16 : index
      %get3A_83 = tpu.vector_load %arg9[%get3A_82] {strides = array<i32>} : memref<128xi32, #tpu.memory_space<vmem>>, vector<16xi32>,
      %and3A_84 = arith.constant 65535 : i32
      %and3A_85 = vector.broadcast %and3A_84 : i32 to vector<16xi32>
      %and3A_86 = arith.andi %get3A_83, %and3A_85 : vector<16xi32>
      %add3A_87 = vector.broadcast %mul3A_36 : i32 to vector<16xi32>
      %add3A_88 = arith.addi %and3A_86, %add3A_87 : vector<16xi32>
      %swap3A_89 = arith.constant 16 : index
      %swap3A_90 = tpu.vector_load %arg10[%swap3A_89] {strides = array<i32>} : memref<128xi32, #tpu.memory_space<vmem>>, vector<16xi32>,
      tpu.vector_store %arg10[%swap3A_89], %add3A_88 {strides = array<i32>} : memref<128xi32, #tpu.memory_space<vmem>>, vector<16xi32>,
      %shift_right_arithmetic3A_91 = arith.constant 16 : i32
      %shift_right_arithmetic3A_92 = vector.broadcast %shift_right_arithmetic3A_91 : i32 to vector<16xi32>
      %shift_right_arithmetic3A_93 = arith.shrsi %get3A_83, %shift_right_arithmetic3A_92 : vector<16xi32>
      %swap3A_94 = arith.constant 16 : index
      %swap3A_95 = tpu.vector_load %arg11[%swap3A_94] {strides = array<i32>} : memref<128xi32, #tpu.memory_space<vmem>>, vector<16xi32>,
      tpu.vector_store %arg11[%swap3A_94], %shift_right_arithmetic3A_93 {strides = array<i32>} : memref<128xi32, #tpu.memory_space<vmem>>, vector<16xi32>,
      %get3A_96 = arith.constant 32 : index
      %get3A_97 = tpu.vector_load %arg9[%get3A_96] {strides = array<i32>} : memref<128xi32, #tpu.memory_space<vmem>>, vector<16xi32>,
      %and3A_98 = arith.constant 65535 : i32
      %and3A_99 = vector.broadcast %and3A_98 : i32 to vector<16xi32>
      %and3A_100 = arith.andi %get3A_97, %and3A_99 : vector<16xi32>
      %add3A_101 = vector.broadcast %mul3A_36 : i32 to vector<16xi32>
      %add3A_102 = arith.addi %and3A_100, %add3A_101 : vector<16xi32>
      %swap3A_103 = arith.constant 32 : index
      %swap3A_104 = tpu.vector_load %arg10[%swap3A_103] {strides = array<i32>} : memref<128xi32, #tpu.memory_space<vmem>>, vector<16xi32>,
      tpu.vector_store %arg10[%swap3A_103], %add3A_102 {strides = array<i32>} : memref<128xi32, #tpu.memory_space<vmem>>, vector<16xi32>,
      %shift_right_arithmetic3A_105 = arith.constant 16 : i32
      %shift_right_arithmetic3A_106 = vector.broadcast %shift_right_arithmetic3A_105 : i32 to vector<16xi32>
      %shift_right_arithmetic3A_107 = arith.shrsi %get3A_97, %shift_right_arithmetic3A_106 : vector<16xi32>
      %swap3A_108 = arith.constant 32 : index
      %swap3A_109 = tpu.vector_load %arg11[%swap3A_108] {strides = array<i32>} : memref<128xi32, #tpu.memory_space<vmem>>, vector<16xi32>,
      tpu.vector_store %arg11[%swap3A_108], %shift_right_arithmetic3A_107 {strides = array<i32>} : memref<128xi32, #tpu.memory_space<vmem>>, vector<16xi32>,
      %get3A_110 = arith.constant 48 : index
      %get3A_111 = tpu.vector_load %arg9[%get3A_110] {strides = array<i32>} : memref<128xi32, #tpu.memory_space<vmem>>, vector<16xi32>,
      %and3A_112 = arith.constant 65535 : i32
      %and3A_113 = vector.broadcast %and3A_112 : i32 to vector<16xi32>
      %and3A_114 = arith.andi %get3A_111, %and3A_113 : vector<16xi32>
      %add3A_115 = vector.broadcast %mul3A_36 : i32 to vector<16xi32>
      %add3A_116 = arith.addi %and3A_114, %add3A_115 : vector<16xi32>
      %swap3A_117 = arith.constant 48 : index
      %swap3A_118 = tpu.vector_load %arg10[%swap3A_117] {strides = array<i32>} : memref<128xi32, #tpu.memory_space<vmem>>, vector<16xi32>,
      tpu.vector_store %arg10[%swap3A_117], %add3A_116 {strides = array<i32>} : memref<128xi32, #tpu.memory_space<vmem>>, vector<16xi32>,
      %shift_right_arithmetic3A_119 = arith.constant 16 : i32
      %shift_right_arithmetic3A_120 = vector.broadcast %shift_right_arithmetic3A_119 : i32 to vector<16xi32>
      %shift_right_arithmetic3A_121 = arith.shrsi %get3A_111, %shift_right_arithmetic3A_120 : vector<16xi32>
      %swap3A_122 = arith.constant 48 : index
      %swap3A_123 = tpu.vector_load %arg11[%swap3A_122] {strides = array<i32>} : memref<128xi32, #tpu.memory_space<vmem>>, vector<16xi32>,
      tpu.vector_store %arg11[%swap3A_122], %shift_right_arithmetic3A_121 {strides = array<i32>} : memref<128xi32, #tpu.memory_space<vmem>>, vector<16xi32>,
      %get3A_124 = arith.constant 64 : index
      %get3A_125 = tpu.vector_load %arg9[%get3A_124] {strides = array<i32>} : memref<128xi32, #tpu.memory_space<vmem>>, vector<16xi32>,
      %and3A_126 = arith.constant 65535 : i32
      %and3A_127 = vector.broadcast %and3A_126 : i32 to vector<16xi32>
      %and3A_128 = arith.andi %get3A_125, %and3A_127 : vector<16xi32>
      %add3A_129 = vector.broadcast %mul3A_36 : i32 to vector<16xi32>
      %add3A_130 = arith.addi %and3A_128, %add3A_129 : vector<16xi32>
      %swap3A_131 = arith.constant 64 : index
      %swap3A_132 = tpu.vector_load %arg10[%swap3A_131] {strides = array<i32>} : memref<128xi32, #tpu.memory_space<vmem>>, vector<16xi32>,
      tpu.vector_store %arg10[%swap3A_131], %add3A_130 {strides = array<i32>} : memref<128xi32, #tpu.memory_space<vmem>>, vector<16xi32>,
      %shift_right_arithmetic3A_133 = arith.constant 16 : i32
      %shift_right_arithmetic3A_134 = vector.broadcast %shift_right_arithmetic3A_133 : i32 to vector<16xi32>
      %shift_right_arithmetic3A_135 = arith.shrsi %get3A_125, %shift_right_arithmetic3A_134 : vector<16xi32>
      %swap3A_136 = arith.constant 64 : index
      %swap3A_137 = tpu.vector_load %arg11[%swap3A_136] {strides = array<i32>} : memref<128xi32, #tpu.memory_space<vmem>>, vector<16xi32>,
      tpu.vector_store %arg11[%swap3A_136], %shift_right_arithmetic3A_135 {strides = array<i32>} : memref<128xi32, #tpu.memory_space<vmem>>, vector<16xi32>,
      %get3A_138 = arith.constant 80 : index
      %get3A_139 = tpu.vector_load %arg9[%get3A_138] {strides = array<i32>} : memref<128xi32, #tpu.memory_space<vmem>>, vector<16xi32>,
      %and3A_140 = arith.constant 65535 : i32
      %and3A_141 = vector.broadcast %and3A_140 : i32 to vector<16xi32>
      %and3A_142 = arith.andi %get3A_139, %and3A_141 : vector<16xi32>
      %add3A_143 = vector.broadcast %mul3A_36 : i32 to vector<16xi32>
      %add3A_144 = arith.addi %and3A_142, %add3A_143 : vector<16xi32>
      %swap3A_145 = arith.constant 80 : index
      %swap3A_146 = tpu.vector_load %arg10[%swap3A_145] {strides = array<i32>} : memref<128xi32, #tpu.memory_space<vmem>>, vector<16xi32>,
      tpu.vector_store %arg10[%swap3A_145], %add3A_144 {strides = array<i32>} : memref<128xi32, #tpu.memory_space<vmem>>, vector<16xi32>,
      %shift_right_arithmetic3A_147 = arith.constant 16 : i32
      %shift_right_arithmetic3A_148 = vector.broadcast %shift_right_arithmetic3A_147 : i32 to vector<16xi32>
      %shift_right_arithmetic3A_149 = arith.shrsi %get3A_139, %shift_right_arithmetic3A_148 : vector<16xi32>
      %swap3A_150 = arith.constant 80 : index
      %swap3A_151 = tpu.vector_load %arg11[%swap3A_150] {strides = array<i32>} : memref<128xi32, #tpu.memory_space<vmem>>, vector<16xi32>,
      tpu.vector_store %arg11[%swap3A_150], %shift_right_arithmetic3A_149 {strides = array<i32>} : memref<128xi32, #tpu.memory_space<vmem>>, vector<16xi32>,
      %get3A_152 = arith.constant 96 : index
      %get3A_153 = tpu.vector_load %arg9[%get3A_152] {strides = array<i32>} : memref<128xi32, #tpu.memory_space<vmem>>, vector<16xi32>,
      %and3A_154 = arith.constant 65535 : i32
      %and3A_155 = vector.broadcast %and3A_154 : i32 to vector<16xi32>
      %and3A_156 = arith.andi %get3A_153, %and3A_155 : vector<16xi32>
      %add3A_157 = vector.broadcast %mul3A_36 : i32 to vector<16xi32>
      %add3A_158 = arith.addi %and3A_156, %add3A_157 : vector<16xi32>
      %swap3A_159 = arith.constant 96 : index
      %swap3A_160 = tpu.vector_load %arg10[%swap3A_159] {strides = array<i32>} : memref<128xi32, #tpu.memory_space<vmem>>, vector<16xi32>,
      tpu.vector_store %arg10[%swap3A_159], %add3A_158 {strides = array<i32>} : memref<128xi32, #tpu.memory_space<vmem>>, vector<16xi32>,
      %shift_right_arithmetic3A_161 = arith.constant 16 : i32
      %shift_right_arithmetic3A_162 = vector.broadcast %shift_right_arithmetic3A_161 : i32 to vector<16xi32>
      %shift_right_arithmetic3A_163 = arith.shrsi %get3A_153, %shift_right_arithmetic3A_162 : vector<16xi32>
      %swap3A_164 = arith.constant 96 : index
      %swap3A_165 = tpu.vector_load %arg11[%swap3A_164] {strides = array<i32>} : memref<128xi32, #tpu.memory_space<vmem>>, vector<16xi32>,
      tpu.vector_store %arg11[%swap3A_164], %shift_right_arithmetic3A_163 {strides = array<i32>} : memref<128xi32, #tpu.memory_space<vmem>>, vector<16xi32>,
      %get3A_166 = arith.constant 112 : index
      %get3A_167 = tpu.vector_load %arg9[%get3A_166] {strides = array<i32>} : memref<128xi32, #tpu.memory_space<vmem>>, vector<16xi32>,
      %and3A_168 = arith.constant 65535 : i32
      %and3A_169 = vector.broadcast %and3A_168 : i32 to vector<16xi32>
      %and3A_170 = arith.andi %get3A_167, %and3A_169 : vector<16xi32>
      %add3A_171 = vector.broadcast %mul3A_36 : i32 to vector<16xi32>
      %add3A_172 = arith.addi %and3A_170, %add3A_171 : vector<16xi32>
      %swap3A_173 = arith.constant 112 : index
      %swap3A_174 = tpu.vector_load %arg10[%swap3A_173] {strides = array<i32>} : memref<128xi32, #tpu.memory_space<vmem>>, vector<16xi32>,
      tpu.vector_store %arg10[%swap3A_173], %add3A_172 {strides = array<i32>} : memref<128xi32, #tpu.memory_space<vmem>>, vector<16xi32>,
      %shift_right_arithmetic3A_175 = arith.constant 16 : i32
      %shift_right_arithmetic3A_176 = vector.broadcast %shift_right_arithmetic3A_175 : i32 to vector<16xi32>
      %shift_right_arithmetic3A_177 = arith.shrsi %get3A_167, %shift_right_arithmetic3A_176 : vector<16xi32>
      %swap3A_178 = arith.constant 112 : index
      %swap3A_179 = tpu.vector_load %arg11[%swap3A_178] {strides = array<i32>} : memref<128xi32, #tpu.memory_space<vmem>>, vector<16xi32>,
      tpu.vector_store %arg11[%swap3A_178], %shift_right_arithmetic3A_177 {strides = array<i32>} : memref<128xi32, #tpu.memory_space<vmem>>, vector<16xi32>,
      %dma_start3A = arith.constant 0 : i32
      %dma_start3A_180 = arith.constant 0 : i32
      %dma_start3A_181 = tpu.memref_slice %arg3[%dma_start3A, %dma_start3A_180] : memref<20480x48xf32, #tpu.memory_space<hbm>> -> memref<20480x48xf32, #tpu.memory_space<hbm>>
      tpu.enqueue_indirect_dma source(%dma_start3A_181 : memref<20480x48xf32, #tpu.memory_space<hbm>>) target(%arg8 : memref<128x48xf32, #tpu.memory_space<vmem>>) offsets(%arg10 : memref<128xi32, #tpu.memory_space<vmem>>) semaphore(%arg15 : memref<!tpu.dma_semaphore, #tpu.memory_space<semaphore_mem>>)
      %get3A_182 = arith.constant 0 : index
      %get3A_183 = tpu.vector_load %arg10[%get3A_182] {strides = array<i32>} : memref<128xi32, #tpu.memory_space<vmem>>, vector<16xi32>,
      %sub3A = vector.broadcast %mul3A_36 : i32 to vector<16xi32>
      %sub3A_184 = arith.subi %get3A_183, %sub3A : vector<16xi32>
      %get3A_185 = arith.constant 0 : index
      %get3A_186 = tpu.vector_load %arg11[%get3A_185] {strides = array<i32>} : memref<128xi32, #tpu.memory_space<vmem>>, vector<16xi32>,
      %broadcast_in_dim3A_187 = arith.constant 0 : i32
      %broadcast_in_dim3A_188 = vector.broadcast %broadcast_in_dim3A_187 : i32 to vector<16xi32>
      %add3A_189 = vector.broadcast %add3A_34 : i32 to vector<16xi32>
      %add3A_190 = arith.addi %broadcast_in_dim3A_188, %add3A_189 : vector<16xi32>
      %add3A_191 = arith.constant 4 : i32
      %add3A_192 = vector.broadcast %add3A_191 : i32 to vector<16xi32>
      %add3A_193 = arith.addi %add3A_190, %add3A_192 : vector<16xi32>
      %gather3A_194 = tpu.vector_load_idx %arg7[%sub3A_184, %add3A_190] : memref<10240x8xf32, #tpu.memory_space<vmem>>[vector<16xi32>, vector<16xi32>], vector<16xf32>,
      %gather3A_195 = tpu.vector_load_idx %arg7[%get3A_186, %add3A_193] : memref<10240x8xf32, #tpu.memory_space<vmem>>[vector<16xi32>, vector<16xi32>], vector<16xf32>,
      %add3A_196 = arith.addf %gather3A_194, %gather3A_195 : vector<16xf32>
      %mul3A_197 = arith.constant 2.000000e-01 : f32
      %mul3A_198 = vector.broadcast %mul3A_197 : f32 to vector<16xf32>
      %mul3A_199 = arith.mulf %add3A_196, %mul3A_198 : vector<16xf32>
      %max3A = arith.maximumf %add3A_196, %mul3A_199 : vector<16xf32>
      %sub3A_200 = arith.subf %max3A, %gather3A : vector<16xf32>
      %exp3A = math.exp %sub3A_200 : vector<16xf32>
      %swap3A_201 = arith.constant 0 : i32
      %swap3A_202 = arith.index_cast %swap3A_201 : i32 to index
      %swap3A_203 = arith.constant 0 : index
      %swap3A_204 = tpu.vector_load %arg12[%swap3A_202, %swap3A_203] {strides = array<i32>} : memref<1x128xf32, #tpu.memory_space<vmem>>, vector<16xf32>,
      tpu.vector_store %arg12[%swap3A_202, %swap3A_203], %exp3A {strides = array<i32>} : memref<1x128xf32, #tpu.memory_space<vmem>>, vector<16xf32>,
      %get3A_205 = arith.constant 16 : index
      %get3A_206 = tpu.vector_load %arg10[%get3A_205] {strides = array<i32>} : memref<128xi32, #tpu.memory_space<vmem>>, vector<16xi32>,
      %sub3A_207 = vector.broadcast %mul3A_36 : i32 to vector<16xi32>
      %sub3A_208 = arith.subi %get3A_206, %sub3A_207 : vector<16xi32>
      %get3A_209 = arith.constant 16 : index
      %get3A_210 = tpu.vector_load %arg11[%get3A_209] {strides = array<i32>} : memref<128xi32, #tpu.memory_space<vmem>>, vector<16xi32>,
      %broadcast_in_dim3A_211 = arith.constant 0 : i32
      %broadcast_in_dim3A_212 = vector.broadcast %broadcast_in_dim3A_211 : i32 to vector<16xi32>
      %add3A_213 = vector.broadcast %add3A_34 : i32 to vector<16xi32>
      %add3A_214 = arith.addi %broadcast_in_dim3A_212, %add3A_213 : vector<16xi32>
      %add3A_215 = arith.constant 4 : i32
      %add3A_216 = vector.broadcast %add3A_215 : i32 to vector<16xi32>
      %add3A_217 = arith.addi %add3A_214, %add3A_216 : vector<16xi32>
      %gather3A_218 = tpu.vector_load_idx %arg7[%sub3A_208, %add3A_214] : memref<10240x8xf32, #tpu.memory_space<vmem>>[vector<16xi32>, vector<16xi32>], vector<16xf32>,
      %gather3A_219 = tpu.vector_load_idx %arg7[%get3A_210, %add3A_217] : memref<10240x8xf32, #tpu.memory_space<vmem>>[vector<16xi32>, vector<16xi32>], vector<16xf32>,
      %add3A_220 = arith.addf %gather3A_218, %gather3A_219 : vector<16xf32>
      %mul3A_221 = arith.constant 2.000000e-01 : f32
      %mul3A_222 = vector.broadcast %mul3A_221 : f32 to vector<16xf32>
      %mul3A_223 = arith.mulf %add3A_220, %mul3A_222 : vector<16xf32>
      %max3A_224 = arith.maximumf %add3A_220, %mul3A_223 : vector<16xf32>
      %sub3A_225 = arith.subf %max3A_224, %gather3A : vector<16xf32>
      %exp3A_226 = math.exp %sub3A_225 : vector<16xf32>
      %swap3A_227 = arith.constant 0 : i32
      %swap3A_228 = arith.index_cast %swap3A_227 : i32 to index
      %swap3A_229 = arith.constant 16 : index
      %swap3A_230 = tpu.vector_load %arg12[%swap3A_228, %swap3A_229] {strides = array<i32>} : memref<1x128xf32, #tpu.memory_space<vmem>>, vector<16xf32>,
      tpu.vector_store %arg12[%swap3A_228, %swap3A_229], %exp3A_226 {strides = array<i32>} : memref<1x128xf32, #tpu.memory_space<vmem>>, vector<16xf32>,
      %get3A_231 = arith.constant 32 : index
      %get3A_232 = tpu.vector_load %arg10[%get3A_231] {strides = array<i32>} : memref<128xi32, #tpu.memory_space<vmem>>, vector<16xi32>,
      %sub3A_233 = vector.broadcast %mul3A_36 : i32 to vector<16xi32>
      %sub3A_234 = arith.subi %get3A_232, %sub3A_233 : vector<16xi32>
      %get3A_235 = arith.constant 32 : index
      %get3A_236 = tpu.vector_load %arg11[%get3A_235] {strides = array<i32>} : memref<128xi32, #tpu.memory_space<vmem>>, vector<16xi32>,
      %broadcast_in_dim3A_237 = arith.constant 0 : i32
      %broadcast_in_dim3A_238 = vector.broadcast %broadcast_in_dim3A_237 : i32 to vector<16xi32>
      %add3A_239 = vector.broadcast %add3A_34 : i32 to vector<16xi32>
      %add3A_240 = arith.addi %broadcast_in_dim3A_238, %add3A_239 : vector<16xi32>
      %add3A_241 = arith.constant 4 : i32
      %add3A_242 = vector.broadcast %add3A_241 : i32 to vector<16xi32>
      %add3A_243 = arith.addi %add3A_240, %add3A_242 : vector<16xi32>
      %gather3A_244 = tpu.vector_load_idx %arg7[%sub3A_234, %add3A_240] : memref<10240x8xf32, #tpu.memory_space<vmem>>[vector<16xi32>, vector<16xi32>], vector<16xf32>,
      %gather3A_245 = tpu.vector_load_idx %arg7[%get3A_236, %add3A_243] : memref<10240x8xf32, #tpu.memory_space<vmem>>[vector<16xi32>, vector<16xi32>], vector<16xf32>,
      %add3A_246 = arith.addf %gather3A_244, %gather3A_245 : vector<16xf32>
      %mul3A_247 = arith.constant 2.000000e-01 : f32
      %mul3A_248 = vector.broadcast %mul3A_247 : f32 to vector<16xf32>
      %mul3A_249 = arith.mulf %add3A_246, %mul3A_248 : vector<16xf32>
      %max3A_250 = arith.maximumf %add3A_246, %mul3A_249 : vector<16xf32>
      %sub3A_251 = arith.subf %max3A_250, %gather3A : vector<16xf32>
      %exp3A_252 = math.exp %sub3A_251 : vector<16xf32>
      %swap3A_253 = arith.constant 0 : i32
      %swap3A_254 = arith.index_cast %swap3A_253 : i32 to index
      %swap3A_255 = arith.constant 32 : index
      %swap3A_256 = tpu.vector_load %arg12[%swap3A_254, %swap3A_255] {strides = array<i32>} : memref<1x128xf32, #tpu.memory_space<vmem>>, vector<16xf32>,
      tpu.vector_store %arg12[%swap3A_254, %swap3A_255], %exp3A_252 {strides = array<i32>} : memref<1x128xf32, #tpu.memory_space<vmem>>, vector<16xf32>,
      %get3A_257 = arith.constant 48 : index
      %get3A_258 = tpu.vector_load %arg10[%get3A_257] {strides = array<i32>} : memref<128xi32, #tpu.memory_space<vmem>>, vector<16xi32>,
      %sub3A_259 = vector.broadcast %mul3A_36 : i32 to vector<16xi32>
      %sub3A_260 = arith.subi %get3A_258, %sub3A_259 : vector<16xi32>
      %get3A_261 = arith.constant 48 : index
      %get3A_262 = tpu.vector_load %arg11[%get3A_261] {strides = array<i32>} : memref<128xi32, #tpu.memory_space<vmem>>, vector<16xi32>,
      %broadcast_in_dim3A_263 = arith.constant 0 : i32
      %broadcast_in_dim3A_264 = vector.broadcast %broadcast_in_dim3A_263 : i32 to vector<16xi32>
      %add3A_265 = vector.broadcast %add3A_34 : i32 to vector<16xi32>
      %add3A_266 = arith.addi %broadcast_in_dim3A_264, %add3A_265 : vector<16xi32>
      %add3A_267 = arith.constant 4 : i32
      %add3A_268 = vector.broadcast %add3A_267 : i32 to vector<16xi32>
      %add3A_269 = arith.addi %add3A_266, %add3A_268 : vector<16xi32>
      %gather3A_270 = tpu.vector_load_idx %arg7[%sub3A_260, %add3A_266] : memref<10240x8xf32, #tpu.memory_space<vmem>>[vector<16xi32>, vector<16xi32>], vector<16xf32>,
      %gather3A_271 = tpu.vector_load_idx %arg7[%get3A_262, %add3A_269] : memref<10240x8xf32, #tpu.memory_space<vmem>>[vector<16xi32>, vector<16xi32>], vector<16xf32>,
      %add3A_272 = arith.addf %gather3A_270, %gather3A_271 : vector<16xf32>
      %mul3A_273 = arith.constant 2.000000e-01 : f32
      %mul3A_274 = vector.broadcast %mul3A_273 : f32 to vector<16xf32>
      %mul3A_275 = arith.mulf %add3A_272, %mul3A_274 : vector<16xf32>
      %max3A_276 = arith.maximumf %add3A_272, %mul3A_275 : vector<16xf32>
      %sub3A_277 = arith.subf %max3A_276, %gather3A : vector<16xf32>
      %exp3A_278 = math.exp %sub3A_277 : vector<16xf32>
      %swap3A_279 = arith.constant 0 : i32
      %swap3A_280 = arith.index_cast %swap3A_279 : i32 to index
      %swap3A_281 = arith.constant 48 : index
      %swap3A_282 = tpu.vector_load %arg12[%swap3A_280, %swap3A_281] {strides = array<i32>} : memref<1x128xf32, #tpu.memory_space<vmem>>, vector<16xf32>,
      tpu.vector_store %arg12[%swap3A_280, %swap3A_281], %exp3A_278 {strides = array<i32>} : memref<1x128xf32, #tpu.memory_space<vmem>>, vector<16xf32>,
      %get3A_283 = arith.constant 64 : index
      %get3A_284 = tpu.vector_load %arg10[%get3A_283] {strides = array<i32>} : memref<128xi32, #tpu.memory_space<vmem>>, vector<16xi32>,
      %sub3A_285 = vector.broadcast %mul3A_36 : i32 to vector<16xi32>
      %sub3A_286 = arith.subi %get3A_284, %sub3A_285 : vector<16xi32>
      %get3A_287 = arith.constant 64 : index
      %get3A_288 = tpu.vector_load %arg11[%get3A_287] {strides = array<i32>} : memref<128xi32, #tpu.memory_space<vmem>>, vector<16xi32>,
      %broadcast_in_dim3A_289 = arith.constant 0 : i32
      %broadcast_in_dim3A_290 = vector.broadcast %broadcast_in_dim3A_289 : i32 to vector<16xi32>
      %add3A_291 = vector.broadcast %add3A_34 : i32 to vector<16xi32>
      %add3A_292 = arith.addi %broadcast_in_dim3A_290, %add3A_291 : vector<16xi32>
      %add3A_293 = arith.constant 4 : i32
      %add3A_294 = vector.broadcast %add3A_293 : i32 to vector<16xi32>
      %add3A_295 = arith.addi %add3A_292, %add3A_294 : vector<16xi32>
      %gather3A_296 = tpu.vector_load_idx %arg7[%sub3A_286, %add3A_292] : memref<10240x8xf32, #tpu.memory_space<vmem>>[vector<16xi32>, vector<16xi32>], vector<16xf32>,
      %gather3A_297 = tpu.vector_load_idx %arg7[%get3A_288, %add3A_295] : memref<10240x8xf32, #tpu.memory_space<vmem>>[vector<16xi32>, vector<16xi32>], vector<16xf32>,
      %add3A_298 = arith.addf %gather3A_296, %gather3A_297 : vector<16xf32>
      %mul3A_299 = arith.constant 2.000000e-01 : f32
      %mul3A_300 = vector.broadcast %mul3A_299 : f32 to vector<16xf32>
      %mul3A_301 = arith.mulf %add3A_298, %mul3A_300 : vector<16xf32>
      %max3A_302 = arith.maximumf %add3A_298, %mul3A_301 : vector<16xf32>
      %sub3A_303 = arith.subf %max3A_302, %gather3A : vector<16xf32>
      %exp3A_304 = math.exp %sub3A_303 : vector<16xf32>
      %swap3A_305 = arith.constant 0 : i32
      %swap3A_306 = arith.index_cast %swap3A_305 : i32 to index
      %swap3A_307 = arith.constant 64 : index
      %swap3A_308 = tpu.vector_load %arg12[%swap3A_306, %swap3A_307] {strides = array<i32>} : memref<1x128xf32, #tpu.memory_space<vmem>>, vector<16xf32>,
      tpu.vector_store %arg12[%swap3A_306, %swap3A_307], %exp3A_304 {strides = array<i32>} : memref<1x128xf32, #tpu.memory_space<vmem>>, vector<16xf32>,
      %get3A_309 = arith.constant 80 : index
      %get3A_310 = tpu.vector_load %arg10[%get3A_309] {strides = array<i32>} : memref<128xi32, #tpu.memory_space<vmem>>, vector<16xi32>,
      %sub3A_311 = vector.broadcast %mul3A_36 : i32 to vector<16xi32>
      %sub3A_312 = arith.subi %get3A_310, %sub3A_311 : vector<16xi32>
      %get3A_313 = arith.constant 80 : index
      %get3A_314 = tpu.vector_load %arg11[%get3A_313] {strides = array<i32>} : memref<128xi32, #tpu.memory_space<vmem>>, vector<16xi32>,
      %broadcast_in_dim3A_315 = arith.constant 0 : i32
      %broadcast_in_dim3A_316 = vector.broadcast %broadcast_in_dim3A_315 : i32 to vector<16xi32>
      %add3A_317 = vector.broadcast %add3A_34 : i32 to vector<16xi32>
      %add3A_318 = arith.addi %broadcast_in_dim3A_316, %add3A_317 : vector<16xi32>
      %add3A_319 = arith.constant 4 : i32
      %add3A_320 = vector.broadcast %add3A_319 : i32 to vector<16xi32>
      %add3A_321 = arith.addi %add3A_318, %add3A_320 : vector<16xi32>
      %gather3A_322 = tpu.vector_load_idx %arg7[%sub3A_312, %add3A_318] : memref<10240x8xf32, #tpu.memory_space<vmem>>[vector<16xi32>, vector<16xi32>], vector<16xf32>,
      %gather3A_323 = tpu.vector_load_idx %arg7[%get3A_314, %add3A_321] : memref<10240x8xf32, #tpu.memory_space<vmem>>[vector<16xi32>, vector<16xi32>], vector<16xf32>,
      %add3A_324 = arith.addf %gather3A_322, %gather3A_323 : vector<16xf32>
      %mul3A_325 = arith.constant 2.000000e-01 : f32
      %mul3A_326 = vector.broadcast %mul3A_325 : f32 to vector<16xf32>
      %mul3A_327 = arith.mulf %add3A_324, %mul3A_326 : vector<16xf32>
      %max3A_328 = arith.maximumf %add3A_324, %mul3A_327 : vector<16xf32>
      %sub3A_329 = arith.subf %max3A_328, %gather3A : vector<16xf32>
      %exp3A_330 = math.exp %sub3A_329 : vector<16xf32>
      %swap3A_331 = arith.constant 0 : i32
      %swap3A_332 = arith.index_cast %swap3A_331 : i32 to index
      %swap3A_333 = arith.constant 80 : index
      %swap3A_334 = tpu.vector_load %arg12[%swap3A_332, %swap3A_333] {strides = array<i32>} : memref<1x128xf32, #tpu.memory_space<vmem>>, vector<16xf32>,
      tpu.vector_store %arg12[%swap3A_332, %swap3A_333], %exp3A_330 {strides = array<i32>} : memref<1x128xf32, #tpu.memory_space<vmem>>, vector<16xf32>,
      %get3A_335 = arith.constant 96 : index
      %get3A_336 = tpu.vector_load %arg10[%get3A_335] {strides = array<i32>} : memref<128xi32, #tpu.memory_space<vmem>>, vector<16xi32>,
      %sub3A_337 = vector.broadcast %mul3A_36 : i32 to vector<16xi32>
      %sub3A_338 = arith.subi %get3A_336, %sub3A_337 : vector<16xi32>
      %get3A_339 = arith.constant 96 : index
      %get3A_340 = tpu.vector_load %arg11[%get3A_339] {strides = array<i32>} : memref<128xi32, #tpu.memory_space<vmem>>, vector<16xi32>,
      %broadcast_in_dim3A_341 = arith.constant 0 : i32
      %broadcast_in_dim3A_342 = vector.broadcast %broadcast_in_dim3A_341 : i32 to vector<16xi32>
      %add3A_343 = vector.broadcast %add3A_34 : i32 to vector<16xi32>
      %add3A_344 = arith.addi %broadcast_in_dim3A_342, %add3A_343 : vector<16xi32>
      %add3A_345 = arith.constant 4 : i32
      %add3A_346 = vector.broadcast %add3A_345 : i32 to vector<16xi32>
      %add3A_347 = arith.addi %add3A_344, %add3A_346 : vector<16xi32>
      %gather3A_348 = tpu.vector_load_idx %arg7[%sub3A_338, %add3A_344] : memref<10240x8xf32, #tpu.memory_space<vmem>>[vector<16xi32>, vector<16xi32>], vector<16xf32>,
      %gather3A_349 = tpu.vector_load_idx %arg7[%get3A_340, %add3A_347] : memref<10240x8xf32, #tpu.memory_space<vmem>>[vector<16xi32>, vector<16xi32>], vector<16xf32>,
      %add3A_350 = arith.addf %gather3A_348, %gather3A_349 : vector<16xf32>
      %mul3A_351 = arith.constant 2.000000e-01 : f32
      %mul3A_352 = vector.broadcast %mul3A_351 : f32 to vector<16xf32>
      %mul3A_353 = arith.mulf %add3A_350, %mul3A_352 : vector<16xf32>
      %max3A_354 = arith.maximumf %add3A_350, %mul3A_353 : vector<16xf32>
      %sub3A_355 = arith.subf %max3A_354, %gather3A : vector<16xf32>
      %exp3A_356 = math.exp %sub3A_355 : vector<16xf32>
      %swap3A_357 = arith.constant 0 : i32
      %swap3A_358 = arith.index_cast %swap3A_357 : i32 to index
      %swap3A_359 = arith.constant 96 : index
      %swap3A_360 = tpu.vector_load %arg12[%swap3A_358, %swap3A_359] {strides = array<i32>} : memref<1x128xf32, #tpu.memory_space<vmem>>, vector<16xf32>,
      tpu.vector_store %arg12[%swap3A_358, %swap3A_359], %exp3A_356 {strides = array<i32>} : memref<1x128xf32, #tpu.memory_space<vmem>>, vector<16xf32>,
      %get3A_361 = arith.constant 112 : index
      %get3A_362 = tpu.vector_load %arg10[%get3A_361] {strides = array<i32>} : memref<128xi32, #tpu.memory_space<vmem>>, vector<16xi32>,
      %sub3A_363 = vector.broadcast %mul3A_36 : i32 to vector<16xi32>
      %sub3A_364 = arith.subi %get3A_362, %sub3A_363 : vector<16xi32>
      %get3A_365 = arith.constant 112 : index
      %get3A_366 = tpu.vector_load %arg11[%get3A_365] {strides = array<i32>} : memref<128xi32, #tpu.memory_space<vmem>>, vector<16xi32>,
      %broadcast_in_dim3A_367 = arith.constant 0 : i32
      %broadcast_in_dim3A_368 = vector.broadcast %broadcast_in_dim3A_367 : i32 to vector<16xi32>
      %add3A_369 = vector.broadcast %add3A_34 : i32 to vector<16xi32>
      %add3A_370 = arith.addi %broadcast_in_dim3A_368, %add3A_369 : vector<16xi32>
      %add3A_371 = arith.constant 4 : i32
      %add3A_372 = vector.broadcast %add3A_371 : i32 to vector<16xi32>
      %add3A_373 = arith.addi %add3A_370, %add3A_372 : vector<16xi32>
      %gather3A_374 = tpu.vector_load_idx %arg7[%sub3A_364, %add3A_370] : memref<10240x8xf32, #tpu.memory_space<vmem>>[vector<16xi32>, vector<16xi32>], vector<16xf32>,
      %gather3A_375 = tpu.vector_load_idx %arg7[%get3A_366, %add3A_373] : memref<10240x8xf32, #tpu.memory_space<vmem>>[vector<16xi32>, vector<16xi32>], vector<16xf32>,
      %add3A_376 = arith.addf %gather3A_374, %gather3A_375 : vector<16xf32>
      %mul3A_377 = arith.constant 2.000000e-01 : f32
      %mul3A_378 = vector.broadcast %mul3A_377 : f32 to vector<16xf32>
      %mul3A_379 = arith.mulf %add3A_376, %mul3A_378 : vector<16xf32>
      %max3A_380 = arith.maximumf %add3A_376, %mul3A_379 : vector<16xf32>
      %sub3A_381 = arith.subf %max3A_380, %gather3A : vector<16xf32>
      %exp3A_382 = math.exp %sub3A_381 : vector<16xf32>
      %swap3A_383 = arith.constant 0 : i32
      %swap3A_384 = arith.index_cast %swap3A_383 : i32 to index
      %swap3A_385 = arith.constant 112 : index
      %swap3A_386 = tpu.vector_load %arg12[%swap3A_384, %swap3A_385] {strides = array<i32>} : memref<1x128xf32, #tpu.memory_space<vmem>>, vector<16xf32>,
      tpu.vector_store %arg12[%swap3A_384, %swap3A_385], %exp3A_382 {strides = array<i32>} : memref<1x128xf32, #tpu.memory_space<vmem>>, vector<16xf32>,
      %dma_wait3A = arith.constant 0 : i32
      %dma_wait3A_387 = arith.constant 0 : i32
      %dma_wait3A_388 = tpu.memref_slice %arg3[%dma_wait3A, %dma_wait3A_387] : memref<20480x48xf32, #tpu.memory_space<hbm>> -> memref<20480x48xf32, #tpu.memory_space<hbm>>
      tpu.wait_indirect_dma semaphore(%arg15 : memref<!tpu.dma_semaphore, #tpu.memory_space<semaphore_mem>>) src(%dma_wait3A_388 : memref<20480x48xf32, #tpu.memory_space<hbm>>) dst(%arg8 : memref<128x48xf32, #tpu.memory_space<vmem>>)
      %scan3A_389 = arith.constant 0 : i32
      %scan3A_390 = arith.constant 0 : i32
      %scan3A_391 = arith.constant 128 : i32
      %scan3A_392 = arith.addi %scan3A_390, %scan3A_391 : i32
      %scan3A_393 = arith.constant 4 : i32
      scf.for %scan3A_395 = %scan3A_390 to %scan3A_392 step %scan3A_393  : i32 {
        %broadcast_in_dim3A_396 = vector.broadcast %scan3A_395 : i32 to vector<16xi32>
        %broadcast_in_dim3A_397 = arith.constant 0 : i32
        %broadcast_in_dim3A_398 = vector.broadcast %broadcast_in_dim3A_397 : i32 to vector<16xi32>
        %gather3A_399 = tpu.vector_load_idx %arg12[%broadcast_in_dim3A_398, %broadcast_in_dim3A_396] : memref<1x128xf32, #tpu.memory_space<vmem>>[vector<16xi32>, vector<16xi32>], vector<16xf32>,
        %mul3A_400 = arith.mulf %gather3A_399, %convert_element_type3A_30 : vector<16xf32>
        %get3A_401 = arith.index_cast %scan3A_395 : i32 to index
        %get3A_402 = arith.constant 0 : index
        %get3A_403 = tpu.vector_load %arg8[%get3A_401, %get3A_402] {strides = array<i32>} : memref<128x48xf32, #tpu.memory_space<vmem>>, vector<16xf32>,
        %mul3A_404 = arith.mulf %get3A_403, %gather3A_399 : vector<16xf32>
        %swap3A_405 = arith.index_cast %scan3A_395 : i32 to index
        %swap3A_406 = arith.constant 0 : index
        %swap3A_407 = tpu.vector_load %arg8[%swap3A_405, %swap3A_406] {strides = array<i32>} : memref<128x48xf32, #tpu.memory_space<vmem>>, vector<16xf32>,
        tpu.vector_store %arg8[%swap3A_405, %swap3A_406], %mul3A_404 {strides = array<i32>} : memref<128x48xf32, #tpu.memory_space<vmem>>, vector<16xf32>,
        %get3A_408 = arith.index_cast %scan3A_395 : i32 to index
        %get3A_409 = arith.constant 16 : index
        %get3A_410 = tpu.vector_load %arg8[%get3A_408, %get3A_409] {strides = array<i32>} : memref<128x48xf32, #tpu.memory_space<vmem>>, vector<16xf32>,
        %mul3A_411 = arith.mulf %get3A_410, %gather3A_399 : vector<16xf32>
        %swap3A_412 = arith.index_cast %scan3A_395 : i32 to index
        %swap3A_413 = arith.constant 16 : index
        %swap3A_414 = tpu.vector_load %arg8[%swap3A_412, %swap3A_413] {strides = array<i32>} : memref<128x48xf32, #tpu.memory_space<vmem>>, vector<16xf32>,
        tpu.vector_store %arg8[%swap3A_412, %swap3A_413], %mul3A_411 {strides = array<i32>} : memref<128x48xf32, #tpu.memory_space<vmem>>, vector<16xf32>,
        %get3A_415 = arith.index_cast %scan3A_395 : i32 to index
        %get3A_416 = arith.constant 32 : index
        %get3A_417 = tpu.vector_load %arg8[%get3A_415, %get3A_416] {strides = array<i32>} : memref<128x48xf32, #tpu.memory_space<vmem>>, vector<16xf32>,
        %mul3A_418 = arith.mulf %get3A_417, %mul3A_400 : vector<16xf32>
        %swap3A_419 = arith.index_cast %scan3A_395 : i32 to index
        %swap3A_420 = arith.constant 32 : index
        %swap3A_421 = tpu.vector_load %arg8[%swap3A_419, %swap3A_420] {strides = array<i32>} : memref<128x48xf32, #tpu.memory_space<vmem>>, vector<16xf32>,
        tpu.vector_store %arg8[%swap3A_419, %swap3A_420], %mul3A_418 {strides = array<i32>} : memref<128x48xf32, #tpu.memory_space<vmem>>, vector<16xf32>,
        %scan3A_422 = arith.constant 1 : i32
        %scan3A_423 = arith.addi %scan3A_395, %scan3A_422 : i32
        %broadcast_in_dim3A_424 = vector.broadcast %scan3A_423 : i32 to vector<16xi32>
        %broadcast_in_dim3A_425 = arith.constant 0 : i32
        %broadcast_in_dim3A_426 = vector.broadcast %broadcast_in_dim3A_425 : i32 to vector<16xi32>
        %gather3A_427 = tpu.vector_load_idx %arg12[%broadcast_in_dim3A_426, %broadcast_in_dim3A_424] : memref<1x128xf32, #tpu.memory_space<vmem>>[vector<16xi32>, vector<16xi32>], vector<16xf32>,
        %mul3A_428 = arith.mulf %gather3A_427, %convert_element_type3A_30 : vector<16xf32>
        %get3A_429 = arith.index_cast %scan3A_423 : i32 to index
        %get3A_430 = arith.constant 0 : index
        %get3A_431 = tpu.vector_load %arg8[%get3A_429, %get3A_430] {strides = array<i32>} : memref<128x48xf32, #tpu.memory_space<vmem>>, vector<16xf32>,
        %mul3A_432 = arith.mulf %get3A_431, %gather3A_427 : vector<16xf32>
        %swap3A_433 = arith.index_cast %scan3A_423 : i32 to index
        %swap3A_434 = arith.constant 0 : index
        %swap3A_435 = tpu.vector_load %arg8[%swap3A_433, %swap3A_434] {strides = array<i32>} : memref<128x48xf32, #tpu.memory_space<vmem>>, vector<16xf32>,
        tpu.vector_store %arg8[%swap3A_433, %swap3A_434], %mul3A_432 {strides = array<i32>} : memref<128x48xf32, #tpu.memory_space<vmem>>, vector<16xf32>,
        %get3A_436 = arith.index_cast %scan3A_423 : i32 to index
        %get3A_437 = arith.constant 16 : index
        %get3A_438 = tpu.vector_load %arg8[%get3A_436, %get3A_437] {strides = array<i32>} : memref<128x48xf32, #tpu.memory_space<vmem>>, vector<16xf32>,
        %mul3A_439 = arith.mulf %get3A_438, %gather3A_427 : vector<16xf32>
        %swap3A_440 = arith.index_cast %scan3A_423 : i32 to index
        %swap3A_441 = arith.constant 16 : index
        %swap3A_442 = tpu.vector_load %arg8[%swap3A_440, %swap3A_441] {strides = array<i32>} : memref<128x48xf32, #tpu.memory_space<vmem>>, vector<16xf32>,
        tpu.vector_store %arg8[%swap3A_440, %swap3A_441], %mul3A_439 {strides = array<i32>} : memref<128x48xf32, #tpu.memory_space<vmem>>, vector<16xf32>,
        %get3A_443 = arith.index_cast %scan3A_423 : i32 to index
        %get3A_444 = arith.constant 32 : index
        %get3A_445 = tpu.vector_load %arg8[%get3A_443, %get3A_444] {strides = array<i32>} : memref<128x48xf32, #tpu.memory_space<vmem>>, vector<16xf32>,
        %mul3A_446 = arith.mulf %get3A_445, %mul3A_428 : vector<16xf32>
        %swap3A_447 = arith.index_cast %scan3A_423 : i32 to index
        %swap3A_448 = arith.constant 32 : index
        %swap3A_449 = tpu.vector_load %arg8[%swap3A_447, %swap3A_448] {strides = array<i32>} : memref<128x48xf32, #tpu.memory_space<vmem>>, vector<16xf32>,
        tpu.vector_store %arg8[%swap3A_447, %swap3A_448], %mul3A_446 {strides = array<i32>} : memref<128x48xf32, #tpu.memory_space<vmem>>, vector<16xf32>,
        %scan3A_450 = arith.constant 2 : i32
        %scan3A_451 = arith.addi %scan3A_395, %scan3A_450 : i32
        %broadcast_in_dim3A_452 = vector.broadcast %scan3A_451 : i32 to vector<16xi32>
        %broadcast_in_dim3A_453 = arith.constant 0 : i32
        %broadcast_in_dim3A_454 = vector.broadcast %broadcast_in_dim3A_453 : i32 to vector<16xi32>
        %gather3A_455 = tpu.vector_load_idx %arg12[%broadcast_in_dim3A_454, %broadcast_in_dim3A_452] : memref<1x128xf32, #tpu.memory_space<vmem>>[vector<16xi32>, vector<16xi32>], vector<16xf32>,
        %mul3A_456 = arith.mulf %gather3A_455, %convert_element_type3A_30 : vector<16xf32>
        %get3A_457 = arith.index_cast %scan3A_451 : i32 to index
        %get3A_458 = arith.constant 0 : index
        %get3A_459 = tpu.vector_load %arg8[%get3A_457, %get3A_458] {strides = array<i32>} : memref<128x48xf32, #tpu.memory_space<vmem>>, vector<16xf32>,
        %mul3A_460 = arith.mulf %get3A_459, %gather3A_455 : vector<16xf32>
        %swap3A_461 = arith.index_cast %scan3A_451 : i32 to index
        %swap3A_462 = arith.constant 0 : index
        %swap3A_463 = tpu.vector_load %arg8[%swap3A_461, %swap3A_462] {strides = array<i32>} : memref<128x48xf32, #tpu.memory_space<vmem>>, vector<16xf32>,
        tpu.vector_store %arg8[%swap3A_461, %swap3A_462], %mul3A_460 {strides = array<i32>} : memref<128x48xf32, #tpu.memory_space<vmem>>, vector<16xf32>,
        %get3A_464 = arith.index_cast %scan3A_451 : i32 to index
        %get3A_465 = arith.constant 16 : index
        %get3A_466 = tpu.vector_load %arg8[%get3A_464, %get3A_465] {strides = array<i32>} : memref<128x48xf32, #tpu.memory_space<vmem>>, vector<16xf32>,
        %mul3A_467 = arith.mulf %get3A_466, %gather3A_455 : vector<16xf32>
        %swap3A_468 = arith.index_cast %scan3A_451 : i32 to index
        %swap3A_469 = arith.constant 16 : index
        %swap3A_470 = tpu.vector_load %arg8[%swap3A_468, %swap3A_469] {strides = array<i32>} : memref<128x48xf32, #tpu.memory_space<vmem>>, vector<16xf32>,
        tpu.vector_store %arg8[%swap3A_468, %swap3A_469], %mul3A_467 {strides = array<i32>} : memref<128x48xf32, #tpu.memory_space<vmem>>, vector<16xf32>,
        %get3A_471 = arith.index_cast %scan3A_451 : i32 to index
        %get3A_472 = arith.constant 32 : index
        %get3A_473 = tpu.vector_load %arg8[%get3A_471, %get3A_472] {strides = array<i32>} : memref<128x48xf32, #tpu.memory_space<vmem>>, vector<16xf32>,
        %mul3A_474 = arith.mulf %get3A_473, %mul3A_456 : vector<16xf32>
        %swap3A_475 = arith.index_cast %scan3A_451 : i32 to index
        %swap3A_476 = arith.constant 32 : index
        %swap3A_477 = tpu.vector_load %arg8[%swap3A_475, %swap3A_476] {strides = array<i32>} : memref<128x48xf32, #tpu.memory_space<vmem>>, vector<16xf32>,
        tpu.vector_store %arg8[%swap3A_475, %swap3A_476], %mul3A_474 {strides = array<i32>} : memref<128x48xf32, #tpu.memory_space<vmem>>, vector<16xf32>,
        %scan3A_478 = arith.constant 3 : i32
        %scan3A_479 = arith.addi %scan3A_395, %scan3A_478 : i32
        %broadcast_in_dim3A_480 = vector.broadcast %scan3A_479 : i32 to vector<16xi32>
        %broadcast_in_dim3A_481 = arith.constant 0 : i32
        %broadcast_in_dim3A_482 = vector.broadcast %broadcast_in_dim3A_481 : i32 to vector<16xi32>
        %gather3A_483 = tpu.vector_load_idx %arg12[%broadcast_in_dim3A_482, %broadcast_in_dim3A_480] : memref<1x128xf32, #tpu.memory_space<vmem>>[vector<16xi32>, vector<16xi32>], vector<16xf32>,
        %mul3A_484 = arith.mulf %gather3A_483, %convert_element_type3A_30 : vector<16xf32>
        %get3A_485 = arith.index_cast %scan3A_479 : i32 to index
        %get3A_486 = arith.constant 0 : index
        %get3A_487 = tpu.vector_load %arg8[%get3A_485, %get3A_486] {strides = array<i32>} : memref<128x48xf32, #tpu.memory_space<vmem>>, vector<16xf32>,
        %mul3A_488 = arith.mulf %get3A_487, %gather3A_483 : vector<16xf32>
        %swap3A_489 = arith.index_cast %scan3A_479 : i32 to index
        %swap3A_490 = arith.constant 0 : index
        %swap3A_491 = tpu.vector_load %arg8[%swap3A_489, %swap3A_490] {strides = array<i32>} : memref<128x48xf32, #tpu.memory_space<vmem>>, vector<16xf32>,
        tpu.vector_store %arg8[%swap3A_489, %swap3A_490], %mul3A_488 {strides = array<i32>} : memref<128x48xf32, #tpu.memory_space<vmem>>, vector<16xf32>,
        %get3A_492 = arith.index_cast %scan3A_479 : i32 to index
        %get3A_493 = arith.constant 16 : index
        %get3A_494 = tpu.vector_load %arg8[%get3A_492, %get3A_493] {strides = array<i32>} : memref<128x48xf32, #tpu.memory_space<vmem>>, vector<16xf32>,
        %mul3A_495 = arith.mulf %get3A_494, %gather3A_483 : vector<16xf32>
        %swap3A_496 = arith.index_cast %scan3A_479 : i32 to index
        %swap3A_497 = arith.constant 16 : index
        %swap3A_498 = tpu.vector_load %arg8[%swap3A_496, %swap3A_497] {strides = array<i32>} : memref<128x48xf32, #tpu.memory_space<vmem>>, vector<16xf32>,
        tpu.vector_store %arg8[%swap3A_496, %swap3A_497], %mul3A_495 {strides = array<i32>} : memref<128x48xf32, #tpu.memory_space<vmem>>, vector<16xf32>,
        %get3A_499 = arith.index_cast %scan3A_479 : i32 to index
        %get3A_500 = arith.constant 32 : index
        %get3A_501 = tpu.vector_load %arg8[%get3A_499, %get3A_500] {strides = array<i32>} : memref<128x48xf32, #tpu.memory_space<vmem>>, vector<16xf32>,
        %mul3A_502 = arith.mulf %get3A_501, %mul3A_484 : vector<16xf32>
        %swap3A_503 = arith.index_cast %scan3A_479 : i32 to index
        %swap3A_504 = arith.constant 32 : index
        %swap3A_505 = tpu.vector_load %arg8[%swap3A_503, %swap3A_504] {strides = array<i32>} : memref<128x48xf32, #tpu.memory_space<vmem>>, vector<16xf32>,
        tpu.vector_store %arg8[%swap3A_503, %swap3A_504], %mul3A_502 {strides = array<i32>} : memref<128x48xf32, #tpu.memory_space<vmem>>, vector<16xf32>,
      }
      %scan3A_394 = arith.constant 128 : i32
      "tpu.region"() ({
        %run_scoped3A = tpu.sem_alloc : memref<!tpu.dma_semaphore, #tpu.memory_space<semaphore_mem>>
        %dma_start3A_395 = arith.constant 0 : i32
        %dma_start3A_396 = arith.constant 0 : i32
        %dma_start3A_397 = tpu.memref_slice %arg14[%dma_start3A_395, %dma_start3A_396] : memref<10240x48xf32, #tpu.memory_space<vmem_shared>> -> memref<10240x48xf32, #tpu.memory_space<vmem_shared>>
        tpu.enqueue_indirect_dma source(%arg8 : memref<128x48xf32, #tpu.memory_space<vmem>>) target(%dma_start3A_397 : memref<10240x48xf32, #tpu.memory_space<vmem_shared>>) offsets(%arg11 : memref<128xi32, #tpu.memory_space<vmem>>) semaphore(%run_scoped3A : memref<!tpu.dma_semaphore, #tpu.memory_space<semaphore_mem>>) {add = true}
        %dma_wait3A_398 = arith.constant 0 : i32
        %dma_wait3A_399 = arith.constant 0 : i32
        %dma_wait3A_400 = tpu.memref_slice %arg14[%dma_wait3A_398, %dma_wait3A_399] : memref<10240x48xf32, #tpu.memory_space<vmem_shared>> -> memref<10240x48xf32, #tpu.memory_space<vmem_shared>>
        tpu.wait_indirect_dma semaphore(%run_scoped3A : memref<!tpu.dma_semaphore, #tpu.memory_space<semaphore_mem>>) src(%arg8 : memref<128x48xf32, #tpu.memory_space<vmem>>) dst(%dma_wait3A_400 : memref<10240x48xf32, #tpu.memory_space<vmem_shared>>)
        tpu.yield
      }) : () -> ()
    }
    %scan3A_42 = arith.constant 162 : i32
    %barrier3A_43 = arith.constant 0 : index
    tpu.barrier barrier_id(%barrier3A_43)
    %mul3A_44 = arith.constant 640 : i32
    %mul3A_45 = arith.muli %arg1, %mul3A_44 : i32
    %add3A_46 = arith.constant 0 : i32
    %add3A_47 = arith.addi %mul3A_45, %add3A_46 : i32
    "tpu.region"() ({
      %run_scoped3A = tpu.sem_alloc : memref<!tpu.dma_semaphore, #tpu.memory_space<semaphore_mem>>
      %dma_start3A = arith.constant 0 : i32
      %dma_start3A_64 = tpu.memref_slice %arg14[%add3A_47, %dma_start3A] : memref<10240x48xf32, #tpu.memory_space<vmem_shared>> -> memref<128x48xf32, #tpu.memory_space<vmem_shared>>
      %dma_start3A_65 = arith.constant 0 : i32
      %dma_start3A_66 = tpu.memref_slice %arg14[%add3A_47, %dma_start3A_65] : memref<10240x48xf32, #tpu.memory_space<vmem_shared>> -> memref<128x48xf32, #tpu.memory_space<vmem_shared>>
      tpu.enqueue_dma source(%dma_start3A_66 : memref<128x48xf32, #tpu.memory_space<vmem_shared>>) target(%arg8 : memref<128x48xf32, #tpu.memory_space<vmem>>) target_semaphore(%run_scoped3A : memref<!tpu.dma_semaphore, #tpu.memory_space<semaphore_mem>>)
      %dma_wait3A = arith.constant 0 : i32
      %dma_wait3A_67 = tpu.memref_slice %arg14[%add3A_47, %dma_wait3A] : memref<10240x48xf32, #tpu.memory_space<vmem_shared>> -> memref<128x48xf32, #tpu.memory_space<vmem_shared>>
      %dma_wait3A_68 = arith.constant 0 : i32
      %dma_wait3A_69 = tpu.memref_slice %arg14[%add3A_47, %dma_wait3A_68] : memref<10240x48xf32, #tpu.memory_space<vmem_shared>> -> memref<128x48xf32, #tpu.memory_space<vmem_shared>>
      tpu.wait_dma2 semaphore(%run_scoped3A : memref<!tpu.dma_semaphore, #tpu.memory_space<semaphore_mem>>) src(%dma_wait3A_69 : memref<128x48xf32, #tpu.memory_space<vmem_shared>>) dst(%arg8 : memref<128x48xf32, #tpu.memory_space<vmem>>)
      tpu.yield
    }) : () -> ()
    "tpu.region"() ({
      %run_scoped3A = tpu.sem_alloc : memref<!tpu.dma_semaphore, #tpu.memory_space<semaphore_mem>>
      %dma_start3A = arith.constant 0 : i32
      %dma_start3A_64 = tpu.memref_slice %arg6[%arg0, %add3A_47, %dma_start3A] : memref<2x10240x48xf32, #tpu.memory_space<hbm>> -> memref<1x128x48xf32, #tpu.memory_space<hbm>>
      %dma_start3A_65 = tpu.memref_squeeze %dma_start3A_64 : memref<1x128x48xf32, #tpu.memory_space<hbm>> -> memref<128x48xf32, #tpu.memory_space<hbm>>
      %dma_start3A_66 = arith.constant 0 : i32
      %dma_start3A_67 = tpu.memref_slice %arg6[%arg0, %add3A_47, %dma_start3A_66] : memref<2x10240x48xf32, #tpu.memory_space<hbm>> -> memref<1x128x48xf32, #tpu.memory_space<hbm>>
      %dma_start3A_68 = tpu.memref_squeeze %dma_start3A_67 : memref<1x128x48xf32, #tpu.memory_space<hbm>> -> memref<128x48xf32, #tpu.memory_space<hbm>>
      tpu.enqueue_dma source(%arg8 : memref<128x48xf32, #tpu.memory_space<vmem>>) target(%dma_start3A_68 : memref<128x48xf32, #tpu.memory_space<hbm>>) target_semaphore(%run_scoped3A : memref<!tpu.dma_semaphore, #tpu.memory_space<semaphore_mem>>)
      %dma_wait3A = arith.constant 0 : i32
      %dma_wait3A_69 = tpu.memref_slice %arg6[%arg0, %add3A_47, %dma_wait3A] : memref<2x10240x48xf32, #tpu.memory_space<hbm>> -> memref<1x128x48xf32, #tpu.memory_space<hbm>>
      %dma_wait3A_70 = tpu.memref_squeeze %dma_wait3A_69 : memref<1x128x48xf32, #tpu.memory_space<hbm>> -> memref<128x48xf32, #tpu.memory_space<hbm>>
      %dma_wait3A_71 = arith.constant 0 : i32
      %dma_wait3A_72 = tpu.memref_slice %arg6[%arg0, %add3A_47, %dma_wait3A_71] : memref<2x10240x48xf32, #tpu.memory_space<hbm>> -> memref<1x128x48xf32, #tpu.memory_space<hbm>>
      %dma_wait3A_73 = tpu.memref_squeeze %dma_wait3A_72 : memref<1x128x48xf32, #tpu.memory_space<hbm>> -> memref<128x48xf32, #tpu.memory_space<hbm>>
      tpu.wait_dma2 semaphore(%run_scoped3A : memref<!tpu.dma_semaphore, #tpu.memory_space<semaphore_mem>>) src(%arg8 : memref<128x48xf32, #tpu.memory_space<vmem>>) dst(%dma_wait3A_73 : memref<128x48xf32, #tpu.memory_space<hbm>>)
      tpu.yield
    }) : () -> ()
    %mul3A_48 = arith.constant 640 : i32
    %mul3A_49 = arith.muli %arg1, %mul3A_48 : i32
    %add3A_50 = arith.constant 128 : i32
    %add3A_51 = arith.addi %mul3A_49, %add3A_50 : i32
    "tpu.region"() ({
      %run_scoped3A = tpu.sem_alloc : memref<!tpu.dma_semaphore, #tpu.memory_space<semaphore_mem>>
      %dma_start3A = arith.constant 0 : i32
      %dma_start3A_64 = tpu.memref_slice %arg14[%add3A_51, %dma_start3A] : memref<10240x48xf32, #tpu.memory_space<vmem_shared>> -> memref<128x48xf32, #tpu.memory_space<vmem_shared>>
      %dma_start3A_65 = arith.constant 0 : i32
      %dma_start3A_66 = tpu.memref_slice %arg14[%add3A_51, %dma_start3A_65] : memref<10240x48xf32, #tpu.memory_space<vmem_shared>> -> memref<128x48xf32, #tpu.memory_space<vmem_shared>>
      tpu.enqueue_dma source(%dma_start3A_66 : memref<128x48xf32, #tpu.memory_space<vmem_shared>>) target(%arg8 : memref<128x48xf32, #tpu.memory_space<vmem>>) target_semaphore(%run_scoped3A : memref<!tpu.dma_semaphore, #tpu.memory_space<semaphore_mem>>)
      %dma_wait3A = arith.constant 0 : i32
      %dma_wait3A_67 = tpu.memref_slice %arg14[%add3A_51, %dma_wait3A] : memref<10240x48xf32, #tpu.memory_space<vmem_shared>> -> memref<128x48xf32, #tpu.memory_space<vmem_shared>>
      %dma_wait3A_68 = arith.constant 0 : i32
      %dma_wait3A_69 = tpu.memref_slice %arg14[%add3A_51, %dma_wait3A_68] : memref<10240x48xf32, #tpu.memory_space<vmem_shared>> -> memref<128x48xf32, #tpu.memory_space<vmem_shared>>
      tpu.wait_dma2 semaphore(%run_scoped3A : memref<!tpu.dma_semaphore, #tpu.memory_space<semaphore_mem>>) src(%dma_wait3A_69 : memref<128x48xf32, #tpu.memory_space<vmem_shared>>) dst(%arg8 : memref<128x48xf32, #tpu.memory_space<vmem>>)
      tpu.yield
    }) : () -> ()
    "tpu.region"() ({
      %run_scoped3A = tpu.sem_alloc : memref<!tpu.dma_semaphore, #tpu.memory_space<semaphore_mem>>
      %dma_start3A = arith.constant 0 : i32
      %dma_start3A_64 = tpu.memref_slice %arg6[%arg0, %add3A_51, %dma_start3A] : memref<2x10240x48xf32, #tpu.memory_space<hbm>> -> memref<1x128x48xf32, #tpu.memory_space<hbm>>
      %dma_start3A_65 = tpu.memref_squeeze %dma_start3A_64 : memref<1x128x48xf32, #tpu.memory_space<hbm>> -> memref<128x48xf32, #tpu.memory_space<hbm>>
      %dma_start3A_66 = arith.constant 0 : i32
      %dma_start3A_67 = tpu.memref_slice %arg6[%arg0, %add3A_51, %dma_start3A_66] : memref<2x10240x48xf32, #tpu.memory_space<hbm>> -> memref<1x128x48xf32, #tpu.memory_space<hbm>>
      %dma_start3A_68 = tpu.memref_squeeze %dma_start3A_67 : memref<1x128x48xf32, #tpu.memory_space<hbm>> -> memref<128x48xf32, #tpu.memory_space<hbm>>
      tpu.enqueue_dma source(%arg8 : memref<128x48xf32, #tpu.memory_space<vmem>>) target(%dma_start3A_68 : memref<128x48xf32, #tpu.memory_space<hbm>>) target_semaphore(%run_scoped3A : memref<!tpu.dma_semaphore, #tpu.memory_space<semaphore_mem>>)
      %dma_wait3A = arith.constant 0 : i32
      %dma_wait3A_69 = tpu.memref_slice %arg6[%arg0, %add3A_51, %dma_wait3A] : memref<2x10240x48xf32, #tpu.memory_space<hbm>> -> memref<1x128x48xf32, #tpu.memory_space<hbm>>
      %dma_wait3A_70 = tpu.memref_squeeze %dma_wait3A_69 : memref<1x128x48xf32, #tpu.memory_space<hbm>> -> memref<128x48xf32, #tpu.memory_space<hbm>>
      %dma_wait3A_71 = arith.constant 0 : i32
      %dma_wait3A_72 = tpu.memref_slice %arg6[%arg0, %add3A_51, %dma_wait3A_71] : memref<2x10240x48xf32, #tpu.memory_space<hbm>> -> memref<1x128x48xf32, #tpu.memory_space<hbm>>
      %dma_wait3A_73 = tpu.memref_squeeze %dma_wait3A_72 : memref<1x128x48xf32, #tpu.memory_space<hbm>> -> memref<128x48xf32, #tpu.memory_space<hbm>>
      tpu.wait_dma2 semaphore(%run_scoped3A : memref<!tpu.dma_semaphore, #tpu.memory_space<semaphore_mem>>) src(%arg8 : memref<128x48xf32, #tpu.memory_space<vmem>>) dst(%dma_wait3A_73 : memref<128x48xf32, #tpu.memory_space<hbm>>)
      tpu.yield
    }) : () -> ()
    %mul3A_52 = arith.constant 640 : i32
    %mul3A_53 = arith.muli %arg1, %mul3A_52 : i32
    %add3A_54 = arith.constant 256 : i32
    %add3A_55 = arith.addi %mul3A_53, %add3A_54 : i32
    "tpu.region"() ({
      %run_scoped3A = tpu.sem_alloc : memref<!tpu.dma_semaphore, #tpu.memory_space<semaphore_mem>>
      %dma_start3A = arith.constant 0 : i32
      %dma_start3A_64 = tpu.memref_slice %arg14[%add3A_55, %dma_start3A] : memref<10240x48xf32, #tpu.memory_space<vmem_shared>> -> memref<128x48xf32, #tpu.memory_space<vmem_shared>>
      %dma_start3A_65 = arith.constant 0 : i32
      %dma_start3A_66 = tpu.memref_slice %arg14[%add3A_55, %dma_start3A_65] : memref<10240x48xf32, #tpu.memory_space<vmem_shared>> -> memref<128x48xf32, #tpu.memory_space<vmem_shared>>
      tpu.enqueue_dma source(%dma_start3A_66 : memref<128x48xf32, #tpu.memory_space<vmem_shared>>) target(%arg8 : memref<128x48xf32, #tpu.memory_space<vmem>>) target_semaphore(%run_scoped3A : memref<!tpu.dma_semaphore, #tpu.memory_space<semaphore_mem>>)
      %dma_wait3A = arith.constant 0 : i32
      %dma_wait3A_67 = tpu.memref_slice %arg14[%add3A_55, %dma_wait3A] : memref<10240x48xf32, #tpu.memory_space<vmem_shared>> -> memref<128x48xf32, #tpu.memory_space<vmem_shared>>
      %dma_wait3A_68 = arith.constant 0 : i32
      %dma_wait3A_69 = tpu.memref_slice %arg14[%add3A_55, %dma_wait3A_68] : memref<10240x48xf32, #tpu.memory_space<vmem_shared>> -> memref<128x48xf32, #tpu.memory_space<vmem_shared>>
      tpu.wait_dma2 semaphore(%run_scoped3A : memref<!tpu.dma_semaphore, #tpu.memory_space<semaphore_mem>>) src(%dma_wait3A_69 : memref<128x48xf32, #tpu.memory_space<vmem_shared>>) dst(%arg8 : memref<128x48xf32, #tpu.memory_space<vmem>>)
      tpu.yield
    }) : () -> ()
    "tpu.region"() ({
      %run_scoped3A = tpu.sem_alloc : memref<!tpu.dma_semaphore, #tpu.memory_space<semaphore_mem>>
      %dma_start3A = arith.constant 0 : i32
      %dma_start3A_64 = tpu.memref_slice %arg6[%arg0, %add3A_55, %dma_start3A] : memref<2x10240x48xf32, #tpu.memory_space<hbm>> -> memref<1x128x48xf32, #tpu.memory_space<hbm>>
      %dma_start3A_65 = tpu.memref_squeeze %dma_start3A_64 : memref<1x128x48xf32, #tpu.memory_space<hbm>> -> memref<128x48xf32, #tpu.memory_space<hbm>>
      %dma_start3A_66 = arith.constant 0 : i32
      %dma_start3A_67 = tpu.memref_slice %arg6[%arg0, %add3A_55, %dma_start3A_66] : memref<2x10240x48xf32, #tpu.memory_space<hbm>> -> memref<1x128x48xf32, #tpu.memory_space<hbm>>
      %dma_start3A_68 = tpu.memref_squeeze %dma_start3A_67 : memref<1x128x48xf32, #tpu.memory_space<hbm>> -> memref<128x48xf32, #tpu.memory_space<hbm>>
      tpu.enqueue_dma source(%arg8 : memref<128x48xf32, #tpu.memory_space<vmem>>) target(%dma_start3A_68 : memref<128x48xf32, #tpu.memory_space<hbm>>) target_semaphore(%run_scoped3A : memref<!tpu.dma_semaphore, #tpu.memory_space<semaphore_mem>>)
      %dma_wait3A = arith.constant 0 : i32
      %dma_wait3A_69 = tpu.memref_slice %arg6[%arg0, %add3A_55, %dma_wait3A] : memref<2x10240x48xf32, #tpu.memory_space<hbm>> -> memref<1x128x48xf32, #tpu.memory_space<hbm>>
      %dma_wait3A_70 = tpu.memref_squeeze %dma_wait3A_69 : memref<1x128x48xf32, #tpu.memory_space<hbm>> -> memref<128x48xf32, #tpu.memory_space<hbm>>
      %dma_wait3A_71 = arith.constant 0 : i32
      %dma_wait3A_72 = tpu.memref_slice %arg6[%arg0, %add3A_55, %dma_wait3A_71] : memref<2x10240x48xf32, #tpu.memory_space<hbm>> -> memref<1x128x48xf32, #tpu.memory_space<hbm>>
      %dma_wait3A_73 = tpu.memref_squeeze %dma_wait3A_72 : memref<1x128x48xf32, #tpu.memory_space<hbm>> -> memref<128x48xf32, #tpu.memory_space<hbm>>
      tpu.wait_dma2 semaphore(%run_scoped3A : memref<!tpu.dma_semaphore, #tpu.memory_space<semaphore_mem>>) src(%arg8 : memref<128x48xf32, #tpu.memory_space<vmem>>) dst(%dma_wait3A_73 : memref<128x48xf32, #tpu.memory_space<hbm>>)
      tpu.yield
    }) : () -> ()
    %mul3A_56 = arith.constant 640 : i32
    %mul3A_57 = arith.muli %arg1, %mul3A_56 : i32
    %add3A_58 = arith.constant 384 : i32
    %add3A_59 = arith.addi %mul3A_57, %add3A_58 : i32
    "tpu.region"() ({
      %run_scoped3A = tpu.sem_alloc : memref<!tpu.dma_semaphore, #tpu.memory_space<semaphore_mem>>
      %dma_start3A = arith.constant 0 : i32
      %dma_start3A_64 = tpu.memref_slice %arg14[%add3A_59, %dma_start3A] : memref<10240x48xf32, #tpu.memory_space<vmem_shared>> -> memref<128x48xf32, #tpu.memory_space<vmem_shared>>
      %dma_start3A_65 = arith.constant 0 : i32
      %dma_start3A_66 = tpu.memref_slice %arg14[%add3A_59, %dma_start3A_65] : memref<10240x48xf32, #tpu.memory_space<vmem_shared>> -> memref<128x48xf32, #tpu.memory_space<vmem_shared>>
      tpu.enqueue_dma source(%dma_start3A_66 : memref<128x48xf32, #tpu.memory_space<vmem_shared>>) target(%arg8 : memref<128x48xf32, #tpu.memory_space<vmem>>) target_semaphore(%run_scoped3A : memref<!tpu.dma_semaphore, #tpu.memory_space<semaphore_mem>>)
      %dma_wait3A = arith.constant 0 : i32
      %dma_wait3A_67 = tpu.memref_slice %arg14[%add3A_59, %dma_wait3A] : memref<10240x48xf32, #tpu.memory_space<vmem_shared>> -> memref<128x48xf32, #tpu.memory_space<vmem_shared>>
      %dma_wait3A_68 = arith.constant 0 : i32
      %dma_wait3A_69 = tpu.memref_slice %arg14[%add3A_59, %dma_wait3A_68] : memref<10240x48xf32, #tpu.memory_space<vmem_shared>> -> memref<128x48xf32, #tpu.memory_space<vmem_shared>>
      tpu.wait_dma2 semaphore(%run_scoped3A : memref<!tpu.dma_semaphore, #tpu.memory_space<semaphore_mem>>) src(%dma_wait3A_69 : memref<128x48xf32, #tpu.memory_space<vmem_shared>>) dst(%arg8 : memref<128x48xf32, #tpu.memory_space<vmem>>)
      tpu.yield
    }) : () -> ()
    "tpu.region"() ({
      %run_scoped3A = tpu.sem_alloc : memref<!tpu.dma_semaphore, #tpu.memory_space<semaphore_mem>>
      %dma_start3A = arith.constant 0 : i32
      %dma_start3A_64 = tpu.memref_slice %arg6[%arg0, %add3A_59, %dma_start3A] : memref<2x10240x48xf32, #tpu.memory_space<hbm>> -> memref<1x128x48xf32, #tpu.memory_space<hbm>>
      %dma_start3A_65 = tpu.memref_squeeze %dma_start3A_64 : memref<1x128x48xf32, #tpu.memory_space<hbm>> -> memref<128x48xf32, #tpu.memory_space<hbm>>
      %dma_start3A_66 = arith.constant 0 : i32
      %dma_start3A_67 = tpu.memref_slice %arg6[%arg0, %add3A_59, %dma_start3A_66] : memref<2x10240x48xf32, #tpu.memory_space<hbm>> -> memref<1x128x48xf32, #tpu.memory_space<hbm>>
      %dma_start3A_68 = tpu.memref_squeeze %dma_start3A_67 : memref<1x128x48xf32, #tpu.memory_space<hbm>> -> memref<128x48xf32, #tpu.memory_space<hbm>>
      tpu.enqueue_dma source(%arg8 : memref<128x48xf32, #tpu.memory_space<vmem>>) target(%dma_start3A_68 : memref<128x48xf32, #tpu.memory_space<hbm>>) target_semaphore(%run_scoped3A : memref<!tpu.dma_semaphore, #tpu.memory_space<semaphore_mem>>)
      %dma_wait3A = arith.constant 0 : i32
      %dma_wait3A_69 = tpu.memref_slice %arg6[%arg0, %add3A_59, %dma_wait3A] : memref<2x10240x48xf32, #tpu.memory_space<hbm>> -> memref<1x128x48xf32, #tpu.memory_space<hbm>>
      %dma_wait3A_70 = tpu.memref_squeeze %dma_wait3A_69 : memref<1x128x48xf32, #tpu.memory_space<hbm>> -> memref<128x48xf32, #tpu.memory_space<hbm>>
      %dma_wait3A_71 = arith.constant 0 : i32
      %dma_wait3A_72 = tpu.memref_slice %arg6[%arg0, %add3A_59, %dma_wait3A_71] : memref<2x10240x48xf32, #tpu.memory_space<hbm>> -> memref<1x128x48xf32, #tpu.memory_space<hbm>>
      %dma_wait3A_73 = tpu.memref_squeeze %dma_wait3A_72 : memref<1x128x48xf32, #tpu.memory_space<hbm>> -> memref<128x48xf32, #tpu.memory_space<hbm>>
      tpu.wait_dma2 semaphore(%run_scoped3A : memref<!tpu.dma_semaphore, #tpu.memory_space<semaphore_mem>>) src(%arg8 : memref<128x48xf32, #tpu.memory_space<vmem>>) dst(%dma_wait3A_73 : memref<128x48xf32, #tpu.memory_space<hbm>>)
      tpu.yield
    }) : () -> ()
    %mul3A_60 = arith.constant 640 : i32
    %mul3A_61 = arith.muli %arg1, %mul3A_60 : i32
    %add3A_62 = arith.constant 512 : i32
    %add3A_63 = arith.addi %mul3A_61, %add3A_62 : i32
    "tpu.region"() ({
      %run_scoped3A = tpu.sem_alloc : memref<!tpu.dma_semaphore, #tpu.memory_space<semaphore_mem>>
      %dma_start3A = arith.constant 0 : i32
      %dma_start3A_64 = tpu.memref_slice %arg14[%add3A_63, %dma_start3A] : memref<10240x48xf32, #tpu.memory_space<vmem_shared>> -> memref<128x48xf32, #tpu.memory_space<vmem_shared>>
      %dma_start3A_65 = arith.constant 0 : i32
      %dma_start3A_66 = tpu.memref_slice %arg14[%add3A_63, %dma_start3A_65] : memref<10240x48xf32, #tpu.memory_space<vmem_shared>> -> memref<128x48xf32, #tpu.memory_space<vmem_shared>>
      tpu.enqueue_dma source(%dma_start3A_66 : memref<128x48xf32, #tpu.memory_space<vmem_shared>>) target(%arg8 : memref<128x48xf32, #tpu.memory_space<vmem>>) target_semaphore(%run_scoped3A : memref<!tpu.dma_semaphore, #tpu.memory_space<semaphore_mem>>)
      %dma_wait3A = arith.constant 0 : i32
      %dma_wait3A_67 = tpu.memref_slice %arg14[%add3A_63, %dma_wait3A] : memref<10240x48xf32, #tpu.memory_space<vmem_shared>> -> memref<128x48xf32, #tpu.memory_space<vmem_shared>>
      %dma_wait3A_68 = arith.constant 0 : i32
      %dma_wait3A_69 = tpu.memref_slice %arg14[%add3A_63, %dma_wait3A_68] : memref<10240x48xf32, #tpu.memory_space<vmem_shared>> -> memref<128x48xf32, #tpu.memory_space<vmem_shared>>
      tpu.wait_dma2 semaphore(%run_scoped3A : memref<!tpu.dma_semaphore, #tpu.memory_space<semaphore_mem>>) src(%dma_wait3A_69 : memref<128x48xf32, #tpu.memory_space<vmem_shared>>) dst(%arg8 : memref<128x48xf32, #tpu.memory_space<vmem>>)
      tpu.yield
    }) : () -> ()
    "tpu.region"() ({
      %run_scoped3A = tpu.sem_alloc : memref<!tpu.dma_semaphore, #tpu.memory_space<semaphore_mem>>
      %dma_start3A = arith.constant 0 : i32
      %dma_start3A_64 = tpu.memref_slice %arg6[%arg0, %add3A_63, %dma_start3A] : memref<2x10240x48xf32, #tpu.memory_space<hbm>> -> memref<1x128x48xf32, #tpu.memory_space<hbm>>
      %dma_start3A_65 = tpu.memref_squeeze %dma_start3A_64 : memref<1x128x48xf32, #tpu.memory_space<hbm>> -> memref<128x48xf32, #tpu.memory_space<hbm>>
      %dma_start3A_66 = arith.constant 0 : i32
      %dma_start3A_67 = tpu.memref_slice %arg6[%arg0, %add3A_63, %dma_start3A_66] : memref<2x10240x48xf32, #tpu.memory_space<hbm>> -> memref<1x128x48xf32, #tpu.memory_space<hbm>>
      %dma_start3A_68 = tpu.memref_squeeze %dma_start3A_67 : memref<1x128x48xf32, #tpu.memory_space<hbm>> -> memref<128x48xf32, #tpu.memory_space<hbm>>
      tpu.enqueue_dma source(%arg8 : memref<128x48xf32, #tpu.memory_space<vmem>>) target(%dma_start3A_68 : memref<128x48xf32, #tpu.memory_space<hbm>>) target_semaphore(%run_scoped3A : memref<!tpu.dma_semaphore, #tpu.memory_space<semaphore_mem>>)
      %dma_wait3A = arith.constant 0 : i32
      %dma_wait3A_69 = tpu.memref_slice %arg6[%arg0, %add3A_63, %dma_wait3A] : memref<2x10240x48xf32, #tpu.memory_space<hbm>> -> memref<1x128x48xf32, #tpu.memory_space<hbm>>
      %dma_wait3A_70 = tpu.memref_squeeze %dma_wait3A_69 : memref<1x128x48xf32, #tpu.memory_space<hbm>> -> memref<128x48xf32, #tpu.memory_space<hbm>>
      %dma_wait3A_71 = arith.constant 0 : i32
      %dma_wait3A_72 = tpu.memref_slice %arg6[%arg0, %add3A_63, %dma_wait3A_71] : memref<2x10240x48xf32, #tpu.memory_space<hbm>> -> memref<1x128x48xf32, #tpu.memory_space<hbm>>
      %dma_wait3A_73 = tpu.memref_squeeze %dma_wait3A_72 : memref<1x128x48xf32, #tpu.memory_space<hbm>> -> memref<128x48xf32, #tpu.memory_space<hbm>>
      tpu.wait_dma2 semaphore(%run_scoped3A : memref<!tpu.dma_semaphore, #tpu.memory_space<semaphore_mem>>) src(%arg8 : memref<128x48xf32, #tpu.memory_space<vmem>>) dst(%dma_wait3A_73 : memref<128x48xf32, #tpu.memory_space<hbm>>)
      tpu.yield
    }) : () -> ()
    return
  }
}

#map = affine_map<(d0, d1) -> (0)>
#map1 = affine_map<(d0, d1) -> (0, 0)>
#map2 = affine_map<(d0, d1) -> (0, 0, 0)>
module attributes {stable_mosaic.version = 14 : i64} {
  func.func @sc_edge(%arg0: i32, %arg1: i32, %arg2: memref<331776xi32, #tpu.memory_space<hbm>>, %arg3: memref<20480x48xf32, #tpu.memory_space<hbm>>, %arg4: memref<10240x8xf32, #tpu.memory_space<hbm>>, %arg5: memref<16xf32, #tpu.memory_space<hbm>>, %arg6: memref<2x10240x48xf32, #tpu.memory_space<hbm>>, %arg7: memref<10240x8xf32, #tpu.memory_space<vmem>>, %arg8: memref<128x48xf32, #tpu.memory_space<vmem>>, %arg9: memref<128xi32, #tpu.memory_space<vmem>>, %arg10: memref<128xi32, #tpu.memory_space<vmem>>, %arg11: memref<128xi32, #tpu.memory_space<vmem>>, %arg12: memref<1x128xf32, #tpu.memory_space<vmem>>, %arg13: memref<16xf32, #tpu.memory_space<vmem>>, %arg14: memref<10240x48xf32, #tpu.memory_space<vmem_shared>>, %arg15: memref<!tpu.dma_semaphore, #tpu.memory_space<semaphore_mem>>) attributes {dimension_semantics = [#tpu.dimension_semantics<core_parallel>, #tpu.dimension_semantics<subcore_parallel>], iteration_bounds = array<i64: 2, 16>, scalar_prefetch = 0 : i64, scratch_operands = 9 : i64, tpu.core_type = #tpu.core_type<sc_vector_subcore>, window_params = [{transform_indices = #map}, {transform_indices = #map1}, {transform_indices = #map1}, {transform_indices = #map}, {transform_indices = #map2}]} {
    %broadcast_in_dim3A = arith.constant 0.000000e+00 : f32
    %broadcast_in_dim3A_0 = vector.broadcast %broadcast_in_dim3A : f32 to vector<16xf32>
    %scan3A = arith.constant 0 : i32
    %scan3A_1 = arith.constant 0 : i32
    %scan3A_2 = arith.constant 128 : i32
    %scan3A_3 = arith.addi %scan3A_1, %scan3A_2 : i32
    %scan3A_4 = arith.constant 1 : i32
    scf.for %scan3A_64 = %scan3A_1 to %scan3A_3 step %scan3A_4  : i32 {
      %swap3A = arith.index_cast %scan3A_64 : i32 to index
      %swap3A_65 = arith.constant 0 : index
      %swap3A_66 = tpu.vector_load %arg8[%swap3A, %swap3A_65] {strides = array<i32>} : memref<128x48xf32, #tpu.memory_space<vmem>>, vector<16xf32>,
      tpu.vector_store %arg8[%swap3A, %swap3A_65], %broadcast_in_dim3A_0 {strides = array<i32>} : memref<128x48xf32, #tpu.memory_space<vmem>>, vector<16xf32>,
      %swap3A_67 = arith.index_cast %scan3A_64 : i32 to index
      %swap3A_68 = arith.constant 16 : index
      %swap3A_69 = tpu.vector_load %arg8[%swap3A_67, %swap3A_68] {strides = array<i32>} : memref<128x48xf32, #tpu.memory_space<vmem>>, vector<16xf32>,
      tpu.vector_store %arg8[%swap3A_67, %swap3A_68], %broadcast_in_dim3A_0 {strides = array<i32>} : memref<128x48xf32, #tpu.memory_space<vmem>>, vector<16xf32>,
      %swap3A_70 = arith.index_cast %scan3A_64 : i32 to index
      %swap3A_71 = arith.constant 32 : index
      %swap3A_72 = tpu.vector_load %arg8[%swap3A_70, %swap3A_71] {strides = array<i32>} : memref<128x48xf32, #tpu.memory_space<vmem>>, vector<16xf32>,
      tpu.vector_store %arg8[%swap3A_70, %swap3A_71], %broadcast_in_dim3A_0 {strides = array<i32>} : memref<128x48xf32, #tpu.memory_space<vmem>>, vector<16xf32>,
    }
    %scan3A_5 = arith.constant 128 : i32
    %mul3A = arith.constant 640 : i32
    %mul3A_6 = arith.muli %arg1, %mul3A : i32
    %add3A = arith.constant 0 : i32
    %add3A_7 = arith.addi %mul3A_6, %add3A : i32
    "tpu.region"() ({
      %run_scoped3A = tpu.sem_alloc : memref<!tpu.dma_semaphore, #tpu.memory_space<semaphore_mem>>
      %dma_start3A = arith.constant 0 : i32
      %dma_start3A_64 = tpu.memref_slice %arg14[%add3A_7, %dma_start3A] : memref<10240x48xf32, #tpu.memory_space<vmem_shared>> -> memref<128x48xf32, #tpu.memory_space<vmem_shared>>
      %dma_start3A_65 = arith.constant 0 : i32
      %dma_start3A_66 = tpu.memref_slice %arg14[%add3A_7, %dma_start3A_65] : memref<10240x48xf32, #tpu.memory_space<vmem_shared>> -> memref<128x48xf32, #tpu.memory_space<vmem_shared>>
      tpu.enqueue_dma source(%arg8 : memref<128x48xf32, #tpu.memory_space<vmem>>) target(%dma_start3A_66 : memref<128x48xf32, #tpu.memory_space<vmem_shared>>) target_semaphore(%run_scoped3A : memref<!tpu.dma_semaphore, #tpu.memory_space<semaphore_mem>>)
      %dma_wait3A = arith.constant 0 : i32
      %dma_wait3A_67 = tpu.memref_slice %arg14[%add3A_7, %dma_wait3A] : memref<10240x48xf32, #tpu.memory_space<vmem_shared>> -> memref<128x48xf32, #tpu.memory_space<vmem_shared>>
      %dma_wait3A_68 = arith.constant 0 : i32
      %dma_wait3A_69 = tpu.memref_slice %arg14[%add3A_7, %dma_wait3A_68] : memref<10240x48xf32, #tpu.memory_space<vmem_shared>> -> memref<128x48xf32, #tpu.memory_space<vmem_shared>>
      tpu.wait_dma2 semaphore(%run_scoped3A : memref<!tpu.dma_semaphore, #tpu.memory_space<semaphore_mem>>) src(%arg8 : memref<128x48xf32, #tpu.memory_space<vmem>>) dst(%dma_wait3A_69 : memref<128x48xf32, #tpu.memory_space<vmem_shared>>)
      tpu.yield
    }) : () -> ()
    %mul3A_8 = arith.constant 640 : i32
    %mul3A_9 = arith.muli %arg1, %mul3A_8 : i32
    %add3A_10 = arith.constant 128 : i32
    %add3A_11 = arith.addi %mul3A_9, %add3A_10 : i32
    "tpu.region"() ({
      %run_scoped3A = tpu.sem_alloc : memref<!tpu.dma_semaphore, #tpu.memory_space<semaphore_mem>>
      %dma_start3A = arith.constant 0 : i32
      %dma_start3A_64 = tpu.memref_slice %arg14[%add3A_11, %dma_start3A] : memref<10240x48xf32, #tpu.memory_space<vmem_shared>> -> memref<128x48xf32, #tpu.memory_space<vmem_shared>>
      %dma_start3A_65 = arith.constant 0 : i32
      %dma_start3A_66 = tpu.memref_slice %arg14[%add3A_11, %dma_start3A_65] : memref<10240x48xf32, #tpu.memory_space<vmem_shared>> -> memref<128x48xf32, #tpu.memory_space<vmem_shared>>
      tpu.enqueue_dma source(%arg8 : memref<128x48xf32, #tpu.memory_space<vmem>>) target(%dma_start3A_66 : memref<128x48xf32, #tpu.memory_space<vmem_shared>>) target_semaphore(%run_scoped3A : memref<!tpu.dma_semaphore, #tpu.memory_space<semaphore_mem>>)
      %dma_wait3A = arith.constant 0 : i32
      %dma_wait3A_67 = tpu.memref_slice %arg14[%add3A_11, %dma_wait3A] : memref<10240x48xf32, #tpu.memory_space<vmem_shared>> -> memref<128x48xf32, #tpu.memory_space<vmem_shared>>
      %dma_wait3A_68 = arith.constant 0 : i32
      %dma_wait3A_69 = tpu.memref_slice %arg14[%add3A_11, %dma_wait3A_68] : memref<10240x48xf32, #tpu.memory_space<vmem_shared>> -> memref<128x48xf32, #tpu.memory_space<vmem_shared>>
      tpu.wait_dma2 semaphore(%run_scoped3A : memref<!tpu.dma_semaphore, #tpu.memory_space<semaphore_mem>>) src(%arg8 : memref<128x48xf32, #tpu.memory_space<vmem>>) dst(%dma_wait3A_69 : memref<128x48xf32, #tpu.memory_space<vmem_shared>>)
      tpu.yield
    }) : () -> ()
    %mul3A_12 = arith.constant 640 : i32
    %mul3A_13 = arith.muli %arg1, %mul3A_12 : i32
    %add3A_14 = arith.constant 256 : i32
    %add3A_15 = arith.addi %mul3A_13, %add3A_14 : i32
    "tpu.region"() ({
      %run_scoped3A = tpu.sem_alloc : memref<!tpu.dma_semaphore, #tpu.memory_space<semaphore_mem>>
      %dma_start3A = arith.constant 0 : i32
      %dma_start3A_64 = tpu.memref_slice %arg14[%add3A_15, %dma_start3A] : memref<10240x48xf32, #tpu.memory_space<vmem_shared>> -> memref<128x48xf32, #tpu.memory_space<vmem_shared>>
      %dma_start3A_65 = arith.constant 0 : i32
      %dma_start3A_66 = tpu.memref_slice %arg14[%add3A_15, %dma_start3A_65] : memref<10240x48xf32, #tpu.memory_space<vmem_shared>> -> memref<128x48xf32, #tpu.memory_space<vmem_shared>>
      tpu.enqueue_dma source(%arg8 : memref<128x48xf32, #tpu.memory_space<vmem>>) target(%dma_start3A_66 : memref<128x48xf32, #tpu.memory_space<vmem_shared>>) target_semaphore(%run_scoped3A : memref<!tpu.dma_semaphore, #tpu.memory_space<semaphore_mem>>)
      %dma_wait3A = arith.constant 0 : i32
      %dma_wait3A_67 = tpu.memref_slice %arg14[%add3A_15, %dma_wait3A] : memref<10240x48xf32, #tpu.memory_space<vmem_shared>> -> memref<128x48xf32, #tpu.memory_space<vmem_shared>>
      %dma_wait3A_68 = arith.constant 0 : i32
      %dma_wait3A_69 = tpu.memref_slice %arg14[%add3A_15, %dma_wait3A_68] : memref<10240x48xf32, #tpu.memory_space<vmem_shared>> -> memref<128x48xf32, #tpu.memory_space<vmem_shared>>
      tpu.wait_dma2 semaphore(%run_scoped3A : memref<!tpu.dma_semaphore, #tpu.memory_space<semaphore_mem>>) src(%arg8 : memref<128x48xf32, #tpu.memory_space<vmem>>) dst(%dma_wait3A_69 : memref<128x48xf32, #tpu.memory_space<vmem_shared>>)
      tpu.yield
    }) : () -> ()
    %mul3A_16 = arith.constant 640 : i32
    %mul3A_17 = arith.muli %arg1, %mul3A_16 : i32
    %add3A_18 = arith.constant 384 : i32
    %add3A_19 = arith.addi %mul3A_17, %add3A_18 : i32
    "tpu.region"() ({
      %run_scoped3A = tpu.sem_alloc : memref<!tpu.dma_semaphore, #tpu.memory_space<semaphore_mem>>
      %dma_start3A = arith.constant 0 : i32
      %dma_start3A_64 = tpu.memref_slice %arg14[%add3A_19, %dma_start3A] : memref<10240x48xf32, #tpu.memory_space<vmem_shared>> -> memref<128x48xf32, #tpu.memory_space<vmem_shared>>
      %dma_start3A_65 = arith.constant 0 : i32
      %dma_start3A_66 = tpu.memref_slice %arg14[%add3A_19, %dma_start3A_65] : memref<10240x48xf32, #tpu.memory_space<vmem_shared>> -> memref<128x48xf32, #tpu.memory_space<vmem_shared>>
      tpu.enqueue_dma source(%arg8 : memref<128x48xf32, #tpu.memory_space<vmem>>) target(%dma_start3A_66 : memref<128x48xf32, #tpu.memory_space<vmem_shared>>) target_semaphore(%run_scoped3A : memref<!tpu.dma_semaphore, #tpu.memory_space<semaphore_mem>>)
      %dma_wait3A = arith.constant 0 : i32
      %dma_wait3A_67 = tpu.memref_slice %arg14[%add3A_19, %dma_wait3A] : memref<10240x48xf32, #tpu.memory_space<vmem_shared>> -> memref<128x48xf32, #tpu.memory_space<vmem_shared>>
      %dma_wait3A_68 = arith.constant 0 : i32
      %dma_wait3A_69 = tpu.memref_slice %arg14[%add3A_19, %dma_wait3A_68] : memref<10240x48xf32, #tpu.memory_space<vmem_shared>> -> memref<128x48xf32, #tpu.memory_space<vmem_shared>>
      tpu.wait_dma2 semaphore(%run_scoped3A : memref<!tpu.dma_semaphore, #tpu.memory_space<semaphore_mem>>) src(%arg8 : memref<128x48xf32, #tpu.memory_space<vmem>>) dst(%dma_wait3A_69 : memref<128x48xf32, #tpu.memory_space<vmem_shared>>)
      tpu.yield
    }) : () -> ()
    %mul3A_20 = arith.constant 640 : i32
    %mul3A_21 = arith.muli %arg1, %mul3A_20 : i32
    %add3A_22 = arith.constant 512 : i32
    %add3A_23 = arith.addi %mul3A_21, %add3A_22 : i32
    "tpu.region"() ({
      %run_scoped3A = tpu.sem_alloc : memref<!tpu.dma_semaphore, #tpu.memory_space<semaphore_mem>>
      %dma_start3A = arith.constant 0 : i32
      %dma_start3A_64 = tpu.memref_slice %arg14[%add3A_23, %dma_start3A] : memref<10240x48xf32, #tpu.memory_space<vmem_shared>> -> memref<128x48xf32, #tpu.memory_space<vmem_shared>>
      %dma_start3A_65 = arith.constant 0 : i32
      %dma_start3A_66 = tpu.memref_slice %arg14[%add3A_23, %dma_start3A_65] : memref<10240x48xf32, #tpu.memory_space<vmem_shared>> -> memref<128x48xf32, #tpu.memory_space<vmem_shared>>
      tpu.enqueue_dma source(%arg8 : memref<128x48xf32, #tpu.memory_space<vmem>>) target(%dma_start3A_66 : memref<128x48xf32, #tpu.memory_space<vmem_shared>>) target_semaphore(%run_scoped3A : memref<!tpu.dma_semaphore, #tpu.memory_space<semaphore_mem>>)
      %dma_wait3A = arith.constant 0 : i32
      %dma_wait3A_67 = tpu.memref_slice %arg14[%add3A_23, %dma_wait3A] : memref<10240x48xf32, #tpu.memory_space<vmem_shared>> -> memref<128x48xf32, #tpu.memory_space<vmem_shared>>
      %dma_wait3A_68 = arith.constant 0 : i32
      %dma_wait3A_69 = tpu.memref_slice %arg14[%add3A_23, %dma_wait3A_68] : memref<10240x48xf32, #tpu.memory_space<vmem_shared>> -> memref<128x48xf32, #tpu.memory_space<vmem_shared>>
      tpu.wait_dma2 semaphore(%run_scoped3A : memref<!tpu.dma_semaphore, #tpu.memory_space<semaphore_mem>>) src(%arg8 : memref<128x48xf32, #tpu.memory_space<vmem>>) dst(%dma_wait3A_69 : memref<128x48xf32, #tpu.memory_space<vmem_shared>>)
      tpu.yield
    }) : () -> ()
    "tpu.region"() ({
      %run_scoped3A = tpu.sem_alloc : memref<!tpu.dma_semaphore, #tpu.memory_space<semaphore_mem>>
      tpu.enqueue_dma source(%arg4 : memref<10240x8xf32, #tpu.memory_space<hbm>>) target(%arg7 : memref<10240x8xf32, #tpu.memory_space<vmem>>) target_semaphore(%run_scoped3A : memref<!tpu.dma_semaphore, #tpu.memory_space<semaphore_mem>>)
      tpu.wait_dma2 semaphore(%run_scoped3A : memref<!tpu.dma_semaphore, #tpu.memory_space<semaphore_mem>>) src(%arg4 : memref<10240x8xf32, #tpu.memory_space<hbm>>) dst(%arg7 : memref<10240x8xf32, #tpu.memory_space<vmem>>)
      tpu.yield
    }) : () -> ()
    "tpu.region"() ({
      %run_scoped3A = tpu.sem_alloc : memref<!tpu.dma_semaphore, #tpu.memory_space<semaphore_mem>>
      tpu.enqueue_dma source(%arg5 : memref<16xf32, #tpu.memory_space<hbm>>) target(%arg13 : memref<16xf32, #tpu.memory_space<vmem>>) target_semaphore(%run_scoped3A : memref<!tpu.dma_semaphore, #tpu.memory_space<semaphore_mem>>)
      tpu.wait_dma2 semaphore(%run_scoped3A : memref<!tpu.dma_semaphore, #tpu.memory_space<semaphore_mem>>) src(%arg5 : memref<16xf32, #tpu.memory_space<hbm>>) dst(%arg13 : memref<16xf32, #tpu.memory_space<vmem>>)
      tpu.yield
    }) : () -> ()
    %barrier3A = arith.constant 0 : index
    tpu.barrier barrier_id(%barrier3A)
    %mul3A_24 = arith.constant 20736 : i32
    %mul3A_25 = arith.muli %arg1, %mul3A_24 : i32
    %iota3A = tpu.iota {dimensions = array<i32: 0>} : vector<16xi32>
    %min3A = arith.constant 0 : i32
    %min3A_26 = vector.broadcast %min3A : i32 to vector<16xi32>
    %min3A_27 = arith.minsi %iota3A, %min3A_26 : vector<16xi32>
    %lt3A = arith.constant 1 : i32
    %lt3A_28 = vector.broadcast %lt3A : i32 to vector<16xi32>
    %lt3A_29 = arith.cmpi slt, %iota3A, %lt3A_28 : vector<16xi32>
    %convert_element_type3A = arith.extui %lt3A_29 : vector<16xi1> to vector<16xi32>
    %convert_element_type3A_30 = arith.sitofp %convert_element_type3A : vector<16xi32> to vector<16xf32>
    %mul3A_31 = arith.constant 0 : i32
    %mul3A_32 = arith.muli %arg0, %mul3A_31 : i32
    %add3A_33 = arith.constant 0 : i32
    %add3A_34 = arith.addi %mul3A_32, %add3A_33 : i32
    %mul3A_35 = arith.constant 10240 : i32
    %mul3A_36 = arith.muli %arg0, %mul3A_35 : i32
    %scan3A_37 = arith.constant 0 : i32
    %scan3A_38 = arith.constant 0 : i32
    %scan3A_39 = arith.constant 162 : i32
    %scan3A_40 = arith.addi %scan3A_38, %scan3A_39 : i32
    %scan3A_41 = arith.constant 1 : i32
    scf.for %scan3A_64 = %scan3A_38 to %scan3A_40 step %scan3A_41  : i32 {
      %broadcast_in_dim3A_65 = arith.constant 0 : i32
      %broadcast_in_dim3A_66 = vector.broadcast %broadcast_in_dim3A_65 : i32 to vector<16xi32>
      %add3A_67 = vector.broadcast %add3A_34 : i32 to vector<16xi32>
      %add3A_68 = arith.addi %broadcast_in_dim3A_66, %add3A_67 : vector<16xi32>
      %gather3A = tpu.vector_load_idx %arg13[%add3A_68] : memref<16xf32, #tpu.memory_space<vmem>>[vector<16xi32>], vector<16xf32>,
      %mul3A_69 = arith.constant 128 : i32
      %mul3A_70 = arith.muli %scan3A_64, %mul3A_69 : i32
      %add3A_71 = arith.addi %mul3A_25, %mul3A_70 : i32
      "tpu.region"() ({
        %run_scoped3A = tpu.sem_alloc : memref<!tpu.dma_semaphore, #tpu.memory_space<semaphore_mem>>
        %dma_start3A_395 = tpu.memref_slice %arg2[%add3A_71] : memref<331776xi32, #tpu.memory_space<hbm>> -> memref<128xi32, #tpu.memory_space<hbm>>
        %dma_start3A_396 = tpu.memref_slice %arg2[%add3A_71] : memref<331776xi32, #tpu.memory_space<hbm>> -> memref<128xi32, #tpu.memory_space<hbm>>
        tpu.enqueue_dma source(%dma_start3A_396 : memref<128xi32, #tpu.memory_space<hbm>>) target(%arg9 : memref<128xi32, #tpu.memory_space<vmem>>) target_semaphore(%run_scoped3A : memref<!tpu.dma_semaphore, #tpu.memory_space<semaphore_mem>>)
        %dma_wait3A_397 = tpu.memref_slice %arg2[%add3A_71] : memref<331776xi32, #tpu.memory_space<hbm>> -> memref<128xi32, #tpu.memory_space<hbm>>
        %dma_wait3A_398 = tpu.memref_slice %arg2[%add3A_71] : memref<331776xi32, #tpu.memory_space<hbm>> -> memref<128xi32, #tpu.memory_space<hbm>>
        tpu.wait_dma2 semaphore(%run_scoped3A : memref<!tpu.dma_semaphore, #tpu.memory_space<semaphore_mem>>) src(%dma_wait3A_398 : memref<128xi32, #tpu.memory_space<hbm>>) dst(%arg9 : memref<128xi32, #tpu.memory_space<vmem>>)
        tpu.yield
      }) : () -> ()
      %get3A = arith.constant 0 : index
      %get3A_72 = tpu.vector_load %arg9[%get3A] {strides = array<i32>} : memref<128xi32, #tpu.memory_space<vmem>>, vector<16xi32>,
      %and3A = arith.constant 65535 : i32
      %and3A_73 = vector.broadcast %and3A : i32 to vector<16xi32>
      %and3A_74 = arith.andi %get3A_72, %and3A_73 : vector<16xi32>
      %add3A_75 = vector.broadcast %mul3A_36 : i32 to vector<16xi32>
      %add3A_76 = arith.addi %and3A_74, %add3A_75 : vector<16xi32>
      %swap3A = arith.constant 0 : index
      %swap3A_77 = tpu.vector_load %arg10[%swap3A] {strides = array<i32>} : memref<128xi32, #tpu.memory_space<vmem>>, vector<16xi32>,
      tpu.vector_store %arg10[%swap3A], %add3A_76 {strides = array<i32>} : memref<128xi32, #tpu.memory_space<vmem>>, vector<16xi32>,
      %shift_right_arithmetic3A = arith.constant 16 : i32
      %shift_right_arithmetic3A_78 = vector.broadcast %shift_right_arithmetic3A : i32 to vector<16xi32>
      %shift_right_arithmetic3A_79 = arith.shrsi %get3A_72, %shift_right_arithmetic3A_78 : vector<16xi32>
      %swap3A_80 = arith.constant 0 : index
      %swap3A_81 = tpu.vector_load %arg11[%swap3A_80] {strides = array<i32>} : memref<128xi32, #tpu.memory_space<vmem>>, vector<16xi32>,
      tpu.vector_store %arg11[%swap3A_80], %shift_right_arithmetic3A_79 {strides = array<i32>} : memref<128xi32, #tpu.memory_space<vmem>>, vector<16xi32>,
      %get3A_82 = arith.constant 16 : index
      %get3A_83 = tpu.vector_load %arg9[%get3A_82] {strides = array<i32>} : memref<128xi32, #tpu.memory_space<vmem>>, vector<16xi32>,
      %and3A_84 = arith.constant 65535 : i32
      %and3A_85 = vector.broadcast %and3A_84 : i32 to vector<16xi32>
      %and3A_86 = arith.andi %get3A_83, %and3A_85 : vector<16xi32>
      %add3A_87 = vector.broadcast %mul3A_36 : i32 to vector<16xi32>
      %add3A_88 = arith.addi %and3A_86, %add3A_87 : vector<16xi32>
      %swap3A_89 = arith.constant 16 : index
      %swap3A_90 = tpu.vector_load %arg10[%swap3A_89] {strides = array<i32>} : memref<128xi32, #tpu.memory_space<vmem>>, vector<16xi32>,
      tpu.vector_store %arg10[%swap3A_89], %add3A_88 {strides = array<i32>} : memref<128xi32, #tpu.memory_space<vmem>>, vector<16xi32>,
      %shift_right_arithmetic3A_91 = arith.constant 16 : i32
      %shift_right_arithmetic3A_92 = vector.broadcast %shift_right_arithmetic3A_91 : i32 to vector<16xi32>
      %shift_right_arithmetic3A_93 = arith.shrsi %get3A_83, %shift_right_arithmetic3A_92 : vector<16xi32>
      %swap3A_94 = arith.constant 16 : index
      %swap3A_95 = tpu.vector_load %arg11[%swap3A_94] {strides = array<i32>} : memref<128xi32, #tpu.memory_space<vmem>>, vector<16xi32>,
      tpu.vector_store %arg11[%swap3A_94], %shift_right_arithmetic3A_93 {strides = array<i32>} : memref<128xi32, #tpu.memory_space<vmem>>, vector<16xi32>,
      %get3A_96 = arith.constant 32 : index
      %get3A_97 = tpu.vector_load %arg9[%get3A_96] {strides = array<i32>} : memref<128xi32, #tpu.memory_space<vmem>>, vector<16xi32>,
      %and3A_98 = arith.constant 65535 : i32
      %and3A_99 = vector.broadcast %and3A_98 : i32 to vector<16xi32>
      %and3A_100 = arith.andi %get3A_97, %and3A_99 : vector<16xi32>
      %add3A_101 = vector.broadcast %mul3A_36 : i32 to vector<16xi32>
      %add3A_102 = arith.addi %and3A_100, %add3A_101 : vector<16xi32>
      %swap3A_103 = arith.constant 32 : index
      %swap3A_104 = tpu.vector_load %arg10[%swap3A_103] {strides = array<i32>} : memref<128xi32, #tpu.memory_space<vmem>>, vector<16xi32>,
      tpu.vector_store %arg10[%swap3A_103], %add3A_102 {strides = array<i32>} : memref<128xi32, #tpu.memory_space<vmem>>, vector<16xi32>,
      %shift_right_arithmetic3A_105 = arith.constant 16 : i32
      %shift_right_arithmetic3A_106 = vector.broadcast %shift_right_arithmetic3A_105 : i32 to vector<16xi32>
      %shift_right_arithmetic3A_107 = arith.shrsi %get3A_97, %shift_right_arithmetic3A_106 : vector<16xi32>
      %swap3A_108 = arith.constant 32 : index
      %swap3A_109 = tpu.vector_load %arg11[%swap3A_108] {strides = array<i32>} : memref<128xi32, #tpu.memory_space<vmem>>, vector<16xi32>,
      tpu.vector_store %arg11[%swap3A_108], %shift_right_arithmetic3A_107 {strides = array<i32>} : memref<128xi32, #tpu.memory_space<vmem>>, vector<16xi32>,
      %get3A_110 = arith.constant 48 : index
      %get3A_111 = tpu.vector_load %arg9[%get3A_110] {strides = array<i32>} : memref<128xi32, #tpu.memory_space<vmem>>, vector<16xi32>,
      %and3A_112 = arith.constant 65535 : i32
      %and3A_113 = vector.broadcast %and3A_112 : i32 to vector<16xi32>
      %and3A_114 = arith.andi %get3A_111, %and3A_113 : vector<16xi32>
      %add3A_115 = vector.broadcast %mul3A_36 : i32 to vector<16xi32>
      %add3A_116 = arith.addi %and3A_114, %add3A_115 : vector<16xi32>
      %swap3A_117 = arith.constant 48 : index
      %swap3A_118 = tpu.vector_load %arg10[%swap3A_117] {strides = array<i32>} : memref<128xi32, #tpu.memory_space<vmem>>, vector<16xi32>,
      tpu.vector_store %arg10[%swap3A_117], %add3A_116 {strides = array<i32>} : memref<128xi32, #tpu.memory_space<vmem>>, vector<16xi32>,
      %shift_right_arithmetic3A_119 = arith.constant 16 : i32
      %shift_right_arithmetic3A_120 = vector.broadcast %shift_right_arithmetic3A_119 : i32 to vector<16xi32>
      %shift_right_arithmetic3A_121 = arith.shrsi %get3A_111, %shift_right_arithmetic3A_120 : vector<16xi32>
      %swap3A_122 = arith.constant 48 : index
      %swap3A_123 = tpu.vector_load %arg11[%swap3A_122] {strides = array<i32>} : memref<128xi32, #tpu.memory_space<vmem>>, vector<16xi32>,
      tpu.vector_store %arg11[%swap3A_122], %shift_right_arithmetic3A_121 {strides = array<i32>} : memref<128xi32, #tpu.memory_space<vmem>>, vector<16xi32>,
      %get3A_124 = arith.constant 64 : index
      %get3A_125 = tpu.vector_load %arg9[%get3A_124] {strides = array<i32>} : memref<128xi32, #tpu.memory_space<vmem>>, vector<16xi32>,
      %and3A_126 = arith.constant 65535 : i32
      %and3A_127 = vector.broadcast %and3A_126 : i32 to vector<16xi32>
      %and3A_128 = arith.andi %get3A_125, %and3A_127 : vector<16xi32>
      %add3A_129 = vector.broadcast %mul3A_36 : i32 to vector<16xi32>
      %add3A_130 = arith.addi %and3A_128, %add3A_129 : vector<16xi32>
      %swap3A_131 = arith.constant 64 : index
      %swap3A_132 = tpu.vector_load %arg10[%swap3A_131] {strides = array<i32>} : memref<128xi32, #tpu.memory_space<vmem>>, vector<16xi32>,
      tpu.vector_store %arg10[%swap3A_131], %add3A_130 {strides = array<i32>} : memref<128xi32, #tpu.memory_space<vmem>>, vector<16xi32>,
      %shift_right_arithmetic3A_133 = arith.constant 16 : i32
      %shift_right_arithmetic3A_134 = vector.broadcast %shift_right_arithmetic3A_133 : i32 to vector<16xi32>
      %shift_right_arithmetic3A_135 = arith.shrsi %get3A_125, %shift_right_arithmetic3A_134 : vector<16xi32>
      %swap3A_136 = arith.constant 64 : index
      %swap3A_137 = tpu.vector_load %arg11[%swap3A_136] {strides = array<i32>} : memref<128xi32, #tpu.memory_space<vmem>>, vector<16xi32>,
      tpu.vector_store %arg11[%swap3A_136], %shift_right_arithmetic3A_135 {strides = array<i32>} : memref<128xi32, #tpu.memory_space<vmem>>, vector<16xi32>,
      %get3A_138 = arith.constant 80 : index
      %get3A_139 = tpu.vector_load %arg9[%get3A_138] {strides = array<i32>} : memref<128xi32, #tpu.memory_space<vmem>>, vector<16xi32>,
      %and3A_140 = arith.constant 65535 : i32
      %and3A_141 = vector.broadcast %and3A_140 : i32 to vector<16xi32>
      %and3A_142 = arith.andi %get3A_139, %and3A_141 : vector<16xi32>
      %add3A_143 = vector.broadcast %mul3A_36 : i32 to vector<16xi32>
      %add3A_144 = arith.addi %and3A_142, %add3A_143 : vector<16xi32>
      %swap3A_145 = arith.constant 80 : index
      %swap3A_146 = tpu.vector_load %arg10[%swap3A_145] {strides = array<i32>} : memref<128xi32, #tpu.memory_space<vmem>>, vector<16xi32>,
      tpu.vector_store %arg10[%swap3A_145], %add3A_144 {strides = array<i32>} : memref<128xi32, #tpu.memory_space<vmem>>, vector<16xi32>,
      %shift_right_arithmetic3A_147 = arith.constant 16 : i32
      %shift_right_arithmetic3A_148 = vector.broadcast %shift_right_arithmetic3A_147 : i32 to vector<16xi32>
      %shift_right_arithmetic3A_149 = arith.shrsi %get3A_139, %shift_right_arithmetic3A_148 : vector<16xi32>
      %swap3A_150 = arith.constant 80 : index
      %swap3A_151 = tpu.vector_load %arg11[%swap3A_150] {strides = array<i32>} : memref<128xi32, #tpu.memory_space<vmem>>, vector<16xi32>,
      tpu.vector_store %arg11[%swap3A_150], %shift_right_arithmetic3A_149 {strides = array<i32>} : memref<128xi32, #tpu.memory_space<vmem>>, vector<16xi32>,
      %get3A_152 = arith.constant 96 : index
      %get3A_153 = tpu.vector_load %arg9[%get3A_152] {strides = array<i32>} : memref<128xi32, #tpu.memory_space<vmem>>, vector<16xi32>,
      %and3A_154 = arith.constant 65535 : i32
      %and3A_155 = vector.broadcast %and3A_154 : i32 to vector<16xi32>
      %and3A_156 = arith.andi %get3A_153, %and3A_155 : vector<16xi32>
      %add3A_157 = vector.broadcast %mul3A_36 : i32 to vector<16xi32>
      %add3A_158 = arith.addi %and3A_156, %add3A_157 : vector<16xi32>
      %swap3A_159 = arith.constant 96 : index
      %swap3A_160 = tpu.vector_load %arg10[%swap3A_159] {strides = array<i32>} : memref<128xi32, #tpu.memory_space<vmem>>, vector<16xi32>,
      tpu.vector_store %arg10[%swap3A_159], %add3A_158 {strides = array<i32>} : memref<128xi32, #tpu.memory_space<vmem>>, vector<16xi32>,
      %shift_right_arithmetic3A_161 = arith.constant 16 : i32
      %shift_right_arithmetic3A_162 = vector.broadcast %shift_right_arithmetic3A_161 : i32 to vector<16xi32>
      %shift_right_arithmetic3A_163 = arith.shrsi %get3A_153, %shift_right_arithmetic3A_162 : vector<16xi32>
      %swap3A_164 = arith.constant 96 : index
      %swap3A_165 = tpu.vector_load %arg11[%swap3A_164] {strides = array<i32>} : memref<128xi32, #tpu.memory_space<vmem>>, vector<16xi32>,
      tpu.vector_store %arg11[%swap3A_164], %shift_right_arithmetic3A_163 {strides = array<i32>} : memref<128xi32, #tpu.memory_space<vmem>>, vector<16xi32>,
      %get3A_166 = arith.constant 112 : index
      %get3A_167 = tpu.vector_load %arg9[%get3A_166] {strides = array<i32>} : memref<128xi32, #tpu.memory_space<vmem>>, vector<16xi32>,
      %and3A_168 = arith.constant 65535 : i32
      %and3A_169 = vector.broadcast %and3A_168 : i32 to vector<16xi32>
      %and3A_170 = arith.andi %get3A_167, %and3A_169 : vector<16xi32>
      %add3A_171 = vector.broadcast %mul3A_36 : i32 to vector<16xi32>
      %add3A_172 = arith.addi %and3A_170, %add3A_171 : vector<16xi32>
      %swap3A_173 = arith.constant 112 : index
      %swap3A_174 = tpu.vector_load %arg10[%swap3A_173] {strides = array<i32>} : memref<128xi32, #tpu.memory_space<vmem>>, vector<16xi32>,
      tpu.vector_store %arg10[%swap3A_173], %add3A_172 {strides = array<i32>} : memref<128xi32, #tpu.memory_space<vmem>>, vector<16xi32>,
      %shift_right_arithmetic3A_175 = arith.constant 16 : i32
      %shift_right_arithmetic3A_176 = vector.broadcast %shift_right_arithmetic3A_175 : i32 to vector<16xi32>
      %shift_right_arithmetic3A_177 = arith.shrsi %get3A_167, %shift_right_arithmetic3A_176 : vector<16xi32>
      %swap3A_178 = arith.constant 112 : index
      %swap3A_179 = tpu.vector_load %arg11[%swap3A_178] {strides = array<i32>} : memref<128xi32, #tpu.memory_space<vmem>>, vector<16xi32>,
      tpu.vector_store %arg11[%swap3A_178], %shift_right_arithmetic3A_177 {strides = array<i32>} : memref<128xi32, #tpu.memory_space<vmem>>, vector<16xi32>,
      %dma_start3A = arith.constant 0 : i32
      %dma_start3A_180 = arith.constant 0 : i32
      %dma_start3A_181 = tpu.memref_slice %arg3[%dma_start3A, %dma_start3A_180] : memref<20480x48xf32, #tpu.memory_space<hbm>> -> memref<20480x48xf32, #tpu.memory_space<hbm>>
      tpu.enqueue_indirect_dma source(%dma_start3A_181 : memref<20480x48xf32, #tpu.memory_space<hbm>>) target(%arg8 : memref<128x48xf32, #tpu.memory_space<vmem>>) offsets(%arg10 : memref<128xi32, #tpu.memory_space<vmem>>) semaphore(%arg15 : memref<!tpu.dma_semaphore, #tpu.memory_space<semaphore_mem>>)
      %get3A_182 = arith.constant 0 : index
      %get3A_183 = tpu.vector_load %arg10[%get3A_182] {strides = array<i32>} : memref<128xi32, #tpu.memory_space<vmem>>, vector<16xi32>,
      %sub3A = vector.broadcast %mul3A_36 : i32 to vector<16xi32>
      %sub3A_184 = arith.subi %get3A_183, %sub3A : vector<16xi32>
      %get3A_185 = arith.constant 0 : index
      %get3A_186 = tpu.vector_load %arg11[%get3A_185] {strides = array<i32>} : memref<128xi32, #tpu.memory_space<vmem>>, vector<16xi32>,
      %broadcast_in_dim3A_187 = arith.constant 0 : i32
      %broadcast_in_dim3A_188 = vector.broadcast %broadcast_in_dim3A_187 : i32 to vector<16xi32>
      %add3A_189 = vector.broadcast %add3A_34 : i32 to vector<16xi32>
      %add3A_190 = arith.addi %broadcast_in_dim3A_188, %add3A_189 : vector<16xi32>
      %add3A_191 = arith.constant 1 : i32
      %add3A_192 = vector.broadcast %add3A_191 : i32 to vector<16xi32>
      %add3A_193 = arith.addi %add3A_190, %add3A_192 : vector<16xi32>
      %gather3A_194 = tpu.vector_load_idx %arg7[%sub3A_184, %add3A_190] : memref<10240x8xf32, #tpu.memory_space<vmem>>[vector<16xi32>, vector<16xi32>], vector<16xf32>,
      %gather3A_195 = tpu.vector_load_idx %arg7[%get3A_186, %add3A_193] : memref<10240x8xf32, #tpu.memory_space<vmem>>[vector<16xi32>, vector<16xi32>], vector<16xf32>,
      %add3A_196 = arith.addf %gather3A_194, %gather3A_195 : vector<16xf32>
      %mul3A_197 = arith.constant 2.000000e-01 : f32
      %mul3A_198 = vector.broadcast %mul3A_197 : f32 to vector<16xf32>
      %mul3A_199 = arith.mulf %add3A_196, %mul3A_198 : vector<16xf32>
      %max3A = arith.maximumf %add3A_196, %mul3A_199 : vector<16xf32>
      %sub3A_200 = arith.subf %max3A, %gather3A : vector<16xf32>
      %exp3A = math.exp %sub3A_200 : vector<16xf32>
      %swap3A_201 = arith.constant 0 : i32
      %swap3A_202 = arith.index_cast %swap3A_201 : i32 to index
      %swap3A_203 = arith.constant 0 : index
      %swap3A_204 = tpu.vector_load %arg12[%swap3A_202, %swap3A_203] {strides = array<i32>} : memref<1x128xf32, #tpu.memory_space<vmem>>, vector<16xf32>,
      tpu.vector_store %arg12[%swap3A_202, %swap3A_203], %exp3A {strides = array<i32>} : memref<1x128xf32, #tpu.memory_space<vmem>>, vector<16xf32>,
      %get3A_205 = arith.constant 16 : index
      %get3A_206 = tpu.vector_load %arg10[%get3A_205] {strides = array<i32>} : memref<128xi32, #tpu.memory_space<vmem>>, vector<16xi32>,
      %sub3A_207 = vector.broadcast %mul3A_36 : i32 to vector<16xi32>
      %sub3A_208 = arith.subi %get3A_206, %sub3A_207 : vector<16xi32>
      %get3A_209 = arith.constant 16 : index
      %get3A_210 = tpu.vector_load %arg11[%get3A_209] {strides = array<i32>} : memref<128xi32, #tpu.memory_space<vmem>>, vector<16xi32>,
      %broadcast_in_dim3A_211 = arith.constant 0 : i32
      %broadcast_in_dim3A_212 = vector.broadcast %broadcast_in_dim3A_211 : i32 to vector<16xi32>
      %add3A_213 = vector.broadcast %add3A_34 : i32 to vector<16xi32>
      %add3A_214 = arith.addi %broadcast_in_dim3A_212, %add3A_213 : vector<16xi32>
      %add3A_215 = arith.constant 1 : i32
      %add3A_216 = vector.broadcast %add3A_215 : i32 to vector<16xi32>
      %add3A_217 = arith.addi %add3A_214, %add3A_216 : vector<16xi32>
      %gather3A_218 = tpu.vector_load_idx %arg7[%sub3A_208, %add3A_214] : memref<10240x8xf32, #tpu.memory_space<vmem>>[vector<16xi32>, vector<16xi32>], vector<16xf32>,
      %gather3A_219 = tpu.vector_load_idx %arg7[%get3A_210, %add3A_217] : memref<10240x8xf32, #tpu.memory_space<vmem>>[vector<16xi32>, vector<16xi32>], vector<16xf32>,
      %add3A_220 = arith.addf %gather3A_218, %gather3A_219 : vector<16xf32>
      %mul3A_221 = arith.constant 2.000000e-01 : f32
      %mul3A_222 = vector.broadcast %mul3A_221 : f32 to vector<16xf32>
      %mul3A_223 = arith.mulf %add3A_220, %mul3A_222 : vector<16xf32>
      %max3A_224 = arith.maximumf %add3A_220, %mul3A_223 : vector<16xf32>
      %sub3A_225 = arith.subf %max3A_224, %gather3A : vector<16xf32>
      %exp3A_226 = math.exp %sub3A_225 : vector<16xf32>
      %swap3A_227 = arith.constant 0 : i32
      %swap3A_228 = arith.index_cast %swap3A_227 : i32 to index
      %swap3A_229 = arith.constant 16 : index
      %swap3A_230 = tpu.vector_load %arg12[%swap3A_228, %swap3A_229] {strides = array<i32>} : memref<1x128xf32, #tpu.memory_space<vmem>>, vector<16xf32>,
      tpu.vector_store %arg12[%swap3A_228, %swap3A_229], %exp3A_226 {strides = array<i32>} : memref<1x128xf32, #tpu.memory_space<vmem>>, vector<16xf32>,
      %get3A_231 = arith.constant 32 : index
      %get3A_232 = tpu.vector_load %arg10[%get3A_231] {strides = array<i32>} : memref<128xi32, #tpu.memory_space<vmem>>, vector<16xi32>,
      %sub3A_233 = vector.broadcast %mul3A_36 : i32 to vector<16xi32>
      %sub3A_234 = arith.subi %get3A_232, %sub3A_233 : vector<16xi32>
      %get3A_235 = arith.constant 32 : index
      %get3A_236 = tpu.vector_load %arg11[%get3A_235] {strides = array<i32>} : memref<128xi32, #tpu.memory_space<vmem>>, vector<16xi32>,
      %broadcast_in_dim3A_237 = arith.constant 0 : i32
      %broadcast_in_dim3A_238 = vector.broadcast %broadcast_in_dim3A_237 : i32 to vector<16xi32>
      %add3A_239 = vector.broadcast %add3A_34 : i32 to vector<16xi32>
      %add3A_240 = arith.addi %broadcast_in_dim3A_238, %add3A_239 : vector<16xi32>
      %add3A_241 = arith.constant 1 : i32
      %add3A_242 = vector.broadcast %add3A_241 : i32 to vector<16xi32>
      %add3A_243 = arith.addi %add3A_240, %add3A_242 : vector<16xi32>
      %gather3A_244 = tpu.vector_load_idx %arg7[%sub3A_234, %add3A_240] : memref<10240x8xf32, #tpu.memory_space<vmem>>[vector<16xi32>, vector<16xi32>], vector<16xf32>,
      %gather3A_245 = tpu.vector_load_idx %arg7[%get3A_236, %add3A_243] : memref<10240x8xf32, #tpu.memory_space<vmem>>[vector<16xi32>, vector<16xi32>], vector<16xf32>,
      %add3A_246 = arith.addf %gather3A_244, %gather3A_245 : vector<16xf32>
      %mul3A_247 = arith.constant 2.000000e-01 : f32
      %mul3A_248 = vector.broadcast %mul3A_247 : f32 to vector<16xf32>
      %mul3A_249 = arith.mulf %add3A_246, %mul3A_248 : vector<16xf32>
      %max3A_250 = arith.maximumf %add3A_246, %mul3A_249 : vector<16xf32>
      %sub3A_251 = arith.subf %max3A_250, %gather3A : vector<16xf32>
      %exp3A_252 = math.exp %sub3A_251 : vector<16xf32>
      %swap3A_253 = arith.constant 0 : i32
      %swap3A_254 = arith.index_cast %swap3A_253 : i32 to index
      %swap3A_255 = arith.constant 32 : index
      %swap3A_256 = tpu.vector_load %arg12[%swap3A_254, %swap3A_255] {strides = array<i32>} : memref<1x128xf32, #tpu.memory_space<vmem>>, vector<16xf32>,
      tpu.vector_store %arg12[%swap3A_254, %swap3A_255], %exp3A_252 {strides = array<i32>} : memref<1x128xf32, #tpu.memory_space<vmem>>, vector<16xf32>,
      %get3A_257 = arith.constant 48 : index
      %get3A_258 = tpu.vector_load %arg10[%get3A_257] {strides = array<i32>} : memref<128xi32, #tpu.memory_space<vmem>>, vector<16xi32>,
      %sub3A_259 = vector.broadcast %mul3A_36 : i32 to vector<16xi32>
      %sub3A_260 = arith.subi %get3A_258, %sub3A_259 : vector<16xi32>
      %get3A_261 = arith.constant 48 : index
      %get3A_262 = tpu.vector_load %arg11[%get3A_261] {strides = array<i32>} : memref<128xi32, #tpu.memory_space<vmem>>, vector<16xi32>,
      %broadcast_in_dim3A_263 = arith.constant 0 : i32
      %broadcast_in_dim3A_264 = vector.broadcast %broadcast_in_dim3A_263 : i32 to vector<16xi32>
      %add3A_265 = vector.broadcast %add3A_34 : i32 to vector<16xi32>
      %add3A_266 = arith.addi %broadcast_in_dim3A_264, %add3A_265 : vector<16xi32>
      %add3A_267 = arith.constant 1 : i32
      %add3A_268 = vector.broadcast %add3A_267 : i32 to vector<16xi32>
      %add3A_269 = arith.addi %add3A_266, %add3A_268 : vector<16xi32>
      %gather3A_270 = tpu.vector_load_idx %arg7[%sub3A_260, %add3A_266] : memref<10240x8xf32, #tpu.memory_space<vmem>>[vector<16xi32>, vector<16xi32>], vector<16xf32>,
      %gather3A_271 = tpu.vector_load_idx %arg7[%get3A_262, %add3A_269] : memref<10240x8xf32, #tpu.memory_space<vmem>>[vector<16xi32>, vector<16xi32>], vector<16xf32>,
      %add3A_272 = arith.addf %gather3A_270, %gather3A_271 : vector<16xf32>
      %mul3A_273 = arith.constant 2.000000e-01 : f32
      %mul3A_274 = vector.broadcast %mul3A_273 : f32 to vector<16xf32>
      %mul3A_275 = arith.mulf %add3A_272, %mul3A_274 : vector<16xf32>
      %max3A_276 = arith.maximumf %add3A_272, %mul3A_275 : vector<16xf32>
      %sub3A_277 = arith.subf %max3A_276, %gather3A : vector<16xf32>
      %exp3A_278 = math.exp %sub3A_277 : vector<16xf32>
      %swap3A_279 = arith.constant 0 : i32
      %swap3A_280 = arith.index_cast %swap3A_279 : i32 to index
      %swap3A_281 = arith.constant 48 : index
      %swap3A_282 = tpu.vector_load %arg12[%swap3A_280, %swap3A_281] {strides = array<i32>} : memref<1x128xf32, #tpu.memory_space<vmem>>, vector<16xf32>,
      tpu.vector_store %arg12[%swap3A_280, %swap3A_281], %exp3A_278 {strides = array<i32>} : memref<1x128xf32, #tpu.memory_space<vmem>>, vector<16xf32>,
      %get3A_283 = arith.constant 64 : index
      %get3A_284 = tpu.vector_load %arg10[%get3A_283] {strides = array<i32>} : memref<128xi32, #tpu.memory_space<vmem>>, vector<16xi32>,
      %sub3A_285 = vector.broadcast %mul3A_36 : i32 to vector<16xi32>
      %sub3A_286 = arith.subi %get3A_284, %sub3A_285 : vector<16xi32>
      %get3A_287 = arith.constant 64 : index
      %get3A_288 = tpu.vector_load %arg11[%get3A_287] {strides = array<i32>} : memref<128xi32, #tpu.memory_space<vmem>>, vector<16xi32>,
      %broadcast_in_dim3A_289 = arith.constant 0 : i32
      %broadcast_in_dim3A_290 = vector.broadcast %broadcast_in_dim3A_289 : i32 to vector<16xi32>
      %add3A_291 = vector.broadcast %add3A_34 : i32 to vector<16xi32>
      %add3A_292 = arith.addi %broadcast_in_dim3A_290, %add3A_291 : vector<16xi32>
      %add3A_293 = arith.constant 1 : i32
      %add3A_294 = vector.broadcast %add3A_293 : i32 to vector<16xi32>
      %add3A_295 = arith.addi %add3A_292, %add3A_294 : vector<16xi32>
      %gather3A_296 = tpu.vector_load_idx %arg7[%sub3A_286, %add3A_292] : memref<10240x8xf32, #tpu.memory_space<vmem>>[vector<16xi32>, vector<16xi32>], vector<16xf32>,
      %gather3A_297 = tpu.vector_load_idx %arg7[%get3A_288, %add3A_295] : memref<10240x8xf32, #tpu.memory_space<vmem>>[vector<16xi32>, vector<16xi32>], vector<16xf32>,
      %add3A_298 = arith.addf %gather3A_296, %gather3A_297 : vector<16xf32>
      %mul3A_299 = arith.constant 2.000000e-01 : f32
      %mul3A_300 = vector.broadcast %mul3A_299 : f32 to vector<16xf32>
      %mul3A_301 = arith.mulf %add3A_298, %mul3A_300 : vector<16xf32>
      %max3A_302 = arith.maximumf %add3A_298, %mul3A_301 : vector<16xf32>
      %sub3A_303 = arith.subf %max3A_302, %gather3A : vector<16xf32>
      %exp3A_304 = math.exp %sub3A_303 : vector<16xf32>
      %swap3A_305 = arith.constant 0 : i32
      %swap3A_306 = arith.index_cast %swap3A_305 : i32 to index
      %swap3A_307 = arith.constant 64 : index
      %swap3A_308 = tpu.vector_load %arg12[%swap3A_306, %swap3A_307] {strides = array<i32>} : memref<1x128xf32, #tpu.memory_space<vmem>>, vector<16xf32>,
      tpu.vector_store %arg12[%swap3A_306, %swap3A_307], %exp3A_304 {strides = array<i32>} : memref<1x128xf32, #tpu.memory_space<vmem>>, vector<16xf32>,
      %get3A_309 = arith.constant 80 : index
      %get3A_310 = tpu.vector_load %arg10[%get3A_309] {strides = array<i32>} : memref<128xi32, #tpu.memory_space<vmem>>, vector<16xi32>,
      %sub3A_311 = vector.broadcast %mul3A_36 : i32 to vector<16xi32>
      %sub3A_312 = arith.subi %get3A_310, %sub3A_311 : vector<16xi32>
      %get3A_313 = arith.constant 80 : index
      %get3A_314 = tpu.vector_load %arg11[%get3A_313] {strides = array<i32>} : memref<128xi32, #tpu.memory_space<vmem>>, vector<16xi32>,
      %broadcast_in_dim3A_315 = arith.constant 0 : i32
      %broadcast_in_dim3A_316 = vector.broadcast %broadcast_in_dim3A_315 : i32 to vector<16xi32>
      %add3A_317 = vector.broadcast %add3A_34 : i32 to vector<16xi32>
      %add3A_318 = arith.addi %broadcast_in_dim3A_316, %add3A_317 : vector<16xi32>
      %add3A_319 = arith.constant 1 : i32
      %add3A_320 = vector.broadcast %add3A_319 : i32 to vector<16xi32>
      %add3A_321 = arith.addi %add3A_318, %add3A_320 : vector<16xi32>
      %gather3A_322 = tpu.vector_load_idx %arg7[%sub3A_312, %add3A_318] : memref<10240x8xf32, #tpu.memory_space<vmem>>[vector<16xi32>, vector<16xi32>], vector<16xf32>,
      %gather3A_323 = tpu.vector_load_idx %arg7[%get3A_314, %add3A_321] : memref<10240x8xf32, #tpu.memory_space<vmem>>[vector<16xi32>, vector<16xi32>], vector<16xf32>,
      %add3A_324 = arith.addf %gather3A_322, %gather3A_323 : vector<16xf32>
      %mul3A_325 = arith.constant 2.000000e-01 : f32
      %mul3A_326 = vector.broadcast %mul3A_325 : f32 to vector<16xf32>
      %mul3A_327 = arith.mulf %add3A_324, %mul3A_326 : vector<16xf32>
      %max3A_328 = arith.maximumf %add3A_324, %mul3A_327 : vector<16xf32>
      %sub3A_329 = arith.subf %max3A_328, %gather3A : vector<16xf32>
      %exp3A_330 = math.exp %sub3A_329 : vector<16xf32>
      %swap3A_331 = arith.constant 0 : i32
      %swap3A_332 = arith.index_cast %swap3A_331 : i32 to index
      %swap3A_333 = arith.constant 80 : index
      %swap3A_334 = tpu.vector_load %arg12[%swap3A_332, %swap3A_333] {strides = array<i32>} : memref<1x128xf32, #tpu.memory_space<vmem>>, vector<16xf32>,
      tpu.vector_store %arg12[%swap3A_332, %swap3A_333], %exp3A_330 {strides = array<i32>} : memref<1x128xf32, #tpu.memory_space<vmem>>, vector<16xf32>,
      %get3A_335 = arith.constant 96 : index
      %get3A_336 = tpu.vector_load %arg10[%get3A_335] {strides = array<i32>} : memref<128xi32, #tpu.memory_space<vmem>>, vector<16xi32>,
      %sub3A_337 = vector.broadcast %mul3A_36 : i32 to vector<16xi32>
      %sub3A_338 = arith.subi %get3A_336, %sub3A_337 : vector<16xi32>
      %get3A_339 = arith.constant 96 : index
      %get3A_340 = tpu.vector_load %arg11[%get3A_339] {strides = array<i32>} : memref<128xi32, #tpu.memory_space<vmem>>, vector<16xi32>,
      %broadcast_in_dim3A_341 = arith.constant 0 : i32
      %broadcast_in_dim3A_342 = vector.broadcast %broadcast_in_dim3A_341 : i32 to vector<16xi32>
      %add3A_343 = vector.broadcast %add3A_34 : i32 to vector<16xi32>
      %add3A_344 = arith.addi %broadcast_in_dim3A_342, %add3A_343 : vector<16xi32>
      %add3A_345 = arith.constant 1 : i32
      %add3A_346 = vector.broadcast %add3A_345 : i32 to vector<16xi32>
      %add3A_347 = arith.addi %add3A_344, %add3A_346 : vector<16xi32>
      %gather3A_348 = tpu.vector_load_idx %arg7[%sub3A_338, %add3A_344] : memref<10240x8xf32, #tpu.memory_space<vmem>>[vector<16xi32>, vector<16xi32>], vector<16xf32>,
      %gather3A_349 = tpu.vector_load_idx %arg7[%get3A_340, %add3A_347] : memref<10240x8xf32, #tpu.memory_space<vmem>>[vector<16xi32>, vector<16xi32>], vector<16xf32>,
      %add3A_350 = arith.addf %gather3A_348, %gather3A_349 : vector<16xf32>
      %mul3A_351 = arith.constant 2.000000e-01 : f32
      %mul3A_352 = vector.broadcast %mul3A_351 : f32 to vector<16xf32>
      %mul3A_353 = arith.mulf %add3A_350, %mul3A_352 : vector<16xf32>
      %max3A_354 = arith.maximumf %add3A_350, %mul3A_353 : vector<16xf32>
      %sub3A_355 = arith.subf %max3A_354, %gather3A : vector<16xf32>
      %exp3A_356 = math.exp %sub3A_355 : vector<16xf32>
      %swap3A_357 = arith.constant 0 : i32
      %swap3A_358 = arith.index_cast %swap3A_357 : i32 to index
      %swap3A_359 = arith.constant 96 : index
      %swap3A_360 = tpu.vector_load %arg12[%swap3A_358, %swap3A_359] {strides = array<i32>} : memref<1x128xf32, #tpu.memory_space<vmem>>, vector<16xf32>,
      tpu.vector_store %arg12[%swap3A_358, %swap3A_359], %exp3A_356 {strides = array<i32>} : memref<1x128xf32, #tpu.memory_space<vmem>>, vector<16xf32>,
      %get3A_361 = arith.constant 112 : index
      %get3A_362 = tpu.vector_load %arg10[%get3A_361] {strides = array<i32>} : memref<128xi32, #tpu.memory_space<vmem>>, vector<16xi32>,
      %sub3A_363 = vector.broadcast %mul3A_36 : i32 to vector<16xi32>
      %sub3A_364 = arith.subi %get3A_362, %sub3A_363 : vector<16xi32>
      %get3A_365 = arith.constant 112 : index
      %get3A_366 = tpu.vector_load %arg11[%get3A_365] {strides = array<i32>} : memref<128xi32, #tpu.memory_space<vmem>>, vector<16xi32>,
      %broadcast_in_dim3A_367 = arith.constant 0 : i32
      %broadcast_in_dim3A_368 = vector.broadcast %broadcast_in_dim3A_367 : i32 to vector<16xi32>
      %add3A_369 = vector.broadcast %add3A_34 : i32 to vector<16xi32>
      %add3A_370 = arith.addi %broadcast_in_dim3A_368, %add3A_369 : vector<16xi32>
      %add3A_371 = arith.constant 1 : i32
      %add3A_372 = vector.broadcast %add3A_371 : i32 to vector<16xi32>
      %add3A_373 = arith.addi %add3A_370, %add3A_372 : vector<16xi32>
      %gather3A_374 = tpu.vector_load_idx %arg7[%sub3A_364, %add3A_370] : memref<10240x8xf32, #tpu.memory_space<vmem>>[vector<16xi32>, vector<16xi32>], vector<16xf32>,
      %gather3A_375 = tpu.vector_load_idx %arg7[%get3A_366, %add3A_373] : memref<10240x8xf32, #tpu.memory_space<vmem>>[vector<16xi32>, vector<16xi32>], vector<16xf32>,
      %add3A_376 = arith.addf %gather3A_374, %gather3A_375 : vector<16xf32>
      %mul3A_377 = arith.constant 2.000000e-01 : f32
      %mul3A_378 = vector.broadcast %mul3A_377 : f32 to vector<16xf32>
      %mul3A_379 = arith.mulf %add3A_376, %mul3A_378 : vector<16xf32>
      %max3A_380 = arith.maximumf %add3A_376, %mul3A_379 : vector<16xf32>
      %sub3A_381 = arith.subf %max3A_380, %gather3A : vector<16xf32>
      %exp3A_382 = math.exp %sub3A_381 : vector<16xf32>
      %swap3A_383 = arith.constant 0 : i32
      %swap3A_384 = arith.index_cast %swap3A_383 : i32 to index
      %swap3A_385 = arith.constant 112 : index
      %swap3A_386 = tpu.vector_load %arg12[%swap3A_384, %swap3A_385] {strides = array<i32>} : memref<1x128xf32, #tpu.memory_space<vmem>>, vector<16xf32>,
      tpu.vector_store %arg12[%swap3A_384, %swap3A_385], %exp3A_382 {strides = array<i32>} : memref<1x128xf32, #tpu.memory_space<vmem>>, vector<16xf32>,
      %dma_wait3A = arith.constant 0 : i32
      %dma_wait3A_387 = arith.constant 0 : i32
      %dma_wait3A_388 = tpu.memref_slice %arg3[%dma_wait3A, %dma_wait3A_387] : memref<20480x48xf32, #tpu.memory_space<hbm>> -> memref<20480x48xf32, #tpu.memory_space<hbm>>
      tpu.wait_indirect_dma semaphore(%arg15 : memref<!tpu.dma_semaphore, #tpu.memory_space<semaphore_mem>>) src(%dma_wait3A_388 : memref<20480x48xf32, #tpu.memory_space<hbm>>) dst(%arg8 : memref<128x48xf32, #tpu.memory_space<vmem>>)
      %scan3A_389 = arith.constant 0 : i32
      %scan3A_390 = arith.constant 0 : i32
      %scan3A_391 = arith.constant 128 : i32
      %scan3A_392 = arith.addi %scan3A_390, %scan3A_391 : i32
      %scan3A_393 = arith.constant 4 : i32
      scf.for %scan3A_395 = %scan3A_390 to %scan3A_392 step %scan3A_393  : i32 {
        %broadcast_in_dim3A_396 = vector.broadcast %scan3A_395 : i32 to vector<16xi32>
        %broadcast_in_dim3A_397 = arith.constant 0 : i32
        %broadcast_in_dim3A_398 = vector.broadcast %broadcast_in_dim3A_397 : i32 to vector<16xi32>
        %gather3A_399 = tpu.vector_load_idx %arg12[%broadcast_in_dim3A_398, %broadcast_in_dim3A_396] : memref<1x128xf32, #tpu.memory_space<vmem>>[vector<16xi32>, vector<16xi32>], vector<16xf32>,
        %mul3A_400 = arith.mulf %gather3A_399, %convert_element_type3A_30 : vector<16xf32>
        %get3A_401 = arith.index_cast %scan3A_395 : i32 to index
        %get3A_402 = arith.constant 0 : index
        %get3A_403 = tpu.vector_load %arg8[%get3A_401, %get3A_402] {strides = array<i32>} : memref<128x48xf32, #tpu.memory_space<vmem>>, vector<16xf32>,
        %mul3A_404 = arith.mulf %get3A_403, %gather3A_399 : vector<16xf32>
        %swap3A_405 = arith.index_cast %scan3A_395 : i32 to index
        %swap3A_406 = arith.constant 0 : index
        %swap3A_407 = tpu.vector_load %arg8[%swap3A_405, %swap3A_406] {strides = array<i32>} : memref<128x48xf32, #tpu.memory_space<vmem>>, vector<16xf32>,
        tpu.vector_store %arg8[%swap3A_405, %swap3A_406], %mul3A_404 {strides = array<i32>} : memref<128x48xf32, #tpu.memory_space<vmem>>, vector<16xf32>,
        %get3A_408 = arith.index_cast %scan3A_395 : i32 to index
        %get3A_409 = arith.constant 16 : index
        %get3A_410 = tpu.vector_load %arg8[%get3A_408, %get3A_409] {strides = array<i32>} : memref<128x48xf32, #tpu.memory_space<vmem>>, vector<16xf32>,
        %mul3A_411 = arith.mulf %get3A_410, %gather3A_399 : vector<16xf32>
        %swap3A_412 = arith.index_cast %scan3A_395 : i32 to index
        %swap3A_413 = arith.constant 16 : index
        %swap3A_414 = tpu.vector_load %arg8[%swap3A_412, %swap3A_413] {strides = array<i32>} : memref<128x48xf32, #tpu.memory_space<vmem>>, vector<16xf32>,
        tpu.vector_store %arg8[%swap3A_412, %swap3A_413], %mul3A_411 {strides = array<i32>} : memref<128x48xf32, #tpu.memory_space<vmem>>, vector<16xf32>,
        %get3A_415 = arith.index_cast %scan3A_395 : i32 to index
        %get3A_416 = arith.constant 32 : index
        %get3A_417 = tpu.vector_load %arg8[%get3A_415, %get3A_416] {strides = array<i32>} : memref<128x48xf32, #tpu.memory_space<vmem>>, vector<16xf32>,
        %mul3A_418 = arith.mulf %get3A_417, %mul3A_400 : vector<16xf32>
        %swap3A_419 = arith.index_cast %scan3A_395 : i32 to index
        %swap3A_420 = arith.constant 32 : index
        %swap3A_421 = tpu.vector_load %arg8[%swap3A_419, %swap3A_420] {strides = array<i32>} : memref<128x48xf32, #tpu.memory_space<vmem>>, vector<16xf32>,
        tpu.vector_store %arg8[%swap3A_419, %swap3A_420], %mul3A_418 {strides = array<i32>} : memref<128x48xf32, #tpu.memory_space<vmem>>, vector<16xf32>,
        %scan3A_422 = arith.constant 1 : i32
        %scan3A_423 = arith.addi %scan3A_395, %scan3A_422 : i32
        %broadcast_in_dim3A_424 = vector.broadcast %scan3A_423 : i32 to vector<16xi32>
        %broadcast_in_dim3A_425 = arith.constant 0 : i32
        %broadcast_in_dim3A_426 = vector.broadcast %broadcast_in_dim3A_425 : i32 to vector<16xi32>
        %gather3A_427 = tpu.vector_load_idx %arg12[%broadcast_in_dim3A_426, %broadcast_in_dim3A_424] : memref<1x128xf32, #tpu.memory_space<vmem>>[vector<16xi32>, vector<16xi32>], vector<16xf32>,
        %mul3A_428 = arith.mulf %gather3A_427, %convert_element_type3A_30 : vector<16xf32>
        %get3A_429 = arith.index_cast %scan3A_423 : i32 to index
        %get3A_430 = arith.constant 0 : index
        %get3A_431 = tpu.vector_load %arg8[%get3A_429, %get3A_430] {strides = array<i32>} : memref<128x48xf32, #tpu.memory_space<vmem>>, vector<16xf32>,
        %mul3A_432 = arith.mulf %get3A_431, %gather3A_427 : vector<16xf32>
        %swap3A_433 = arith.index_cast %scan3A_423 : i32 to index
        %swap3A_434 = arith.constant 0 : index
        %swap3A_435 = tpu.vector_load %arg8[%swap3A_433, %swap3A_434] {strides = array<i32>} : memref<128x48xf32, #tpu.memory_space<vmem>>, vector<16xf32>,
        tpu.vector_store %arg8[%swap3A_433, %swap3A_434], %mul3A_432 {strides = array<i32>} : memref<128x48xf32, #tpu.memory_space<vmem>>, vector<16xf32>,
        %get3A_436 = arith.index_cast %scan3A_423 : i32 to index
        %get3A_437 = arith.constant 16 : index
        %get3A_438 = tpu.vector_load %arg8[%get3A_436, %get3A_437] {strides = array<i32>} : memref<128x48xf32, #tpu.memory_space<vmem>>, vector<16xf32>,
        %mul3A_439 = arith.mulf %get3A_438, %gather3A_427 : vector<16xf32>
        %swap3A_440 = arith.index_cast %scan3A_423 : i32 to index
        %swap3A_441 = arith.constant 16 : index
        %swap3A_442 = tpu.vector_load %arg8[%swap3A_440, %swap3A_441] {strides = array<i32>} : memref<128x48xf32, #tpu.memory_space<vmem>>, vector<16xf32>,
        tpu.vector_store %arg8[%swap3A_440, %swap3A_441], %mul3A_439 {strides = array<i32>} : memref<128x48xf32, #tpu.memory_space<vmem>>, vector<16xf32>,
        %get3A_443 = arith.index_cast %scan3A_423 : i32 to index
        %get3A_444 = arith.constant 32 : index
        %get3A_445 = tpu.vector_load %arg8[%get3A_443, %get3A_444] {strides = array<i32>} : memref<128x48xf32, #tpu.memory_space<vmem>>, vector<16xf32>,
        %mul3A_446 = arith.mulf %get3A_445, %mul3A_428 : vector<16xf32>
        %swap3A_447 = arith.index_cast %scan3A_423 : i32 to index
        %swap3A_448 = arith.constant 32 : index
        %swap3A_449 = tpu.vector_load %arg8[%swap3A_447, %swap3A_448] {strides = array<i32>} : memref<128x48xf32, #tpu.memory_space<vmem>>, vector<16xf32>,
        tpu.vector_store %arg8[%swap3A_447, %swap3A_448], %mul3A_446 {strides = array<i32>} : memref<128x48xf32, #tpu.memory_space<vmem>>, vector<16xf32>,
        %scan3A_450 = arith.constant 2 : i32
        %scan3A_451 = arith.addi %scan3A_395, %scan3A_450 : i32
        %broadcast_in_dim3A_452 = vector.broadcast %scan3A_451 : i32 to vector<16xi32>
        %broadcast_in_dim3A_453 = arith.constant 0 : i32
        %broadcast_in_dim3A_454 = vector.broadcast %broadcast_in_dim3A_453 : i32 to vector<16xi32>
        %gather3A_455 = tpu.vector_load_idx %arg12[%broadcast_in_dim3A_454, %broadcast_in_dim3A_452] : memref<1x128xf32, #tpu.memory_space<vmem>>[vector<16xi32>, vector<16xi32>], vector<16xf32>,
        %mul3A_456 = arith.mulf %gather3A_455, %convert_element_type3A_30 : vector<16xf32>
        %get3A_457 = arith.index_cast %scan3A_451 : i32 to index
        %get3A_458 = arith.constant 0 : index
        %get3A_459 = tpu.vector_load %arg8[%get3A_457, %get3A_458] {strides = array<i32>} : memref<128x48xf32, #tpu.memory_space<vmem>>, vector<16xf32>,
        %mul3A_460 = arith.mulf %get3A_459, %gather3A_455 : vector<16xf32>
        %swap3A_461 = arith.index_cast %scan3A_451 : i32 to index
        %swap3A_462 = arith.constant 0 : index
        %swap3A_463 = tpu.vector_load %arg8[%swap3A_461, %swap3A_462] {strides = array<i32>} : memref<128x48xf32, #tpu.memory_space<vmem>>, vector<16xf32>,
        tpu.vector_store %arg8[%swap3A_461, %swap3A_462], %mul3A_460 {strides = array<i32>} : memref<128x48xf32, #tpu.memory_space<vmem>>, vector<16xf32>,
        %get3A_464 = arith.index_cast %scan3A_451 : i32 to index
        %get3A_465 = arith.constant 16 : index
        %get3A_466 = tpu.vector_load %arg8[%get3A_464, %get3A_465] {strides = array<i32>} : memref<128x48xf32, #tpu.memory_space<vmem>>, vector<16xf32>,
        %mul3A_467 = arith.mulf %get3A_466, %gather3A_455 : vector<16xf32>
        %swap3A_468 = arith.index_cast %scan3A_451 : i32 to index
        %swap3A_469 = arith.constant 16 : index
        %swap3A_470 = tpu.vector_load %arg8[%swap3A_468, %swap3A_469] {strides = array<i32>} : memref<128x48xf32, #tpu.memory_space<vmem>>, vector<16xf32>,
        tpu.vector_store %arg8[%swap3A_468, %swap3A_469], %mul3A_467 {strides = array<i32>} : memref<128x48xf32, #tpu.memory_space<vmem>>, vector<16xf32>,
        %get3A_471 = arith.index_cast %scan3A_451 : i32 to index
        %get3A_472 = arith.constant 32 : index
        %get3A_473 = tpu.vector_load %arg8[%get3A_471, %get3A_472] {strides = array<i32>} : memref<128x48xf32, #tpu.memory_space<vmem>>, vector<16xf32>,
        %mul3A_474 = arith.mulf %get3A_473, %mul3A_456 : vector<16xf32>
        %swap3A_475 = arith.index_cast %scan3A_451 : i32 to index
        %swap3A_476 = arith.constant 32 : index
        %swap3A_477 = tpu.vector_load %arg8[%swap3A_475, %swap3A_476] {strides = array<i32>} : memref<128x48xf32, #tpu.memory_space<vmem>>, vector<16xf32>,
        tpu.vector_store %arg8[%swap3A_475, %swap3A_476], %mul3A_474 {strides = array<i32>} : memref<128x48xf32, #tpu.memory_space<vmem>>, vector<16xf32>,
        %scan3A_478 = arith.constant 3 : i32
        %scan3A_479 = arith.addi %scan3A_395, %scan3A_478 : i32
        %broadcast_in_dim3A_480 = vector.broadcast %scan3A_479 : i32 to vector<16xi32>
        %broadcast_in_dim3A_481 = arith.constant 0 : i32
        %broadcast_in_dim3A_482 = vector.broadcast %broadcast_in_dim3A_481 : i32 to vector<16xi32>
        %gather3A_483 = tpu.vector_load_idx %arg12[%broadcast_in_dim3A_482, %broadcast_in_dim3A_480] : memref<1x128xf32, #tpu.memory_space<vmem>>[vector<16xi32>, vector<16xi32>], vector<16xf32>,
        %mul3A_484 = arith.mulf %gather3A_483, %convert_element_type3A_30 : vector<16xf32>
        %get3A_485 = arith.index_cast %scan3A_479 : i32 to index
        %get3A_486 = arith.constant 0 : index
        %get3A_487 = tpu.vector_load %arg8[%get3A_485, %get3A_486] {strides = array<i32>} : memref<128x48xf32, #tpu.memory_space<vmem>>, vector<16xf32>,
        %mul3A_488 = arith.mulf %get3A_487, %gather3A_483 : vector<16xf32>
        %swap3A_489 = arith.index_cast %scan3A_479 : i32 to index
        %swap3A_490 = arith.constant 0 : index
        %swap3A_491 = tpu.vector_load %arg8[%swap3A_489, %swap3A_490] {strides = array<i32>} : memref<128x48xf32, #tpu.memory_space<vmem>>, vector<16xf32>,
        tpu.vector_store %arg8[%swap3A_489, %swap3A_490], %mul3A_488 {strides = array<i32>} : memref<128x48xf32, #tpu.memory_space<vmem>>, vector<16xf32>,
        %get3A_492 = arith.index_cast %scan3A_479 : i32 to index
        %get3A_493 = arith.constant 16 : index
        %get3A_494 = tpu.vector_load %arg8[%get3A_492, %get3A_493] {strides = array<i32>} : memref<128x48xf32, #tpu.memory_space<vmem>>, vector<16xf32>,
        %mul3A_495 = arith.mulf %get3A_494, %gather3A_483 : vector<16xf32>
        %swap3A_496 = arith.index_cast %scan3A_479 : i32 to index
        %swap3A_497 = arith.constant 16 : index
        %swap3A_498 = tpu.vector_load %arg8[%swap3A_496, %swap3A_497] {strides = array<i32>} : memref<128x48xf32, #tpu.memory_space<vmem>>, vector<16xf32>,
        tpu.vector_store %arg8[%swap3A_496, %swap3A_497], %mul3A_495 {strides = array<i32>} : memref<128x48xf32, #tpu.memory_space<vmem>>, vector<16xf32>,
        %get3A_499 = arith.index_cast %scan3A_479 : i32 to index
        %get3A_500 = arith.constant 32 : index
        %get3A_501 = tpu.vector_load %arg8[%get3A_499, %get3A_500] {strides = array<i32>} : memref<128x48xf32, #tpu.memory_space<vmem>>, vector<16xf32>,
        %mul3A_502 = arith.mulf %get3A_501, %mul3A_484 : vector<16xf32>
        %swap3A_503 = arith.index_cast %scan3A_479 : i32 to index
        %swap3A_504 = arith.constant 32 : index
        %swap3A_505 = tpu.vector_load %arg8[%swap3A_503, %swap3A_504] {strides = array<i32>} : memref<128x48xf32, #tpu.memory_space<vmem>>, vector<16xf32>,
        tpu.vector_store %arg8[%swap3A_503, %swap3A_504], %mul3A_502 {strides = array<i32>} : memref<128x48xf32, #tpu.memory_space<vmem>>, vector<16xf32>,
      }
      %scan3A_394 = arith.constant 128 : i32
      "tpu.region"() ({
        %run_scoped3A = tpu.sem_alloc : memref<!tpu.dma_semaphore, #tpu.memory_space<semaphore_mem>>
        %dma_start3A_395 = arith.constant 0 : i32
        %dma_start3A_396 = arith.constant 0 : i32
        %dma_start3A_397 = tpu.memref_slice %arg14[%dma_start3A_395, %dma_start3A_396] : memref<10240x48xf32, #tpu.memory_space<vmem_shared>> -> memref<10240x48xf32, #tpu.memory_space<vmem_shared>>
        tpu.enqueue_indirect_dma source(%arg8 : memref<128x48xf32, #tpu.memory_space<vmem>>) target(%dma_start3A_397 : memref<10240x48xf32, #tpu.memory_space<vmem_shared>>) offsets(%arg11 : memref<128xi32, #tpu.memory_space<vmem>>) semaphore(%run_scoped3A : memref<!tpu.dma_semaphore, #tpu.memory_space<semaphore_mem>>) {add = true}
        %dma_wait3A_398 = arith.constant 0 : i32
        %dma_wait3A_399 = arith.constant 0 : i32
        %dma_wait3A_400 = tpu.memref_slice %arg14[%dma_wait3A_398, %dma_wait3A_399] : memref<10240x48xf32, #tpu.memory_space<vmem_shared>> -> memref<10240x48xf32, #tpu.memory_space<vmem_shared>>
        tpu.wait_indirect_dma semaphore(%run_scoped3A : memref<!tpu.dma_semaphore, #tpu.memory_space<semaphore_mem>>) src(%arg8 : memref<128x48xf32, #tpu.memory_space<vmem>>) dst(%dma_wait3A_400 : memref<10240x48xf32, #tpu.memory_space<vmem_shared>>)
        tpu.yield
      }) : () -> ()
    }
    %scan3A_42 = arith.constant 162 : i32
    %barrier3A_43 = arith.constant 0 : index
    tpu.barrier barrier_id(%barrier3A_43)
    %mul3A_44 = arith.constant 640 : i32
    %mul3A_45 = arith.muli %arg1, %mul3A_44 : i32
    %add3A_46 = arith.constant 0 : i32
    %add3A_47 = arith.addi %mul3A_45, %add3A_46 : i32
    "tpu.region"() ({
      %run_scoped3A = tpu.sem_alloc : memref<!tpu.dma_semaphore, #tpu.memory_space<semaphore_mem>>
      %dma_start3A = arith.constant 0 : i32
      %dma_start3A_64 = tpu.memref_slice %arg14[%add3A_47, %dma_start3A] : memref<10240x48xf32, #tpu.memory_space<vmem_shared>> -> memref<128x48xf32, #tpu.memory_space<vmem_shared>>
      %dma_start3A_65 = arith.constant 0 : i32
      %dma_start3A_66 = tpu.memref_slice %arg14[%add3A_47, %dma_start3A_65] : memref<10240x48xf32, #tpu.memory_space<vmem_shared>> -> memref<128x48xf32, #tpu.memory_space<vmem_shared>>
      tpu.enqueue_dma source(%dma_start3A_66 : memref<128x48xf32, #tpu.memory_space<vmem_shared>>) target(%arg8 : memref<128x48xf32, #tpu.memory_space<vmem>>) target_semaphore(%run_scoped3A : memref<!tpu.dma_semaphore, #tpu.memory_space<semaphore_mem>>)
      %dma_wait3A = arith.constant 0 : i32
      %dma_wait3A_67 = tpu.memref_slice %arg14[%add3A_47, %dma_wait3A] : memref<10240x48xf32, #tpu.memory_space<vmem_shared>> -> memref<128x48xf32, #tpu.memory_space<vmem_shared>>
      %dma_wait3A_68 = arith.constant 0 : i32
      %dma_wait3A_69 = tpu.memref_slice %arg14[%add3A_47, %dma_wait3A_68] : memref<10240x48xf32, #tpu.memory_space<vmem_shared>> -> memref<128x48xf32, #tpu.memory_space<vmem_shared>>
      tpu.wait_dma2 semaphore(%run_scoped3A : memref<!tpu.dma_semaphore, #tpu.memory_space<semaphore_mem>>) src(%dma_wait3A_69 : memref<128x48xf32, #tpu.memory_space<vmem_shared>>) dst(%arg8 : memref<128x48xf32, #tpu.memory_space<vmem>>)
      tpu.yield
    }) : () -> ()
    "tpu.region"() ({
      %run_scoped3A = tpu.sem_alloc : memref<!tpu.dma_semaphore, #tpu.memory_space<semaphore_mem>>
      %dma_start3A = arith.constant 0 : i32
      %dma_start3A_64 = tpu.memref_slice %arg6[%arg0, %add3A_47, %dma_start3A] : memref<2x10240x48xf32, #tpu.memory_space<hbm>> -> memref<1x128x48xf32, #tpu.memory_space<hbm>>
      %dma_start3A_65 = tpu.memref_squeeze %dma_start3A_64 : memref<1x128x48xf32, #tpu.memory_space<hbm>> -> memref<128x48xf32, #tpu.memory_space<hbm>>
      %dma_start3A_66 = arith.constant 0 : i32
      %dma_start3A_67 = tpu.memref_slice %arg6[%arg0, %add3A_47, %dma_start3A_66] : memref<2x10240x48xf32, #tpu.memory_space<hbm>> -> memref<1x128x48xf32, #tpu.memory_space<hbm>>
      %dma_start3A_68 = tpu.memref_squeeze %dma_start3A_67 : memref<1x128x48xf32, #tpu.memory_space<hbm>> -> memref<128x48xf32, #tpu.memory_space<hbm>>
      tpu.enqueue_dma source(%arg8 : memref<128x48xf32, #tpu.memory_space<vmem>>) target(%dma_start3A_68 : memref<128x48xf32, #tpu.memory_space<hbm>>) target_semaphore(%run_scoped3A : memref<!tpu.dma_semaphore, #tpu.memory_space<semaphore_mem>>)
      %dma_wait3A = arith.constant 0 : i32
      %dma_wait3A_69 = tpu.memref_slice %arg6[%arg0, %add3A_47, %dma_wait3A] : memref<2x10240x48xf32, #tpu.memory_space<hbm>> -> memref<1x128x48xf32, #tpu.memory_space<hbm>>
      %dma_wait3A_70 = tpu.memref_squeeze %dma_wait3A_69 : memref<1x128x48xf32, #tpu.memory_space<hbm>> -> memref<128x48xf32, #tpu.memory_space<hbm>>
      %dma_wait3A_71 = arith.constant 0 : i32
      %dma_wait3A_72 = tpu.memref_slice %arg6[%arg0, %add3A_47, %dma_wait3A_71] : memref<2x10240x48xf32, #tpu.memory_space<hbm>> -> memref<1x128x48xf32, #tpu.memory_space<hbm>>
      %dma_wait3A_73 = tpu.memref_squeeze %dma_wait3A_72 : memref<1x128x48xf32, #tpu.memory_space<hbm>> -> memref<128x48xf32, #tpu.memory_space<hbm>>
      tpu.wait_dma2 semaphore(%run_scoped3A : memref<!tpu.dma_semaphore, #tpu.memory_space<semaphore_mem>>) src(%arg8 : memref<128x48xf32, #tpu.memory_space<vmem>>) dst(%dma_wait3A_73 : memref<128x48xf32, #tpu.memory_space<hbm>>)
      tpu.yield
    }) : () -> ()
    %mul3A_48 = arith.constant 640 : i32
    %mul3A_49 = arith.muli %arg1, %mul3A_48 : i32
    %add3A_50 = arith.constant 128 : i32
    %add3A_51 = arith.addi %mul3A_49, %add3A_50 : i32
    "tpu.region"() ({
      %run_scoped3A = tpu.sem_alloc : memref<!tpu.dma_semaphore, #tpu.memory_space<semaphore_mem>>
      %dma_start3A = arith.constant 0 : i32
      %dma_start3A_64 = tpu.memref_slice %arg14[%add3A_51, %dma_start3A] : memref<10240x48xf32, #tpu.memory_space<vmem_shared>> -> memref<128x48xf32, #tpu.memory_space<vmem_shared>>
      %dma_start3A_65 = arith.constant 0 : i32
      %dma_start3A_66 = tpu.memref_slice %arg14[%add3A_51, %dma_start3A_65] : memref<10240x48xf32, #tpu.memory_space<vmem_shared>> -> memref<128x48xf32, #tpu.memory_space<vmem_shared>>
      tpu.enqueue_dma source(%dma_start3A_66 : memref<128x48xf32, #tpu.memory_space<vmem_shared>>) target(%arg8 : memref<128x48xf32, #tpu.memory_space<vmem>>) target_semaphore(%run_scoped3A : memref<!tpu.dma_semaphore, #tpu.memory_space<semaphore_mem>>)
      %dma_wait3A = arith.constant 0 : i32
      %dma_wait3A_67 = tpu.memref_slice %arg14[%add3A_51, %dma_wait3A] : memref<10240x48xf32, #tpu.memory_space<vmem_shared>> -> memref<128x48xf32, #tpu.memory_space<vmem_shared>>
      %dma_wait3A_68 = arith.constant 0 : i32
      %dma_wait3A_69 = tpu.memref_slice %arg14[%add3A_51, %dma_wait3A_68] : memref<10240x48xf32, #tpu.memory_space<vmem_shared>> -> memref<128x48xf32, #tpu.memory_space<vmem_shared>>
      tpu.wait_dma2 semaphore(%run_scoped3A : memref<!tpu.dma_semaphore, #tpu.memory_space<semaphore_mem>>) src(%dma_wait3A_69 : memref<128x48xf32, #tpu.memory_space<vmem_shared>>) dst(%arg8 : memref<128x48xf32, #tpu.memory_space<vmem>>)
      tpu.yield
    }) : () -> ()
    "tpu.region"() ({
      %run_scoped3A = tpu.sem_alloc : memref<!tpu.dma_semaphore, #tpu.memory_space<semaphore_mem>>
      %dma_start3A = arith.constant 0 : i32
      %dma_start3A_64 = tpu.memref_slice %arg6[%arg0, %add3A_51, %dma_start3A] : memref<2x10240x48xf32, #tpu.memory_space<hbm>> -> memref<1x128x48xf32, #tpu.memory_space<hbm>>
      %dma_start3A_65 = tpu.memref_squeeze %dma_start3A_64 : memref<1x128x48xf32, #tpu.memory_space<hbm>> -> memref<128x48xf32, #tpu.memory_space<hbm>>
      %dma_start3A_66 = arith.constant 0 : i32
      %dma_start3A_67 = tpu.memref_slice %arg6[%arg0, %add3A_51, %dma_start3A_66] : memref<2x10240x48xf32, #tpu.memory_space<hbm>> -> memref<1x128x48xf32, #tpu.memory_space<hbm>>
      %dma_start3A_68 = tpu.memref_squeeze %dma_start3A_67 : memref<1x128x48xf32, #tpu.memory_space<hbm>> -> memref<128x48xf32, #tpu.memory_space<hbm>>
      tpu.enqueue_dma source(%arg8 : memref<128x48xf32, #tpu.memory_space<vmem>>) target(%dma_start3A_68 : memref<128x48xf32, #tpu.memory_space<hbm>>) target_semaphore(%run_scoped3A : memref<!tpu.dma_semaphore, #tpu.memory_space<semaphore_mem>>)
      %dma_wait3A = arith.constant 0 : i32
      %dma_wait3A_69 = tpu.memref_slice %arg6[%arg0, %add3A_51, %dma_wait3A] : memref<2x10240x48xf32, #tpu.memory_space<hbm>> -> memref<1x128x48xf32, #tpu.memory_space<hbm>>
      %dma_wait3A_70 = tpu.memref_squeeze %dma_wait3A_69 : memref<1x128x48xf32, #tpu.memory_space<hbm>> -> memref<128x48xf32, #tpu.memory_space<hbm>>
      %dma_wait3A_71 = arith.constant 0 : i32
      %dma_wait3A_72 = tpu.memref_slice %arg6[%arg0, %add3A_51, %dma_wait3A_71] : memref<2x10240x48xf32, #tpu.memory_space<hbm>> -> memref<1x128x48xf32, #tpu.memory_space<hbm>>
      %dma_wait3A_73 = tpu.memref_squeeze %dma_wait3A_72 : memref<1x128x48xf32, #tpu.memory_space<hbm>> -> memref<128x48xf32, #tpu.memory_space<hbm>>
      tpu.wait_dma2 semaphore(%run_scoped3A : memref<!tpu.dma_semaphore, #tpu.memory_space<semaphore_mem>>) src(%arg8 : memref<128x48xf32, #tpu.memory_space<vmem>>) dst(%dma_wait3A_73 : memref<128x48xf32, #tpu.memory_space<hbm>>)
      tpu.yield
    }) : () -> ()
    %mul3A_52 = arith.constant 640 : i32
    %mul3A_53 = arith.muli %arg1, %mul3A_52 : i32
    %add3A_54 = arith.constant 256 : i32
    %add3A_55 = arith.addi %mul3A_53, %add3A_54 : i32
    "tpu.region"() ({
      %run_scoped3A = tpu.sem_alloc : memref<!tpu.dma_semaphore, #tpu.memory_space<semaphore_mem>>
      %dma_start3A = arith.constant 0 : i32
      %dma_start3A_64 = tpu.memref_slice %arg14[%add3A_55, %dma_start3A] : memref<10240x48xf32, #tpu.memory_space<vmem_shared>> -> memref<128x48xf32, #tpu.memory_space<vmem_shared>>
      %dma_start3A_65 = arith.constant 0 : i32
      %dma_start3A_66 = tpu.memref_slice %arg14[%add3A_55, %dma_start3A_65] : memref<10240x48xf32, #tpu.memory_space<vmem_shared>> -> memref<128x48xf32, #tpu.memory_space<vmem_shared>>
      tpu.enqueue_dma source(%dma_start3A_66 : memref<128x48xf32, #tpu.memory_space<vmem_shared>>) target(%arg8 : memref<128x48xf32, #tpu.memory_space<vmem>>) target_semaphore(%run_scoped3A : memref<!tpu.dma_semaphore, #tpu.memory_space<semaphore_mem>>)
      %dma_wait3A = arith.constant 0 : i32
      %dma_wait3A_67 = tpu.memref_slice %arg14[%add3A_55, %dma_wait3A] : memref<10240x48xf32, #tpu.memory_space<vmem_shared>> -> memref<128x48xf32, #tpu.memory_space<vmem_shared>>
      %dma_wait3A_68 = arith.constant 0 : i32
      %dma_wait3A_69 = tpu.memref_slice %arg14[%add3A_55, %dma_wait3A_68] : memref<10240x48xf32, #tpu.memory_space<vmem_shared>> -> memref<128x48xf32, #tpu.memory_space<vmem_shared>>
      tpu.wait_dma2 semaphore(%run_scoped3A : memref<!tpu.dma_semaphore, #tpu.memory_space<semaphore_mem>>) src(%dma_wait3A_69 : memref<128x48xf32, #tpu.memory_space<vmem_shared>>) dst(%arg8 : memref<128x48xf32, #tpu.memory_space<vmem>>)
      tpu.yield
    }) : () -> ()
    "tpu.region"() ({
      %run_scoped3A = tpu.sem_alloc : memref<!tpu.dma_semaphore, #tpu.memory_space<semaphore_mem>>
      %dma_start3A = arith.constant 0 : i32
      %dma_start3A_64 = tpu.memref_slice %arg6[%arg0, %add3A_55, %dma_start3A] : memref<2x10240x48xf32, #tpu.memory_space<hbm>> -> memref<1x128x48xf32, #tpu.memory_space<hbm>>
      %dma_start3A_65 = tpu.memref_squeeze %dma_start3A_64 : memref<1x128x48xf32, #tpu.memory_space<hbm>> -> memref<128x48xf32, #tpu.memory_space<hbm>>
      %dma_start3A_66 = arith.constant 0 : i32
      %dma_start3A_67 = tpu.memref_slice %arg6[%arg0, %add3A_55, %dma_start3A_66] : memref<2x10240x48xf32, #tpu.memory_space<hbm>> -> memref<1x128x48xf32, #tpu.memory_space<hbm>>
      %dma_start3A_68 = tpu.memref_squeeze %dma_start3A_67 : memref<1x128x48xf32, #tpu.memory_space<hbm>> -> memref<128x48xf32, #tpu.memory_space<hbm>>
      tpu.enqueue_dma source(%arg8 : memref<128x48xf32, #tpu.memory_space<vmem>>) target(%dma_start3A_68 : memref<128x48xf32, #tpu.memory_space<hbm>>) target_semaphore(%run_scoped3A : memref<!tpu.dma_semaphore, #tpu.memory_space<semaphore_mem>>)
      %dma_wait3A = arith.constant 0 : i32
      %dma_wait3A_69 = tpu.memref_slice %arg6[%arg0, %add3A_55, %dma_wait3A] : memref<2x10240x48xf32, #tpu.memory_space<hbm>> -> memref<1x128x48xf32, #tpu.memory_space<hbm>>
      %dma_wait3A_70 = tpu.memref_squeeze %dma_wait3A_69 : memref<1x128x48xf32, #tpu.memory_space<hbm>> -> memref<128x48xf32, #tpu.memory_space<hbm>>
      %dma_wait3A_71 = arith.constant 0 : i32
      %dma_wait3A_72 = tpu.memref_slice %arg6[%arg0, %add3A_55, %dma_wait3A_71] : memref<2x10240x48xf32, #tpu.memory_space<hbm>> -> memref<1x128x48xf32, #tpu.memory_space<hbm>>
      %dma_wait3A_73 = tpu.memref_squeeze %dma_wait3A_72 : memref<1x128x48xf32, #tpu.memory_space<hbm>> -> memref<128x48xf32, #tpu.memory_space<hbm>>
      tpu.wait_dma2 semaphore(%run_scoped3A : memref<!tpu.dma_semaphore, #tpu.memory_space<semaphore_mem>>) src(%arg8 : memref<128x48xf32, #tpu.memory_space<vmem>>) dst(%dma_wait3A_73 : memref<128x48xf32, #tpu.memory_space<hbm>>)
      tpu.yield
    }) : () -> ()
    %mul3A_56 = arith.constant 640 : i32
    %mul3A_57 = arith.muli %arg1, %mul3A_56 : i32
    %add3A_58 = arith.constant 384 : i32
    %add3A_59 = arith.addi %mul3A_57, %add3A_58 : i32
    "tpu.region"() ({
      %run_scoped3A = tpu.sem_alloc : memref<!tpu.dma_semaphore, #tpu.memory_space<semaphore_mem>>
      %dma_start3A = arith.constant 0 : i32
      %dma_start3A_64 = tpu.memref_slice %arg14[%add3A_59, %dma_start3A] : memref<10240x48xf32, #tpu.memory_space<vmem_shared>> -> memref<128x48xf32, #tpu.memory_space<vmem_shared>>
      %dma_start3A_65 = arith.constant 0 : i32
      %dma_start3A_66 = tpu.memref_slice %arg14[%add3A_59, %dma_start3A_65] : memref<10240x48xf32, #tpu.memory_space<vmem_shared>> -> memref<128x48xf32, #tpu.memory_space<vmem_shared>>
      tpu.enqueue_dma source(%dma_start3A_66 : memref<128x48xf32, #tpu.memory_space<vmem_shared>>) target(%arg8 : memref<128x48xf32, #tpu.memory_space<vmem>>) target_semaphore(%run_scoped3A : memref<!tpu.dma_semaphore, #tpu.memory_space<semaphore_mem>>)
      %dma_wait3A = arith.constant 0 : i32
      %dma_wait3A_67 = tpu.memref_slice %arg14[%add3A_59, %dma_wait3A] : memref<10240x48xf32, #tpu.memory_space<vmem_shared>> -> memref<128x48xf32, #tpu.memory_space<vmem_shared>>
      %dma_wait3A_68 = arith.constant 0 : i32
      %dma_wait3A_69 = tpu.memref_slice %arg14[%add3A_59, %dma_wait3A_68] : memref<10240x48xf32, #tpu.memory_space<vmem_shared>> -> memref<128x48xf32, #tpu.memory_space<vmem_shared>>
      tpu.wait_dma2 semaphore(%run_scoped3A : memref<!tpu.dma_semaphore, #tpu.memory_space<semaphore_mem>>) src(%dma_wait3A_69 : memref<128x48xf32, #tpu.memory_space<vmem_shared>>) dst(%arg8 : memref<128x48xf32, #tpu.memory_space<vmem>>)
      tpu.yield
    }) : () -> ()
    "tpu.region"() ({
      %run_scoped3A = tpu.sem_alloc : memref<!tpu.dma_semaphore, #tpu.memory_space<semaphore_mem>>
      %dma_start3A = arith.constant 0 : i32
      %dma_start3A_64 = tpu.memref_slice %arg6[%arg0, %add3A_59, %dma_start3A] : memref<2x10240x48xf32, #tpu.memory_space<hbm>> -> memref<1x128x48xf32, #tpu.memory_space<hbm>>
      %dma_start3A_65 = tpu.memref_squeeze %dma_start3A_64 : memref<1x128x48xf32, #tpu.memory_space<hbm>> -> memref<128x48xf32, #tpu.memory_space<hbm>>
      %dma_start3A_66 = arith.constant 0 : i32
      %dma_start3A_67 = tpu.memref_slice %arg6[%arg0, %add3A_59, %dma_start3A_66] : memref<2x10240x48xf32, #tpu.memory_space<hbm>> -> memref<1x128x48xf32, #tpu.memory_space<hbm>>
      %dma_start3A_68 = tpu.memref_squeeze %dma_start3A_67 : memref<1x128x48xf32, #tpu.memory_space<hbm>> -> memref<128x48xf32, #tpu.memory_space<hbm>>
      tpu.enqueue_dma source(%arg8 : memref<128x48xf32, #tpu.memory_space<vmem>>) target(%dma_start3A_68 : memref<128x48xf32, #tpu.memory_space<hbm>>) target_semaphore(%run_scoped3A : memref<!tpu.dma_semaphore, #tpu.memory_space<semaphore_mem>>)
      %dma_wait3A = arith.constant 0 : i32
      %dma_wait3A_69 = tpu.memref_slice %arg6[%arg0, %add3A_59, %dma_wait3A] : memref<2x10240x48xf32, #tpu.memory_space<hbm>> -> memref<1x128x48xf32, #tpu.memory_space<hbm>>
      %dma_wait3A_70 = tpu.memref_squeeze %dma_wait3A_69 : memref<1x128x48xf32, #tpu.memory_space<hbm>> -> memref<128x48xf32, #tpu.memory_space<hbm>>
      %dma_wait3A_71 = arith.constant 0 : i32
      %dma_wait3A_72 = tpu.memref_slice %arg6[%arg0, %add3A_59, %dma_wait3A_71] : memref<2x10240x48xf32, #tpu.memory_space<hbm>> -> memref<1x128x48xf32, #tpu.memory_space<hbm>>
      %dma_wait3A_73 = tpu.memref_squeeze %dma_wait3A_72 : memref<1x128x48xf32, #tpu.memory_space<hbm>> -> memref<128x48xf32, #tpu.memory_space<hbm>>
      tpu.wait_dma2 semaphore(%run_scoped3A : memref<!tpu.dma_semaphore, #tpu.memory_space<semaphore_mem>>) src(%arg8 : memref<128x48xf32, #tpu.memory_space<vmem>>) dst(%dma_wait3A_73 : memref<128x48xf32, #tpu.memory_space<hbm>>)
      tpu.yield
    }) : () -> ()
    %mul3A_60 = arith.constant 640 : i32
    %mul3A_61 = arith.muli %arg1, %mul3A_60 : i32
    %add3A_62 = arith.constant 512 : i32
    %add3A_63 = arith.addi %mul3A_61, %add3A_62 : i32
    "tpu.region"() ({
      %run_scoped3A = tpu.sem_alloc : memref<!tpu.dma_semaphore, #tpu.memory_space<semaphore_mem>>
      %dma_start3A = arith.constant 0 : i32
      %dma_start3A_64 = tpu.memref_slice %arg14[%add3A_63, %dma_start3A] : memref<10240x48xf32, #tpu.memory_space<vmem_shared>> -> memref<128x48xf32, #tpu.memory_space<vmem_shared>>
      %dma_start3A_65 = arith.constant 0 : i32
      %dma_start3A_66 = tpu.memref_slice %arg14[%add3A_63, %dma_start3A_65] : memref<10240x48xf32, #tpu.memory_space<vmem_shared>> -> memref<128x48xf32, #tpu.memory_space<vmem_shared>>
      tpu.enqueue_dma source(%dma_start3A_66 : memref<128x48xf32, #tpu.memory_space<vmem_shared>>) target(%arg8 : memref<128x48xf32, #tpu.memory_space<vmem>>) target_semaphore(%run_scoped3A : memref<!tpu.dma_semaphore, #tpu.memory_space<semaphore_mem>>)
      %dma_wait3A = arith.constant 0 : i32
      %dma_wait3A_67 = tpu.memref_slice %arg14[%add3A_63, %dma_wait3A] : memref<10240x48xf32, #tpu.memory_space<vmem_shared>> -> memref<128x48xf32, #tpu.memory_space<vmem_shared>>
      %dma_wait3A_68 = arith.constant 0 : i32
      %dma_wait3A_69 = tpu.memref_slice %arg14[%add3A_63, %dma_wait3A_68] : memref<10240x48xf32, #tpu.memory_space<vmem_shared>> -> memref<128x48xf32, #tpu.memory_space<vmem_shared>>
      tpu.wait_dma2 semaphore(%run_scoped3A : memref<!tpu.dma_semaphore, #tpu.memory_space<semaphore_mem>>) src(%dma_wait3A_69 : memref<128x48xf32, #tpu.memory_space<vmem_shared>>) dst(%arg8 : memref<128x48xf32, #tpu.memory_space<vmem>>)
      tpu.yield
    }) : () -> ()
    "tpu.region"() ({
      %run_scoped3A = tpu.sem_alloc : memref<!tpu.dma_semaphore, #tpu.memory_space<semaphore_mem>>
      %dma_start3A = arith.constant 0 : i32
      %dma_start3A_64 = tpu.memref_slice %arg6[%arg0, %add3A_63, %dma_start3A] : memref<2x10240x48xf32, #tpu.memory_space<hbm>> -> memref<1x128x48xf32, #tpu.memory_space<hbm>>
      %dma_start3A_65 = tpu.memref_squeeze %dma_start3A_64 : memref<1x128x48xf32, #tpu.memory_space<hbm>> -> memref<128x48xf32, #tpu.memory_space<hbm>>
      %dma_start3A_66 = arith.constant 0 : i32
      %dma_start3A_67 = tpu.memref_slice %arg6[%arg0, %add3A_63, %dma_start3A_66] : memref<2x10240x48xf32, #tpu.memory_space<hbm>> -> memref<1x128x48xf32, #tpu.memory_space<hbm>>
      %dma_start3A_68 = tpu.memref_squeeze %dma_start3A_67 : memref<1x128x48xf32, #tpu.memory_space<hbm>> -> memref<128x48xf32, #tpu.memory_space<hbm>>
      tpu.enqueue_dma source(%arg8 : memref<128x48xf32, #tpu.memory_space<vmem>>) target(%dma_start3A_68 : memref<128x48xf32, #tpu.memory_space<hbm>>) target_semaphore(%run_scoped3A : memref<!tpu.dma_semaphore, #tpu.memory_space<semaphore_mem>>)
      %dma_wait3A = arith.constant 0 : i32
      %dma_wait3A_69 = tpu.memref_slice %arg6[%arg0, %add3A_63, %dma_wait3A] : memref<2x10240x48xf32, #tpu.memory_space<hbm>> -> memref<1x128x48xf32, #tpu.memory_space<hbm>>
      %dma_wait3A_70 = tpu.memref_squeeze %dma_wait3A_69 : memref<1x128x48xf32, #tpu.memory_space<hbm>> -> memref<128x48xf32, #tpu.memory_space<hbm>>
      %dma_wait3A_71 = arith.constant 0 : i32
      %dma_wait3A_72 = tpu.memref_slice %arg6[%arg0, %add3A_63, %dma_wait3A_71] : memref<2x10240x48xf32, #tpu.memory_space<hbm>> -> memref<1x128x48xf32, #tpu.memory_space<hbm>>
      %dma_wait3A_73 = tpu.memref_squeeze %dma_wait3A_72 : memref<1x128x48xf32, #tpu.memory_space<hbm>> -> memref<128x48xf32, #tpu.memory_space<hbm>>
      tpu.wait_dma2 semaphore(%run_scoped3A : memref<!tpu.dma_semaphore, #tpu.memory_space<semaphore_mem>>) src(%arg8 : memref<128x48xf32, #tpu.memory_space<vmem>>) dst(%dma_wait3A_73 : memref<128x48xf32, #tpu.memory_space<hbm>>)
      tpu.yield
    }) : () -> ()
    return
  }
}

module attributes {stable_mosaic.version = 14 : i64} {
  func.func @_tc1_body(%arg0: i32, %arg1: memref<512x128xf32, #tpu.memory_space<vmem>>, %arg2: memref<128x128xf32, #tpu.memory_space<vmem>>, %arg3: memref<128x4xf32, #tpu.memory_space<vmem>>, %arg4: memref<128x4xf32, #tpu.memory_space<vmem>>, %arg5: memref<4x512x48xf32, #tpu.memory_space<vmem>>, %arg6: memref<512x8xf32, #tpu.memory_space<vmem>>, %arg7: memref<8x128xf32, #tpu.memory_space<vmem>>) attributes {dimension_semantics = [#tpu.dimension_semantics<arbitrary>], iteration_bounds = array<i64: 20>, scalar_prefetch = 0 : i64, scratch_operands = 0 : i64, tpu.core_type = #tpu.core_type<tc>, window_params = [{transform_indices = @transform_0, window_bounds = array<i64: 512, 128>}, {pipeline_mode = #tpu.pipeline_mode<synchronous>, transform_indices = @transform_1, window_bounds = array<i64: 128, 128>}, {pipeline_mode = #tpu.pipeline_mode<synchronous>, transform_indices = @transform_2, window_bounds = array<i64: 128, 4>}, {pipeline_mode = #tpu.pipeline_mode<synchronous>, transform_indices = @transform_3, window_bounds = array<i64: 128, 4>}, {transform_indices = @transform_4, window_bounds = array<i64: 4, 512, 48>}, {transform_indices = @transform_5, window_bounds = array<i64: 512, 8>}, {pipeline_mode = #tpu.pipeline_mode<synchronous>, transform_indices = @transform_6, window_bounds = array<i64: 8, 128>}]} {
    %get3A = arith.constant 0 : index
    %get3A_0 = arith.constant 0 : index
    %get3A_1 = vector.load %arg1[%get3A, %get3A_0] : memref<512x128xf32, #tpu.memory_space<vmem>>, vector<512x128xf32>
    %get3A_2 = arith.constant 0 : index
    %get3A_3 = arith.constant 0 : index
    %get3A_4 = vector.load %arg2[%get3A_2, %get3A_3] : memref<128x128xf32, #tpu.memory_space<vmem>>, vector<128x128xf32>
    %dot_general3A = arith.constant dense<0.000000e+00> : vector<512x128xf32>
    %dot_general3A_5 = tpu.matmul %get3A_1, %get3A_4, %dot_general3A {dimension_numbers = #tpu.dot_dimension_numbers<[1], [0], [0], [1], [0, 0, 1, 1], [], []>, transpose_lhs_hint = false} : vector<512x128xf32>, vector<128x128xf32>, vector<512x128xf32> -> vector<512x128xf32>
    %get3A_6 = arith.constant 0 : index
    %get3A_7 = arith.constant 0 : index
    %get3A_8 = vector.load %arg3[%get3A_6, %get3A_7] : memref<128x4xf32, #tpu.memory_space<vmem>>, vector<128x4xf32>
    %dot_general3A_9 = arith.constant dense<0.000000e+00> : vector<512x4xf32>
    %dot_general3A_10 = tpu.matmul %dot_general3A_5, %get3A_8, %dot_general3A_9 {dimension_numbers = #tpu.dot_dimension_numbers<[1], [0], [0], [1], [0, 0, 1, 1], [], []>, transpose_lhs_hint = false} : vector<512x128xf32>, vector<128x4xf32>, vector<512x4xf32> -> vector<512x4xf32>
    %get3A_11 = arith.constant 0 : index
    %get3A_12 = arith.constant 0 : index
    %get3A_13 = vector.load %arg4[%get3A_11, %get3A_12] : memref<128x4xf32, #tpu.memory_space<vmem>>, vector<128x4xf32>
    %dot_general3A_14 = arith.constant dense<0.000000e+00> : vector<512x4xf32>
    %dot_general3A_15 = tpu.matmul %dot_general3A_5, %get3A_13, %dot_general3A_14 {dimension_numbers = #tpu.dot_dimension_numbers<[1], [0], [0], [1], [0, 0, 1, 1], [], []>, transpose_lhs_hint = false} : vector<512x128xf32>, vector<128x4xf32>, vector<512x4xf32> -> vector<512x4xf32>
    %broadcast_in_dim3A = arith.constant 1.000000e+00 : f32
    %broadcast_in_dim3A_16 = vector.broadcast %broadcast_in_dim3A : f32 to vector<512x1xf32>
    %broadcast_in_dim3A_17 = arith.constant 0.000000e+00 : f32
    %broadcast_in_dim3A_18 = vector.broadcast %broadcast_in_dim3A_17 : f32 to vector<512x15xf32>
    %slice3A = vector.extract_strided_slice %dot_general3A_5 {offsets = [0, 0], sizes = [512, 32], strides = [1, 1]} : vector<512x128xf32> to vector<512x32xf32>
    %concatenate3A = tpu.concatenate %slice3A, %broadcast_in_dim3A_16, %broadcast_in_dim3A_18 in 1 : vector<512x32xf32>, vector<512x1xf32>, vector<512x15xf32> -> vector<512x48xf32>
    %swap3A = arith.constant 0 : index
    %swap3A_19 = arith.constant 0 : index
    %swap3A_20 = arith.constant 0 : index
    %swap3A_21 = vector.load %arg5[%swap3A, %swap3A_19, %swap3A_20] : memref<4x512x48xf32, #tpu.memory_space<vmem>>, vector<1x512x48xf32>
    %swap3A_22 = vector.shape_cast %swap3A_21 : vector<1x512x48xf32> to vector<512x48xf32>
    %swap3A_23 = vector.shape_cast %concatenate3A : vector<512x48xf32> to vector<1x512x48xf32>
    tpu.vector_store %arg5[%swap3A, %swap3A_19, %swap3A_20], %swap3A_23 {strides = array<i32>} : memref<4x512x48xf32, #tpu.memory_space<vmem>>, vector<1x512x48xf32>,
    %slice3A_24 = vector.extract_strided_slice %dot_general3A_5 {offsets = [0, 32], sizes = [512, 32], strides = [1, 1]} : vector<512x128xf32> to vector<512x32xf32>
    %concatenate3A_25 = tpu.concatenate %slice3A_24, %broadcast_in_dim3A_16, %broadcast_in_dim3A_18 in 1 : vector<512x32xf32>, vector<512x1xf32>, vector<512x15xf32> -> vector<512x48xf32>
    %swap3A_26 = arith.constant 1 : index
    %swap3A_27 = arith.constant 0 : index
    %swap3A_28 = arith.constant 0 : index
    %swap3A_29 = vector.load %arg5[%swap3A_26, %swap3A_27, %swap3A_28] : memref<4x512x48xf32, #tpu.memory_space<vmem>>, vector<1x512x48xf32>
    %swap3A_30 = vector.shape_cast %swap3A_29 : vector<1x512x48xf32> to vector<512x48xf32>
    %swap3A_31 = vector.shape_cast %concatenate3A_25 : vector<512x48xf32> to vector<1x512x48xf32>
    tpu.vector_store %arg5[%swap3A_26, %swap3A_27, %swap3A_28], %swap3A_31 {strides = array<i32>} : memref<4x512x48xf32, #tpu.memory_space<vmem>>, vector<1x512x48xf32>,
    %slice3A_32 = vector.extract_strided_slice %dot_general3A_5 {offsets = [0, 64], sizes = [512, 32], strides = [1, 1]} : vector<512x128xf32> to vector<512x32xf32>
    %concatenate3A_33 = tpu.concatenate %slice3A_32, %broadcast_in_dim3A_16, %broadcast_in_dim3A_18 in 1 : vector<512x32xf32>, vector<512x1xf32>, vector<512x15xf32> -> vector<512x48xf32>
    %swap3A_34 = arith.constant 2 : index
    %swap3A_35 = arith.constant 0 : index
    %swap3A_36 = arith.constant 0 : index
    %swap3A_37 = vector.load %arg5[%swap3A_34, %swap3A_35, %swap3A_36] : memref<4x512x48xf32, #tpu.memory_space<vmem>>, vector<1x512x48xf32>
    %swap3A_38 = vector.shape_cast %swap3A_37 : vector<1x512x48xf32> to vector<512x48xf32>
    %swap3A_39 = vector.shape_cast %concatenate3A_33 : vector<512x48xf32> to vector<1x512x48xf32>
    tpu.vector_store %arg5[%swap3A_34, %swap3A_35, %swap3A_36], %swap3A_39 {strides = array<i32>} : memref<4x512x48xf32, #tpu.memory_space<vmem>>, vector<1x512x48xf32>,
    %slice3A_40 = vector.extract_strided_slice %dot_general3A_5 {offsets = [0, 96], sizes = [512, 32], strides = [1, 1]} : vector<512x128xf32> to vector<512x32xf32>
    %concatenate3A_41 = tpu.concatenate %slice3A_40, %broadcast_in_dim3A_16, %broadcast_in_dim3A_18 in 1 : vector<512x32xf32>, vector<512x1xf32>, vector<512x15xf32> -> vector<512x48xf32>
    %swap3A_42 = arith.constant 3 : index
    %swap3A_43 = arith.constant 0 : index
    %swap3A_44 = arith.constant 0 : index
    %swap3A_45 = vector.load %arg5[%swap3A_42, %swap3A_43, %swap3A_44] : memref<4x512x48xf32, #tpu.memory_space<vmem>>, vector<1x512x48xf32>
    %swap3A_46 = vector.shape_cast %swap3A_45 : vector<1x512x48xf32> to vector<512x48xf32>
    %swap3A_47 = vector.shape_cast %concatenate3A_41 : vector<512x48xf32> to vector<1x512x48xf32>
    tpu.vector_store %arg5[%swap3A_42, %swap3A_43, %swap3A_44], %swap3A_47 {strides = array<i32>} : memref<4x512x48xf32, #tpu.memory_space<vmem>>, vector<1x512x48xf32>,
    %concatenate3A_48 = tpu.concatenate %dot_general3A_10, %dot_general3A_15 in 1 : vector<512x4xf32>, vector<512x4xf32> -> vector<512x8xf32>
    %swap3A_49 = arith.constant 0 : index
    %swap3A_50 = arith.constant 0 : index
    %swap3A_51 = vector.load %arg6[%swap3A_49, %swap3A_50] : memref<512x8xf32, #tpu.memory_space<vmem>>, vector<512x8xf32>
    tpu.vector_store %arg6[%swap3A_49, %swap3A_50], %concatenate3A_48 {strides = array<i32>} : memref<512x8xf32, #tpu.memory_space<vmem>>, vector<512x8xf32>,
    %reduce_max3A = arith.constant dense<0xFF800000> : vector<4xf32>
    %reduce_max3A_52 = vector.multi_reduction <maximumf>, %dot_general3A_10, %reduce_max3A [0] : vector<512x4xf32> to vector<4xf32>
    %broadcast_in_dim3A_53 = vector.shape_cast %reduce_max3A_52 : vector<4xf32> to vector<1x4xf32>
    %broadcast_in_dim3A_54 = arith.constant -1.000000e+30 : f32
    %broadcast_in_dim3A_55 = vector.broadcast %broadcast_in_dim3A_54 : f32 to vector<1x124xf32>
    %concatenate3A_56 = tpu.concatenate %broadcast_in_dim3A_53, %broadcast_in_dim3A_55 in 1 : vector<1x4xf32>, vector<1x124xf32> -> vector<1x128xf32>
    %reduce_max3A_57 = arith.constant dense<0xFF800000> : vector<4xf32>
    %reduce_max3A_58 = vector.multi_reduction <maximumf>, %dot_general3A_15, %reduce_max3A_57 [0] : vector<512x4xf32> to vector<4xf32>
    %broadcast_in_dim3A_59 = vector.shape_cast %reduce_max3A_58 : vector<4xf32> to vector<1x4xf32>
    %broadcast_in_dim3A_60 = arith.constant -1.000000e+30 : f32
    %broadcast_in_dim3A_61 = vector.broadcast %broadcast_in_dim3A_60 : f32 to vector<1x124xf32>
    %concatenate3A_62 = tpu.concatenate %broadcast_in_dim3A_59, %broadcast_in_dim3A_61 in 1 : vector<1x4xf32>, vector<1x124xf32> -> vector<1x128xf32>
    %broadcast_in_dim3A_63 = arith.constant -1.000000e+30 : f32
    %broadcast_in_dim3A_64 = vector.broadcast %broadcast_in_dim3A_63 : f32 to vector<6x128xf32>
    %concatenate3A_65 = tpu.concatenate %concatenate3A_56, %concatenate3A_62, %broadcast_in_dim3A_64 in 0 : vector<1x128xf32>, vector<1x128xf32>, vector<6x128xf32> -> vector<8x128xf32>
    %eq3A = arith.constant 0 : i32
    %eq3A_66 = arith.cmpi eq, %arg0, %eq3A : i32
    %broadcast_in_dim3A_67 = arith.constant -1.000000e+30 : f32
    %broadcast_in_dim3A_68 = vector.broadcast %broadcast_in_dim3A_67 : f32 to vector<8x128xf32>
    %get3A_69 = arith.constant 0 : index
    %get3A_70 = arith.constant 0 : index
    %get3A_71 = vector.load %arg7[%get3A_69, %get3A_70] : memref<8x128xf32, #tpu.memory_space<vmem>>, vector<8x128xf32>
    %select_n3A = arith.select %eq3A_66, %broadcast_in_dim3A_68, %get3A_71 : vector<8x128xf32>
    %max3A = arith.maximumf %select_n3A, %concatenate3A_65 : vector<8x128xf32>
    %swap3A_72 = arith.constant 0 : index
    %swap3A_73 = arith.constant 0 : index
    %swap3A_74 = vector.load %arg7[%swap3A_72, %swap3A_73] : memref<8x128xf32, #tpu.memory_space<vmem>>, vector<8x128xf32>
    tpu.vector_store %arg7[%swap3A_72, %swap3A_73], %max3A {strides = array<i32>} : memref<8x128xf32, #tpu.memory_space<vmem>>, vector<8x128xf32>,
    return
  }
  func.func @transform_0(%arg0: i32) -> (i32, i32) {
    %c0_i32 = arith.constant 0 : i32
    %c0_i32_0 = arith.constant 0 : i32
    return %arg0, %c0_i32 : i32, i32
  }
  func.func @transform_1(%arg0: i32) -> (i32, i32) {
    %c0_i32 = arith.constant 0 : i32
    %c0_i32_0 = arith.constant 0 : i32
    %c0_i32_1 = arith.constant 0 : i32
    return %c0_i32, %c0_i32_0 : i32, i32
  }
  func.func @transform_2(%arg0: i32) -> (i32, i32) {
    %c0_i32 = arith.constant 0 : i32
    %c0_i32_0 = arith.constant 0 : i32
    %c0_i32_1 = arith.constant 0 : i32
    return %c0_i32, %c0_i32_0 : i32, i32
  }
  func.func @transform_3(%arg0: i32) -> (i32, i32) {
    %c0_i32 = arith.constant 0 : i32
    %c0_i32_0 = arith.constant 0 : i32
    %c0_i32_1 = arith.constant 0 : i32
    return %c0_i32, %c0_i32_0 : i32, i32
  }
  func.func @transform_4(%arg0: i32) -> (i32, i32, i32) {
    %c0_i32 = arith.constant 0 : i32
    %c0_i32_0 = arith.constant 0 : i32
    %c0_i32_1 = arith.constant 0 : i32
    return %c0_i32, %arg0, %c0_i32_0 : i32, i32, i32
  }
  func.func @transform_5(%arg0: i32) -> (i32, i32) {
    %c0_i32 = arith.constant 0 : i32
    %c0_i32_0 = arith.constant 0 : i32
    return %arg0, %c0_i32 : i32, i32
  }
  func.func @transform_6(%arg0: i32) -> (i32, i32) {
    %c0_i32 = arith.constant 0 : i32
    %c0_i32_0 = arith.constant 0 : i32
    %c0_i32_1 = arith.constant 0 : i32
    return %c0_i32, %c0_i32_0 : i32, i32
  }
}

module attributes {stable_mosaic.version = 14 : i64} {
  func.func @_tc2_body(%arg0: i32, %arg1: memref<2x512x48xf32, #tpu.memory_space<vmem>>, %arg2: memref<2x512x48xf32, #tpu.memory_space<vmem>>, %arg3: memref<1x128xf32, #tpu.memory_space<vmem>>, %arg4: memref<128x64xf32, #tpu.memory_space<vmem>>, %arg5: memref<64x1xf32, #tpu.memory_space<vmem>>, %arg6: memref<64x1xf32, #tpu.memory_space<vmem>>, %arg7: memref<4x128xf32, #tpu.memory_space<vmem>>, %arg8: memref<2x512x48xf32, #tpu.memory_space<vmem>>, %arg9: memref<512x8xf32, #tpu.memory_space<vmem>>, %arg10: memref<8x128xf32, #tpu.memory_space<vmem>>) attributes {dimension_semantics = [#tpu.dimension_semantics<arbitrary>], iteration_bounds = array<i64: 20>, scalar_prefetch = 0 : i64, scratch_operands = 0 : i64, tpu.core_type = #tpu.core_type<tc>, window_params = [{transform_indices = @transform_0, window_bounds = array<i64: 2, 512, 48>}, {transform_indices = @transform_1, window_bounds = array<i64: 2, 512, 48>}, {pipeline_mode = #tpu.pipeline_mode<synchronous>, transform_indices = @transform_2, window_bounds = array<i64: 1, 128>}, {pipeline_mode = #tpu.pipeline_mode<synchronous>, transform_indices = @transform_3, window_bounds = array<i64: 128, 64>}, {pipeline_mode = #tpu.pipeline_mode<synchronous>, transform_indices = @transform_4, window_bounds = array<i64: 64, 1>}, {pipeline_mode = #tpu.pipeline_mode<synchronous>, transform_indices = @transform_5, window_bounds = array<i64: 64, 1>}, {pipeline_mode = #tpu.pipeline_mode<synchronous>, transform_indices = @transform_6, window_bounds = array<i64: 4, 128>}, {transform_indices = @transform_7, window_bounds = array<i64: 2, 512, 48>}, {transform_indices = @transform_8, window_bounds = array<i64: 512, 8>}, {pipeline_mode = #tpu.pipeline_mode<synchronous>, transform_indices = @transform_9, window_bounds = array<i64: 8, 128>}]} {
    %get3A = arith.constant 0 : index
    %get3A_0 = arith.constant 0 : index
    %get3A_1 = arith.constant 0 : index
    %get3A_2 = vector.load %arg1[%get3A, %get3A_0, %get3A_1] : memref<2x512x48xf32, #tpu.memory_space<vmem>>, vector<1x512x48xf32>
    %get3A_3 = vector.shape_cast %get3A_2 : vector<1x512x48xf32> to vector<512x48xf32>
    %get3A_4 = arith.constant 1 : index
    %get3A_5 = arith.constant 0 : index
    %get3A_6 = arith.constant 0 : index
    %get3A_7 = vector.load %arg1[%get3A_4, %get3A_5, %get3A_6] : memref<2x512x48xf32, #tpu.memory_space<vmem>>, vector<1x512x48xf32>
    %get3A_8 = vector.shape_cast %get3A_7 : vector<1x512x48xf32> to vector<512x48xf32>
    %get3A_9 = arith.constant 0 : index
    %get3A_10 = arith.constant 0 : index
    %get3A_11 = arith.constant 0 : index
    %get3A_12 = vector.load %arg2[%get3A_9, %get3A_10, %get3A_11] : memref<2x512x48xf32, #tpu.memory_space<vmem>>, vector<1x512x48xf32>
    %get3A_13 = vector.shape_cast %get3A_12 : vector<1x512x48xf32> to vector<512x48xf32>
    %get3A_14 = arith.constant 1 : index
    %get3A_15 = arith.constant 0 : index
    %get3A_16 = arith.constant 0 : index
    %get3A_17 = vector.load %arg2[%get3A_14, %get3A_15, %get3A_16] : memref<2x512x48xf32, #tpu.memory_space<vmem>>, vector<1x512x48xf32>
    %get3A_18 = vector.shape_cast %get3A_17 : vector<1x512x48xf32> to vector<512x48xf32>
    %slice3A = vector.extract_strided_slice %get3A_3 {offsets = [0, 0], sizes = [512, 32], strides = [1, 1]} : vector<512x48xf32> to vector<512x32xf32>
    %slice3A_19 = vector.extract_strided_slice %get3A_8 {offsets = [0, 0], sizes = [512, 32], strides = [1, 1]} : vector<512x48xf32> to vector<512x32xf32>
    %slice3A_20 = vector.extract_strided_slice %get3A_13 {offsets = [0, 0], sizes = [512, 32], strides = [1, 1]} : vector<512x48xf32> to vector<512x32xf32>
    %slice3A_21 = vector.extract_strided_slice %get3A_18 {offsets = [0, 0], sizes = [512, 32], strides = [1, 1]} : vector<512x48xf32> to vector<512x32xf32>
    %concatenate3A = tpu.concatenate %slice3A, %slice3A_19, %slice3A_20, %slice3A_21 in 1 : vector<512x32xf32>, vector<512x32xf32>, vector<512x32xf32>, vector<512x32xf32> -> vector<512x128xf32>
    %slice3A_22 = vector.extract_strided_slice %get3A_3 {offsets = [0, 32], sizes = [512, 1], strides = [1, 1]} : vector<512x48xf32> to vector<512x1xf32>
    %slice3A_23 = vector.extract_strided_slice %get3A_8 {offsets = [0, 32], sizes = [512, 1], strides = [1, 1]} : vector<512x48xf32> to vector<512x1xf32>
    %slice3A_24 = vector.extract_strided_slice %get3A_13 {offsets = [0, 32], sizes = [512, 1], strides = [1, 1]} : vector<512x48xf32> to vector<512x1xf32>
    %slice3A_25 = vector.extract_strided_slice %get3A_18 {offsets = [0, 32], sizes = [512, 1], strides = [1, 1]} : vector<512x48xf32> to vector<512x1xf32>
    %concatenate3A_26 = tpu.concatenate %slice3A_22, %slice3A_23, %slice3A_24, %slice3A_25 in 1 : vector<512x1xf32>, vector<512x1xf32>, vector<512x1xf32>, vector<512x1xf32> -> vector<512x4xf32>
    %get3A_27 = arith.constant 0 : index
    %get3A_28 = arith.constant 0 : index
    %get3A_29 = vector.load %arg7[%get3A_27, %get3A_28] : memref<4x128xf32, #tpu.memory_space<vmem>>, vector<4x128xf32>
    %dot_general3A = arith.constant dense<0.000000e+00> : vector<512x128xf32>
    %dot_general3A_30 = tpu.matmul %concatenate3A_26, %get3A_29, %dot_general3A {dimension_numbers = #tpu.dot_dimension_numbers<[1], [0], [0], [1], [0, 0, 1, 1], [], []>, transpose_lhs_hint = false} : vector<512x4xf32>, vector<4x128xf32>, vector<512x128xf32> -> vector<512x128xf32>
    %add3A = arith.constant 1.000000e-16 : f32
    %add3A_31 = vector.broadcast %add3A : f32 to vector<512x128xf32>
    %add3A_32 = arith.addf %dot_general3A_30, %add3A_31 : vector<512x128xf32>
    %div3A = arith.divf %concatenate3A, %add3A_32 : vector<512x128xf32>
    %get3A_33 = arith.constant 0 : index
    %get3A_34 = arith.constant 0 : index
    %get3A_35 = vector.load %arg3[%get3A_33, %get3A_34] : memref<1x128xf32, #tpu.memory_space<vmem>>, vector<1x128xf32>
    %add3A_36 = vector.broadcast %get3A_35 : vector<1x128xf32> to vector<512x128xf32>
    %add3A_37 = arith.addf %div3A, %add3A_36 : vector<512x128xf32>
    %gt3A = arith.constant 0.000000e+00 : f32
    %gt3A_38 = vector.broadcast %gt3A : f32 to vector<512x128xf32>
    %gt3A_39 = arith.cmpf ogt, %add3A_37, %gt3A_38 : vector<512x128xf32>
    %exp3A = math.exp %add3A_37 : vector<512x128xf32>
    %sub3A = arith.constant 1.000000e+00 : f32
    %sub3A_40 = vector.broadcast %sub3A : f32 to vector<512x128xf32>
    %sub3A_41 = arith.subf %exp3A, %sub3A_40 : vector<512x128xf32>
    %select_n3A = arith.select %gt3A_39, %add3A_37, %sub3A_41 : vector<512x128xi1>, vector<512x128xf32>
    %get3A_42 = arith.constant 0 : index
    %get3A_43 = arith.constant 0 : index
    %get3A_44 = vector.load %arg4[%get3A_42, %get3A_43] : memref<128x64xf32, #tpu.memory_space<vmem>>, vector<128x64xf32>
    %dot_general3A_45 = arith.constant dense<0.000000e+00> : vector<512x64xf32>
    %dot_general3A_46 = tpu.matmul %select_n3A, %get3A_44, %dot_general3A_45 {dimension_numbers = #tpu.dot_dimension_numbers<[1], [0], [0], [1], [0, 0, 1, 1], [], []>, transpose_lhs_hint = false} : vector<512x128xf32>, vector<128x64xf32>, vector<512x64xf32> -> vector<512x64xf32>
    %get3A_47 = arith.constant 0 : index
    %get3A_48 = arith.constant 0 : index
    %get3A_49 = vector.load %arg5[%get3A_47, %get3A_48] : memref<64x1xf32, #tpu.memory_space<vmem>>, vector<64x1xf32>
    %dot_general3A_50 = arith.constant dense<0.000000e+00> : vector<512x1xf32>
    %dot_general3A_51 = tpu.matmul %dot_general3A_46, %get3A_49, %dot_general3A_50 {dimension_numbers = #tpu.dot_dimension_numbers<[1], [0], [0], [1], [0, 0, 1, 1], [], []>, transpose_lhs_hint = false} : vector<512x64xf32>, vector<64x1xf32>, vector<512x1xf32> -> vector<512x1xf32>
    %get3A_52 = arith.constant 0 : index
    %get3A_53 = arith.constant 0 : index
    %get3A_54 = vector.load %arg6[%get3A_52, %get3A_53] : memref<64x1xf32, #tpu.memory_space<vmem>>, vector<64x1xf32>
    %dot_general3A_55 = arith.constant dense<0.000000e+00> : vector<512x1xf32>
    %dot_general3A_56 = tpu.matmul %dot_general3A_46, %get3A_54, %dot_general3A_55 {dimension_numbers = #tpu.dot_dimension_numbers<[1], [0], [0], [1], [0, 0, 1, 1], [], []>, transpose_lhs_hint = false} : vector<512x64xf32>, vector<64x1xf32>, vector<512x1xf32> -> vector<512x1xf32>
    %broadcast_in_dim3A = arith.constant 1.000000e+00 : f32
    %broadcast_in_dim3A_57 = vector.broadcast %broadcast_in_dim3A : f32 to vector<512x1xf32>
    %broadcast_in_dim3A_58 = arith.constant 0.000000e+00 : f32
    %broadcast_in_dim3A_59 = vector.broadcast %broadcast_in_dim3A_58 : f32 to vector<512x15xf32>
    %slice3A_60 = vector.extract_strided_slice %dot_general3A_46 {offsets = [0, 0], sizes = [512, 32], strides = [1, 1]} : vector<512x64xf32> to vector<512x32xf32>
    %concatenate3A_61 = tpu.concatenate %slice3A_60, %broadcast_in_dim3A_57, %broadcast_in_dim3A_59 in 1 : vector<512x32xf32>, vector<512x1xf32>, vector<512x15xf32> -> vector<512x48xf32>
    %swap3A = arith.constant 0 : index
    %swap3A_62 = arith.constant 0 : index
    %swap3A_63 = arith.constant 0 : index
    %swap3A_64 = vector.load %arg8[%swap3A, %swap3A_62, %swap3A_63] : memref<2x512x48xf32, #tpu.memory_space<vmem>>, vector<1x512x48xf32>
    %swap3A_65 = vector.shape_cast %swap3A_64 : vector<1x512x48xf32> to vector<512x48xf32>
    %swap3A_66 = vector.shape_cast %concatenate3A_61 : vector<512x48xf32> to vector<1x512x48xf32>
    tpu.vector_store %arg8[%swap3A, %swap3A_62, %swap3A_63], %swap3A_66 {strides = array<i32>} : memref<2x512x48xf32, #tpu.memory_space<vmem>>, vector<1x512x48xf32>,
    %slice3A_67 = vector.extract_strided_slice %dot_general3A_46 {offsets = [0, 32], sizes = [512, 32], strides = [1, 1]} : vector<512x64xf32> to vector<512x32xf32>
    %concatenate3A_68 = tpu.concatenate %slice3A_67, %broadcast_in_dim3A_57, %broadcast_in_dim3A_59 in 1 : vector<512x32xf32>, vector<512x1xf32>, vector<512x15xf32> -> vector<512x48xf32>
    %swap3A_69 = arith.constant 1 : index
    %swap3A_70 = arith.constant 0 : index
    %swap3A_71 = arith.constant 0 : index
    %swap3A_72 = vector.load %arg8[%swap3A_69, %swap3A_70, %swap3A_71] : memref<2x512x48xf32, #tpu.memory_space<vmem>>, vector<1x512x48xf32>
    %swap3A_73 = vector.shape_cast %swap3A_72 : vector<1x512x48xf32> to vector<512x48xf32>
    %swap3A_74 = vector.shape_cast %concatenate3A_68 : vector<512x48xf32> to vector<1x512x48xf32>
    tpu.vector_store %arg8[%swap3A_69, %swap3A_70, %swap3A_71], %swap3A_74 {strides = array<i32>} : memref<2x512x48xf32, #tpu.memory_space<vmem>>, vector<1x512x48xf32>,
    %broadcast_in_dim3A_75 = arith.constant 0.000000e+00 : f32
    %broadcast_in_dim3A_76 = vector.broadcast %broadcast_in_dim3A_75 : f32 to vector<512x6xf32>
    %concatenate3A_77 = tpu.concatenate %dot_general3A_51, %dot_general3A_56, %broadcast_in_dim3A_76 in 1 : vector<512x1xf32>, vector<512x1xf32>, vector<512x6xf32> -> vector<512x8xf32>
    %swap3A_78 = arith.constant 0 : index
    %swap3A_79 = arith.constant 0 : index
    %swap3A_80 = vector.load %arg9[%swap3A_78, %swap3A_79] : memref<512x8xf32, #tpu.memory_space<vmem>>, vector<512x8xf32>
    tpu.vector_store %arg9[%swap3A_78, %swap3A_79], %concatenate3A_77 {strides = array<i32>} : memref<512x8xf32, #tpu.memory_space<vmem>>, vector<512x8xf32>,
    %reduce_max3A = arith.constant dense<0xFF800000> : vector<1xf32>
    %reduce_max3A_81 = vector.multi_reduction <maximumf>, %dot_general3A_51, %reduce_max3A [0] : vector<512x1xf32> to vector<1xf32>
    %broadcast_in_dim3A_82 = vector.shape_cast %reduce_max3A_81 : vector<1xf32> to vector<1x1xf32>
    %broadcast_in_dim3A_83 = arith.constant -1.000000e+30 : f32
    %broadcast_in_dim3A_84 = vector.broadcast %broadcast_in_dim3A_83 : f32 to vector<1x127xf32>
    %concatenate3A_85 = tpu.concatenate %broadcast_in_dim3A_82, %broadcast_in_dim3A_84 in 1 : vector<1x1xf32>, vector<1x127xf32> -> vector<1x128xf32>
    %reduce_max3A_86 = arith.constant dense<0xFF800000> : vector<1xf32>
    %reduce_max3A_87 = vector.multi_reduction <maximumf>, %dot_general3A_56, %reduce_max3A_86 [0] : vector<512x1xf32> to vector<1xf32>
    %broadcast_in_dim3A_88 = vector.shape_cast %reduce_max3A_87 : vector<1xf32> to vector<1x1xf32>
    %broadcast_in_dim3A_89 = arith.constant -1.000000e+30 : f32
    %broadcast_in_dim3A_90 = vector.broadcast %broadcast_in_dim3A_89 : f32 to vector<1x127xf32>
    %concatenate3A_91 = tpu.concatenate %broadcast_in_dim3A_88, %broadcast_in_dim3A_90 in 1 : vector<1x1xf32>, vector<1x127xf32> -> vector<1x128xf32>
    %broadcast_in_dim3A_92 = arith.constant -1.000000e+30 : f32
    %broadcast_in_dim3A_93 = vector.broadcast %broadcast_in_dim3A_92 : f32 to vector<6x128xf32>
    %concatenate3A_94 = tpu.concatenate %concatenate3A_85, %concatenate3A_91, %broadcast_in_dim3A_93 in 0 : vector<1x128xf32>, vector<1x128xf32>, vector<6x128xf32> -> vector<8x128xf32>
    %eq3A = arith.constant 0 : i32
    %eq3A_95 = arith.cmpi eq, %arg0, %eq3A : i32
    %broadcast_in_dim3A_96 = arith.constant -1.000000e+30 : f32
    %broadcast_in_dim3A_97 = vector.broadcast %broadcast_in_dim3A_96 : f32 to vector<8x128xf32>
    %get3A_98 = arith.constant 0 : index
    %get3A_99 = arith.constant 0 : index
    %get3A_100 = vector.load %arg10[%get3A_98, %get3A_99] : memref<8x128xf32, #tpu.memory_space<vmem>>, vector<8x128xf32>
    %select_n3A_101 = arith.select %eq3A_95, %broadcast_in_dim3A_97, %get3A_100 : vector<8x128xf32>
    %max3A = arith.maximumf %select_n3A_101, %concatenate3A_94 : vector<8x128xf32>
    %swap3A_102 = arith.constant 0 : index
    %swap3A_103 = arith.constant 0 : index
    %swap3A_104 = vector.load %arg10[%swap3A_102, %swap3A_103] : memref<8x128xf32, #tpu.memory_space<vmem>>, vector<8x128xf32>
    tpu.vector_store %arg10[%swap3A_102, %swap3A_103], %max3A {strides = array<i32>} : memref<8x128xf32, #tpu.memory_space<vmem>>, vector<8x128xf32>,
    return
  }
  func.func @transform_0(%arg0: i32) -> (i32, i32, i32) {
    %c0_i32 = arith.constant 0 : i32
    %c0_i32_0 = arith.constant 0 : i32
    %c0_i32_1 = arith.constant 0 : i32
    return %c0_i32, %arg0, %c0_i32_0 : i32, i32, i32
  }
  func.func @transform_1(%arg0: i32) -> (i32, i32, i32) {
    %c0_i32 = arith.constant 0 : i32
    %c0_i32_0 = arith.constant 0 : i32
    %c0_i32_1 = arith.constant 0 : i32
    return %c0_i32, %arg0, %c0_i32_0 : i32, i32, i32
  }
  func.func @transform_2(%arg0: i32) -> (i32, i32) {
    %c0_i32 = arith.constant 0 : i32
    %c0_i32_0 = arith.constant 0 : i32
    %c0_i32_1 = arith.constant 0 : i32
    return %c0_i32, %c0_i32_0 : i32, i32
  }
  func.func @transform_3(%arg0: i32) -> (i32, i32) {
    %c0_i32 = arith.constant 0 : i32
    %c0_i32_0 = arith.constant 0 : i32
    %c0_i32_1 = arith.constant 0 : i32
    return %c0_i32, %c0_i32_0 : i32, i32
  }
  func.func @transform_4(%arg0: i32) -> (i32, i32) {
    %c0_i32 = arith.constant 0 : i32
    %c0_i32_0 = arith.constant 0 : i32
    %c0_i32_1 = arith.constant 0 : i32
    return %c0_i32, %c0_i32_0 : i32, i32
  }
  func.func @transform_5(%arg0: i32) -> (i32, i32) {
    %c0_i32 = arith.constant 0 : i32
    %c0_i32_0 = arith.constant 0 : i32
    %c0_i32_1 = arith.constant 0 : i32
    return %c0_i32, %c0_i32_0 : i32, i32
  }
  func.func @transform_6(%arg0: i32) -> (i32, i32) {
    %c0_i32 = arith.constant 0 : i32
    %c0_i32_0 = arith.constant 0 : i32
    %c0_i32_1 = arith.constant 0 : i32
    return %c0_i32, %c0_i32_0 : i32, i32
  }
  func.func @transform_7(%arg0: i32) -> (i32, i32, i32) {
    %c0_i32 = arith.constant 0 : i32
    %c0_i32_0 = arith.constant 0 : i32
    %c0_i32_1 = arith.constant 0 : i32
    return %c0_i32, %arg0, %c0_i32_0 : i32, i32, i32
  }
  func.func @transform_8(%arg0: i32) -> (i32, i32) {
    %c0_i32 = arith.constant 0 : i32
    %c0_i32_0 = arith.constant 0 : i32
    return %arg0, %c0_i32 : i32, i32
  }
  func.func @transform_9(%arg0: i32) -> (i32, i32) {
    %c0_i32 = arith.constant 0 : i32
    %c0_i32_0 = arith.constant 0 : i32
    %c0_i32_1 = arith.constant 0 : i32
    return %c0_i32, %c0_i32_0 : i32, i32
  }
}

module attributes {stable_mosaic.version = 14 : i64} {
  func.func @_tc3_body(%arg0: i32, %arg1: memref<2x512x48xf32, #tpu.memory_space<vmem>>, %arg2: memref<1x64xf32, #tpu.memory_space<vmem>>, %arg3: memref<512x64xf32, #tpu.memory_space<vmem>>) attributes {dimension_semantics = [#tpu.dimension_semantics<arbitrary>], iteration_bounds = array<i64: 20>, scalar_prefetch = 0 : i64, scratch_operands = 0 : i64, tpu.core_type = #tpu.core_type<tc>, window_params = [{transform_indices = @transform_0, window_bounds = array<i64: 2, 512, 48>}, {pipeline_mode = #tpu.pipeline_mode<synchronous>, transform_indices = @transform_1, window_bounds = array<i64: 1, 64>}, {transform_indices = @transform_2, window_bounds = array<i64: 512, 64>}]} {
    %get3A = arith.constant 0 : index
    %get3A_0 = arith.constant 0 : index
    %get3A_1 = arith.constant 0 : index
    %get3A_2 = vector.load %arg1[%get3A, %get3A_0, %get3A_1] : memref<2x512x48xf32, #tpu.memory_space<vmem>>, vector<1x512x48xf32>
    %get3A_3 = vector.shape_cast %get3A_2 : vector<1x512x48xf32> to vector<512x48xf32>
    %get3A_4 = arith.constant 1 : index
    %get3A_5 = arith.constant 0 : index
    %get3A_6 = arith.constant 0 : index
    %get3A_7 = vector.load %arg1[%get3A_4, %get3A_5, %get3A_6] : memref<2x512x48xf32, #tpu.memory_space<vmem>>, vector<1x512x48xf32>
    %get3A_8 = vector.shape_cast %get3A_7 : vector<1x512x48xf32> to vector<512x48xf32>
    %slice3A = vector.extract_strided_slice %get3A_3 {offsets = [0, 0], sizes = [512, 32], strides = [1, 1]} : vector<512x48xf32> to vector<512x32xf32>
    %slice3A_9 = vector.extract_strided_slice %get3A_8 {offsets = [0, 0], sizes = [512, 32], strides = [1, 1]} : vector<512x48xf32> to vector<512x32xf32>
    %concatenate3A = tpu.concatenate %slice3A, %slice3A_9 in 1 : vector<512x32xf32>, vector<512x32xf32> -> vector<512x64xf32>
    %slice3A_10 = vector.extract_strided_slice %get3A_3 {offsets = [0, 32], sizes = [512, 1], strides = [1, 1]} : vector<512x48xf32> to vector<512x1xf32>
    %add3A = arith.constant 1.000000e-16 : f32
    %add3A_11 = vector.broadcast %add3A : f32 to vector<512x1xf32>
    %add3A_12 = arith.addf %slice3A_10, %add3A_11 : vector<512x1xf32>
    %div3A = vector.broadcast %add3A_12 : vector<512x1xf32> to vector<512x64xf32>
    %div3A_13 = arith.divf %concatenate3A, %div3A : vector<512x64xf32>
    %get3A_14 = arith.constant 0 : index
    %get3A_15 = arith.constant 0 : index
    %get3A_16 = vector.load %arg2[%get3A_14, %get3A_15] : memref<1x64xf32, #tpu.memory_space<vmem>>, vector<1x64xf32>
    %add3A_17 = vector.broadcast %get3A_16 : vector<1x64xf32> to vector<512x64xf32>
    %add3A_18 = arith.addf %div3A_13, %add3A_17 : vector<512x64xf32>
    %swap3A = arith.constant 0 : index
    %swap3A_19 = arith.constant 0 : index
    %swap3A_20 = vector.load %arg3[%swap3A, %swap3A_19] : memref<512x64xf32, #tpu.memory_space<vmem>>, vector<512x64xf32>
    tpu.vector_store %arg3[%swap3A, %swap3A_19], %add3A_18 {strides = array<i32>} : memref<512x64xf32, #tpu.memory_space<vmem>>, vector<512x64xf32>,
    return
  }
  func.func @transform_0(%arg0: i32) -> (i32, i32, i32) {
    %c0_i32 = arith.constant 0 : i32
    %c0_i32_0 = arith.constant 0 : i32
    %c0_i32_1 = arith.constant 0 : i32
    return %c0_i32, %arg0, %c0_i32_0 : i32, i32, i32
  }
  func.func @transform_1(%arg0: i32) -> (i32, i32) {
    %c0_i32 = arith.constant 0 : i32
    %c0_i32_0 = arith.constant 0 : i32
    %c0_i32_1 = arith.constant 0 : i32
    return %c0_i32, %c0_i32_0 : i32, i32
  }
  func.func @transform_2(%arg0: i32) -> (i32, i32) {
    %c0_i32 = arith.constant 0 : i32
    %c0_i32_0 = arith.constant 0 : i32
    return %arg0, %c0_i32 : i32, i32
  }
}

</mosaic_0001>

<sc_bundles>
// kernel: kernel.11.cloned.1.call-start
scs
__scs_entry_jumppad:
0x0: {  	(pc) =	sbr.rel $0x88, $3  }
0x1: {  	(tag) =	ssettag $0x0;
	lr =	simm.s32 $0x1  }
0x2: {  	[smem:$0x3F97] =	sst lr;
	_ =	strace $0xD0000000  }
0x3: {  	_ = 	snop  }
0x4: {  	_ = 	snop  }
0x5: {  	_ = 	snop  }
0x6: {  	_ = 	snop  }
0x7: {  	_ = 	snop  }
__scs_overlays_trampoline_lowered:
0x8: {  	[smem:$0x3FA6] =	sst s0  }
0x9: {  	[smem:$0x3FA7] =	sst s1  }
0xa: {  	[smem:$0x3FA8] =	sst s2  }
0xb: {  	[smem:$0x3FA9] =	sst s3  }
0xc: {  	[smem:$0x3FAA] =	sst s4  }
0xd: {  	[smem:$0x3FAB] =	sst s5  }
0xe: {  	[smem:$0x3FAC] =	sst s6  }
0xf: {  	[smem:$0x3FAD] =	sst s7  }
0x10: {  	[smem:$0x3FAE] =	sst s8  }
0x11: {  	[smem:$0x3FAF] =	sst s9;
	s0 =	simm.s32 @!p0 $0x0  }
0x12: {  	s1 =	sld [smem:$0x3F95];
	s0 =	simm.s32 @p0 $0x1  }
0x13: {  	[smem:$0x3FB0] =	sst s0;
	s0 =	simm.s32 @!p1 $0x0  }
0x14: {  	s2 =	sld [smem:$0x3F94];
	s0 =	simm.s32 @p1 $0x1  }
0x15: {  	[smem:$0x3FB1] =	sst s0;
	s0 =	simm.s32 @!p2 $0x0  }
0x16: {  	s3 =	sld [smem:$0x3FDB];
	s0 =	simm.s32 @p2 $0x1  }
0x17: {  	s4 =	simm.s32 $0x1BF5;
	[smem:$0x3FB3] =	sst s0  }
0x18: {  	s0 =	sld [smem:$0x3F96];
	_ =	swait.ge [sflag:s4], $0x0  }
0x19: {  	s7 =	sld [smem:$0x3F97]  }
0x1a: {  	s8 =	sadd.s32 $0xFFFFE003, lr  }
0x1b: {  	s9 =	sadd.s32 $0xFFFFFEF7, lr;
	s5 =	simm.s32 $0xFFFFFFFF;
	p2 =	slt.u32 s8, $0xFFFFF086  }
0x1c: {  	p1 =	slt.u32 s9, $0xF7A;
	s5 =	simm.s32 @!p2 $0x0  }
0x1d: {  	s5 =	simm.s32 @p1 $0x1;
	p0 =	seq.s32 s7, s2  }
0x1e: {  	s7 =	smul.u32 @!p0 $0xF7A, s2;
	p2 =	seq.s32 @!p0 s5, $0x0  }
0x1f: {  	s9 =	smul.u32 $0xF7A, s1;
	s8 =	simm.s32 @!p0 $0x1BF5;
	p2 =	por !p2, p0  }
0x20: {  	[sflag:s8] =	ssyncset.s32 @!p0 $0xFFFFF086;
	s6 =	sadd.s32 @!p0 s3, s7;
	s7 =	simm.s32 @!p0 $0x108  }
0x21: {  	s3 =	sadd.s32 s3, s9;
	s6 =	sadd.s32 @!p0 $0x88, s6;
	s7 =	simm.s32 @p2 $0x1082  }
0x22: {  	[simem:s7], [sflag:s8] =	dma.local @!p0 [hbm:s6], $0xF7A  }
0x23: {  	s9 =	sor.u32 $0xD0000000, s2;
	s6 =	simm.s32 $0x108;
	_ =	swait.ge @!p0 [sflag:s8], $0x0  }
0x24: {  	s3 =	sadd.s32 $0x88, s3;
	s6 =	simm.s32 @!p1 $0x1082;
	[sflag:s4] =	ssyncset.s32 $0xFFFFF086  }
0x25: {  	[simem:s6], [sflag:s4] =	dma.local [hbm:s3], $0xF7A  }
0x26: {  	[smem:$0x3F97] =	sst s1;
	(tag) =	ssettag s2;
	_ =	strace s9  }
0x27: {  	s1 =	sld [smem:$0x3FA7]  }
0x28: {  	s2 =	sld [smem:$0x3FA8]  }
0x29: {  	s4 =	sld [smem:$0x3FAA]  }
0x2a: {  	p0 =	seq.s32 s5, $0x0;
	s5 =	sld [smem:$0x3FAB]  }
0x2b: {  	s6 =	sld [smem:$0x3FAC]  }
0x2c: {  	s7 =	sld [smem:$0x3FAD]  }
0x2d: {  	s3 =	simm.s32 $0x108;
	s8 =	sld [smem:$0x3FAE]  }
0x2e: {  	s3 =	simm.s32 @!p0 $0x1082;
	s9 =	sld [smem:$0x3FAF]  }
0x2f: {  	lr =	sadd.s32 s0, s3;
	s0 =	sld [smem:$0x3FA6]  }
0x30: {  	s3 =	sld [smem:$0x3FA9]  }
0x31: {  	[smem:$0x3FB2] =	sst s10  }
0x32: {  	s10 =	sld [smem:$0x3FB0];
	_ =	sdelay $0x3  }
0x33: {  	p0 =	seq.s32 s10, $0x1;
	s10 =	sld [smem:$0x3FB2];
	_ =	sdelay $0x3  }
0x34: {  	[smem:$0x3FB2] =	sst s10  }
0x35: {  	s10 =	sld [smem:$0x3FB1];
	_ =	sdelay $0x3  }
0x36: {  	p1 =	seq.s32 s10, $0x1;
	s10 =	sld [smem:$0x3FB2];
	_ =	sdelay $0x3  }
0x37: {  	[smem:$0x3FB2] =	sst s10  }
0x38: {  	s10 =	sld [smem:$0x3FB3]  }
0x39: {  	_ = 	snop;
	(pc) =	sbr.ind lr, $3  }
0x3a: {  	_ = 	snop  }
0x3b: {  	_ = 	snop  }
0x3c: {  	p2 =	seq.s32 s10, $0x1;
	s10 =	sld [smem:$0x3FB2]  }
0x3d: {  	_ =	shalt  }
0x3e: {  	_ =	shalt  }
0x3f: {  	_ =	shalt  }
0x40: {  	_ =	shalt  }
0x41: {  	_ =	shalt  }
0x42: {  	_ =	shalt  }
0x43: {  	_ =	shalt  }
0x44: {  	_ =	shalt  }
0x45: {  	_ =	shalt  }
0x46: {  	_ =	shalt  }
0x47: {  	_ =	shalt  }
0x48: {  	_ =	shalt  }
0x49: {  	_ =	shalt  }
0x4a: {  	_ =	shalt  }
0x4b: {  	_ =	shalt  }
0x4c: {  	_ =	shalt  }
0x4d: {  	_ =	shalt  }
0x4e: {  	_ =	shalt  }
0x4f: {  	_ =	shalt  }
0x50: {  	_ =	shalt  }
0x51: {  	_ =	shalt  }
0x52: {  	_ =	shalt  }
0x53: {  	_ =	shalt  }
0x54: {  	_ =	shalt  }
0x55: {  	_ =	shalt  }
0x56: {  	_ =	shalt  }
0x57: {  	_ =	shalt  }
0x58: {  	_ =	shalt  }
0x59: {  	_ =	shalt  }
0x5a: {  	_ =	shalt  }
0x5b: {  	_ =	shalt  }
0x5c: {  	_ =	shalt  }
0x5d: {  	_ =	shalt  }
0x5e: {  	_ =	shalt  }
0x5f: {  	_ =	shalt  }
0x60: {  	_ =	shalt  }
0x61: {  	_ =	shalt  }
0x62: {  	_ =	shalt  }
0x63: {  	_ =	shalt  }
0x64: {  	_ =	shalt  }
0x65: {  	_ =	shalt  }
0x66: {  	_ =	shalt  }
0x67: {  	_ =	shalt  }
0x68: {  	_ =	shalt  }
0x69: {  	_ =	shalt  }
0x6a: {  	_ =	shalt  }
0x6b: {  	_ =	shalt  }
0x6c: {  	_ =	shalt  }
0x6d: {  	_ =	shalt  }
0x6e: {  	_ =	shalt  }
0x6f: {  	_ =	shalt  }
0x70: {  	_ =	shalt  }
0x71: {  	_ =	shalt  }
0x72: {  	_ =	shalt  }
0x73: {  	_ =	shalt  }
0x74: {  	_ =	shalt  }
0x75: {  	_ =	shalt  }
0x76: {  	_ =	shalt  }
0x77: {  	_ =	shalt  }
0x78: {  	_ =	shalt  }
0x79: {  	_ =	shalt  }
0x7a: {  	_ =	shalt  }
0x7b: {  	_ =	shalt  }
0x7c: {  	_ =	shalt  }
0x7d: {  	_ =	shalt  }
0x7e: {  	_ =	shalt  }
0x7f: {  	_ =	shalt  }
0x80: {  	_ =	shalt  }
0x81: {  	_ =	shalt  }
0x82: {  	_ =	shalt  }
0x83: {  	_ =	shalt  }
0x84: {  	_ =	shalt  }
0x85: {  	_ =	shalt  }
0x86: {  	_ =	shalt  }
0x87: {  	_ =	shalt  }
.Lfunc_end0:
.L_simem_size_0:
called_computation.1_lowered:
.L_overlay_start_0:
0x88: {  	s2 =	sld [smem:$0x3FD9]  }
0x89: {  	s3 =	sld [smem:$0x3FFE];
	_ =	sdelay $0x1  }
0x8a: {  	s1 =	srdreg.scid  }
0x8b: {  	s0 =	sand.u32 $0x1, s1  }
0x8c: {  	s17 =	sshll.u32 s0, $0xA;
	s2 =	sadd.s32 s3, s2  }
0x8d: {  	s2 =	sadd.s32 s2, s17  }
0x8e: {  	[smem:$0x3FBE] =	sst s2  }
0x8f: {  	_ = 	snop  }
0x90: {  	s2 =	sld [smem:$0x3FD0];
	(tm) =	ssettm $0x1  }
0x91: {  	s18 =	sld [smem:$0x3FFB];
	_ =	sdelay $0x3  }
0x92: {  	_ =	strace s18  }
0x93: {  	s3 =	sld [smem:$0x3FFC];
	_ =	sdelay $0x3  }
0x94: {  	_ =	strace s3  }
0x95: {  	s3 =	sld [smem:$0x3FFD];
	_ =	sdelay $0x3  }
0x96: {  	_ =	strace s3  }
0x97: {  	_ =	strace $0x8FFFFFFF  }
0x98: {  	s19 =	sld [smem:$0x3FDB];
	_ =	sdelay $0x1  }
0x99: {  	s4 =	simm.s32 $_scs_section_size  }
0x9a: {  	s5 =	simm.s32 $_size__tile_overlayer_lowered;
	s6 =	simm.s32 $_tile_overlayer_lowered  }
0x9b: {  	s22 =	simm.s32 $0x1BFF;
	s21 =	sshll.u32 s6, $0x1;
	s3 =	sadd.s32 s4, s19  }
0x9c: {  	s7 =	simm.s32 $0x0;
	s20 =	sshll.u32 s5, $0x1;
	s5 =	sadd.s32 s21, s3  }
0x9d: {  	[timem:s7], [sflag:s22] =	dma.local [hbm:s5], s20  }
0x9e: {  	_ =	swait.ge [sflag:s22], s20  }
0x9f: {  	s4 =	ssub.s32 $0x0, s20;
	[sflag:s22] =	ssyncset.done $0x0  }
0xa0: {  	[sflag:s22] =	ssyncadd.s32 s4;
	_ =	sdelay $0x1  }
0xa1: {  	s23 =	simm.s32 $0x1B8B  }
0xa2: {  	_ =	swait.ge [sflag:s23], $0x1  }
0xa3: {  	[sflag:s23] =	ssyncset.done $0x0  }
0xa4: {  	s25 =	simm.s32 $0x1B8E;
	s24 =	sld [smem:$0x3FFE];
	[sflag:s23] =	ssyncadd.s32 $0xFFFFFFFF  }
0xa5: {  	s26 =	simm.s32 $execute0_lowered;
	[smem:$0x3FD2] =	sst s25  }
0xa6: {  	s5 =	sshll.u32 s26, $0x1;
	_ =	strace $0x80000046;
	[dreg:$0x1] =	wrdreg $0xFFFFFFFF  }
0xa7: {  	s28 =	simm.s32 $_size_execute0_lowered;
	s3 =	sadd.s32 s3, s5;
	[dreg:$0x0] =	wrdreg $0x0  }
0xa8: {  	s5 =	sshll.u32 s28, $0x1;
	[dreg:$0x2] =	wrdreg s3  }
0xa9: {  	[dreg:$0x3] =	wrdreg s5  }
0xaa: {  	[dreg:$0x4] =	wrdreg $0xC0  }
0xab: {  	_ =	task [dreg:s7], $0x5FFFF  }
0xac: {  	[dreg:$0x1] =	wrdreg $0xFFFFFFFF  }
0xad: {  	[dreg:$0x0] =	wrdreg $0x60  }
0xae: {  	[dreg:$0x2] =	wrdreg s2  }
0xaf: {  	[dreg:$0x3] =	wrdreg s24  }
0xb0: {  	[dreg:$0x4] =	wrdreg $0x15A100  }
0xb1: {  	[dreg:$0x5] =	wrdreg $0xA  }
0xb2: {  	_ =	task.clear_ibuf [dreg:s7], $0x6FFFF;
	_ =	strace $0x90000046  }
0xb3: {  	s29 =	simm.s32 $0xA;
	_ =	strace $0x80000048  }
0xb4: {  	_ =	swait.ge [sflag:s29], $0x1  }
0xb5: {  	[sflag:s29] =	ssyncadd.s32 $0xFFFFFFFF  }
0xb6: {  	_ =	strace $0x90000048  }
0xb7: {  	_ =	sfence  }
0xb8: {  	s30 =	sld [smem:$0x0];
	_ =	sdelay $0x2  }
0xb9: {  	s31 =	sshll.u32 s1, $0xD;
	s1 =	sshrl.u32 s1, $0x2  }
0xba: {  	s3 =	sand.u32 $0x4000, s31;
	s1 =	sadd.s32 s1, s30  }
0xbb: {  	s0 =	sor.u32 s3, s0;
	s1 =	sshll.u32 s1, $0x11  }
0xbc: {  	s0 =	sor.u32 s1, s0  }
0xbd: {  	s0 =	sadd.s32 $0x8F2B, s0  }
0xbe: {  	[sflag:s0] =	ssyncadd.remote.s32 $0x1  }
0xbf: {  	_ =	sfence.sel $0xFFFF  }
0xc0: {  	[dreg:$0x0] =	wrdreg $0xFFFFFFFF;
	(pc) =	sbr.abs _section_cstart, $3  }
0xc1: {  	[dreg:$0x1] =	wrdreg $0xFFFFFFFF  }
0xc2: {  	_ =	task.clear_ibuf [dreg:s7], $0x2FFFF;
	_ =	strace $0x9FFFFFFF  }
0xc3: {  	(tm) =	ssettm $0x7FFFFFFF  }
tec
execute0_lowered:
.L_overlay_start_1:
0x0: {  	(tag) =	ssettag $0x1  }
0x1: {  	s1 =	rddreg [dreg:$0x0]  }
0x2: {  	s0 =	rddreg [dreg:$0x1]  }
0x3: {  	s2 =	rddreg [dreg:$0x2];
	s4 =	simm.s32 $0x0  }
0x4: {  	s3 =	srdreg.scid;
	s13 =	stileid.u32;
	s28 =	simm.s32 $0x15980  }
0x5: {  	s29 =	simm.s32 $0x15900;
	s30 =	simm.s32 $0x0;
	s31 =	simm.s32 $0x0  }
0x6: {  	[smem:$0x7FF] =	sst s4;
	s5 =	sadd.s32 $0x2000, s0;
	s3 =	sand.u32 $0x1, s3  }
0x7: {  	s6 =	smul.u32 $0x7800, s13;
	s7 =	sadd.s32 $0x20000, s0;
	s20 =	sadd.s32 $0x22800, s0  }
0x8: {  	s13 =	smul.u32 $0x5100, s13;
	_ =	strace $0x80000047;
	[dreg:$0x4] =	wrdreg s7  }
0x9: {  	s0 =	sadd.s32 $0x22A00, s0;
	[dreg:$0x5] =	wrdreg s20;
	s18 =	smul.u32 $0x78000, s3  }
0xa: {  	s21 =	ssub.s32 $0x2, s3;
	s24 =	sor.u32 $0x2, s3;
	s3 =	smul.u32 $0x2800, s3  }
0xb: {  	s20 =	simm.s32 $0x14000;
	s8 =	sshrl.u32 s21, $0x1;
	s14 =	sadd.s32 $0x1800, s6  }
0xc: {  	s16 =	sadd.s32 $0x3000, s6;
	s17 =	sadd.s32 $0x4800, s6;
	s19 =	sadd.s32 $0x6000, s6  }
0xd: {  	v0 =	vmov s24;
	s24 =	simm.s32 $0x80;
	s7 =	ssub.s32 s21, s8;
	s8 =	sadd.s32 s6, s2  }
0xe: {  	s9 =	sadd.s32 s14, s2;
	s10 =	sadd.s32 s16, s2;
	s11 =	sadd.s32 s17, s2  }
0xf: {  	s12 =	sadd.s32 s19, s2;
	s6 =	sadd.s32 s6, s18;
	s14 =	sadd.s32 s18, s14  }
0x10: {  	s23 =	sadd.s32 s18, s16;
	s25 =	sadd.s32 s18, s17;
	s18 =	sadd.s32 s18, s19  }
0x11: {  	s21 =	simm.s32 $0x2;
	s6 =	sshrl.u32 s6, $0x3;
	s22 =	sshrl.u32 s14, $0x3  }
0x12: {  	s14 =	sshrl.u32 s25, $0x3;
	s26 =	sshrl.u32 s18, $0x3;
	s19 =	smax.u32 s7, $0x1  }
0x13: {  	s25 =	simm.s32 $0x15880;
	s6 =	sadd.s32 s0, s6;
	s17 =	sadd.s32 s0, s14  }
0x14: {  	s18 =	sadd.s32 s0, s26;
	[dreg:$0x6] =	wrdreg s6;
	s6 =	sadd.s32 s0, s22  }
0x15: {  	v1 =	vimm.f32 $0.0e+00;
	vm0 =	vcmask $0x300;
	s26 =	simm.s32 $0x1;
	[dreg:$0x7] =	wrdreg s6;
	s6 =	sshrl.u32 s23, $0x3  }
0x16: {  	v4 =	vsel vm0, $0x3F800000, v1;
	v2 =	vmov s3;
	v3 =	vor.u32 $0x4, v0;
	s22 =	simm.s32 $0x15A00;
	s23 =	simm.s32 $0x15800;
	s16 =	sadd.s32 s0, s6  }
.LBB2_1:
0x17: {  	s0 =	simm.s32 $0xC0;
	s3 =	simm.s32 $0x0  }
.LBB2_2:
0x18: {  	p0 =	sne.s32 s0, $0x5F40;
	[tilespmem:s3+$0x14020] =	vst v1;
	s6 =	smov.u32 s0;
	s0 =	sadd.s32 $0xC0, s0  }
.Ltmp0:
0x19: {  	[tilespmem:s3+$0x14000] =	vst v1;
	(pc) =	sbr.rel @p0 .LBB2_2-.Ltmp0, $2  }
0x1a: {  	[tilespmem:s3+$0x14010] =	vst v1;
	_ =	sdelay $0x2  }
0x1b: {  	s3 =	sshra.s32 s6, $0x2  }
0x1c: {  	[tilespmem:s3+$0x14020] =	vst v1  }
0x1d: {  	[tilespmem:s3+$0x14000] =	vst v1  }
0x1e: {  	[tilespmem:s3+$0x14010] =	vst v1  }
0x1f: {  	[spmem:s8] =	stream.linear.scatter [tilespmem:s20], [sflag:$0x2], $0x1800, $0x38;
	[tilespmem:$0x1D210] =	vst v63  }
0x20: {  	_ =	swait.ge [sflag:s21], $0x1800  }
0x21: {  	[sflag:s21] =	ssyncset.done $0x0  }
0x22: {  	[sflag:s21] =	ssyncadd.s32 $0xFFFFE800  }
0x23: {  	[spmem:s9] =	stream.linear.scatter [tilespmem:s20], [sflag:$0x2], $0x1800, $0x38;
	[tilespmem:$0x1D210] =	vst v63  }
0x24: {  	_ =	swait.ge [sflag:s21], $0x1800  }
0x25: {  	[sflag:s21] =	ssyncset.done $0x0  }
0x26: {  	[sflag:s21] =	ssyncadd.s32 $0xFFFFE800  }
0x27: {  	[spmem:s10] =	stream.linear.scatter [tilespmem:s20], [sflag:$0x2], $0x1800, $0x38;
	[tilespmem:$0x1D210] =	vst v63  }
0x28: {  	_ =	swait.ge [sflag:s21], $0x1800  }
0x29: {  	[sflag:s21] =	ssyncset.done $0x0  }
0x2a: {  	[sflag:s21] =	ssyncadd.s32 $0xFFFFE800  }
0x2b: {  	[spmem:s11] =	stream.linear.scatter [tilespmem:s20], [sflag:$0x2], $0x1800, $0x38;
	[tilespmem:$0x1D210] =	vst v63  }
0x2c: {  	_ =	swait.ge [sflag:s21], $0x1800  }
0x2d: {  	[sflag:s21] =	ssyncset.done $0x0  }
0x2e: {  	[sflag:s21] =	ssyncadd.s32 $0xFFFFE800  }
0x2f: {  	[spmem:s12] =	stream.linear.scatter [tilespmem:s20], [sflag:$0x2], $0x1800, $0x38;
	[tilespmem:$0x1D210] =	vst v63  }
0x30: {  	_ =	swait.ge [sflag:s21], $0x1800  }
0x31: {  	[sflag:s21] =	ssyncset.done $0x0  }
0x32: {  	s0 =	rddreg [dreg:$0x4];
	[sflag:s21] =	ssyncadd.s32 $0xFFFFE800  }
0x33: {  	[tilespmem:s31], [sflag:$0x2] =	stream.linear.gather [hbm4b:s0+s31], $0x14000, $0x38;
	[tilespmem:$0x1D210] =	vst v63  }
0x34: {  	_ =	swait.ge [sflag:s21], $0x14000  }
0x35: {  	[sflag:s21] =	ssyncset.done $0x0  }
0x36: {  	s15 =	rddreg [dreg:$0x5];
	[sflag:s21] =	ssyncadd.s32 $0xFFFEC000  }
0x37: {  	[tilespmem:s22], [sflag:$0x2] =	stream.linear.gather [hbm4b:s15+s31], $0x10, $0x38;
	[tilespmem:$0x1D210] =	vst v63  }
0x38: {  	_ =	swait.ge [sflag:s21], $0x10  }
0x39: {  	[sflag:s21] =	ssyncset.done $0x0  }
0x3a: {  	[sflag:s21] =	ssyncadd.s32 $0xFFFFFFF0  }
0x3b: {  	s0 =	simm.s32 $0x0;
	[bflag:$0x0] =	sbarrier.arrive $0xFFFF  }
.LBB2_4:
0x3c: {  	s3 =	sshll.u32 s0, $0x7  }
0x3d: {  	s3 =	sadd.s32 s13, s3  }
0x3e: {  	s3 =	sshrl.u32 s3, $0x3  }
0x3f: {  	s3 =	sadd.s32 s1, s3  }
0x40: {  	v5 =	vld.idx.msk [tilespmem:v0+s22+$0x0], $0xffff;
	[tilespmem:s23], [sflag:$0x2] =	stream.linear.gather [hbm4b:s3+s31], $0x80, $0x38  }
0x41: {  	_ =	swait.ge [sflag:s21], $0x80  }
0x42: {  	[sflag:s21] =	ssyncset.done $0x0  }
0x43: {  	[sflag:s21] =	ssyncadd.s32 $0xFFFFFF80  }
0x44: {  	v6 =	vld [tilespmem:$0x15800]  }
0x45: {  	v7 =	vld [tilespmem:$0x15810];
	_ =	sdelay $0x1  }
0x46: {  	v8 =	vld [tilespmem:$0x15820];
	_ =	sdelay $0x1  }
0x47: {  	v10 =	vld [tilespmem:$0x15830];
	v9 =	vand.u32 $0xFFFF, v6;
	v6 =	vshra.s32 v6, $0x10  }
0x48: {  	v53 =	vand.u32 $0xFFFF, v7;
	v9 =	vadd.s32 v2, v9;
	[tilespmem:$0x15900] =	vst v6  }
0x49: {  	v54 =	vld [tilespmem:$0x15840];
	v6 =	vadd.s32 v2, v53;
	[tilespmem:$0x15880] =	vst v9  }
0x4a: {  	[tilespmem:$0x15890] =	vst v6;
	v6 =	vshra.s32 v7, $0x10;
	v7 =	vand.u32 $0xFFFF, v8  }
0x4b: {  	[tilespmem:$0x15910] =	vst v6;
	v6 =	vadd.s32 v2, v7;
	v7 =	vld [tilespmem:$0x15850]  }
0x4c: {  	[tilespmem:$0x158A0] =	vst v6;
	v6 =	vshra.s32 v8, $0x10;
	v8 =	vand.u32 $0xFFFF, v10  }
0x4d: {  	[tilespmem:$0x15920] =	vst v6;
	v6 =	vadd.s32 v2, v8;
	v8 =	vld [tilespmem:$0x15860]  }
0x4e: {  	v55 =	vand.u32 $0xFFFF, v54;
	[tilespmem:$0x158B0] =	vst v6;
	v6 =	vshra.s32 v10, $0x10  }
0x4f: {  	v56 =	vld [tilespmem:$0x15870];
	[tilespmem:$0x15930] =	vst v6;
	v6 =	vadd.s32 v2, v55  }
0x50: {  	[tilespmem:$0x158C0] =	vst v6;
	v6 =	vshra.s32 v54, $0x10;
	v57 =	vand.u32 $0xFFFF, v7  }
0x51: {  	[tilespmem:$0x15940] =	vst v6;
	v6 =	vadd.s32 v2, v57  }
0x52: {  	[tilespmem:$0x158D0] =	vst v6;
	v6 =	vshra.s32 v7, $0x10;
	v7 =	vand.u32 $0xFFFF, v8  }
0x53: {  	[tilespmem:$0x15950] =	vst v6;
	v6 =	vadd.s32 v2, v7  }
0x54: {  	v7 =	vand.u32 $0xFFFF, v56;
	[tilespmem:$0x158E0] =	vst v6;
	v6 =	vshra.s32 v8, $0x10  }
0x55: {  	[tilespmem:$0x15960] =	vst v6;
	v6 =	vadd.s32 v2, v7  }
0x56: {  	[tilespmem:$0x158F0] =	vst v6;
	v6 =	vshra.s32 v56, $0x10  }
0x57: {  	[tilespmem:$0x15970] =	vst v6  }
0x58: {  	[tilespmem:s20], [sflag:$0x1] =	stream.indirect.gather [hbm4b:s5+s24], $0x30, s25, s24, $0xb8;
	[tilespmem:$0x1D210] =	vst v63  }
0x59: {  	v6 =	vld [tilespmem:$0x15880]  }
0x5a: {  	v7 =	vld [tilespmem:$0x15900];
	_ =	sdelay $0x4  }
0x5b: {  	v6 =	vsub.s32 v6, v2;
	v7 =	vshll.u32 v7, $0x3  }
0x5c: {  	v6 =	vshll.u32 v6, $0x3;
	v7 =	vor.u32 v3, v7  }
0x5d: {  	v6 =	vor.u32 v0, v6;
	_ =	sdelay $0x3  }
0x5e: {  	v7 =	vld.idx.msk [tilespmem:v7+s31+$0x0], $0xffff  }
0x5f: {  	v6 =	vld.idx.msk [tilespmem:v6+s31+$0x0], $0xffff;
	_ =	sdelay $0x4  }
0x60: {  	v6 =	vadd.f32 v7, v6;
	_ =	sdelay $0x1  }
0x61: {  	v7 =	vmul.f32 $2.000000030e-01, v6;
	_ =	sdelay $0x1  }
0x62: {  	v6 =	vmax.f32 v6, v7  }
0x63: {  	v6 =	vsub.f32 v6, v5;
	_ =	sdelay $0x1  }
0x64: {  	v6 =	vmul.f32 $1.442695020e+00, v6  }
0x65: {  	v7 =	vld [tilespmem:$0x15890]  }
0x66: {  	(erf) = vpow2.f32 v6  }
0x67: {  	v6 =	vld [tilespmem:$0x15910];
	_ =	sdelay $0x2  }
0x68: {  	v7 =	vsub.s32 v7, v2  }
0x69: {  	v7 =	vshll.u32 v7, $0x3  }
0x6a: {  	v7 =	vor.u32 v0, v7;
	v6 =	vshll.u32 v6, $0x3  }
0x6b: {  	v6 =	vor.u32 v3, v6;
	_ =	sdelay $0x1  }
0x6c: {  	v8 =	vpop (erf)  }
0x6d: {  	[tilespmem:$0x15980] =	vst v8  }
0x6e: {  	v7 =	vld.idx.msk [tilespmem:v7+s31+$0x0], $0xffff  }
0x6f: {  	v6 =	vld.idx.msk [tilespmem:v6+s31+$0x0], $0xffff;
	_ =	sdelay $0x4  }
0x70: {  	v6 =	vadd.f32 v6, v7;
	_ =	sdelay $0x1  }
0x71: {  	v7 =	vmul.f32 $2.000000030e-01, v6;
	_ =	sdelay $0x1  }
0x72: {  	v6 =	vmax.f32 v6, v7  }
0x73: {  	v6 =	vsub.f32 v6, v5;
	_ =	sdelay $0x1  }
0x74: {  	v6 =	vmul.f32 $1.442695020e+00, v6  }
0x75: {  	v7 =	vld [tilespmem:$0x158A0]  }
0x76: {  	(erf) = vpow2.f32 v6  }
0x77: {  	v6 =	vld [tilespmem:$0x15920];
	_ =	sdelay $0x2  }
0x78: {  	v7 =	vsub.s32 v7, v2  }
0x79: {  	v7 =	vshll.u32 v7, $0x3  }
0x7a: {  	v7 =	vor.u32 v0, v7;
	v6 =	vshll.u32 v6, $0x3  }
0x7b: {  	v6 =	vor.u32 v3, v6;
	_ =	sdelay $0x1  }
0x7c: {  	v8 =	vpop (erf)  }
0x7d: {  	[tilespmem:$0x15990] =	vst v8  }
0x7e: {  	v7 =	vld.idx.msk [tilespmem:v7+s31+$0x0], $0xffff  }
0x7f: {  	v6 =	vld.idx.msk [tilespmem:v6+s31+$0x0], $0xffff;
	_ =	sdelay $0x4  }
0x80: {  	v6 =	vadd.f32 v6, v7;
	_ =	sdelay $0x1  }
0x81: {  	v7 =	vmul.f32 $2.000000030e-01, v6;
	_ =	sdelay $0x1  }
0x82: {  	v6 =	vmax.f32 v6, v7  }
0x83: {  	v6 =	vsub.f32 v6, v5;
	_ =	sdelay $0x1  }
0x84: {  	v6 =	vmul.f32 $1.442695020e+00, v6  }
0x85: {  	v7 =	vld [tilespmem:$0x158B0]  }
0x86: {  	(erf) = vpow2.f32 v6  }
0x87: {  	v6 =	vld [tilespmem:$0x15930];
	_ =	sdelay $0x2  }
0x88: {  	v7 =	vsub.s32 v7, v2  }
0x89: {  	v7 =	vshll.u32 v7, $0x3  }
0x8a: {  	v7 =	vor.u32 v0, v7;
	v6 =	vshll.u32 v6, $0x3  }
0x8b: {  	v6 =	vor.u32 v3, v6;
	_ =	sdelay $0x1  }
0x8c: {  	v8 =	vpop (erf)  }
0x8d: {  	[tilespmem:$0x159A0] =	vst v8  }
0x8e: {  	v7 =	vld.idx.msk [tilespmem:v7+s31+$0x0], $0xffff  }
0x8f: {  	v6 =	vld.idx.msk [tilespmem:v6+s31+$0x0], $0xffff;
	_ =	sdelay $0x4  }
0x90: {  	v6 =	vadd.f32 v6, v7;
	_ =	sdelay $0x1  }
0x91: {  	v7 =	vmul.f32 $2.000000030e-01, v6;
	_ =	sdelay $0x1  }
0x92: {  	v6 =	vmax.f32 v6, v7  }
0x93: {  	v6 =	vsub.f32 v6, v5;
	_ =	sdelay $0x1  }
0x94: {  	v6 =	vmul.f32 $1.442695020e+00, v6  }
0x95: {  	v7 =	vld [tilespmem:$0x158C0]  }
0x96: {  	(erf) = vpow2.f32 v6  }
0x97: {  	v6 =	vld [tilespmem:$0x15940];
	_ =	sdelay $0x2  }
0x98: {  	v7 =	vsub.s32 v7, v2  }
0x99: {  	v7 =	vshll.u32 v7, $0x3  }
0x9a: {  	v7 =	vor.u32 v0, v7;
	v6 =	vshll.u32 v6, $0x3  }
0x9b: {  	v6 =	vor.u32 v3, v6;
	_ =	sdelay $0x1  }
0x9c: {  	v8 =	vpop (erf)  }
0x9d: {  	[tilespmem:$0x159B0] =	vst v8  }
0x9e: {  	v7 =	vld.idx.msk [tilespmem:v7+s31+$0x0], $0xffff  }
0x9f: {  	v6 =	vld.idx.msk [tilespmem:v6+s31+$0x0], $0xffff;
	_ =	sdelay $0x4  }
0xa0: {  	v6 =	vadd.f32 v6, v7;
	_ =	sdelay $0x1  }
0xa1: {  	v7 =	vmul.f32 $2.000000030e-01, v6;
	_ =	sdelay $0x1  }
0xa2: {  	v6 =	vmax.f32 v6, v7  }
0xa3: {  	v6 =	vsub.f32 v6, v5;
	_ =	sdelay $0x1  }
0xa4: {  	v6 =	vmul.f32 $1.442695020e+00, v6  }
0xa5: {  	v7 =	vld [tilespmem:$0x158D0]  }
0xa6: {  	(erf) = vpow2.f32 v6  }
0xa7: {  	v6 =	vld [tilespmem:$0x15950];
	_ =	sdelay $0x2  }
0xa8: {  	v7 =	vsub.s32 v7, v2  }
0xa9: {  	v7 =	vshll.u32 v7, $0x3  }
0xaa: {  	v7 =	vor.u32 v0, v7;
	v6 =	vshll.u32 v6, $0x3  }
0xab: {  	v6 =	vor.u32 v3, v6;
	_ =	sdelay $0x1  }
0xac: {  	v8 =	vpop (erf)  }
0xad: {  	[tilespmem:$0x159C0] =	vst v8  }
0xae: {  	v7 =	vld.idx.msk [tilespmem:v7+s31+$0x0], $0xffff  }
0xaf: {  	v6 =	vld.idx.msk [tilespmem:v6+s31+$0x0], $0xffff;
	_ =	sdelay $0x4  }
0xb0: {  	v6 =	vadd.f32 v6, v7;
	_ =	sdelay $0x1  }
0xb1: {  	v7 =	vmul.f32 $2.000000030e-01, v6;
	_ =	sdelay $0x1  }
0xb2: {  	v6 =	vmax.f32 v6, v7  }
0xb3: {  	v6 =	vsub.f32 v6, v5;
	_ =	sdelay $0x1  }
0xb4: {  	v6 =	vmul.f32 $1.442695020e+00, v6  }
0xb5: {  	v7 =	vld [tilespmem:$0x158E0]  }
0xb6: {  	(erf) = vpow2.f32 v6  }
0xb7: {  	v6 =	vld [tilespmem:$0x15960];
	_ =	sdelay $0x2  }
0xb8: {  	v7 =	vsub.s32 v7, v2  }
0xb9: {  	v7 =	vshll.u32 v7, $0x3  }
0xba: {  	v7 =	vor.u32 v0, v7;
	v6 =	vshll.u32 v6, $0x3  }
0xbb: {  	v6 =	vor.u32 v3, v6;
	_ =	sdelay $0x1  }
0xbc: {  	v8 =	vpop (erf)  }
0xbd: {  	[tilespmem:$0x159D0] =	vst v8  }
0xbe: {  	v7 =	vld.idx.msk [tilespmem:v7+s31+$0x0], $0xffff  }
0xbf: {  	v6 =	vld.idx.msk [tilespmem:v6+s31+$0x0], $0xffff;
	_ =	sdelay $0x4  }
0xc0: {  	v6 =	vadd.f32 v6, v7;
	_ =	sdelay $0x1  }
0xc1: {  	v7 =	vmul.f32 $2.000000030e-01, v6;
	_ =	sdelay $0x1  }
0xc2: {  	v6 =	vmax.f32 v6, v7  }
0xc3: {  	v6 =	vsub.f32 v6, v5;
	_ =	sdelay $0x1  }
0xc4: {  	v6 =	vmul.f32 $1.442695020e+00, v6  }
0xc5: {  	v7 =	vld [tilespmem:$0x158F0]  }
0xc6: {  	(erf) = vpow2.f32 v6  }
0xc7: {  	v6 =	vld [tilespmem:$0x15970];
	_ =	sdelay $0x2  }
0xc8: {  	v7 =	vsub.s32 v7, v2  }
0xc9: {  	v7 =	vshll.u32 v7, $0x3  }
0xca: {  	v7 =	vor.u32 v0, v7;
	v6 =	vshll.u32 v6, $0x3  }
0xcb: {  	v6 =	vor.u32 v3, v6;
	_ =	sdelay $0x1  }
0xcc: {  	v8 =	vpop (erf)  }
0xcd: {  	[tilespmem:$0x159E0] =	vst v8  }
0xce: {  	v7 =	vld.idx.msk [tilespmem:v7+s31+$0x0], $0xffff  }
0xcf: {  	v6 =	vld.idx.msk [tilespmem:v6+s31+$0x0], $0xffff;
	_ =	sdelay $0x4  }
0xd0: {  	v6 =	vadd.f32 v6, v7;
	_ =	sdelay $0x1  }
0xd1: {  	v7 =	vmul.f32 $2.000000030e-01, v6;
	_ =	sdelay $0x1  }
0xd2: {  	v6 =	vmax.f32 v6, v7  }
0xd3: {  	v5 =	vsub.f32 v6, v5;
	_ =	sdelay $0x1  }
0xd4: {  	v5 =	vmul.f32 $1.442695020e+00, v5;
	_ =	sdelay $0x1  }
0xd5: {  	(erf) = vpow2.f32 v5;
	_ =	sdelay $0x5  }
0xd6: {  	v5 =	vmov s31  }
0xd7: {  	v5 =	vand.u32 $0xFFFFFFFC, v5  }
0xd8: {  	v5 =	vbroadcast v5, $0x0  }
0xd9: {  	v6 =	vpop (erf)  }
0xda: {  	[tilespmem:$0x159F0] =	vst v6  }
0xdb: {  	_ =	swait.ge [sflag:s26], $0x1800  }
0xdc: {  	[sflag:s26] =	ssyncset.done $0x0  }
0xdd: {  	[sflag:s26] =	ssyncadd.s32 $0xFFFFE800  }
0xde: {  	s3 =	simm.s32 $0x14060;
	v5 =	vld.idx.msk [tilespmem:v5+s28+$0x0], $0xffff  }
0xdf: {  	v6 =	vld [tilespmem:s3+$0xFFFFFFA0]  }
0xe0: {  	s6 =	simm.s32 $0x1;
	v7 =	vld [tilespmem:s3+$0xFFFFFFB0]  }
0xe1: {  	v58 =	vmov s6;
	v8 =	vld [tilespmem:s3+$0xFFFFFFC0]  }
0xe2: {  	v9 =	vand.u32 $0xFFFFFFFD, v58  }
0xe3: {  	v9 =	vbroadcast v9, $0x0  }
0xe4: {  	v59 =	vmul.f32 v4, v5;
	v6 =	vmul.f32 v6, v5  }
0xe5: {  	v5 =	vmul.f32 v7, v5  }
0xe6: {  	[tilespmem:s3+$0xFFFFFFA0] =	vst v6;
	v6 =	vmul.f32 v8, v59  }
0xe7: {  	[tilespmem:s3+$0xFFFFFFB0] =	vst v5  }
0xe8: {  	[tilespmem:s3+$0xFFFFFFC0] =	vst v6;
	v6 =	vld [tilespmem:s3+$0xFFFFFFD0]  }
0xe9: {  	v5 =	vld.idx.msk [tilespmem:v9+s28+$0x0], $0xffff  }
0xea: {  	s14 =	simm.s32 $0x2;
	v7 =	vld [tilespmem:s3+$0xFFFFFFE0]  }
0xeb: {  	v60 =	vmov s14;
	v8 =	vld [tilespmem:s3+$0xFFFFFFF0]  }
0xec: {  	v9 =	vand.u32 $0xFFFFFFFE, v60  }
0xed: {  	v9 =	vbroadcast v9, $0x0  }
0xee: {  	v61 =	vmul.f32 v4, v5;
	v6 =	vmul.f32 v6, v5  }
0xef: {  	v5 =	vmul.f32 v7, v5  }
0xf0: {  	[tilespmem:s3+$0xFFFFFFD0] =	vst v6;
	v6 =	vmul.f32 v8, v61  }
0xf1: {  	[tilespmem:s3+$0xFFFFFFE0] =	vst v5  }
0xf2: {  	[tilespmem:s3+$0xFFFFFFF0] =	vst v6;
	v6 =	vld [tilespmem:s3+$0x0]  }
0xf3: {  	v5 =	vld.idx.msk [tilespmem:v9+s28+$0x0], $0xffff  }
0xf4: {  	v7 =	vld [tilespmem:s3+$0x10]  }
0xf5: {  	v8 =	vld [tilespmem:s3+$0x20];
	_ =	sdelay $0x1  }
0xf6: {  	s15 =	simm.s32 $0x3  }
0xf7: {  	v62 =	vmov s15;
	v9 =	vmul.f32 v4, v5;
	v6 =	vmul.f32 v6, v5  }
0xf8: {  	v5 =	vmul.f32 v7, v5  }
0xf9: {  	[tilespmem:s3+$0x0] =	vst v6;
	v6 =	vmul.f32 v8, v9  }
0xfa: {  	[tilespmem:s3+$0x10] =	vst v5  }
0xfb: {  	[tilespmem:s3+$0x20] =	vst v6;
	v6 =	vld [tilespmem:s3+$0x30]  }
0xfc: {  	v5 =	vld.idx.msk [tilespmem:v62+s28+$0x0], $0xffff  }
0xfd: {  	v7 =	vld [tilespmem:s3+$0x40];
	_ =	sdelay $0x2  }
0xfe: {  	s6 =	simm.s32 $0x4  }
0xff: {  	v63 =	vmov s6;
	v8 =	vld [tilespmem:s3+$0x50];
	v6 =	vmul.f32 v6, v5  }
0x100: {  	v10 =	vmul.f32 v4, v5;
	v7 =	vmul.f32 v7, v5;
	v5 =	vand.u32 $0xFFFFFFFC, v63  }
0x101: {  	v5 =	vbroadcast v5, $0x0;
	_ =	sdelay $0x1  }
0x102: {  	[tilespmem:s3+$0x30] =	vst v6  }
0x103: {  	s7 =	simm.s32 $0x8;
	v6 =	vmul.f32 v8, v10;
	[tilespmem:s3+$0x40] =	vst v7  }
.LBB2_5:
0x104: {  	p0 =	slt.u32 s7, $0x7C  }
0x105: {  	[tilespmem:s3+$0x50] =	vst v6;
	s3 =	sadd.s32 $0xC0, s3;
	s14 =	smov.u32 s7;
	s7 =	sadd.s32 $0x4, s7  }
0x106: {  	v5 =	vld.idx.msk [tilespmem:v5+s28+$0x0], $0xffff  }
0x107: {  	v6 =	vld [tilespmem:s3+$0xFFFFFFA0]  }
0x108: {  	s15 =	sadd.s32 $0x1, s6;
	v7 =	vld [tilespmem:s3+$0xFFFFFFB0]  }
0x109: {  	v9 =	vmov s15;
	v8 =	vld [tilespmem:s3+$0xFFFFFFC0]  }
0x10a: {  	v9 =	vand.u32 $0xFFFFFFFD, v9  }
0x10b: {  	v9 =	vbroadcast v9, $0x0  }
0x10c: {  	v10 =	vmul.f32 v4, v5;
	v6 =	vmul.f32 v6, v5  }
0x10d: {  	v5 =	vmul.f32 v7, v5  }
0x10e: {  	[tilespmem:s3+$0xFFFFFFA0] =	vst v6;
	v6 =	vmul.f32 v8, v10  }
0x10f: {  	[tilespmem:s3+$0xFFFFFFB0] =	vst v5  }
0x110: {  	[tilespmem:s3+$0xFFFFFFC0] =	vst v6  }
0x111: {  	v5 =	vld.idx.msk [tilespmem:v9+s28+$0x0], $0xffff  }
0x112: {  	v6 =	vld [tilespmem:s3+$0xFFFFFFD0]  }
0x113: {  	s15 =	sadd.s32 $0x2, s6;
	v7 =	vld [tilespmem:s3+$0xFFFFFFE0]  }
0x114: {  	v9 =	vmov s15;
	v8 =	vld [tilespmem:s3+$0xFFFFFFF0]  }
0x115: {  	v9 =	vand.u32 $0xFFFFFFFE, v9  }
0x116: {  	v9 =	vbroadcast v9, $0x0  }
0x117: {  	v10 =	vmul.f32 v4, v5;
	v6 =	vmul.f32 v6, v5  }
0x118: {  	v5 =	vmul.f32 v7, v5  }
0x119: {  	[tilespmem:s3+$0xFFFFFFD0] =	vst v6;
	v6 =	vmul.f32 v8, v10  }
0x11a: {  	[tilespmem:s3+$0xFFFFFFE0] =	vst v5  }
0x11b: {  	[tilespmem:s3+$0xFFFFFFF0] =	vst v6  }
0x11c: {  	v5 =	vld.idx.msk [tilespmem:v9+s28+$0x0], $0xffff  }
0x11d: {  	v6 =	vld [tilespmem:s3+$0x0]  }
0x11e: {  	v7 =	vld [tilespmem:s3+$0x10]  }
0x11f: {  	v8 =	vld [tilespmem:s3+$0x20];
	_ =	sdelay $0x1  }
0x120: {  	s15 =	sadd.s32 $0x3, s6;
	s6 =	smov.u32 s14  }
0x121: {  	v10 =	vmov s15;
	v9 =	vmul.f32 v4, v5;
	v6 =	vmul.f32 v6, v5  }
0x122: {  	v5 =	vmul.f32 v7, v5  }
0x123: {  	[tilespmem:s3+$0x0] =	vst v6;
	v6 =	vmul.f32 v8, v9  }
0x124: {  	[tilespmem:s3+$0x10] =	vst v5  }
0x125: {  	[tilespmem:s3+$0x20] =	vst v6  }
0x126: {  	v6 =	vld.idx.msk [tilespmem:v10+s28+$0x0], $0xffff  }
0x127: {  	v7 =	vld [tilespmem:s3+$0x30]  }
0x128: {  	v8 =	vld [tilespmem:s3+$0x40]  }
0x129: {  	v5 =	vmov s6;
	v9 =	vld [tilespmem:s3+$0x50]  }
0x12a: {  	v5 =	vand.u32 $0xFFFFFFFC, v5  }
.Ltmp1:
0x12b: {  	v5 =	vbroadcast v5, $0x0;
	(pc) =	sbr.rel @p0 .LBB2_5-.Ltmp1, $4  }
0x12c: {  	v10 =	vmul.f32 v4, v6;
	v7 =	vmul.f32 v7, v6  }
0x12d: {  	v8 =	vmul.f32 v8, v6  }
0x12e: {  	[tilespmem:s3+$0x30] =	vst v7;
	v6 =	vmul.f32 v9, v10  }
0x12f: {  	[tilespmem:s3+$0x40] =	vst v8  }
0x130: {  	_ =	sdelay $0x2  }
0x131: {  	[tilespmem:s3+$0x50] =	vst v6  }
0x132: {  	s3 =	sadd.s32 $0xC0, s3;
	v5 =	vld.idx.msk [tilespmem:v5+s28+$0x0], $0xffff  }
0x133: {  	v6 =	vld [tilespmem:s3+$0xFFFFFFA0]  }
0x134: {  	s7 =	sadd.s32 $0x1, s6;
	v7 =	vld [tilespmem:s3+$0xFFFFFFB0]  }
0x135: {  	v8 =	vld [tilespmem:s3+$0xFFFFFFC0];
	v9 =	vmov s7  }
0x136: {  	v9 =	vand.u32 $0xFFFFFFFD, v9  }
0x137: {  	v9 =	vbroadcast v9, $0x0  }
0x138: {  	v10 =	vmul.f32 v4, v5;
	v6 =	vmul.f32 v6, v5  }
0x139: {  	v5 =	vmul.f32 v7, v5  }
0x13a: {  	[tilespmem:s3+$0xFFFFFFA0] =	vst v6;
	v6 =	vmul.f32 v8, v10  }
0x13b: {  	[tilespmem:s3+$0xFFFFFFB0] =	vst v5  }
0x13c: {  	[tilespmem:s3+$0xFFFFFFC0] =	vst v6;
	v6 =	vld [tilespmem:s3+$0xFFFFFFD0]  }
0x13d: {  	v5 =	vld.idx.msk [tilespmem:v9+s28+$0x0], $0xffff  }
0x13e: {  	s14 =	sadd.s32 $0x2, s6;
	v7 =	vld [tilespmem:s3+$0xFFFFFFE0]  }
0x13f: {  	v57 =	vld [tilespmem:s3+$0xFFFFFFF0];
	v58 =	vmov s14  }
0x140: {  	v9 =	vand.u32 $0xFFFFFFFE, v58  }
0x141: {  	v9 =	vbroadcast v9, $0x0  }
0x142: {  	v59 =	vmul.f32 v4, v5;
	v6 =	vmul.f32 v6, v5  }
0x143: {  	v5 =	vmul.f32 v7, v5  }
0x144: {  	[tilespmem:s3+$0xFFFFFFD0] =	vst v6;
	v6 =	vmul.f32 v57, v59  }
0x145: {  	[tilespmem:s3+$0xFFFFFFE0] =	vst v5  }
0x146: {  	[tilespmem:s3+$0xFFFFFFF0] =	vst v6;
	v6 =	vld [tilespmem:s3+$0x0]  }
0x147: {  	v5 =	vld.idx.msk [tilespmem:v9+s28+$0x0], $0xffff  }
0x148: {  	v7 =	vld [tilespmem:s3+$0x10]  }
0x149: {  	v60 =	vld [tilespmem:s3+$0x20];
	_ =	sdelay $0x1  }
0x14a: {  	s15 =	sadd.s32 $0x3, s6  }
0x14b: {  	v61 =	vmov s15;
	v9 =	vmul.f32 v4, v5;
	v6 =	vmul.f32 v6, v5  }
0x14c: {  	v5 =	vmul.f32 v7, v5  }
0x14d: {  	[tilespmem:s3+$0x0] =	vst v6;
	v6 =	vmul.f32 v60, v9  }
0x14e: {  	[tilespmem:s3+$0x10] =	vst v5  }
0x14f: {  	[tilespmem:s3+$0x20] =	vst v6;
	v6 =	vld [tilespmem:s3+$0x30]  }
0x150: {  	v5 =	vld.idx.msk [tilespmem:v61+s28+$0x0], $0xffff  }
0x151: {  	v7 =	vld [tilespmem:s3+$0x40]  }
0x152: {  	v62 =	vld [tilespmem:s3+$0x50];
	_ =	sdelay $0x2  }
0x153: {  	v63 =	vmul.f32 v4, v5;
	v6 =	vmul.f32 v6, v5  }
0x154: {  	v5 =	vmul.f32 v7, v5  }
0x155: {  	s0 =	sadd.s32 $0x1, s0;
	[tilespmem:s3+$0x30] =	vst v6;
	v6 =	vmul.f32 v62, v63  }
0x156: {  	p0 =	sne.s32 s0, $0xA2;
	[tilespmem:s3+$0x40] =	vst v5  }
.Ltmp2:
0x157: {  	[tilespmem:s3+$0x50] =	vst v6;
	(pc) =	sbr.rel @p0 .LBB2_4-.Ltmp2, $4  }
0x158: {  	[spmem:s2] =	stream.indirect.scatter.add.f32 [tilespmem:s20], [sflag:$0x2], $0x30, s29, s24, $0xb8;
	[tilespmem:$0x1D210] =	vst v63  }
0x159: {  	_ =	swait.ge [sflag:s21], $0x1800  }
0x15a: {  	[sflag:s21] =	ssyncset.done $0x0  }
0x15b: {  	[sflag:s21] =	ssyncadd.s32 $0xFFFFE800  }
0x15c: {  	[bflag:$0x0] =	sbarrier.arrive $0xFFFF  }
0x15d: {  	[tilespmem:s20], [sflag:$0x2] =	stream.linear.gather [spmem:s8], $0x1800, $0x38;
	[tilespmem:$0x1D210] =	vst v63  }
0x15e: {  	_ =	swait.ge [sflag:s21], $0x1800  }
0x15f: {  	[sflag:s21] =	ssyncset.done $0x0  }
0x160: {  	s0 =	rddreg [dreg:$0x6];
	[sflag:s21] =	ssyncadd.s32 $0xFFFFE800  }
0x161: {  	[hbm4b:s0+s4] =	stream.linear.scatter [tilespmem:s20], [sflag:$0x2], $0x1800, $0x38;
	[tilespmem:$0x1D210] =	vst v63  }
0x162: {  	_ =	swait.ge [sflag:s21], $0x1800  }
0x163: {  	[sflag:s21] =	ssyncset.done $0x0  }
0x164: {  	[sflag:s21] =	ssyncadd.s32 $0xFFFFE800  }
0x165: {  	[tilespmem:s20], [sflag:$0x2] =	stream.linear.gather [spmem:s9], $0x1800, $0x38;
	[tilespmem:$0x1D210] =	vst v63  }
0x166: {  	_ =	swait.ge [sflag:s21], $0x1800  }
0x167: {  	[sflag:s21] =	ssyncset.done $0x0  }
0x168: {  	s15 =	rddreg [dreg:$0x7];
	[sflag:s21] =	ssyncadd.s32 $0xFFFFE800  }
0x169: {  	[hbm4b:s15+s4] =	stream.linear.scatter [tilespmem:s20], [sflag:$0x2], $0x1800, $0x38;
	[tilespmem:$0x1D210] =	vst v63  }
0x16a: {  	_ =	swait.ge [sflag:s21], $0x1800  }
0x16b: {  	[sflag:s21] =	ssyncset.done $0x0  }
0x16c: {  	[sflag:s21] =	ssyncadd.s32 $0xFFFFE800  }
0x16d: {  	[tilespmem:s20], [sflag:$0x2] =	stream.linear.gather [spmem:s10], $0x1800, $0x38;
	[tilespmem:$0x1D210] =	vst v63  }
0x16e: {  	_ =	swait.ge [sflag:s21], $0x1800  }
0x16f: {  	[sflag:s21] =	ssyncset.done $0x0  }
0x170: {  	[sflag:s21] =	ssyncadd.s32 $0xFFFFE800  }
0x171: {  	[hbm4b:s16+s4] =	stream.linear.scatter [tilespmem:s20], [sflag:$0x2], $0x1800, $0x38;
	[tilespmem:$0x1D210] =	vst v63  }
0x172: {  	_ =	swait.ge [sflag:s21], $0x1800  }
0x173: {  	[sflag:s21] =	ssyncset.done $0x0  }
0x174: {  	[sflag:s21] =	ssyncadd.s32 $0xFFFFE800  }
0x175: {  	[tilespmem:s20], [sflag:$0x2] =	stream.linear.gather [spmem:s11], $0x1800, $0x38;
	[tilespmem:$0x1D210] =	vst v63  }
0x176: {  	_ =	swait.ge [sflag:s21], $0x1800  }
0x177: {  	[sflag:s21] =	ssyncset.done $0x0  }
0x178: {  	[sflag:s21] =	ssyncadd.s32 $0xFFFFE800  }
0x179: {  	[hbm4b:s17+s4] =	stream.linear.scatter [tilespmem:s20], [sflag:$0x2], $0x1800, $0x38;
	[tilespmem:$0x1D210] =	vst v63  }
0x17a: {  	_ =	swait.ge [sflag:s21], $0x1800  }
0x17b: {  	[sflag:s21] =	ssyncset.done $0x0  }
0x17c: {  	[sflag:s21] =	ssyncadd.s32 $0xFFFFE800  }
0x17d: {  	[tilespmem:s20], [sflag:$0x2] =	stream.linear.gather [spmem:s12], $0x1800, $0x38;
	[tilespmem:$0x1D210] =	vst v63  }
0x17e: {  	s30 =	sadd.s32 $0x1, s30;
	_ =	swait.ge [sflag:s21], $0x1800  }
0x17f: {  	p0 =	sne.s32 s30, s19;
	[sflag:s21] =	ssyncset.done $0x0  }
.Ltmp3:
0x180: {  	[sflag:s21] =	ssyncadd.s32 $0xFFFFE800;
	(pc) =	sbr.rel @p0 .LBB2_1-.Ltmp3, $4  }
0x181: {  	[hbm4b:s18+s4] =	stream.linear.scatter [tilespmem:s20], [sflag:$0x2], $0x1800, $0x38;
	[tilespmem:$0x1D210] =	vst v63  }
0x182: {  	_ =	swait.ge [sflag:s21], $0x1800  }
0x183: {  	[sflag:s21] =	ssyncset.done $0x0  }
0x184: {  	[sflag:s21] =	ssyncadd.s32 $0xFFFFE800  }
0x185: {  	_ =	sfence.sel $0x180000  }
0x186: {  	[bflag:$0x0] =	sbarrier.arrive $0xFFFF  }
0x187: {  	_ =	strace $0x90000047  }
0x188: {  	s0 =	stileid.u32;
	[bflag:$0x2] =	sbarrier.arrive $0xFFFF  }
0x189: {  	p0 =	sne.s32 s0, $0x0;
	s0 =	rddreg [dreg:$0x3]  }
0x18a: {  	s0 =	sadd.s32 @!p0 $0x100000, s0  }
0x18b: {  	[sflag:s0] =	ssyncadd.tile.s32 @!p0 $0x1;
	_ =	shalt  }
.Lfunc_end2:
_tile_overlayer_lowered:
.L_overlay_start_2:
0x18c: {  	(tag) =	ssettag $0x2  }
0x18d: {  	s0 =	rddreg [dreg:$0x0];
	s2 =	stileid.u32  }
0x18e: {  	s1 =	rddreg [dreg:$0x1];
	p0 =	sne.s32 s2, $0x0  }
0x18f: {  	s3 =	rddreg [dreg:$0x2];
	[bflag:$0x3] =	sbarrier.arrive $0xFFFF;
	s2 =	simm.s32 @!p0 $0x1C02  }
0x190: {  	[timem:s3], [sflag:s2] =	dma.local @!p0 [hbm:s0], s1  }
0x191: {  	s0 =	simm.s32 @!p0 $0x2  }
0x192: {  	_ =	swait.ge @!p0 [sflag:s0], s1  }
0x193: {  	s1 =	ssub.s32 @!p0 $0x0, s1;
	[sflag:s0] =	ssyncset.done @!p0 $0x0  }
0x194: {  	[sflag:s0] =	ssyncadd.s32 @!p0 s1  }
0x195: {  	[bflag:$0x3] =	sbarrier.arrive $0xFFFF  }
0x196: {  	_ =	shalt  }

// kernel: kernel.14.cloned.1.call-start
scs
__scs_entry_jumppad:
0x0: {  	(pc) =	sbr.rel $0x88, $3  }
0x1: {  	(tag) =	ssettag $0x0;
	lr =	simm.s32 $0x1  }
0x2: {  	[smem:$0x3F97] =	sst lr;
	_ =	strace $0xD0000000  }
0x3: {  	_ = 	snop  }
0x4: {  	_ = 	snop  }
0x5: {  	_ = 	snop  }
0x6: {  	_ = 	snop  }
0x7: {  	_ = 	snop  }
__scs_overlays_trampoline_lowered:
0x8: {  	[smem:$0x3FA6] =	sst s0  }
0x9: {  	[smem:$0x3FA7] =	sst s1  }
0xa: {  	[smem:$0x3FA8] =	sst s2  }
0xb: {  	[smem:$0x3FA9] =	sst s3  }
0xc: {  	[smem:$0x3FAA] =	sst s4  }
0xd: {  	[smem:$0x3FAB] =	sst s5  }
0xe: {  	[smem:$0x3FAC] =	sst s6  }
0xf: {  	[smem:$0x3FAD] =	sst s7  }
0x10: {  	[smem:$0x3FAE] =	sst s8  }
0x11: {  	[smem:$0x3FAF] =	sst s9;
	s0 =	simm.s32 @!p0 $0x0  }
0x12: {  	s1 =	sld [smem:$0x3F95];
	s0 =	simm.s32 @p0 $0x1  }
0x13: {  	[smem:$0x3FB0] =	sst s0;
	s0 =	simm.s32 @!p1 $0x0  }
0x14: {  	s2 =	sld [smem:$0x3F94];
	s0 =	simm.s32 @p1 $0x1  }
0x15: {  	[smem:$0x3FB1] =	sst s0;
	s0 =	simm.s32 @!p2 $0x0  }
0x16: {  	s3 =	sld [smem:$0x3FDB];
	s0 =	simm.s32 @p2 $0x1  }
0x17: {  	s4 =	simm.s32 $0x1BF5;
	[smem:$0x3FB3] =	sst s0  }
0x18: {  	s0 =	sld [smem:$0x3F96];
	_ =	swait.ge [sflag:s4], $0x0  }
0x19: {  	s7 =	sld [smem:$0x3F97]  }
0x1a: {  	s8 =	sadd.s32 $0xFFFFE003, lr  }
0x1b: {  	s9 =	sadd.s32 $0xFFFFFEF7, lr;
	s5 =	simm.s32 $0xFFFFFFFF;
	p2 =	slt.u32 s8, $0xFFFFF086  }
0x1c: {  	p1 =	slt.u32 s9, $0xF7A;
	s5 =	simm.s32 @!p2 $0x0  }
0x1d: {  	s5 =	simm.s32 @p1 $0x1;
	p0 =	seq.s32 s7, s2  }
0x1e: {  	s7 =	smul.u32 @!p0 $0xF7A, s2;
	p2 =	seq.s32 @!p0 s5, $0x0  }
0x1f: {  	s9 =	smul.u32 $0xF7A, s1;
	s8 =	simm.s32 @!p0 $0x1BF5;
	p2 =	por !p2, p0  }
0x20: {  	[sflag:s8] =	ssyncset.s32 @!p0 $0xFFFFF086;
	s6 =	sadd.s32 @!p0 s3, s7;
	s7 =	simm.s32 @!p0 $0x108  }
0x21: {  	s3 =	sadd.s32 s3, s9;
	s6 =	sadd.s32 @!p0 $0x88, s6;
	s7 =	simm.s32 @p2 $0x1082  }
0x22: {  	[simem:s7], [sflag:s8] =	dma.local @!p0 [hbm:s6], $0xF7A  }
0x23: {  	s9 =	sor.u32 $0xD0000000, s2;
	s6 =	simm.s32 $0x108;
	_ =	swait.ge @!p0 [sflag:s8], $0x0  }
0x24: {  	s3 =	sadd.s32 $0x88, s3;
	s6 =	simm.s32 @!p1 $0x1082;
	[sflag:s4] =	ssyncset.s32 $0xFFFFF086  }
0x25: {  	[simem:s6], [sflag:s4] =	dma.local [hbm:s3], $0xF7A  }
0x26: {  	[smem:$0x3F97] =	sst s1;
	(tag) =	ssettag s2;
	_ =	strace s9  }
0x27: {  	s1 =	sld [smem:$0x3FA7]  }
0x28: {  	s2 =	sld [smem:$0x3FA8]  }
0x29: {  	s4 =	sld [smem:$0x3FAA]  }
0x2a: {  	p0 =	seq.s32 s5, $0x0;
	s5 =	sld [smem:$0x3FAB]  }
0x2b: {  	s6 =	sld [smem:$0x3FAC]  }
0x2c: {  	s7 =	sld [smem:$0x3FAD]  }
0x2d: {  	s3 =	simm.s32 $0x108;
	s8 =	sld [smem:$0x3FAE]  }
0x2e: {  	s3 =	simm.s32 @!p0 $0x1082;
	s9 =	sld [smem:$0x3FAF]  }
0x2f: {  	lr =	sadd.s32 s0, s3;
	s0 =	sld [smem:$0x3FA6]  }
0x30: {  	s3 =	sld [smem:$0x3FA9]  }
0x31: {  	[smem:$0x3FB2] =	sst s10  }
0x32: {  	s10 =	sld [smem:$0x3FB0];
	_ =	sdelay $0x3  }
0x33: {  	p0 =	seq.s32 s10, $0x1;
	s10 =	sld [smem:$0x3FB2];
	_ =	sdelay $0x3  }
0x34: {  	[smem:$0x3FB2] =	sst s10  }
0x35: {  	s10 =	sld [smem:$0x3FB1];
	_ =	sdelay $0x3  }
0x36: {  	p1 =	seq.s32 s10, $0x1;
	s10 =	sld [smem:$0x3FB2];
	_ =	sdelay $0x3  }
0x37: {  	[smem:$0x3FB2] =	sst s10  }
0x38: {  	s10 =	sld [smem:$0x3FB3]  }
0x39: {  	_ = 	snop;
	(pc) =	sbr.ind lr, $3  }
0x3a: {  	_ = 	snop  }
0x3b: {  	_ = 	snop  }
0x3c: {  	p2 =	seq.s32 s10, $0x1;
	s10 =	sld [smem:$0x3FB2]  }
0x3d: {  	_ =	shalt  }
0x3e: {  	_ =	shalt  }
0x3f: {  	_ =	shalt  }
0x40: {  	_ =	shalt  }
0x41: {  	_ =	shalt  }
0x42: {  	_ =	shalt  }
0x43: {  	_ =	shalt  }
0x44: {  	_ =	shalt  }
0x45: {  	_ =	shalt  }
0x46: {  	_ =	shalt  }
0x47: {  	_ =	shalt  }
0x48: {  	_ =	shalt  }
0x49: {  	_ =	shalt  }
0x4a: {  	_ =	shalt  }
0x4b: {  	_ =	shalt  }
0x4c: {  	_ =	shalt  }
0x4d: {  	_ =	shalt  }
0x4e: {  	_ =	shalt  }
0x4f: {  	_ =	shalt  }
0x50: {  	_ =	shalt  }
0x51: {  	_ =	shalt  }
0x52: {  	_ =	shalt  }
0x53: {  	_ =	shalt  }
0x54: {  	_ =	shalt  }
0x55: {  	_ =	shalt  }
0x56: {  	_ =	shalt  }
0x57: {  	_ =	shalt  }
0x58: {  	_ =	shalt  }
0x59: {  	_ =	shalt  }
0x5a: {  	_ =	shalt  }
0x5b: {  	_ =	shalt  }
0x5c: {  	_ =	shalt  }
0x5d: {  	_ =	shalt  }
0x5e: {  	_ =	shalt  }
0x5f: {  	_ =	shalt  }
0x60: {  	_ =	shalt  }
0x61: {  	_ =	shalt  }
0x62: {  	_ =	shalt  }
0x63: {  	_ =	shalt  }
0x64: {  	_ =	shalt  }
0x65: {  	_ =	shalt  }
0x66: {  	_ =	shalt  }
0x67: {  	_ =	shalt  }
0x68: {  	_ =	shalt  }
0x69: {  	_ =	shalt  }
0x6a: {  	_ =	shalt  }
0x6b: {  	_ =	shalt  }
0x6c: {  	_ =	shalt  }
0x6d: {  	_ =	shalt  }
0x6e: {  	_ =	shalt  }
0x6f: {  	_ =	shalt  }
0x70: {  	_ =	shalt  }
0x71: {  	_ =	shalt  }
0x72: {  	_ =	shalt  }
0x73: {  	_ =	shalt  }
0x74: {  	_ =	shalt  }
0x75: {  	_ =	shalt  }
0x76: {  	_ =	shalt  }
0x77: {  	_ =	shalt  }
0x78: {  	_ =	shalt  }
0x79: {  	_ =	shalt  }
0x7a: {  	_ =	shalt  }
0x7b: {  	_ =	shalt  }
0x7c: {  	_ =	shalt  }
0x7d: {  	_ =	shalt  }
0x7e: {  	_ =	shalt  }
0x7f: {  	_ =	shalt  }
0x80: {  	_ =	shalt  }
0x81: {  	_ =	shalt  }
0x82: {  	_ =	shalt  }
0x83: {  	_ =	shalt  }
0x84: {  	_ =	shalt  }
0x85: {  	_ =	shalt  }
0x86: {  	_ =	shalt  }
0x87: {  	_ =	shalt  }
.Lfunc_end0:
.L_simem_size_0:
called_computation.2_lowered:
.L_overlay_start_0:
0x88: {  	s2 =	sld [smem:$0x3FD9]  }
0x89: {  	s3 =	sld [smem:$0x3FFE];
	_ =	sdelay $0x1  }
0x8a: {  	s1 =	srdreg.scid  }
0x8b: {  	s0 =	sand.u32 $0x1, s1  }
0x8c: {  	s17 =	sshll.u32 s0, $0xA;
	s2 =	sadd.s32 s3, s2  }
0x8d: {  	s2 =	sadd.s32 s2, s17  }
0x8e: {  	[smem:$0x3FBE] =	sst s2  }
0x8f: {  	_ = 	snop  }
0x90: {  	s2 =	sld [smem:$0x3FD0];
	(tm) =	ssettm $0x1  }
0x91: {  	s18 =	sld [smem:$0x3FFB];
	_ =	sdelay $0x3  }
0x92: {  	_ =	strace s18  }
0x93: {  	s3 =	sld [smem:$0x3FFC];
	_ =	sdelay $0x3  }
0x94: {  	_ =	strace s3  }
0x95: {  	s3 =	sld [smem:$0x3FFD];
	_ =	sdelay $0x3  }
0x96: {  	_ =	strace s3  }
0x97: {  	_ =	strace $0x8FFFFFFF  }
0x98: {  	s19 =	sld [smem:$0x3FDB];
	_ =	sdelay $0x1  }
0x99: {  	s4 =	simm.s32 $_scs_section_size  }
0x9a: {  	s5 =	simm.s32 $_size__tile_overlayer_lowered;
	s6 =	simm.s32 $_tile_overlayer_lowered  }
0x9b: {  	s22 =	simm.s32 $0x1BFF;
	s21 =	sshll.u32 s6, $0x1;
	s3 =	sadd.s32 s4, s19  }
0x9c: {  	s7 =	simm.s32 $0x0;
	s20 =	sshll.u32 s5, $0x1;
	s5 =	sadd.s32 s21, s3  }
0x9d: {  	[timem:s7], [sflag:s22] =	dma.local [hbm:s5], s20  }
0x9e: {  	_ =	swait.ge [sflag:s22], s20  }
0x9f: {  	s4 =	ssub.s32 $0x0, s20;
	[sflag:s22] =	ssyncset.done $0x0  }
0xa0: {  	[sflag:s22] =	ssyncadd.s32 s4;
	_ =	sdelay $0x1  }
0xa1: {  	s23 =	simm.s32 $0x1B8B  }
0xa2: {  	_ =	swait.ge [sflag:s23], $0x1  }
0xa3: {  	[sflag:s23] =	ssyncset.done $0x0  }
0xa4: {  	s25 =	simm.s32 $0x1B8E;
	s24 =	sld [smem:$0x3FFE];
	[sflag:s23] =	ssyncadd.s32 $0xFFFFFFFF  }
0xa5: {  	s26 =	simm.s32 $execute0_lowered;
	[smem:$0x3FD2] =	sst s25  }
0xa6: {  	s5 =	sshll.u32 s26, $0x1;
	_ =	strace $0x8000004C;
	[dreg:$0x1] =	wrdreg $0xFFFFFFFF  }
0xa7: {  	s28 =	simm.s32 $_size_execute0_lowered;
	s3 =	sadd.s32 s3, s5;
	[dreg:$0x0] =	wrdreg $0x0  }
0xa8: {  	s5 =	sshll.u32 s28, $0x1;
	[dreg:$0x2] =	wrdreg s3  }
0xa9: {  	[dreg:$0x3] =	wrdreg s5  }
0xaa: {  	[dreg:$0x4] =	wrdreg $0xC0  }
0xab: {  	_ =	task [dreg:s7], $0x5FFFF  }
0xac: {  	[dreg:$0x1] =	wrdreg $0xFFFFFFFF  }
0xad: {  	[dreg:$0x0] =	wrdreg $0x60  }
0xae: {  	[dreg:$0x2] =	wrdreg s2  }
0xaf: {  	[dreg:$0x3] =	wrdreg s24  }
0xb0: {  	[dreg:$0x4] =	wrdreg $0x15A100  }
0xb1: {  	[dreg:$0x5] =	wrdreg $0x9  }
0xb2: {  	_ =	task.clear_ibuf [dreg:s7], $0x6FFFF;
	_ =	strace $0x9000004C  }
0xb3: {  	s29 =	simm.s32 $0x9;
	_ =	strace $0x8000004E  }
0xb4: {  	_ =	swait.ge [sflag:s29], $0x1  }
0xb5: {  	[sflag:s29] =	ssyncadd.s32 $0xFFFFFFFF  }
0xb6: {  	_ =	strace $0x9000004E  }
0xb7: {  	_ =	sfence  }
0xb8: {  	s30 =	sld [smem:$0x0];
	_ =	sdelay $0x2  }
0xb9: {  	s31 =	sshll.u32 s1, $0xD;
	s1 =	sshrl.u32 s1, $0x2  }
0xba: {  	s3 =	sand.u32 $0x4000, s31;
	s1 =	sadd.s32 s1, s30  }
0xbb: {  	s0 =	sor.u32 s3, s0;
	s1 =	sshll.u32 s1, $0x11  }
0xbc: {  	s0 =	sor.u32 s1, s0  }
0xbd: {  	s0 =	sadd.s32 $0x8F2B, s0  }
0xbe: {  	[sflag:s0] =	ssyncadd.remote.s32 $0x1  }
0xbf: {  	_ =	sfence.sel $0xFFFF  }
0xc0: {  	[dreg:$0x0] =	wrdreg $0xFFFFFFFF;
	(pc) =	sbr.abs _section_cstart, $3  }
0xc1: {  	[dreg:$0x1] =	wrdreg $0xFFFFFFFF  }
0xc2: {  	_ =	task.clear_ibuf [dreg:s7], $0x2FFFF;
	_ =	strace $0x9FFFFFFF  }
0xc3: {  	(tm) =	ssettm $0x7FFFFFFF  }
tec
execute0_lowered:
.L_overlay_start_1:
0x0: {  	(tag) =	ssettag $0x1  }
0x1: {  	s1 =	rddreg [dreg:$0x0]  }
0x2: {  	s0 =	rddreg [dreg:$0x1]  }
0x3: {  	s2 =	rddreg [dreg:$0x2]  }
0x4: {  	s3 =	simm.s32 $0x0;
	s4 =	srdreg.scid;
	s13 =	stileid.u32  }
0x5: {  	s28 =	simm.s32 $0x15980;
	s29 =	simm.s32 $0x15900;
	s30 =	simm.s32 $0x0  }
0x6: {  	s31 =	simm.s32 $0x0;
	[smem:$0x7FF] =	sst s3;
	s5 =	sadd.s32 $0x2200, s0  }
0x7: {  	s4 =	sand.u32 $0x1, s4;
	s6 =	sadd.s32 $0x20200, s0;
	s7 =	smul.u32 $0x7800, s13  }
0x8: {  	s8 =	sadd.s32 $0x2000, s0;
	s0 =	sadd.s32 $0x22A00, s0;
	s13 =	smul.u32 $0x5100, s13  }
0x9: {  	_ =	strace $0x8000004D;
	[dreg:$0x4] =	wrdreg s6;
	s17 =	smul.u32 $0x78000, s4  }
0xa: {  	s20 =	ssub.s32 $0x2, s4;
	[dreg:$0x5] =	wrdreg s8;
	s4 =	smul.u32 $0x2800, s4  }
0xb: {  	s21 =	sshrl.u32 s20, $0x1;
	s8 =	sadd.s32 s7, s2;
	s14 =	sadd.s32 $0x1800, s7  }
0xc: {  	s16 =	sadd.s32 $0x3000, s7;
	s18 =	sadd.s32 $0x4800, s7;
	s19 =	sadd.s32 $0x6000, s7  }
0xd: {  	s6 =	ssub.s32 s20, s21;
	s9 =	sadd.s32 s14, s2;
	s10 =	sadd.s32 s16, s2  }
0xe: {  	s11 =	sadd.s32 s18, s2;
	s12 =	sadd.s32 s19, s2;
	s7 =	sadd.s32 s7, s17  }
0xf: {  	s14 =	sadd.s32 s17, s14;
	s23 =	sadd.s32 s17, s16;
	s24 =	sadd.s32 s17, s18  }
0x10: {  	s25 =	sadd.s32 s17, s19;
	s20 =	simm.s32 $0x14000;
	s21 =	simm.s32 $0x2  }
0x11: {  	s7 =	sshrl.u32 s7, $0x3;
	s22 =	sshrl.u32 s14, $0x3;
	s14 =	sshrl.u32 s24, $0x3  }
0x12: {  	s26 =	sshrl.u32 s25, $0x3;
	s19 =	smax.u32 s6, $0x1;
	s24 =	simm.s32 $0x80  }
0x13: {  	s25 =	simm.s32 $0x15880;
	s7 =	sadd.s32 s0, s7;
	s17 =	sadd.s32 s0, s14  }
0x14: {  	s18 =	sadd.s32 s0, s26;
	[dreg:$0x6] =	wrdreg s7;
	s7 =	sadd.s32 s0, s22  }
0x15: {  	v0 =	vimm.f32 $0.0e+00;
	vm0 =	vcmask $0x300;
	s26 =	simm.s32 $0x1;
	[dreg:$0x7] =	wrdreg s7;
	s7 =	sshrl.u32 s23, $0x3  }
0x16: {  	v2 =	vsel vm0, $0x3F800000, v0;
	v1 =	vmov s4;
	s22 =	simm.s32 $0x15A00;
	s23 =	simm.s32 $0x15800;
	s16 =	sadd.s32 s0, s7  }
.LBB2_1:
0x17: {  	s0 =	simm.s32 $0xC0;
	s4 =	simm.s32 $0x0  }
.LBB2_2:
0x18: {  	p0 =	sne.s32 s0, $0x5F40;
	[tilespmem:s4+$0x14020] =	vst v0;
	s6 =	smov.u32 s0;
	s0 =	sadd.s32 $0xC0, s0  }
.Ltmp0:
0x19: {  	[tilespmem:s4+$0x14000] =	vst v0;
	(pc) =	sbr.rel @p0 .LBB2_2-.Ltmp0, $2  }
0x1a: {  	[tilespmem:s4+$0x14010] =	vst v0;
	_ =	sdelay $0x2  }
0x1b: {  	s4 =	sshra.s32 s6, $0x2  }
0x1c: {  	[tilespmem:s4+$0x14020] =	vst v0  }
0x1d: {  	[tilespmem:s4+$0x14000] =	vst v0  }
0x1e: {  	[tilespmem:s4+$0x14010] =	vst v0  }
0x1f: {  	[spmem:s8] =	stream.linear.scatter [tilespmem:s20], [sflag:$0x2], $0x1800, $0x38;
	[tilespmem:$0x1D210] =	vst v63  }
0x20: {  	_ =	swait.ge [sflag:s21], $0x1800  }
0x21: {  	[sflag:s21] =	ssyncset.done $0x0  }
0x22: {  	[sflag:s21] =	ssyncadd.s32 $0xFFFFE800  }
0x23: {  	[spmem:s9] =	stream.linear.scatter [tilespmem:s20], [sflag:$0x2], $0x1800, $0x38;
	[tilespmem:$0x1D210] =	vst v63  }
0x24: {  	_ =	swait.ge [sflag:s21], $0x1800  }
0x25: {  	[sflag:s21] =	ssyncset.done $0x0  }
0x26: {  	[sflag:s21] =	ssyncadd.s32 $0xFFFFE800  }
0x27: {  	[spmem:s10] =	stream.linear.scatter [tilespmem:s20], [sflag:$0x2], $0x1800, $0x38;
	[tilespmem:$0x1D210] =	vst v63  }
0x28: {  	_ =	swait.ge [sflag:s21], $0x1800  }
0x29: {  	[sflag:s21] =	ssyncset.done $0x0  }
0x2a: {  	[sflag:s21] =	ssyncadd.s32 $0xFFFFE800  }
0x2b: {  	[spmem:s11] =	stream.linear.scatter [tilespmem:s20], [sflag:$0x2], $0x1800, $0x38;
	[tilespmem:$0x1D210] =	vst v63  }
0x2c: {  	_ =	swait.ge [sflag:s21], $0x1800  }
0x2d: {  	[sflag:s21] =	ssyncset.done $0x0  }
0x2e: {  	[sflag:s21] =	ssyncadd.s32 $0xFFFFE800  }
0x2f: {  	[spmem:s12] =	stream.linear.scatter [tilespmem:s20], [sflag:$0x2], $0x1800, $0x38;
	[tilespmem:$0x1D210] =	vst v63  }
0x30: {  	_ =	swait.ge [sflag:s21], $0x1800  }
0x31: {  	[sflag:s21] =	ssyncset.done $0x0  }
0x32: {  	s0 =	rddreg [dreg:$0x4];
	[sflag:s21] =	ssyncadd.s32 $0xFFFFE800  }
0x33: {  	[tilespmem:s31], [sflag:$0x2] =	stream.linear.gather [hbm4b:s0+s31], $0x14000, $0x38;
	[tilespmem:$0x1D210] =	vst v63  }
0x34: {  	_ =	swait.ge [sflag:s21], $0x14000  }
0x35: {  	[sflag:s21] =	ssyncset.done $0x0  }
0x36: {  	s15 =	rddreg [dreg:$0x5];
	[sflag:s21] =	ssyncadd.s32 $0xFFFEC000  }
0x37: {  	[tilespmem:s22], [sflag:$0x2] =	stream.linear.gather [hbm4b:s15+s31], $0x10, $0x38;
	[tilespmem:$0x1D210] =	vst v63  }
0x38: {  	_ =	swait.ge [sflag:s21], $0x10  }
0x39: {  	[sflag:s21] =	ssyncset.done $0x0  }
0x3a: {  	[sflag:s21] =	ssyncadd.s32 $0xFFFFFFF0  }
0x3b: {  	s0 =	simm.s32 $0x0;
	[bflag:$0x0] =	sbarrier.arrive $0xFFFF  }
.LBB2_4:
0x3c: {  	s4 =	sshll.u32 s0, $0x7  }
0x3d: {  	s4 =	sadd.s32 s13, s4  }
0x3e: {  	s4 =	sshrl.u32 s4, $0x3  }
0x3f: {  	s4 =	sadd.s32 s1, s4  }
0x40: {  	v3 =	vld.msk [tilespmem:s22+$0x0], $0xffff;
	[tilespmem:s23], [sflag:$0x2] =	stream.linear.gather [hbm4b:s4+s31], $0x80, $0x38  }
0x41: {  	_ =	swait.ge [sflag:s21], $0x80  }
0x42: {  	[sflag:s21] =	ssyncset.done $0x0  }
0x43: {  	[sflag:s21] =	ssyncadd.s32 $0xFFFFFF80  }
0x44: {  	v4 =	vld [tilespmem:$0x15800];
	_ =	sdelay $0x1  }
0x45: {  	v5 =	vld [tilespmem:$0x15810];
	_ =	sdelay $0x1  }
0x46: {  	v6 =	vld [tilespmem:$0x15820]  }
0x47: {  	v7 =	vand.u32 $0xFFFF, v4  }
0x48: {  	v8 =	vld [tilespmem:$0x15830];
	v7 =	vadd.s32 v1, v7  }
0x49: {  	v4 =	vshra.s32 v4, $0x10;
	[tilespmem:$0x15880] =	vst v7;
	v7 =	vand.u32 $0xFFFF, v5  }
0x4a: {  	[tilespmem:$0x15900] =	vst v4;
	v4 =	vadd.s32 v1, v7;
	v7 =	vld [tilespmem:$0x15840]  }
0x4b: {  	[tilespmem:$0x15890] =	vst v4;
	v4 =	vshra.s32 v5, $0x10;
	v5 =	vand.u32 $0xFFFF, v6  }
0x4c: {  	[tilespmem:$0x15910] =	vst v4;
	v4 =	vadd.s32 v1, v5;
	v5 =	vld [tilespmem:$0x15850]  }
0x4d: {  	[tilespmem:$0x158A0] =	vst v4;
	v4 =	vshra.s32 v6, $0x10;
	v6 =	vand.u32 $0xFFFF, v8  }
0x4e: {  	[tilespmem:$0x15920] =	vst v4;
	v4 =	vadd.s32 v1, v6;
	v6 =	vld [tilespmem:$0x15860]  }
0x4f: {  	[tilespmem:$0x158B0] =	vst v4;
	v4 =	vshra.s32 v8, $0x10;
	v59 =	vand.u32 $0xFFFF, v7  }
0x50: {  	v60 =	vld [tilespmem:$0x15870];
	[tilespmem:$0x15930] =	vst v4;
	v4 =	vadd.s32 v1, v59  }
0x51: {  	[tilespmem:$0x158C0] =	vst v4;
	v4 =	vshra.s32 v7, $0x10;
	v7 =	vand.u32 $0xFFFF, v5  }
0x52: {  	[tilespmem:$0x15940] =	vst v4;
	v4 =	vadd.s32 v1, v7  }
0x53: {  	[tilespmem:$0x158D0] =	vst v4;
	v4 =	vshra.s32 v5, $0x10;
	v5 =	vand.u32 $0xFFFF, v6  }
0x54: {  	[tilespmem:$0x15950] =	vst v4;
	v4 =	vadd.s32 v1, v5  }
0x55: {  	v5 =	vand.u32 $0xFFFF, v60;
	[tilespmem:$0x158E0] =	vst v4;
	v4 =	vshra.s32 v6, $0x10  }
0x56: {  	[tilespmem:$0x15960] =	vst v4;
	v4 =	vadd.s32 v1, v5  }
0x57: {  	[tilespmem:$0x158F0] =	vst v4;
	v4 =	vshra.s32 v60, $0x10  }
0x58: {  	[tilespmem:$0x15970] =	vst v4  }
0x59: {  	[tilespmem:s20], [sflag:$0x1] =	stream.indirect.gather [hbm4b:s5+s24], $0x30, s25, s24, $0xb8;
	[tilespmem:$0x1D210] =	vst v63  }
0x5a: {  	v4 =	vld [tilespmem:$0x15880]  }
0x5b: {  	v5 =	vld [tilespmem:$0x15900];
	_ =	sdelay $0x3  }
0x5c: {  	v4 =	vsub.s32 v4, v1  }
0x5d: {  	v5 =	vshll.u32 v5, $0x3;
	v4 =	vshll.u32 v4, $0x3  }
0x5e: {  	v5 =	vor.u32 $0x1, v5;
	_ =	sdelay $0x3  }
0x5f: {  	v4 =	vld.idx.msk [tilespmem:v4+s31+$0x0], $0xffff  }
0x60: {  	v5 =	vld.idx.msk [tilespmem:v5+s31+$0x0], $0xffff;
	_ =	sdelay $0x4  }
0x61: {  	v4 =	vadd.f32 v5, v4;
	_ =	sdelay $0x1  }
0x62: {  	v5 =	vmul.f32 $2.000000030e-01, v4;
	_ =	sdelay $0x1  }
0x63: {  	v4 =	vmax.f32 v4, v5  }
0x64: {  	v4 =	vsub.f32 v4, v3;
	_ =	sdelay $0x1  }
0x65: {  	v4 =	vmul.f32 $1.442695020e+00, v4;
	_ =	sdelay $0x1  }
0x66: {  	(erf) = vpow2.f32 v4;
	v4 =	vld [tilespmem:$0x15890]  }
0x67: {  	v5 =	vld [tilespmem:$0x15910];
	_ =	sdelay $0x3  }
0x68: {  	v4 =	vsub.s32 v4, v1  }
0x69: {  	v5 =	vshll.u32 v5, $0x3;
	v4 =	vshll.u32 v4, $0x3  }
0x6a: {  	v5 =	vor.u32 $0x1, v5;
	_ =	sdelay $0x1  }
0x6b: {  	v6 =	vpop (erf)  }
0x6c: {  	[tilespmem:$0x15980] =	vst v6  }
0x6d: {  	v4 =	vld.idx.msk [tilespmem:v4+s31+$0x0], $0xffff  }
0x6e: {  	v5 =	vld.idx.msk [tilespmem:v5+s31+$0x0], $0xffff;
	_ =	sdelay $0x4  }
0x6f: {  	v4 =	vadd.f32 v5, v4;
	_ =	sdelay $0x1  }
0x70: {  	v5 =	vmul.f32 $2.000000030e-01, v4;
	_ =	sdelay $0x1  }
0x71: {  	v4 =	vmax.f32 v4, v5  }
0x72: {  	v4 =	vsub.f32 v4, v3;
	_ =	sdelay $0x1  }
0x73: {  	v4 =	vmul.f32 $1.442695020e+00, v4;
	_ =	sdelay $0x1  }
0x74: {  	(erf) = vpow2.f32 v4;
	v4 =	vld [tilespmem:$0x158A0]  }
0x75: {  	v5 =	vld [tilespmem:$0x15920];
	_ =	sdelay $0x3  }
0x76: {  	v4 =	vsub.s32 v4, v1  }
0x77: {  	v5 =	vshll.u32 v5, $0x3;
	v4 =	vshll.u32 v4, $0x3  }
0x78: {  	v5 =	vor.u32 $0x1, v5;
	_ =	sdelay $0x1  }
0x79: {  	v6 =	vpop (erf)  }
0x7a: {  	[tilespmem:$0x15990] =	vst v6  }
0x7b: {  	v4 =	vld.idx.msk [tilespmem:v4+s31+$0x0], $0xffff  }
0x7c: {  	v5 =	vld.idx.msk [tilespmem:v5+s31+$0x0], $0xffff;
	_ =	sdelay $0x4  }
0x7d: {  	v4 =	vadd.f32 v5, v4;
	_ =	sdelay $0x1  }
0x7e: {  	v5 =	vmul.f32 $2.000000030e-01, v4;
	_ =	sdelay $0x1  }
0x7f: {  	v4 =	vmax.f32 v4, v5  }
0x80: {  	v4 =	vsub.f32 v4, v3;
	_ =	sdelay $0x1  }
0x81: {  	v4 =	vmul.f32 $1.442695020e+00, v4;
	_ =	sdelay $0x1  }
0x82: {  	(erf) = vpow2.f32 v4;
	v4 =	vld [tilespmem:$0x158B0]  }
0x83: {  	v5 =	vld [tilespmem:$0x15930];
	_ =	sdelay $0x3  }
0x84: {  	v4 =	vsub.s32 v4, v1  }
0x85: {  	v5 =	vshll.u32 v5, $0x3;
	v4 =	vshll.u32 v4, $0x3  }
0x86: {  	v5 =	vor.u32 $0x1, v5;
	_ =	sdelay $0x1  }
0x87: {  	v6 =	vpop (erf)  }
0x88: {  	[tilespmem:$0x159A0] =	vst v6  }
0x89: {  	v4 =	vld.idx.msk [tilespmem:v4+s31+$0x0], $0xffff  }
0x8a: {  	v5 =	vld.idx.msk [tilespmem:v5+s31+$0x0], $0xffff;
	_ =	sdelay $0x4  }
0x8b: {  	v4 =	vadd.f32 v5, v4;
	_ =	sdelay $0x1  }
0x8c: {  	v5 =	vmul.f32 $2.000000030e-01, v4;
	_ =	sdelay $0x1  }
0x8d: {  	v4 =	vmax.f32 v4, v5  }
0x8e: {  	v4 =	vsub.f32 v4, v3;
	_ =	sdelay $0x1  }
0x8f: {  	v4 =	vmul.f32 $1.442695020e+00, v4;
	_ =	sdelay $0x1  }
0x90: {  	(erf) = vpow2.f32 v4;
	v4 =	vld [tilespmem:$0x158C0]  }
0x91: {  	v5 =	vld [tilespmem:$0x15940];
	_ =	sdelay $0x3  }
0x92: {  	v4 =	vsub.s32 v4, v1  }
0x93: {  	v5 =	vshll.u32 v5, $0x3;
	v4 =	vshll.u32 v4, $0x3  }
0x94: {  	v5 =	vor.u32 $0x1, v5;
	_ =	sdelay $0x1  }
0x95: {  	v6 =	vpop (erf)  }
0x96: {  	[tilespmem:$0x159B0] =	vst v6  }
0x97: {  	v4 =	vld.idx.msk [tilespmem:v4+s31+$0x0], $0xffff  }
0x98: {  	v5 =	vld.idx.msk [tilespmem:v5+s31+$0x0], $0xffff;
	_ =	sdelay $0x4  }
0x99: {  	v4 =	vadd.f32 v5, v4;
	_ =	sdelay $0x1  }
0x9a: {  	v5 =	vmul.f32 $2.000000030e-01, v4;
	_ =	sdelay $0x1  }
0x9b: {  	v4 =	vmax.f32 v4, v5  }
0x9c: {  	v4 =	vsub.f32 v4, v3;
	_ =	sdelay $0x1  }
0x9d: {  	v4 =	vmul.f32 $1.442695020e+00, v4;
	_ =	sdelay $0x1  }
0x9e: {  	(erf) = vpow2.f32 v4;
	v4 =	vld [tilespmem:$0x158D0]  }
0x9f: {  	v5 =	vld [tilespmem:$0x15950];
	_ =	sdelay $0x3  }
0xa0: {  	v4 =	vsub.s32 v4, v1  }
0xa1: {  	v5 =	vshll.u32 v5, $0x3;
	v4 =	vshll.u32 v4, $0x3  }
0xa2: {  	v5 =	vor.u32 $0x1, v5;
	_ =	sdelay $0x1  }
0xa3: {  	v6 =	vpop (erf)  }
0xa4: {  	[tilespmem:$0x159C0] =	vst v6  }
0xa5: {  	v4 =	vld.idx.msk [tilespmem:v4+s31+$0x0], $0xffff  }
0xa6: {  	v5 =	vld.idx.msk [tilespmem:v5+s31+$0x0], $0xffff;
	_ =	sdelay $0x4  }
0xa7: {  	v4 =	vadd.f32 v5, v4;
	_ =	sdelay $0x1  }
0xa8: {  	v5 =	vmul.f32 $2.000000030e-01, v4;
	_ =	sdelay $0x1  }
0xa9: {  	v4 =	vmax.f32 v4, v5  }
0xaa: {  	v4 =	vsub.f32 v4, v3;
	_ =	sdelay $0x1  }
0xab: {  	v4 =	vmul.f32 $1.442695020e+00, v4;
	_ =	sdelay $0x1  }
0xac: {  	(erf) = vpow2.f32 v4;
	v4 =	vld [tilespmem:$0x158E0]  }
0xad: {  	v5 =	vld [tilespmem:$0x15960];
	_ =	sdelay $0x3  }
0xae: {  	v4 =	vsub.s32 v4, v1  }
0xaf: {  	v5 =	vshll.u32 v5, $0x3;
	v4 =	vshll.u32 v4, $0x3  }
0xb0: {  	v5 =	vor.u32 $0x1, v5;
	_ =	sdelay $0x1  }
0xb1: {  	v6 =	vpop (erf)  }
0xb2: {  	[tilespmem:$0x159D0] =	vst v6  }
0xb3: {  	v4 =	vld.idx.msk [tilespmem:v4+s31+$0x0], $0xffff  }
0xb4: {  	v5 =	vld.idx.msk [tilespmem:v5+s31+$0x0], $0xffff;
	_ =	sdelay $0x4  }
0xb5: {  	v4 =	vadd.f32 v5, v4;
	_ =	sdelay $0x1  }
0xb6: {  	v5 =	vmul.f32 $2.000000030e-01, v4;
	_ =	sdelay $0x1  }
0xb7: {  	v4 =	vmax.f32 v4, v5  }
0xb8: {  	v4 =	vsub.f32 v4, v3;
	_ =	sdelay $0x1  }
0xb9: {  	v4 =	vmul.f32 $1.442695020e+00, v4;
	_ =	sdelay $0x1  }
0xba: {  	(erf) = vpow2.f32 v4;
	v4 =	vld [tilespmem:$0x158F0]  }
0xbb: {  	v5 =	vld [tilespmem:$0x15970];
	_ =	sdelay $0x3  }
0xbc: {  	v4 =	vsub.s32 v4, v1  }
0xbd: {  	v5 =	vshll.u32 v5, $0x3;
	v4 =	vshll.u32 v4, $0x3  }
0xbe: {  	v5 =	vor.u32 $0x1, v5;
	_ =	sdelay $0x1  }
0xbf: {  	v6 =	vpop (erf)  }
0xc0: {  	[tilespmem:$0x159E0] =	vst v6  }
0xc1: {  	v4 =	vld.idx.msk [tilespmem:v4+s31+$0x0], $0xffff  }
0xc2: {  	v5 =	vld.idx.msk [tilespmem:v5+s31+$0x0], $0xffff;
	_ =	sdelay $0x4  }
0xc3: {  	v4 =	vadd.f32 v5, v4;
	_ =	sdelay $0x1  }
0xc4: {  	v5 =	vmul.f32 $2.000000030e-01, v4;
	_ =	sdelay $0x1  }
0xc5: {  	v4 =	vmax.f32 v4, v5  }
0xc6: {  	v3 =	vsub.f32 v4, v3;
	_ =	sdelay $0x1  }
0xc7: {  	v3 =	vmul.f32 $1.442695020e+00, v3;
	_ =	sdelay $0x1  }
0xc8: {  	(erf) = vpow2.f32 v3;
	_ =	sdelay $0x5  }
0xc9: {  	v3 =	vmov s31  }
0xca: {  	v3 =	vand.u32 $0xFFFFFFFC, v3  }
0xcb: {  	v3 =	vbroadcast v3, $0x0  }
0xcc: {  	v4 =	vpop (erf)  }
0xcd: {  	[tilespmem:$0x159F0] =	vst v4  }
0xce: {  	_ =	swait.ge [sflag:s26], $0x1800  }
0xcf: {  	[sflag:s26] =	ssyncset.done $0x0  }
0xd0: {  	[sflag:s26] =	ssyncadd.s32 $0xFFFFE800  }
0xd1: {  	s4 =	simm.s32 $0x14060;
	v3 =	vld.idx.msk [tilespmem:v3+s28+$0x0], $0xffff  }
0xd2: {  	v4 =	vld [tilespmem:s4+$0xFFFFFFA0]  }
0xd3: {  	s6 =	simm.s32 $0x1;
	v5 =	vld [tilespmem:s4+$0xFFFFFFB0]  }
0xd4: {  	v7 =	vmov s6;
	v6 =	vld [tilespmem:s4+$0xFFFFFFC0]  }
0xd5: {  	v7 =	vand.u32 $0xFFFFFFFD, v7  }
0xd6: {  	v7 =	vbroadcast v7, $0x0  }
0xd7: {  	v61 =	vmul.f32 v2, v3;
	v4 =	vmul.f32 v4, v3  }
0xd8: {  	v3 =	vmul.f32 v5, v3  }
0xd9: {  	[tilespmem:s4+$0xFFFFFFA0] =	vst v4;
	v4 =	vmul.f32 v6, v61  }
0xda: {  	[tilespmem:s4+$0xFFFFFFB0] =	vst v3  }
0xdb: {  	[tilespmem:s4+$0xFFFFFFC0] =	vst v4;
	v4 =	vld [tilespmem:s4+$0xFFFFFFD0]  }
0xdc: {  	v3 =	vld.idx.msk [tilespmem:v7+s28+$0x0], $0xffff  }
0xdd: {  	s14 =	simm.s32 $0x2;
	v5 =	vld [tilespmem:s4+$0xFFFFFFE0]  }
0xde: {  	v6 =	vld [tilespmem:s4+$0xFFFFFFF0];
	v7 =	vmov s14  }
0xdf: {  	v7 =	vand.u32 $0xFFFFFFFE, v7  }
0xe0: {  	v7 =	vbroadcast v7, $0x0  }
0xe1: {  	v62 =	vmul.f32 v2, v3;
	v4 =	vmul.f32 v4, v3  }
0xe2: {  	v3 =	vmul.f32 v5, v3  }
0xe3: {  	[tilespmem:s4+$0xFFFFFFD0] =	vst v4;
	v4 =	vmul.f32 v6, v62  }
0xe4: {  	[tilespmem:s4+$0xFFFFFFE0] =	vst v3  }
0xe5: {  	[tilespmem:s4+$0xFFFFFFF0] =	vst v4;
	v4 =	vld [tilespmem:s4+$0x0]  }
0xe6: {  	v3 =	vld.idx.msk [tilespmem:v7+s28+$0x0], $0xffff  }
0xe7: {  	v5 =	vld [tilespmem:s4+$0x10]  }
0xe8: {  	v6 =	vld [tilespmem:s4+$0x20];
	_ =	sdelay $0x1  }
0xe9: {  	s15 =	simm.s32 $0x3  }
0xea: {  	v63 =	vmov s15;
	v7 =	vmul.f32 v2, v3;
	v4 =	vmul.f32 v4, v3  }
0xeb: {  	v3 =	vmul.f32 v5, v3  }
0xec: {  	[tilespmem:s4+$0x0] =	vst v4;
	v4 =	vmul.f32 v6, v7  }
0xed: {  	[tilespmem:s4+$0x10] =	vst v3  }
0xee: {  	[tilespmem:s4+$0x20] =	vst v4;
	v4 =	vld [tilespmem:s4+$0x30]  }
0xef: {  	v3 =	vld.idx.msk [tilespmem:v63+s28+$0x0], $0xffff  }
0xf0: {  	v5 =	vld [tilespmem:s4+$0x40];
	_ =	sdelay $0x2  }
0xf1: {  	s6 =	simm.s32 $0x4  }
0xf2: {  	v6 =	vld [tilespmem:s4+$0x50];
	v7 =	vmov s6;
	v4 =	vmul.f32 v4, v3  }
0xf3: {  	v8 =	vmul.f32 v2, v3;
	v5 =	vmul.f32 v5, v3;
	v3 =	vand.u32 $0xFFFFFFFC, v7  }
0xf4: {  	v3 =	vbroadcast v3, $0x0;
	_ =	sdelay $0x1  }
0xf5: {  	[tilespmem:s4+$0x30] =	vst v4  }
0xf6: {  	s7 =	simm.s32 $0x8;
	v4 =	vmul.f32 v6, v8;
	[tilespmem:s4+$0x40] =	vst v5  }
.LBB2_5:
0xf7: {  	p0 =	slt.u32 s7, $0x7C  }
0xf8: {  	[tilespmem:s4+$0x50] =	vst v4;
	s4 =	sadd.s32 $0xC0, s4;
	s14 =	smov.u32 s7;
	s7 =	sadd.s32 $0x4, s7  }
0xf9: {  	v3 =	vld.idx.msk [tilespmem:v3+s28+$0x0], $0xffff  }
0xfa: {  	v4 =	vld [tilespmem:s4+$0xFFFFFFA0]  }
0xfb: {  	s15 =	sadd.s32 $0x1, s6;
	v5 =	vld [tilespmem:s4+$0xFFFFFFB0]  }
0xfc: {  	v7 =	vmov s15;
	v6 =	vld [tilespmem:s4+$0xFFFFFFC0]  }
0xfd: {  	v7 =	vand.u32 $0xFFFFFFFD, v7  }
0xfe: {  	v7 =	vbroadcast v7, $0x0  }
0xff: {  	v8 =	vmul.f32 v2, v3;
	v4 =	vmul.f32 v4, v3  }
0x100: {  	v3 =	vmul.f32 v5, v3  }
0x101: {  	[tilespmem:s4+$0xFFFFFFA0] =	vst v4;
	v4 =	vmul.f32 v6, v8  }
0x102: {  	[tilespmem:s4+$0xFFFFFFB0] =	vst v3  }
0x103: {  	[tilespmem:s4+$0xFFFFFFC0] =	vst v4  }
0x104: {  	v3 =	vld.idx.msk [tilespmem:v7+s28+$0x0], $0xffff  }
0x105: {  	v4 =	vld [tilespmem:s4+$0xFFFFFFD0]  }
0x106: {  	s15 =	sadd.s32 $0x2, s6;
	v5 =	vld [tilespmem:s4+$0xFFFFFFE0]  }
0x107: {  	v7 =	vmov s15;
	v6 =	vld [tilespmem:s4+$0xFFFFFFF0]  }
0x108: {  	v7 =	vand.u32 $0xFFFFFFFE, v7  }
0x109: {  	v7 =	vbroadcast v7, $0x0  }
0x10a: {  	v8 =	vmul.f32 v2, v3;
	v4 =	vmul.f32 v4, v3  }
0x10b: {  	v3 =	vmul.f32 v5, v3  }
0x10c: {  	[tilespmem:s4+$0xFFFFFFD0] =	vst v4;
	v4 =	vmul.f32 v6, v8  }
0x10d: {  	[tilespmem:s4+$0xFFFFFFE0] =	vst v3  }
0x10e: {  	[tilespmem:s4+$0xFFFFFFF0] =	vst v4  }
0x10f: {  	v3 =	vld.idx.msk [tilespmem:v7+s28+$0x0], $0xffff  }
0x110: {  	v4 =	vld [tilespmem:s4+$0x0]  }
0x111: {  	v5 =	vld [tilespmem:s4+$0x10]  }
0x112: {  	v6 =	vld [tilespmem:s4+$0x20];
	_ =	sdelay $0x1  }
0x113: {  	s15 =	sadd.s32 $0x3, s6;
	s6 =	smov.u32 s14  }
0x114: {  	v8 =	vmov s15;
	v7 =	vmul.f32 v2, v3;
	v4 =	vmul.f32 v4, v3  }
0x115: {  	v3 =	vmul.f32 v5, v3  }
0x116: {  	[tilespmem:s4+$0x0] =	vst v4;
	v4 =	vmul.f32 v6, v7  }
0x117: {  	[tilespmem:s4+$0x10] =	vst v3  }
0x118: {  	[tilespmem:s4+$0x20] =	vst v4  }
0x119: {  	v4 =	vld.idx.msk [tilespmem:v8+s28+$0x0], $0xffff  }
0x11a: {  	v5 =	vld [tilespmem:s4+$0x30]  }
0x11b: {  	v6 =	vld [tilespmem:s4+$0x40]  }
0x11c: {  	v3 =	vmov s6;
	v7 =	vld [tilespmem:s4+$0x50]  }
0x11d: {  	v3 =	vand.u32 $0xFFFFFFFC, v3  }
.Ltmp1:
0x11e: {  	v3 =	vbroadcast v3, $0x0;
	(pc) =	sbr.rel @p0 .LBB2_5-.Ltmp1, $4  }
0x11f: {  	v8 =	vmul.f32 v2, v4;
	v5 =	vmul.f32 v5, v4  }
0x120: {  	v6 =	vmul.f32 v6, v4  }
0x121: {  	[tilespmem:s4+$0x30] =	vst v5;
	v4 =	vmul.f32 v7, v8  }
0x122: {  	[tilespmem:s4+$0x40] =	vst v6  }
0x123: {  	_ =	sdelay $0x2  }
0x124: {  	[tilespmem:s4+$0x50] =	vst v4  }
0x125: {  	s4 =	sadd.s32 $0xC0, s4;
	v3 =	vld.idx.msk [tilespmem:v3+s28+$0x0], $0xffff  }
0x126: {  	v46 =	vld [tilespmem:s4+$0xFFFFFFA0]  }
0x127: {  	s7 =	sadd.s32 $0x1, s6;
	v5 =	vld [tilespmem:s4+$0xFFFFFFB0]  }
0x128: {  	v6 =	vld [tilespmem:s4+$0xFFFFFFC0];
	v7 =	vmov s7  }
0x129: {  	v7 =	vand.u32 $0xFFFFFFFD, v7  }
0x12a: {  	v7 =	vbroadcast v7, $0x0  }
0x12b: {  	v8 =	vmul.f32 v2, v3;
	v4 =	vmul.f32 v46, v3  }
0x12c: {  	v3 =	vmul.f32 v5, v3  }
0x12d: {  	[tilespmem:s4+$0xFFFFFFA0] =	vst v4;
	v47 =	vmul.f32 v6, v8  }
0x12e: {  	[tilespmem:s4+$0xFFFFFFB0] =	vst v3  }
0x12f: {  	v48 =	vld [tilespmem:s4+$0xFFFFFFD0];
	[tilespmem:s4+$0xFFFFFFC0] =	vst v47  }
0x130: {  	v3 =	vld.idx.msk [tilespmem:v7+s28+$0x0], $0xffff  }
0x131: {  	s14 =	sadd.s32 $0x2, s6;
	v49 =	vld [tilespmem:s4+$0xFFFFFFE0]  }
0x132: {  	v50 =	vld [tilespmem:s4+$0xFFFFFFF0];
	v51 =	vmov s14  }
0x133: {  	v7 =	vand.u32 $0xFFFFFFFE, v51  }
0x134: {  	v7 =	vbroadcast v7, $0x0  }
0x135: {  	v52 =	vmul.f32 v2, v3;
	v4 =	vmul.f32 v48, v3  }
0x136: {  	v3 =	vmul.f32 v49, v3  }
0x137: {  	[tilespmem:s4+$0xFFFFFFD0] =	vst v4;
	v53 =	vmul.f32 v50, v52  }
0x138: {  	[tilespmem:s4+$0xFFFFFFE0] =	vst v3  }
0x139: {  	v54 =	vld [tilespmem:s4+$0x0];
	[tilespmem:s4+$0xFFFFFFF0] =	vst v53  }
0x13a: {  	v3 =	vld.idx.msk [tilespmem:v7+s28+$0x0], $0xffff  }
0x13b: {  	v55 =	vld [tilespmem:s4+$0x10]  }
0x13c: {  	v56 =	vld [tilespmem:s4+$0x20];
	_ =	sdelay $0x1  }
0x13d: {  	s15 =	sadd.s32 $0x3, s6  }
0x13e: {  	v57 =	vmov s15;
	v7 =	vmul.f32 v2, v3;
	v4 =	vmul.f32 v54, v3  }
0x13f: {  	v3 =	vmul.f32 v55, v3  }
0x140: {  	[tilespmem:s4+$0x0] =	vst v4;
	v58 =	vmul.f32 v56, v7  }
0x141: {  	[tilespmem:s4+$0x10] =	vst v3  }
0x142: {  	v59 =	vld [tilespmem:s4+$0x30];
	[tilespmem:s4+$0x20] =	vst v58  }
0x143: {  	v3 =	vld.idx.msk [tilespmem:v57+s28+$0x0], $0xffff  }
0x144: {  	v60 =	vld [tilespmem:s4+$0x40]  }
0x145: {  	v61 =	vld [tilespmem:s4+$0x50];
	_ =	sdelay $0x2  }
0x146: {  	v62 =	vmul.f32 v2, v3;
	v4 =	vmul.f32 v59, v3  }
0x147: {  	v3 =	vmul.f32 v60, v3  }
0x148: {  	s0 =	sadd.s32 $0x1, s0;
	[tilespmem:s4+$0x30] =	vst v4;
	v63 =	vmul.f32 v61, v62  }
0x149: {  	p0 =	sne.s32 s0, $0xA2;
	[tilespmem:s4+$0x40] =	vst v3  }
.Ltmp2:
0x14a: {  	[tilespmem:s4+$0x50] =	vst v63;
	(pc) =	sbr.rel @p0 .LBB2_4-.Ltmp2, $4  }
0x14b: {  	[spmem:s2] =	stream.indirect.scatter.add.f32 [tilespmem:s20], [sflag:$0x2], $0x30, s29, s24, $0xb8;
	[tilespmem:$0x1D210] =	vst v63  }
0x14c: {  	_ =	swait.ge [sflag:s21], $0x1800  }
0x14d: {  	[sflag:s21] =	ssyncset.done $0x0  }
0x14e: {  	[sflag:s21] =	ssyncadd.s32 $0xFFFFE800  }
0x14f: {  	[bflag:$0x0] =	sbarrier.arrive $0xFFFF  }
0x150: {  	[tilespmem:s20], [sflag:$0x2] =	stream.linear.gather [spmem:s8], $0x1800, $0x38;
	[tilespmem:$0x1D210] =	vst v63  }
0x151: {  	_ =	swait.ge [sflag:s21], $0x1800  }
0x152: {  	[sflag:s21] =	ssyncset.done $0x0  }
0x153: {  	s0 =	rddreg [dreg:$0x6];
	[sflag:s21] =	ssyncadd.s32 $0xFFFFE800  }
0x154: {  	[hbm4b:s0+s3] =	stream.linear.scatter [tilespmem:s20], [sflag:$0x2], $0x1800, $0x38;
	[tilespmem:$0x1D210] =	vst v63  }
0x155: {  	_ =	swait.ge [sflag:s21], $0x1800  }
0x156: {  	[sflag:s21] =	ssyncset.done $0x0  }
0x157: {  	[sflag:s21] =	ssyncadd.s32 $0xFFFFE800  }
0x158: {  	[tilespmem:s20], [sflag:$0x2] =	stream.linear.gather [spmem:s9], $0x1800, $0x38;
	[tilespmem:$0x1D210] =	vst v63  }
0x159: {  	_ =	swait.ge [sflag:s21], $0x1800  }
0x15a: {  	[sflag:s21] =	ssyncset.done $0x0  }
0x15b: {  	s15 =	rddreg [dreg:$0x7];
	[sflag:s21] =	ssyncadd.s32 $0xFFFFE800  }
0x15c: {  	[hbm4b:s15+s3] =	stream.linear.scatter [tilespmem:s20], [sflag:$0x2], $0x1800, $0x38;
	[tilespmem:$0x1D210] =	vst v63  }
0x15d: {  	_ =	swait.ge [sflag:s21], $0x1800  }
0x15e: {  	[sflag:s21] =	ssyncset.done $0x0  }
0x15f: {  	[sflag:s21] =	ssyncadd.s32 $0xFFFFE800  }
0x160: {  	[tilespmem:s20], [sflag:$0x2] =	stream.linear.gather [spmem:s10], $0x1800, $0x38;
	[tilespmem:$0x1D210] =	vst v63  }
0x161: {  	_ =	swait.ge [sflag:s21], $0x1800  }
0x162: {  	[sflag:s21] =	ssyncset.done $0x0  }
0x163: {  	[sflag:s21] =	ssyncadd.s32 $0xFFFFE800  }
0x164: {  	[hbm4b:s16+s3] =	stream.linear.scatter [tilespmem:s20], [sflag:$0x2], $0x1800, $0x38;
	[tilespmem:$0x1D210] =	vst v63  }
0x165: {  	_ =	swait.ge [sflag:s21], $0x1800  }
0x166: {  	[sflag:s21] =	ssyncset.done $0x0  }
0x167: {  	[sflag:s21] =	ssyncadd.s32 $0xFFFFE800  }
0x168: {  	[tilespmem:s20], [sflag:$0x2] =	stream.linear.gather [spmem:s11], $0x1800, $0x38;
	[tilespmem:$0x1D210] =	vst v63  }
0x169: {  	_ =	swait.ge [sflag:s21], $0x1800  }
0x16a: {  	[sflag:s21] =	ssyncset.done $0x0  }
0x16b: {  	[sflag:s21] =	ssyncadd.s32 $0xFFFFE800  }
0x16c: {  	[hbm4b:s17+s3] =	stream.linear.scatter [tilespmem:s20], [sflag:$0x2], $0x1800, $0x38;
	[tilespmem:$0x1D210] =	vst v63  }
0x16d: {  	_ =	swait.ge [sflag:s21], $0x1800  }
0x16e: {  	[sflag:s21] =	ssyncset.done $0x0  }
0x16f: {  	[sflag:s21] =	ssyncadd.s32 $0xFFFFE800  }
0x170: {  	[tilespmem:s20], [sflag:$0x2] =	stream.linear.gather [spmem:s12], $0x1800, $0x38;
	[tilespmem:$0x1D210] =	vst v63  }
0x171: {  	s30 =	sadd.s32 $0x1, s30;
	_ =	swait.ge [sflag:s21], $0x1800  }
0x172: {  	p0 =	sne.s32 s30, s19;
	[sflag:s21] =	ssyncset.done $0x0  }
.Ltmp3:
0x173: {  	[sflag:s21] =	ssyncadd.s32 $0xFFFFE800;
	(pc) =	sbr.rel @p0 .LBB2_1-.Ltmp3, $4  }
0x174: {  	[hbm4b:s18+s3] =	stream.linear.scatter [tilespmem:s20], [sflag:$0x2], $0x1800, $0x38;
	[tilespmem:$0x1D210] =	vst v63  }
0x175: {  	_ =	swait.ge [sflag:s21], $0x1800  }
0x176: {  	[sflag:s21] =	ssyncset.done $0x0  }
0x177: {  	[sflag:s21] =	ssyncadd.s32 $0xFFFFE800  }
0x178: {  	_ =	sfence.sel $0x180000  }
0x179: {  	[bflag:$0x0] =	sbarrier.arrive $0xFFFF  }
0x17a: {  	_ =	strace $0x9000004D  }
0x17b: {  	s0 =	stileid.u32;
	[bflag:$0x2] =	sbarrier.arrive $0xFFFF  }
0x17c: {  	p0 =	sne.s32 s0, $0x0;
	s0 =	rddreg [dreg:$0x3]  }
0x17d: {  	s0 =	sadd.s32 @!p0 $0x100000, s0  }
0x17e: {  	[sflag:s0] =	ssyncadd.tile.s32 @!p0 $0x1;
	_ =	shalt  }
.Lfunc_end2:
_tile_overlayer_lowered:
.L_overlay_start_2:
0x17f: {  	(tag) =	ssettag $0x2  }
0x180: {  	s0 =	rddreg [dreg:$0x0];
	s2 =	stileid.u32  }
0x181: {  	s1 =	rddreg [dreg:$0x1];
	p0 =	sne.s32 s2, $0x0  }
0x182: {  	s3 =	rddreg [dreg:$0x2];
	[bflag:$0x3] =	sbarrier.arrive $0xFFFF;
	s2 =	simm.s32 @!p0 $0x1C02  }
0x183: {  	[timem:s3], [sflag:s2] =	dma.local @!p0 [hbm:s0], s1  }
0x184: {  	s0 =	simm.s32 @!p0 $0x2  }
0x185: {  	_ =	swait.ge @!p0 [sflag:s0], s1  }
0x186: {  	s1 =	ssub.s32 @!p0 $0x0, s1;
	[sflag:s0] =	ssyncset.done @!p0 $0x0  }
0x187: {  	[sflag:s0] =	ssyncadd.s32 @!p0 s1  }
0x188: {  	[bflag:$0x3] =	sbarrier.arrive $0xFFFF  }
0x189: {  	_ =	shalt  }

// kernel: kernel.8.cloned.1.call-start
scs
__scs_entry_jumppad:
0x0: {  	(pc) =	sbr.rel $0x88, $3  }
0x1: {  	(tag) =	ssettag $0x0;
	lr =	simm.s32 $0x1  }
0x2: {  	[smem:$0x3F97] =	sst lr;
	_ =	strace $0xD0000000  }
0x3: {  	_ = 	snop  }
0x4: {  	_ = 	snop  }
0x5: {  	_ = 	snop  }
0x6: {  	_ = 	snop  }
0x7: {  	_ = 	snop  }
__scs_overlays_trampoline_lowered:
0x8: {  	[smem:$0x3FA6] =	sst s0  }
0x9: {  	[smem:$0x3FA7] =	sst s1  }
0xa: {  	[smem:$0x3FA8] =	sst s2  }
0xb: {  	[smem:$0x3FA9] =	sst s3  }
0xc: {  	[smem:$0x3FAA] =	sst s4  }
0xd: {  	[smem:$0x3FAB] =	sst s5  }
0xe: {  	[smem:$0x3FAC] =	sst s6  }
0xf: {  	[smem:$0x3FAD] =	sst s7  }
0x10: {  	[smem:$0x3FAE] =	sst s8  }
0x11: {  	[smem:$0x3FAF] =	sst s9;
	s0 =	simm.s32 @!p0 $0x0  }
0x12: {  	s1 =	sld [smem:$0x3F95];
	s0 =	simm.s32 @p0 $0x1  }
0x13: {  	[smem:$0x3FB0] =	sst s0;
	s0 =	simm.s32 @!p1 $0x0  }
0x14: {  	s2 =	sld [smem:$0x3F94];
	s0 =	simm.s32 @p1 $0x1  }
0x15: {  	[smem:$0x3FB1] =	sst s0;
	s0 =	simm.s32 @!p2 $0x0  }
0x16: {  	s3 =	sld [smem:$0x3FDB];
	s0 =	simm.s32 @p2 $0x1  }
0x17: {  	s4 =	simm.s32 $0x1BF5;
	[smem:$0x3FB3] =	sst s0  }
0x18: {  	s0 =	sld [smem:$0x3F96];
	_ =	swait.ge [sflag:s4], $0x0  }
0x19: {  	s7 =	sld [smem:$0x3F97]  }
0x1a: {  	s8 =	sadd.s32 $0xFFFFE003, lr  }
0x1b: {  	s9 =	sadd.s32 $0xFFFFFEF7, lr;
	s5 =	simm.s32 $0xFFFFFFFF;
	p2 =	slt.u32 s8, $0xFFFFF086  }
0x1c: {  	p1 =	slt.u32 s9, $0xF7A;
	s5 =	simm.s32 @!p2 $0x0  }
0x1d: {  	s5 =	simm.s32 @p1 $0x1;
	p0 =	seq.s32 s7, s2  }
0x1e: {  	s7 =	smul.u32 @!p0 $0xF7A, s2;
	p2 =	seq.s32 @!p0 s5, $0x0  }
0x1f: {  	s9 =	smul.u32 $0xF7A, s1;
	s8 =	simm.s32 @!p0 $0x1BF5;
	p2 =	por !p2, p0  }
0x20: {  	[sflag:s8] =	ssyncset.s32 @!p0 $0xFFFFF086;
	s6 =	sadd.s32 @!p0 s3, s7;
	s7 =	simm.s32 @!p0 $0x108  }
0x21: {  	s3 =	sadd.s32 s3, s9;
	s6 =	sadd.s32 @!p0 $0x88, s6;
	s7 =	simm.s32 @p2 $0x1082  }
0x22: {  	[simem:s7], [sflag:s8] =	dma.local @!p0 [hbm:s6], $0xF7A  }
0x23: {  	s9 =	sor.u32 $0xD0000000, s2;
	s6 =	simm.s32 $0x108;
	_ =	swait.ge @!p0 [sflag:s8], $0x0  }
0x24: {  	s3 =	sadd.s32 $0x88, s3;
	s6 =	simm.s32 @!p1 $0x1082;
	[sflag:s4] =	ssyncset.s32 $0xFFFFF086  }
0x25: {  	[simem:s6], [sflag:s4] =	dma.local [hbm:s3], $0xF7A  }
0x26: {  	[smem:$0x3F97] =	sst s1;
	(tag) =	ssettag s2;
	_ =	strace s9  }
0x27: {  	s1 =	sld [smem:$0x3FA7]  }
0x28: {  	s2 =	sld [smem:$0x3FA8]  }
0x29: {  	s4 =	sld [smem:$0x3FAA]  }
0x2a: {  	p0 =	seq.s32 s5, $0x0;
	s5 =	sld [smem:$0x3FAB]  }
0x2b: {  	s6 =	sld [smem:$0x3FAC]  }
0x2c: {  	s7 =	sld [smem:$0x3FAD]  }
0x2d: {  	s3 =	simm.s32 $0x108;
	s8 =	sld [smem:$0x3FAE]  }
0x2e: {  	s3 =	simm.s32 @!p0 $0x1082;
	s9 =	sld [smem:$0x3FAF]  }
0x2f: {  	lr =	sadd.s32 s0, s3;
	s0 =	sld [smem:$0x3FA6]  }
0x30: {  	s3 =	sld [smem:$0x3FA9]  }
0x31: {  	[smem:$0x3FB2] =	sst s10  }
0x32: {  	s10 =	sld [smem:$0x3FB0];
	_ =	sdelay $0x3  }
0x33: {  	p0 =	seq.s32 s10, $0x1;
	s10 =	sld [smem:$0x3FB2];
	_ =	sdelay $0x3  }
0x34: {  	[smem:$0x3FB2] =	sst s10  }
0x35: {  	s10 =	sld [smem:$0x3FB1];
	_ =	sdelay $0x3  }
0x36: {  	p1 =	seq.s32 s10, $0x1;
	s10 =	sld [smem:$0x3FB2];
	_ =	sdelay $0x3  }
0x37: {  	[smem:$0x3FB2] =	sst s10  }
0x38: {  	s10 =	sld [smem:$0x3FB3]  }
0x39: {  	_ = 	snop;
	(pc) =	sbr.ind lr, $3  }
0x3a: {  	_ = 	snop  }
0x3b: {  	_ = 	snop  }
0x3c: {  	p2 =	seq.s32 s10, $0x1;
	s10 =	sld [smem:$0x3FB2]  }
0x3d: {  	_ =	shalt  }
0x3e: {  	_ =	shalt  }
0x3f: {  	_ =	shalt  }
0x40: {  	_ =	shalt  }
0x41: {  	_ =	shalt  }
0x42: {  	_ =	shalt  }
0x43: {  	_ =	shalt  }
0x44: {  	_ =	shalt  }
0x45: {  	_ =	shalt  }
0x46: {  	_ =	shalt  }
0x47: {  	_ =	shalt  }
0x48: {  	_ =	shalt  }
0x49: {  	_ =	shalt  }
0x4a: {  	_ =	shalt  }
0x4b: {  	_ =	shalt  }
0x4c: {  	_ =	shalt  }
0x4d: {  	_ =	shalt  }
0x4e: {  	_ =	shalt  }
0x4f: {  	_ =	shalt  }
0x50: {  	_ =	shalt  }
0x51: {  	_ =	shalt  }
0x52: {  	_ =	shalt  }
0x53: {  	_ =	shalt  }
0x54: {  	_ =	shalt  }
0x55: {  	_ =	shalt  }
0x56: {  	_ =	shalt  }
0x57: {  	_ =	shalt  }
0x58: {  	_ =	shalt  }
0x59: {  	_ =	shalt  }
0x5a: {  	_ =	shalt  }
0x5b: {  	_ =	shalt  }
0x5c: {  	_ =	shalt  }
0x5d: {  	_ =	shalt  }
0x5e: {  	_ =	shalt  }
0x5f: {  	_ =	shalt  }
0x60: {  	_ =	shalt  }
0x61: {  	_ =	shalt  }
0x62: {  	_ =	shalt  }
0x63: {  	_ =	shalt  }
0x64: {  	_ =	shalt  }
0x65: {  	_ =	shalt  }
0x66: {  	_ =	shalt  }
0x67: {  	_ =	shalt  }
0x68: {  	_ =	shalt  }
0x69: {  	_ =	shalt  }
0x6a: {  	_ =	shalt  }
0x6b: {  	_ =	shalt  }
0x6c: {  	_ =	shalt  }
0x6d: {  	_ =	shalt  }
0x6e: {  	_ =	shalt  }
0x6f: {  	_ =	shalt  }
0x70: {  	_ =	shalt  }
0x71: {  	_ =	shalt  }
0x72: {  	_ =	shalt  }
0x73: {  	_ =	shalt  }
0x74: {  	_ =	shalt  }
0x75: {  	_ =	shalt  }
0x76: {  	_ =	shalt  }
0x77: {  	_ =	shalt  }
0x78: {  	_ =	shalt  }
0x79: {  	_ =	shalt  }
0x7a: {  	_ =	shalt  }
0x7b: {  	_ =	shalt  }
0x7c: {  	_ =	shalt  }
0x7d: {  	_ =	shalt  }
0x7e: {  	_ =	shalt  }
0x7f: {  	_ =	shalt  }
0x80: {  	_ =	shalt  }
0x81: {  	_ =	shalt  }
0x82: {  	_ =	shalt  }
0x83: {  	_ =	shalt  }
0x84: {  	_ =	shalt  }
0x85: {  	_ =	shalt  }
0x86: {  	_ =	shalt  }
0x87: {  	_ =	shalt  }
.Lfunc_end0:
.L_simem_size_0:
called_computation_lowered:
.L_overlay_start_0:
0x88: {  	s2 =	sld [smem:$0x3FD9]  }
0x89: {  	s3 =	sld [smem:$0x3FFE];
	_ =	sdelay $0x1  }
0x8a: {  	s1 =	srdreg.scid  }
0x8b: {  	s0 =	sand.u32 $0x1, s1  }
0x8c: {  	s17 =	sshll.u32 s0, $0xA;
	s2 =	sadd.s32 s3, s2  }
0x8d: {  	s2 =	sadd.s32 s2, s17  }
0x8e: {  	[smem:$0x3FBE] =	sst s2  }
0x8f: {  	_ = 	snop  }
0x90: {  	s18 =	sld [smem:$0x3FD0];
	(tm) =	ssettm $0x1  }
0x91: {  	s19 =	sld [smem:$0x3FFB];
	_ =	sdelay $0x3  }
0x92: {  	_ =	strace s19  }
0x93: {  	s2 =	sld [smem:$0x3FFC];
	_ =	sdelay $0x3  }
0x94: {  	_ =	strace s2  }
0x95: {  	s2 =	sld [smem:$0x3FFD];
	_ =	sdelay $0x3  }
0x96: {  	_ =	strace s2  }
0x97: {  	_ =	strace $0x8FFFFFFF  }
0x98: {  	s20 =	sld [smem:$0x3FDB];
	_ =	sdelay $0x1  }
0x99: {  	s4 =	simm.s32 $_scs_section_size  }
0x9a: {  	s5 =	simm.s32 $_size__tile_overlayer_lowered;
	s6 =	simm.s32 $_tile_overlayer_lowered  }
0x9b: {  	s7 =	simm.s32 $0x1BFF;
	s21 =	sshll.u32 s6, $0x1;
	s4 =	sadd.s32 s4, s20  }
0x9c: {  	s22 =	simm.s32 $0x0;
	s5 =	sshll.u32 s5, $0x1;
	s6 =	sadd.s32 s21, s4  }
0x9d: {  	[timem:s22], [sflag:s7] =	dma.local [hbm:s6], s5  }
0x9e: {  	_ =	swait.ge [sflag:s7], s5  }
0x9f: {  	s5 =	ssub.s32 $0x0, s5;
	[sflag:s7] =	ssyncset.done $0x0  }
0xa0: {  	[sflag:s7] =	ssyncadd.s32 s5;
	_ =	sdelay $0x1  }
0xa1: {  	s23 =	simm.s32 $0x1B8B  }
0xa2: {  	_ =	swait.ge [sflag:s23], $0x1  }
0xa3: {  	[sflag:s23] =	ssyncset.done $0x0  }
0xa4: {  	[sflag:s23] =	ssyncadd.s32 $0xFFFFFFFF  }
0xa5: {  	s5 =	sld [smem:$0x0]  }
0xa6: {  	s6 =	sand.u32 $0xFFFFFFFE, s1  }
0xa7: {  	p0 =	sne.s32 s1, s6  }
0xa8: {  	s6 =	sshll.u32 @p0 s6, $0xE  }
0xa9: {  	s6 =	sadd.s32 @p0 $0x11B8D, s6;
	s7 =	sshll.u32 @p0 s5, $0x11  }
0xaa: {  	s6 =	sor.u32 @p0 s7, s6  }
0xab: {  	[sflag:s6] =	ssyncadd.remote.s32 @p0 $0x1;
	_ =	sdelay $0x1  }
0xac: {  	s6 =	simm.s32 @p0 $0x1B8D  }
0xad: {  	_ =	swait.eq @p0 [sflag:s6], $0x1  }
0xae: {  	[sflag:s6] =	ssyncadd.s32 @p0 $0xFFFFFFFF  }
0xaf: {  	s7 =	sshll.u32 @!p0 s1, $0xE  }
0xb0: {  	s7 =	sor.u32 @!p0 $0x4000, s7;
	s6 =	simm.s32 @!p0 $0x1B8D  }
0xb1: {  	s5 =	sshll.u32 @!p0 s5, $0x11;
	s7 =	sadd.s32 @!p0 $0x11B8D, s7;
	_ =	swait.eq @!p0 [sflag:s6], $0x1  }
0xb2: {  	s5 =	sor.u32 @!p0 s5, s7;
	[sflag:s6] =	ssyncadd.s32 @!p0 $0xFFFFFFFF  }
0xb3: {  	s25 =	simm.s32 $0x1B8E;
	s24 =	sld [smem:$0x3FFE];
	[sflag:s5] =	ssyncadd.remote.s32 @!p0 $0x1  }
0xb4: {  	s26 =	simm.s32 $execute0_lowered;
	[smem:$0x3FD2] =	sst s25  }
0xb5: {  	s6 =	sshll.u32 s26, $0x1;
	_ =	strace $0x80000049;
	[dreg:$0x1] =	wrdreg $0xFFFFFFFF  }
0xb6: {  	s28 =	simm.s32 $_size_execute0_lowered;
	s4 =	sadd.s32 s4, s6;
	[dreg:$0x0] =	wrdreg $0x0  }
0xb7: {  	s6 =	sshll.u32 s28, $0x1;
	[dreg:$0x2] =	wrdreg s4  }
0xb8: {  	[dreg:$0x3] =	wrdreg s6  }
0xb9: {  	[dreg:$0x4] =	wrdreg $0xC0  }
0xba: {  	_ =	task [dreg:s22], $0x5FFFF  }
0xbb: {  	[dreg:$0x1] =	wrdreg $0xFFFFFFFF  }
0xbc: {  	[dreg:$0x0] =	wrdreg $0x60  }
0xbd: {  	[dreg:$0x2] =	wrdreg s18  }
0xbe: {  	[dreg:$0x3] =	wrdreg s24  }
0xbf: {  	[dreg:$0x4] =	wrdreg $0x15A100  }
0xc0: {  	[dreg:$0x5] =	wrdreg $0x9  }
0xc1: {  	_ =	task.clear_ibuf [dreg:s22], $0x6FFFF;
	_ =	strace $0x90000049  }
0xc2: {  	s29 =	simm.s32 $0x9;
	_ =	strace $0x8000004B  }
0xc3: {  	_ =	swait.ge [sflag:s29], $0x1  }
0xc4: {  	[sflag:s29] =	ssyncadd.s32 $0xFFFFFFFF  }
0xc5: {  	_ =	strace $0x9000004B  }
0xc6: {  	_ =	sfence  }
0xc7: {  	s30 =	sld [smem:$0x0];
	_ =	sdelay $0x2  }
0xc8: {  	s31 =	sshll.u32 s1, $0xD;
	s1 =	sshrl.u32 s1, $0x2  }
0xc9: {  	s4 =	sand.u32 $0x4000, s31;
	s1 =	sadd.s32 s1, s30  }
0xca: {  	s0 =	sor.u32 s4, s0;
	s1 =	sshll.u32 s1, $0x11  }
0xcb: {  	s0 =	sor.u32 s1, s0  }
0xcc: {  	s0 =	sadd.s32 $0x8F2B, s0  }
0xcd: {  	[sflag:s0] =	ssyncadd.remote.s32 $0x1  }
0xce: {  	_ =	sfence.sel $0xFFFF  }
0xcf: {  	[dreg:$0x0] =	wrdreg $0xFFFFFFFF;
	(pc) =	sbr.abs _section_cstart, $3  }
0xd0: {  	[dreg:$0x1] =	wrdreg $0xFFFFFFFF  }
0xd1: {  	_ =	task.clear_ibuf [dreg:s22], $0x2FFFF;
	_ =	strace $0x9FFFFFFF  }
0xd2: {  	(tm) =	ssettm $0x7FFFFFFF  }
0xd3: {  	_ =	shalt  }
tec
execute0_lowered:
.L_overlay_start_1:
0x0: {  	(tag) =	ssettag $0x1  }
0x1: {  	s1 =	rddreg [dreg:$0x0]  }
0x2: {  	s0 =	rddreg [dreg:$0x1]  }
0x3: {  	s2 =	rddreg [dreg:$0x2]  }
0x4: {  	s3 =	simm.s32 $0x0;
	s4 =	srdreg.scid;
	s13 =	stileid.u32  }
0x5: {  	s29 =	simm.s32 $0x15900;
	s30 =	simm.s32 $0x0;
	s31 =	simm.s32 $0x0  }
0x6: {  	[smem:$0x7FF] =	sst s3;
	s5 =	sadd.s32 $0x40A00, s0;
	s4 =	sand.u32 $0x1, s4  }
0x7: {  	s6 =	sadd.s32 $0x20000, s0;
	s7 =	smul.u32 $0x7800, s13;
	s8 =	sadd.s32 $0x22800, s0  }
0x8: {  	s0 =	sadd.s32 $0x5EA00, s0;
	s13 =	smul.u32 $0x5100, s13;
	_ =	strace $0x8000004A  }
0x9: {  	[dreg:$0x4] =	wrdreg s6;
	s20 =	ssub.s32 $0x2, s4;
	s17 =	smul.u32 $0x78000, s4  }
0xa: {  	[dreg:$0x5] =	wrdreg s8;
	s28 =	smul.u32 $0x2800, s4;
	s21 =	sshrl.u32 s20, $0x1  }
0xb: {  	s8 =	sadd.s32 s7, s2;
	s14 =	sadd.s32 $0x1800, s7;
	s16 =	sadd.s32 $0x3000, s7  }
0xc: {  	s18 =	sadd.s32 $0x4800, s7;
	s19 =	sadd.s32 $0x6000, s7;
	s6 =	ssub.s32 s20, s21  }
0xd: {  	s9 =	sadd.s32 s14, s2;
	s10 =	sadd.s32 s16, s2;
	s11 =	sadd.s32 s18, s2  }
0xe: {  	s12 =	sadd.s32 s19, s2;
	s7 =	sadd.s32 s7, s17;
	s14 =	sadd.s32 s17, s14  }
0xf: {  	s23 =	sadd.s32 s17, s16;
	s24 =	sadd.s32 s17, s18;
	s25 =	sadd.s32 s17, s19  }
0x10: {  	s20 =	simm.s32 $0x14000;
	s21 =	simm.s32 $0x2;
	v2 =	vmov s28;
	s28 =	simm.s32 $0x15980  }
0x11: {  	s7 =	sshrl.u32 s7, $0x3;
	s22 =	sshrl.u32 s14, $0x3;
	s14 =	sshrl.u32 s24, $0x3  }
0x12: {  	s26 =	sshrl.u32 s25, $0x3;
	s19 =	smax.u32 s6, $0x1;
	s24 =	simm.s32 $0x80  }
0x13: {  	s25 =	simm.s32 $0x15880;
	s7 =	sadd.s32 s0, s7;
	s17 =	sadd.s32 s0, s14  }
0x14: {  	s18 =	sadd.s32 s0, s26;
	[dreg:$0x6] =	wrdreg s7;
	s7 =	sadd.s32 s0, s22  }
0x15: {  	v1 =	vimm.f32 $0.0e+00;
	vm0 =	vcmask $0x300;
	v0 =	vmov s4;
	s26 =	simm.s32 $0x1;
	[dreg:$0x7] =	wrdreg s7;
	s7 =	sshrl.u32 s23, $0x3  }
0x16: {  	v4 =	vsel vm0, $0x3F800000, v1;
	v3 =	vor.u32 $0x4, v0;
	s22 =	simm.s32 $0x15A00;
	s23 =	simm.s32 $0x15800;
	s16 =	sadd.s32 s0, s7  }
.LBB2_1:
0x17: {  	s0 =	simm.s32 $0xC0;
	s4 =	simm.s32 $0x0  }
.LBB2_2:
0x18: {  	p0 =	sne.s32 s0, $0x5F40;
	[tilespmem:s4+$0x14020] =	vst v1;
	s6 =	smov.u32 s0;
	s0 =	sadd.s32 $0xC0, s0  }
.Ltmp0:
0x19: {  	[tilespmem:s4+$0x14000] =	vst v1;
	(pc) =	sbr.rel @p0 .LBB2_2-.Ltmp0, $2  }
0x1a: {  	[tilespmem:s4+$0x14010] =	vst v1;
	_ =	sdelay $0x2  }
0x1b: {  	s4 =	sshra.s32 s6, $0x2  }
0x1c: {  	[tilespmem:s4+$0x14020] =	vst v1  }
0x1d: {  	[tilespmem:s4+$0x14000] =	vst v1  }
0x1e: {  	[tilespmem:s4+$0x14010] =	vst v1  }
0x1f: {  	[spmem:s8] =	stream.linear.scatter [tilespmem:s20], [sflag:$0x2], $0x1800, $0x38;
	[tilespmem:$0x1D210] =	vst v63  }
0x20: {  	_ =	swait.ge [sflag:s21], $0x1800  }
0x21: {  	[sflag:s21] =	ssyncset.done $0x0  }
0x22: {  	[sflag:s21] =	ssyncadd.s32 $0xFFFFE800  }
0x23: {  	[spmem:s9] =	stream.linear.scatter [tilespmem:s20], [sflag:$0x2], $0x1800, $0x38;
	[tilespmem:$0x1D210] =	vst v63  }
0x24: {  	_ =	swait.ge [sflag:s21], $0x1800  }
0x25: {  	[sflag:s21] =	ssyncset.done $0x0  }
0x26: {  	[sflag:s21] =	ssyncadd.s32 $0xFFFFE800  }
0x27: {  	[spmem:s10] =	stream.linear.scatter [tilespmem:s20], [sflag:$0x2], $0x1800, $0x38;
	[tilespmem:$0x1D210] =	vst v63  }
0x28: {  	_ =	swait.ge [sflag:s21], $0x1800  }
0x29: {  	[sflag:s21] =	ssyncset.done $0x0  }
0x2a: {  	[sflag:s21] =	ssyncadd.s32 $0xFFFFE800  }
0x2b: {  	[spmem:s11] =	stream.linear.scatter [tilespmem:s20], [sflag:$0x2], $0x1800, $0x38;
	[tilespmem:$0x1D210] =	vst v63  }
0x2c: {  	_ =	swait.ge [sflag:s21], $0x1800  }
0x2d: {  	[sflag:s21] =	ssyncset.done $0x0  }
0x2e: {  	[sflag:s21] =	ssyncadd.s32 $0xFFFFE800  }
0x2f: {  	[spmem:s12] =	stream.linear.scatter [tilespmem:s20], [sflag:$0x2], $0x1800, $0x38;
	[tilespmem:$0x1D210] =	vst v63  }
0x30: {  	_ =	swait.ge [sflag:s21], $0x1800  }
0x31: {  	[sflag:s21] =	ssyncset.done $0x0  }
0x32: {  	s0 =	rddreg [dreg:$0x4];
	[sflag:s21] =	ssyncadd.s32 $0xFFFFE800  }
0x33: {  	[tilespmem:s31], [sflag:$0x2] =	stream.linear.gather [hbm4b:s0+s31], $0x14000, $0x38;
	[tilespmem:$0x1D210] =	vst v63  }
0x34: {  	_ =	swait.ge [sflag:s21], $0x14000  }
0x35: {  	[sflag:s21] =	ssyncset.done $0x0  }
0x36: {  	s15 =	rddreg [dreg:$0x5];
	[sflag:s21] =	ssyncadd.s32 $0xFFFEC000  }
0x37: {  	[tilespmem:s22], [sflag:$0x2] =	stream.linear.gather [hbm4b:s15+s31], $0x10, $0x38;
	[tilespmem:$0x1D210] =	vst v63  }
0x38: {  	_ =	swait.ge [sflag:s21], $0x10  }
0x39: {  	[sflag:s21] =	ssyncset.done $0x0  }
0x3a: {  	[sflag:s21] =	ssyncadd.s32 $0xFFFFFFF0  }
0x3b: {  	s0 =	simm.s32 $0x0;
	[bflag:$0x0] =	sbarrier.arrive $0xFFFF  }
.LBB2_4:
0x3c: {  	s4 =	sshll.u32 s0, $0x7  }
0x3d: {  	s4 =	sadd.s32 s13, s4  }
0x3e: {  	s4 =	sshrl.u32 s4, $0x3  }
0x3f: {  	s4 =	sadd.s32 s1, s4  }
0x40: {  	v5 =	vld.idx.msk [tilespmem:v0+s22+$0x0], $0xffff;
	[tilespmem:s23], [sflag:$0x2] =	stream.linear.gather [hbm4b:s4+s31], $0x80, $0x38  }
0x41: {  	_ =	swait.ge [sflag:s21], $0x80  }
0x42: {  	[sflag:s21] =	ssyncset.done $0x0  }
0x43: {  	[sflag:s21] =	ssyncadd.s32 $0xFFFFFF80  }
0x44: {  	v6 =	vld [tilespmem:$0x15800]  }
0x45: {  	v7 =	vld [tilespmem:$0x15810];
	_ =	sdelay $0x1  }
0x46: {  	v8 =	vld [tilespmem:$0x15820];
	_ =	sdelay $0x1  }
0x47: {  	v10 =	vld [tilespmem:$0x15830];
	v9 =	vand.u32 $0xFFFF, v6;
	v6 =	vshra.s32 v6, $0x10  }
0x48: {  	v53 =	vand.u32 $0xFFFF, v7;
	v9 =	vadd.s32 v2, v9;
	[tilespmem:$0x15900] =	vst v6  }
0x49: {  	v54 =	vld [tilespmem:$0x15840];
	v6 =	vadd.s32 v2, v53;
	[tilespmem:$0x15880] =	vst v9  }
0x4a: {  	[tilespmem:$0x15890] =	vst v6;
	v6 =	vshra.s32 v7, $0x10;
	v7 =	vand.u32 $0xFFFF, v8  }
0x4b: {  	[tilespmem:$0x15910] =	vst v6;
	v6 =	vadd.s32 v2, v7;
	v7 =	vld [tilespmem:$0x15850]  }
0x4c: {  	[tilespmem:$0x158A0] =	vst v6;
	v6 =	vshra.s32 v8, $0x10;
	v8 =	vand.u32 $0xFFFF, v10  }
0x4d: {  	[tilespmem:$0x15920] =	vst v6;
	v6 =	vadd.s32 v2, v8;
	v8 =	vld [tilespmem:$0x15860]  }
0x4e: {  	v55 =	vand.u32 $0xFFFF, v54;
	[tilespmem:$0x158B0] =	vst v6;
	v6 =	vshra.s32 v10, $0x10  }
0x4f: {  	v56 =	vld [tilespmem:$0x15870];
	[tilespmem:$0x15930] =	vst v6;
	v6 =	vadd.s32 v2, v55  }
0x50: {  	[tilespmem:$0x158C0] =	vst v6;
	v6 =	vshra.s32 v54, $0x10;
	v57 =	vand.u32 $0xFFFF, v7  }
0x51: {  	[tilespmem:$0x15940] =	vst v6;
	v6 =	vadd.s32 v2, v57  }
0x52: {  	[tilespmem:$0x158D0] =	vst v6;
	v6 =	vshra.s32 v7, $0x10;
	v7 =	vand.u32 $0xFFFF, v8  }
0x53: {  	[tilespmem:$0x15950] =	vst v6;
	v6 =	vadd.s32 v2, v7  }
0x54: {  	v7 =	vand.u32 $0xFFFF, v56;
	[tilespmem:$0x158E0] =	vst v6;
	v6 =	vshra.s32 v8, $0x10  }
0x55: {  	[tilespmem:$0x15960] =	vst v6;
	v6 =	vadd.s32 v2, v7  }
0x56: {  	[tilespmem:$0x158F0] =	vst v6;
	v6 =	vshra.s32 v56, $0x10  }
0x57: {  	[tilespmem:$0x15970] =	vst v6  }
0x58: {  	[tilespmem:s20], [sflag:$0x1] =	stream.indirect.gather [hbm4b:s5+s24], $0x30, s25, s24, $0xb8;
	[tilespmem:$0x1D210] =	vst v63  }
0x59: {  	v6 =	vld [tilespmem:$0x15880]  }
0x5a: {  	v7 =	vld [tilespmem:$0x15900];
	_ =	sdelay $0x4  }
0x5b: {  	v6 =	vsub.s32 v6, v2;
	v7 =	vshll.u32 v7, $0x3  }
0x5c: {  	v6 =	vshll.u32 v6, $0x3;
	v7 =	vor.u32 v3, v7  }
0x5d: {  	v6 =	vor.u32 v0, v6;
	_ =	sdelay $0x3  }
0x5e: {  	v7 =	vld.idx.msk [tilespmem:v7+s31+$0x0], $0xffff  }
0x5f: {  	v6 =	vld.idx.msk [tilespmem:v6+s31+$0x0], $0xffff;
	_ =	sdelay $0x4  }
0x60: {  	v6 =	vadd.f32 v7, v6;
	_ =	sdelay $0x1  }
0x61: {  	v7 =	vmul.f32 $2.000000030e-01, v6;
	_ =	sdelay $0x1  }
0x62: {  	v6 =	vmax.f32 v6, v7  }
0x63: {  	v6 =	vsub.f32 v6, v5;
	_ =	sdelay $0x1  }
0x64: {  	v6 =	vmul.f32 $1.442695020e+00, v6  }
0x65: {  	v7 =	vld [tilespmem:$0x15890]  }
0x66: {  	(erf) = vpow2.f32 v6  }
0x67: {  	v6 =	vld [tilespmem:$0x15910];
	_ =	sdelay $0x2  }
0x68: {  	v7 =	vsub.s32 v7, v2  }
0x69: {  	v7 =	vshll.u32 v7, $0x3  }
0x6a: {  	v7 =	vor.u32 v0, v7;
	v6 =	vshll.u32 v6, $0x3  }
0x6b: {  	v6 =	vor.u32 v3, v6;
	_ =	sdelay $0x1  }
0x6c: {  	v8 =	vpop (erf)  }
0x6d: {  	[tilespmem:$0x15980] =	vst v8  }
0x6e: {  	v7 =	vld.idx.msk [tilespmem:v7+s31+$0x0], $0xffff  }
0x6f: {  	v6 =	vld.idx.msk [tilespmem:v6+s31+$0x0], $0xffff;
	_ =	sdelay $0x4  }
0x70: {  	v6 =	vadd.f32 v6, v7;
	_ =	sdelay $0x1  }
0x71: {  	v7 =	vmul.f32 $2.000000030e-01, v6;
	_ =	sdelay $0x1  }
0x72: {  	v6 =	vmax.f32 v6, v7  }
0x73: {  	v6 =	vsub.f32 v6, v5;
	_ =	sdelay $0x1  }
0x74: {  	v6 =	vmul.f32 $1.442695020e+00, v6  }
0x75: {  	v7 =	vld [tilespmem:$0x158A0]  }
0x76: {  	(erf) = vpow2.f32 v6  }
0x77: {  	v6 =	vld [tilespmem:$0x15920];
	_ =	sdelay $0x2  }
0x78: {  	v7 =	vsub.s32 v7, v2  }
0x79: {  	v7 =	vshll.u32 v7, $0x3  }
0x7a: {  	v7 =	vor.u32 v0, v7;
	v6 =	vshll.u32 v6, $0x3  }
0x7b: {  	v6 =	vor.u32 v3, v6;
	_ =	sdelay $0x1  }
0x7c: {  	v8 =	vpop (erf)  }
0x7d: {  	[tilespmem:$0x15990] =	vst v8  }
0x7e: {  	v7 =	vld.idx.msk [tilespmem:v7+s31+$0x0], $0xffff  }
0x7f: {  	v6 =	vld.idx.msk [tilespmem:v6+s31+$0x0], $0xffff;
	_ =	sdelay $0x4  }
0x80: {  	v6 =	vadd.f32 v6, v7;
	_ =	sdelay $0x1  }
0x81: {  	v7 =	vmul.f32 $2.000000030e-01, v6;
	_ =	sdelay $0x1  }
0x82: {  	v6 =	vmax.f32 v6, v7  }
0x83: {  	v6 =	vsub.f32 v6, v5;
	_ =	sdelay $0x1  }
0x84: {  	v6 =	vmul.f32 $1.442695020e+00, v6  }
0x85: {  	v7 =	vld [tilespmem:$0x158B0]  }
0x86: {  	(erf) = vpow2.f32 v6  }
0x87: {  	v6 =	vld [tilespmem:$0x15930];
	_ =	sdelay $0x2  }
0x88: {  	v7 =	vsub.s32 v7, v2  }
0x89: {  	v7 =	vshll.u32 v7, $0x3  }
0x8a: {  	v7 =	vor.u32 v0, v7;
	v6 =	vshll.u32 v6, $0x3  }
0x8b: {  	v6 =	vor.u32 v3, v6;
	_ =	sdelay $0x1  }
0x8c: {  	v8 =	vpop (erf)  }
0x8d: {  	[tilespmem:$0x159A0] =	vst v8  }
0x8e: {  	v7 =	vld.idx.msk [tilespmem:v7+s31+$0x0], $0xffff  }
0x8f: {  	v6 =	vld.idx.msk [tilespmem:v6+s31+$0x0], $0xffff;
	_ =	sdelay $0x4  }
0x90: {  	v6 =	vadd.f32 v6, v7;
	_ =	sdelay $0x1  }
0x91: {  	v7 =	vmul.f32 $2.000000030e-01, v6;
	_ =	sdelay $0x1  }
0x92: {  	v6 =	vmax.f32 v6, v7  }
0x93: {  	v6 =	vsub.f32 v6, v5;
	_ =	sdelay $0x1  }
0x94: {  	v6 =	vmul.f32 $1.442695020e+00, v6  }
0x95: {  	v7 =	vld [tilespmem:$0x158C0]  }
0x96: {  	(erf) = vpow2.f32 v6  }
0x97: {  	v6 =	vld [tilespmem:$0x15940];
	_ =	sdelay $0x2  }
0x98: {  	v7 =	vsub.s32 v7, v2  }
0x99: {  	v7 =	vshll.u32 v7, $0x3  }
0x9a: {  	v7 =	vor.u32 v0, v7;
	v6 =	vshll.u32 v6, $0x3  }
0x9b: {  	v6 =	vor.u32 v3, v6;
	_ =	sdelay $0x1  }
0x9c: {  	v8 =	vpop (erf)  }
0x9d: {  	[tilespmem:$0x159B0] =	vst v8  }
0x9e: {  	v7 =	vld.idx.msk [tilespmem:v7+s31+$0x0], $0xffff  }
0x9f: {  	v6 =	vld.idx.msk [tilespmem:v6+s31+$0x0], $0xffff;
	_ =	sdelay $0x4  }
0xa0: {  	v6 =	vadd.f32 v6, v7;
	_ =	sdelay $0x1  }
0xa1: {  	v7 =	vmul.f32 $2.000000030e-01, v6;
	_ =	sdelay $0x1  }
0xa2: {  	v6 =	vmax.f32 v6, v7  }
0xa3: {  	v6 =	vsub.f32 v6, v5;
	_ =	sdelay $0x1  }
0xa4: {  	v6 =	vmul.f32 $1.442695020e+00, v6  }
0xa5: {  	v7 =	vld [tilespmem:$0x158D0]  }
0xa6: {  	(erf) = vpow2.f32 v6  }
0xa7: {  	v6 =	vld [tilespmem:$0x15950];
	_ =	sdelay $0x2  }
0xa8: {  	v7 =	vsub.s32 v7, v2  }
0xa9: {  	v7 =	vshll.u32 v7, $0x3  }
0xaa: {  	v7 =	vor.u32 v0, v7;
	v6 =	vshll.u32 v6, $0x3  }
0xab: {  	v6 =	vor.u32 v3, v6;
	_ =	sdelay $0x1  }
0xac: {  	v8 =	vpop (erf)  }
0xad: {  	[tilespmem:$0x159C0] =	vst v8  }
0xae: {  	v7 =	vld.idx.msk [tilespmem:v7+s31+$0x0], $0xffff  }
0xaf: {  	v6 =	vld.idx.msk [tilespmem:v6+s31+$0x0], $0xffff;
	_ =	sdelay $0x4  }
0xb0: {  	v6 =	vadd.f32 v6, v7;
	_ =	sdelay $0x1  }
0xb1: {  	v7 =	vmul.f32 $2.000000030e-01, v6;
	_ =	sdelay $0x1  }
0xb2: {  	v6 =	vmax.f32 v6, v7  }
0xb3: {  	v6 =	vsub.f32 v6, v5;
	_ =	sdelay $0x1  }
0xb4: {  	v6 =	vmul.f32 $1.442695020e+00, v6  }
0xb5: {  	v7 =	vld [tilespmem:$0x158E0]  }
0xb6: {  	(erf) = vpow2.f32 v6  }
0xb7: {  	v6 =	vld [tilespmem:$0x15960];
	_ =	sdelay $0x2  }
0xb8: {  	v7 =	vsub.s32 v7, v2  }
0xb9: {  	v7 =	vshll.u32 v7, $0x3  }
0xba: {  	v7 =	vor.u32 v0, v7;
	v6 =	vshll.u32 v6, $0x3  }
0xbb: {  	v6 =	vor.u32 v3, v6;
	_ =	sdelay $0x1  }
0xbc: {  	v8 =	vpop (erf)  }
0xbd: {  	[tilespmem:$0x159D0] =	vst v8  }
0xbe: {  	v7 =	vld.idx.msk [tilespmem:v7+s31+$0x0], $0xffff  }
0xbf: {  	v6 =	vld.idx.msk [tilespmem:v6+s31+$0x0], $0xffff;
	_ =	sdelay $0x4  }
0xc0: {  	v6 =	vadd.f32 v6, v7;
	_ =	sdelay $0x1  }
0xc1: {  	v7 =	vmul.f32 $2.000000030e-01, v6;
	_ =	sdelay $0x1  }
0xc2: {  	v6 =	vmax.f32 v6, v7  }
0xc3: {  	v6 =	vsub.f32 v6, v5;
	_ =	sdelay $0x1  }
0xc4: {  	v6 =	vmul.f32 $1.442695020e+00, v6  }
0xc5: {  	v7 =	vld [tilespmem:$0x158F0]  }
0xc6: {  	(erf) = vpow2.f32 v6  }
0xc7: {  	v6 =	vld [tilespmem:$0x15970];
	_ =	sdelay $0x2  }
0xc8: {  	v7 =	vsub.s32 v7, v2  }
0xc9: {  	v7 =	vshll.u32 v7, $0x3  }
0xca: {  	v7 =	vor.u32 v0, v7;
	v6 =	vshll.u32 v6, $0x3  }
0xcb: {  	v6 =	vor.u32 v3, v6;
	_ =	sdelay $0x1  }
0xcc: {  	v8 =	vpop (erf)  }
0xcd: {  	[tilespmem:$0x159E0] =	vst v8  }
0xce: {  	v7 =	vld.idx.msk [tilespmem:v7+s31+$0x0], $0xffff  }
0xcf: {  	v6 =	vld.idx.msk [tilespmem:v6+s31+$0x0], $0xffff;
	_ =	sdelay $0x4  }
0xd0: {  	v6 =	vadd.f32 v6, v7;
	_ =	sdelay $0x1  }
0xd1: {  	v7 =	vmul.f32 $2.000000030e-01, v6;
	_ =	sdelay $0x1  }
0xd2: {  	v6 =	vmax.f32 v6, v7  }
0xd3: {  	v5 =	vsub.f32 v6, v5;
	_ =	sdelay $0x1  }
0xd4: {  	v5 =	vmul.f32 $1.442695020e+00, v5;
	_ =	sdelay $0x1  }
0xd5: {  	(erf) = vpow2.f32 v5;
	_ =	sdelay $0x5  }
0xd6: {  	v5 =	vmov s31  }
0xd7: {  	v5 =	vand.u32 $0xFFFFFFFC, v5  }
0xd8: {  	v5 =	vbroadcast v5, $0x0  }
0xd9: {  	v6 =	vpop (erf)  }
0xda: {  	[tilespmem:$0x159F0] =	vst v6  }
0xdb: {  	_ =	swait.ge [sflag:s26], $0x1800  }
0xdc: {  	[sflag:s26] =	ssyncset.done $0x0  }
0xdd: {  	[sflag:s26] =	ssyncadd.s32 $0xFFFFE800  }
0xde: {  	s4 =	simm.s32 $0x14060;
	v5 =	vld.idx.msk [tilespmem:v5+s28+$0x0], $0xffff  }
0xdf: {  	v6 =	vld [tilespmem:s4+$0xFFFFFFA0]  }
0xe0: {  	s6 =	simm.s32 $0x1;
	v7 =	vld [tilespmem:s4+$0xFFFFFFB0]  }
0xe1: {  	v58 =	vmov s6;
	v8 =	vld [tilespmem:s4+$0xFFFFFFC0]  }
0xe2: {  	v9 =	vand.u32 $0xFFFFFFFD, v58  }
0xe3: {  	v9 =	vbroadcast v9, $0x0  }
0xe4: {  	v59 =	vmul.f32 v4, v5;
	v6 =	vmul.f32 v6, v5  }
0xe5: {  	v5 =	vmul.f32 v7, v5  }
0xe6: {  	[tilespmem:s4+$0xFFFFFFA0] =	vst v6;
	v6 =	vmul.f32 v8, v59  }
0xe7: {  	[tilespmem:s4+$0xFFFFFFB0] =	vst v5  }
0xe8: {  	[tilespmem:s4+$0xFFFFFFC0] =	vst v6;
	v6 =	vld [tilespmem:s4+$0xFFFFFFD0]  }
0xe9: {  	v5 =	vld.idx.msk [tilespmem:v9+s28+$0x0], $0xffff  }
0xea: {  	s14 =	simm.s32 $0x2;
	v7 =	vld [tilespmem:s4+$0xFFFFFFE0]  }
0xeb: {  	v60 =	vmov s14;
	v8 =	vld [tilespmem:s4+$0xFFFFFFF0]  }
0xec: {  	v9 =	vand.u32 $0xFFFFFFFE, v60  }
0xed: {  	v9 =	vbroadcast v9, $0x0  }
0xee: {  	v61 =	vmul.f32 v4, v5;
	v6 =	vmul.f32 v6, v5  }
0xef: {  	v5 =	vmul.f32 v7, v5  }
0xf0: {  	[tilespmem:s4+$0xFFFFFFD0] =	vst v6;
	v6 =	vmul.f32 v8, v61  }
0xf1: {  	[tilespmem:s4+$0xFFFFFFE0] =	vst v5  }
0xf2: {  	[tilespmem:s4+$0xFFFFFFF0] =	vst v6;
	v6 =	vld [tilespmem:s4+$0x0]  }
0xf3: {  	v5 =	vld.idx.msk [tilespmem:v9+s28+$0x0], $0xffff  }
0xf4: {  	v7 =	vld [tilespmem:s4+$0x10]  }
0xf5: {  	v8 =	vld [tilespmem:s4+$0x20];
	_ =	sdelay $0x1  }
0xf6: {  	s15 =	simm.s32 $0x3  }
0xf7: {  	v62 =	vmov s15;
	v9 =	vmul.f32 v4, v5;
	v6 =	vmul.f32 v6, v5  }
0xf8: {  	v5 =	vmul.f32 v7, v5  }
0xf9: {  	[tilespmem:s4+$0x0] =	vst v6;
	v6 =	vmul.f32 v8, v9  }
0xfa: {  	[tilespmem:s4+$0x10] =	vst v5  }
0xfb: {  	[tilespmem:s4+$0x20] =	vst v6;
	v6 =	vld [tilespmem:s4+$0x30]  }
0xfc: {  	v5 =	vld.idx.msk [tilespmem:v62+s28+$0x0], $0xffff  }
0xfd: {  	v7 =	vld [tilespmem:s4+$0x40];
	_ =	sdelay $0x2  }
0xfe: {  	s6 =	simm.s32 $0x4  }
0xff: {  	v63 =	vmov s6;
	v8 =	vld [tilespmem:s4+$0x50];
	v6 =	vmul.f32 v6, v5  }
0x100: {  	v10 =	vmul.f32 v4, v5;
	v7 =	vmul.f32 v7, v5;
	v5 =	vand.u32 $0xFFFFFFFC, v63  }
0x101: {  	v5 =	vbroadcast v5, $0x0;
	_ =	sdelay $0x1  }
0x102: {  	[tilespmem:s4+$0x30] =	vst v6  }
0x103: {  	s7 =	simm.s32 $0x8;
	v6 =	vmul.f32 v8, v10;
	[tilespmem:s4+$0x40] =	vst v7  }
.LBB2_5:
0x104: {  	p0 =	slt.u32 s7, $0x7C  }
0x105: {  	[tilespmem:s4+$0x50] =	vst v6;
	s4 =	sadd.s32 $0xC0, s4;
	s14 =	smov.u32 s7;
	s7 =	sadd.s32 $0x4, s7  }
0x106: {  	v5 =	vld.idx.msk [tilespmem:v5+s28+$0x0], $0xffff  }
0x107: {  	v6 =	vld [tilespmem:s4+$0xFFFFFFA0]  }
0x108: {  	s15 =	sadd.s32 $0x1, s6;
	v7 =	vld [tilespmem:s4+$0xFFFFFFB0]  }
0x109: {  	v9 =	vmov s15;
	v8 =	vld [tilespmem:s4+$0xFFFFFFC0]  }
0x10a: {  	v9 =	vand.u32 $0xFFFFFFFD, v9  }
0x10b: {  	v9 =	vbroadcast v9, $0x0  }
0x10c: {  	v10 =	vmul.f32 v4, v5;
	v6 =	vmul.f32 v6, v5  }
0x10d: {  	v5 =	vmul.f32 v7, v5  }
0x10e: {  	[tilespmem:s4+$0xFFFFFFA0] =	vst v6;
	v6 =	vmul.f32 v8, v10  }
0x10f: {  	[tilespmem:s4+$0xFFFFFFB0] =	vst v5  }
0x110: {  	[tilespmem:s4+$0xFFFFFFC0] =	vst v6  }
0x111: {  	v5 =	vld.idx.msk [tilespmem:v9+s28+$0x0], $0xffff  }
0x112: {  	v6 =	vld [tilespmem:s4+$0xFFFFFFD0]  }
0x113: {  	s15 =	sadd.s32 $0x2, s6;
	v7 =	vld [tilespmem:s4+$0xFFFFFFE0]  }
0x114: {  	v9 =	vmov s15;
	v8 =	vld [tilespmem:s4+$0xFFFFFFF0]  }
0x115: {  	v9 =	vand.u32 $0xFFFFFFFE, v9  }
0x116: {  	v9 =	vbroadcast v9, $0x0  }
0x117: {  	v10 =	vmul.f32 v4, v5;
	v6 =	vmul.f32 v6, v5  }
0x118: {  	v5 =	vmul.f32 v7, v5  }
0x119: {  	[tilespmem:s4+$0xFFFFFFD0] =	vst v6;
	v6 =	vmul.f32 v8, v10  }
0x11a: {  	[tilespmem:s4+$0xFFFFFFE0] =	vst v5  }
0x11b: {  	[tilespmem:s4+$0xFFFFFFF0] =	vst v6  }
0x11c: {  	v5 =	vld.idx.msk [tilespmem:v9+s28+$0x0], $0xffff  }
0x11d: {  	v6 =	vld [tilespmem:s4+$0x0]  }
0x11e: {  	v7 =	vld [tilespmem:s4+$0x10]  }
0x11f: {  	v8 =	vld [tilespmem:s4+$0x20];
	_ =	sdelay $0x1  }
0x120: {  	s15 =	sadd.s32 $0x3, s6;
	s6 =	smov.u32 s14  }
0x121: {  	v10 =	vmov s15;
	v9 =	vmul.f32 v4, v5;
	v6 =	vmul.f32 v6, v5  }
0x122: {  	v5 =	vmul.f32 v7, v5  }
0x123: {  	[tilespmem:s4+$0x0] =	vst v6;
	v6 =	vmul.f32 v8, v9  }
0x124: {  	[tilespmem:s4+$0x10] =	vst v5  }
0x125: {  	[tilespmem:s4+$0x20] =	vst v6  }
0x126: {  	v6 =	vld.idx.msk [tilespmem:v10+s28+$0x0], $0xffff  }
0x127: {  	v7 =	vld [tilespmem:s4+$0x30]  }
0x128: {  	v8 =	vld [tilespmem:s4+$0x40]  }
0x129: {  	v5 =	vmov s6;
	v9 =	vld [tilespmem:s4+$0x50]  }
0x12a: {  	v5 =	vand.u32 $0xFFFFFFFC, v5  }
.Ltmp1:
0x12b: {  	v5 =	vbroadcast v5, $0x0;
	(pc) =	sbr.rel @p0 .LBB2_5-.Ltmp1, $4  }
0x12c: {  	v10 =	vmul.f32 v4, v6;
	v7 =	vmul.f32 v7, v6  }
0x12d: {  	v8 =	vmul.f32 v8, v6  }
0x12e: {  	[tilespmem:s4+$0x30] =	vst v7;
	v6 =	vmul.f32 v9, v10  }
0x12f: {  	[tilespmem:s4+$0x40] =	vst v8  }
0x130: {  	_ =	sdelay $0x2  }
0x131: {  	[tilespmem:s4+$0x50] =	vst v6  }
0x132: {  	s4 =	sadd.s32 $0xC0, s4;
	v5 =	vld.idx.msk [tilespmem:v5+s28+$0x0], $0xffff  }
0x133: {  	v6 =	vld [tilespmem:s4+$0xFFFFFFA0]  }
0x134: {  	s7 =	sadd.s32 $0x1, s6;
	v7 =	vld [tilespmem:s4+$0xFFFFFFB0]  }
0x135: {  	v8 =	vld [tilespmem:s4+$0xFFFFFFC0];
	v9 =	vmov s7  }
0x136: {  	v9 =	vand.u32 $0xFFFFFFFD, v9  }
0x137: {  	v9 =	vbroadcast v9, $0x0  }
0x138: {  	v10 =	vmul.f32 v4, v5;
	v6 =	vmul.f32 v6, v5  }
0x139: {  	v5 =	vmul.f32 v7, v5  }
0x13a: {  	[tilespmem:s4+$0xFFFFFFA0] =	vst v6;
	v6 =	vmul.f32 v8, v10  }
0x13b: {  	[tilespmem:s4+$0xFFFFFFB0] =	vst v5  }
0x13c: {  	[tilespmem:s4+$0xFFFFFFC0] =	vst v6;
	v6 =	vld [tilespmem:s4+$0xFFFFFFD0]  }
0x13d: {  	v5 =	vld.idx.msk [tilespmem:v9+s28+$0x0], $0xffff  }
0x13e: {  	s14 =	sadd.s32 $0x2, s6;
	v7 =	vld [tilespmem:s4+$0xFFFFFFE0]  }
0x13f: {  	v57 =	vld [tilespmem:s4+$0xFFFFFFF0];
	v58 =	vmov s14  }
0x140: {  	v9 =	vand.u32 $0xFFFFFFFE, v58  }
0x141: {  	v9 =	vbroadcast v9, $0x0  }
0x142: {  	v59 =	vmul.f32 v4, v5;
	v6 =	vmul.f32 v6, v5  }
0x143: {  	v5 =	vmul.f32 v7, v5  }
0x144: {  	[tilespmem:s4+$0xFFFFFFD0] =	vst v6;
	v6 =	vmul.f32 v57, v59  }
0x145: {  	[tilespmem:s4+$0xFFFFFFE0] =	vst v5  }
0x146: {  	[tilespmem:s4+$0xFFFFFFF0] =	vst v6;
	v6 =	vld [tilespmem:s4+$0x0]  }
0x147: {  	v5 =	vld.idx.msk [tilespmem:v9+s28+$0x0], $0xffff  }
0x148: {  	v7 =	vld [tilespmem:s4+$0x10]  }
0x149: {  	v60 =	vld [tilespmem:s4+$0x20];
	_ =	sdelay $0x1  }
0x14a: {  	s15 =	sadd.s32 $0x3, s6  }
0x14b: {  	v61 =	vmov s15;
	v9 =	vmul.f32 v4, v5;
	v6 =	vmul.f32 v6, v5  }
0x14c: {  	v5 =	vmul.f32 v7, v5  }
0x14d: {  	[tilespmem:s4+$0x0] =	vst v6;
	v6 =	vmul.f32 v60, v9  }
0x14e: {  	[tilespmem:s4+$0x10] =	vst v5  }
0x14f: {  	[tilespmem:s4+$0x20] =	vst v6;
	v6 =	vld [tilespmem:s4+$0x30]  }
0x150: {  	v5 =	vld.idx.msk [tilespmem:v61+s28+$0x0], $0xffff  }
0x151: {  	v7 =	vld [tilespmem:s4+$0x40]  }
0x152: {  	v62 =	vld [tilespmem:s4+$0x50];
	_ =	sdelay $0x2  }
0x153: {  	v63 =	vmul.f32 v4, v5;
	v6 =	vmul.f32 v6, v5  }
0x154: {  	v5 =	vmul.f32 v7, v5  }
0x155: {  	s0 =	sadd.s32 $0x1, s0;
	[tilespmem:s4+$0x30] =	vst v6;
	v6 =	vmul.f32 v62, v63  }
0x156: {  	p0 =	sne.s32 s0, $0xA2;
	[tilespmem:s4+$0x40] =	vst v5  }
.Ltmp2:
0x157: {  	[tilespmem:s4+$0x50] =	vst v6;
	(pc) =	sbr.rel @p0 .LBB2_4-.Ltmp2, $4  }
0x158: {  	[spmem:s2] =	stream.indirect.scatter.add.f32 [tilespmem:s20], [sflag:$0x2], $0x30, s29, s24, $0xb8;
	[tilespmem:$0x1D210] =	vst v63  }
0x159: {  	_ =	swait.ge [sflag:s21], $0x1800  }
0x15a: {  	[sflag:s21] =	ssyncset.done $0x0  }
0x15b: {  	[sflag:s21] =	ssyncadd.s32 $0xFFFFE800  }
0x15c: {  	[bflag:$0x0] =	sbarrier.arrive $0xFFFF  }
0x15d: {  	[tilespmem:s20], [sflag:$0x2] =	stream.linear.gather [spmem:s8], $0x1800, $0x38;
	[tilespmem:$0x1D210] =	vst v63  }
0x15e: {  	_ =	swait.ge [sflag:s21], $0x1800  }
0x15f: {  	[sflag:s21] =	ssyncset.done $0x0  }
0x160: {  	s0 =	rddreg [dreg:$0x6];
	[sflag:s21] =	ssyncadd.s32 $0xFFFFE800  }
0x161: {  	[hbm4b:s0+s3] =	stream.linear.scatter [tilespmem:s20], [sflag:$0x2], $0x1800, $0x38;
	[tilespmem:$0x1D210] =	vst v63  }
0x162: {  	_ =	swait.ge [sflag:s21], $0x1800  }
0x163: {  	[sflag:s21] =	ssyncset.done $0x0  }
0x164: {  	[sflag:s21] =	ssyncadd.s32 $0xFFFFE800  }
0x165: {  	[tilespmem:s20], [sflag:$0x2] =	stream.linear.gather [spmem:s9], $0x1800, $0x38;
	[tilespmem:$0x1D210] =	vst v63  }
0x166: {  	_ =	swait.ge [sflag:s21], $0x1800  }
0x167: {  	[sflag:s21] =	ssyncset.done $0x0  }
0x168: {  	s15 =	rddreg [dreg:$0x7];
	[sflag:s21] =	ssyncadd.s32 $0xFFFFE800  }
0x169: {  	[hbm4b:s15+s3] =	stream.linear.scatter [tilespmem:s20], [sflag:$0x2], $0x1800, $0x38;
	[tilespmem:$0x1D210] =	vst v63  }
0x16a: {  	_ =	swait.ge [sflag:s21], $0x1800  }
0x16b: {  	[sflag:s21] =	ssyncset.done $0x0  }
0x16c: {  	[sflag:s21] =	ssyncadd.s32 $0xFFFFE800  }
0x16d: {  	[tilespmem:s20], [sflag:$0x2] =	stream.linear.gather [spmem:s10], $0x1800, $0x38;
	[tilespmem:$0x1D210] =	vst v63  }
0x16e: {  	_ =	swait.ge [sflag:s21], $0x1800  }
0x16f: {  	[sflag:s21] =	ssyncset.done $0x0  }
0x170: {  	[sflag:s21] =	ssyncadd.s32 $0xFFFFE800  }
0x171: {  	[hbm4b:s16+s3] =	stream.linear.scatter [tilespmem:s20], [sflag:$0x2], $0x1800, $0x38;
	[tilespmem:$0x1D210] =	vst v63  }
0x172: {  	_ =	swait.ge [sflag:s21], $0x1800  }
0x173: {  	[sflag:s21] =	ssyncset.done $0x0  }
0x174: {  	[sflag:s21] =	ssyncadd.s32 $0xFFFFE800  }
0x175: {  	[tilespmem:s20], [sflag:$0x2] =	stream.linear.gather [spmem:s11], $0x1800, $0x38;
	[tilespmem:$0x1D210] =	vst v63  }
0x176: {  	_ =	swait.ge [sflag:s21], $0x1800  }
0x177: {  	[sflag:s21] =	ssyncset.done $0x0  }
0x178: {  	[sflag:s21] =	ssyncadd.s32 $0xFFFFE800  }
0x179: {  	[hbm4b:s17+s3] =	stream.linear.scatter [tilespmem:s20], [sflag:$0x2], $0x1800, $0x38;
	[tilespmem:$0x1D210] =	vst v63  }
0x17a: {  	_ =	swait.ge [sflag:s21], $0x1800  }
0x17b: {  	[sflag:s21] =	ssyncset.done $0x0  }
0x17c: {  	[sflag:s21] =	ssyncadd.s32 $0xFFFFE800  }
0x17d: {  	[tilespmem:s20], [sflag:$0x2] =	stream.linear.gather [spmem:s12], $0x1800, $0x38;
	[tilespmem:$0x1D210] =	vst v63  }
0x17e: {  	s30 =	sadd.s32 $0x1, s30;
	_ =	swait.ge [sflag:s21], $0x1800  }
0x17f: {  	p0 =	sne.s32 s30, s19;
	[sflag:s21] =	ssyncset.done $0x0  }
.Ltmp3:
0x180: {  	[sflag:s21] =	ssyncadd.s32 $0xFFFFE800;
	(pc) =	sbr.rel @p0 .LBB2_1-.Ltmp3, $4  }
0x181: {  	[hbm4b:s18+s3] =	stream.linear.scatter [tilespmem:s20], [sflag:$0x2], $0x1800, $0x38;
	[tilespmem:$0x1D210] =	vst v63  }
0x182: {  	_ =	swait.ge [sflag:s21], $0x1800  }
0x183: {  	[sflag:s21] =	ssyncset.done $0x0  }
0x184: {  	[sflag:s21] =	ssyncadd.s32 $0xFFFFE800  }
0x185: {  	_ =	sfence.sel $0x180000  }
0x186: {  	[bflag:$0x0] =	sbarrier.arrive $0xFFFF  }
0x187: {  	_ =	strace $0x9000004A  }
0x188: {  	s0 =	stileid.u32;
	[bflag:$0x2] =	sbarrier.arrive $0xFFFF  }
0x189: {  	p0 =	sne.s32 s0, $0x0;
	s0 =	rddreg [dreg:$0x3]  }
0x18a: {  	s0 =	sadd.s32 @!p0 $0x100000, s0  }
0x18b: {  	[sflag:s0] =	ssyncadd.tile.s32 @!p0 $0x1;
	_ =	shalt  }
.Lfunc_end2:
_tile_overlayer_lowered:
.L_overlay_start_2:
0x18c: {  	(tag) =	ssettag $0x2  }
0x18d: {  	s0 =	rddreg [dreg:$0x0];
	s2 =	stileid.u32  }
0x18e: {  	s1 =	rddreg [dreg:$0x1];
	p0 =	sne.s32 s2, $0x0  }
0x18f: {  	s3 =	rddreg [dreg:$0x2];
	[bflag:$0x3] =	sbarrier.arrive $0xFFFF;
	s2 =	simm.s32 @!p0 $0x1C02  }
0x190: {  	[timem:s3], [sflag:s2] =	dma.local @!p0 [hbm:s0], s1  }
0x191: {  	s0 =	simm.s32 @!p0 $0x2  }
0x192: {  	_ =	swait.ge @!p0 [sflag:s0], s1  }
0x193: {  	s1 =	ssub.s32 @!p0 $0x0, s1;
	[sflag:s0] =	ssyncset.done @!p0 $0x0  }
0x194: {  	[sflag:s0] =	ssyncadd.s32 @!p0 s1  }
0x195: {  	[bflag:$0x3] =	sbarrier.arrive $0xFFFF  }
0x196: {  	_ =	shalt  }

</sc_bundles>
